<compile_context>
chip_gen: v7x
topology: tpu7x:2x2x1
jax: 0.10.2.dev20260603
libtpu: 0.0.44.dev20260713+nightly
codegen_flags: <defaults>
</compile_context>

<pallas_src>
import functools

import jax
import jax.numpy as jnp
from jax import lax
from jax.experimental import pallas as pl
from jax.experimental.pallas import tpu as pltpu
from jax.experimental.pallas import tpu_sc as plsc

f32 = jnp.float32
i32 = jnp.int32

N = 10000
E = 320000
F = 128
H = 64
G = 64
C = 10

NP = 10240
CHUNK = 128
CPT = 80
NCORES = 2
NSUB = 16
TILES = NCORES * NSUB
EP = TILES * CPT * CHUNK
ROWS_PT = NP // NSUB
RB = 1024



def _zero_zbuf(zbuf, width):
    def body(r, _):
        for j in range(width // 16):
            zbuf[r, pl.ds(j * 16, 16)] = jnp.zeros((16,), f32)
        return 0
    lax.fori_loop(0, 16, body, 0)


def _zero_acc_slice(zbuf, acc, s):
    base = s * ROWS_PT
    def body(j, _):
        pltpu.sync_copy(zbuf, acc.at[pl.ds(base + j * 16, 16)])
        return 0
    lax.fori_loop(0, ROWS_PT // 16, body, 0)


NBUF = 4


def _msg_body(g_hbm, edges_hbm, out_hbm, sidx, didx, rows, zbuf, acc,
              gsem):
    c = lax.axis_index("c")
    s = lax.axis_index("s")
    wid = c * NSUB + s
    base = s * ROWS_PT
    _zero_zbuf(zbuf, H)
    _zero_acc_slice(zbuf, acc, s)
    pltpu.sync_copy(edges_hbm.at[0, pl.ds(wid * CPT, CPT)], sidx)
    pltpu.sync_copy(edges_hbm.at[1, pl.ds(wid * CPT, CPT)], didx)
    plsc.subcore_barrier()

    for b in range(NBUF):
        pltpu.async_copy(g_hbm.at[sidx.at[b]], rows.at[b], gsem.at[b])

    def step(ci4, _):
        for b in range(NBUF):
            ci = ci4 * NBUF + b
            pltpu.make_async_copy(g_hbm.at[sidx.at[ci]], rows.at[b],
                                  gsem.at[b]).wait()
            pltpu.sync_copy(rows.at[b], acc.at[didx.at[ci]], add=True)
            pltpu.async_copy(g_hbm.at[sidx.at[ci + NBUF]], rows.at[b],
                             gsem.at[b])
        return 0
    lax.fori_loop(0, CPT // NBUF - 1, step, 0)
    for b in range(NBUF):
        ci = CPT - NBUF + b
        pltpu.make_async_copy(g_hbm.at[sidx.at[ci]], rows.at[b],
                              gsem.at[b]).wait()
        pltpu.sync_copy(rows.at[b], acc.at[didx.at[ci]], add=True)

    plsc.subcore_barrier()
    pltpu.sync_copy(acc.at[pl.ds(base, ROWS_PT)],
                    out_hbm.at[c, pl.ds(base, ROWS_PT)])


def _deg_body(edges_hbm, out_hbm, didx, ones_v, zbuf, acc, sem):
    c = lax.axis_index("c")
    s = lax.axis_index("s")
    wid = c * NSUB + s
    def fill_ones(r, _):
        ones_v[r, :] = jnp.ones((16,), f32)
        return 0
    lax.fori_loop(0, CHUNK, fill_ones, 0)
    _zero_zbuf(zbuf, 16)
    _zero_acc_slice(zbuf, acc, s)
    pltpu.sync_copy(edges_hbm.at[1, pl.ds(wid * CPT, CPT)], didx)
    plsc.subcore_barrier()

    def step(ci, _):
        pltpu.sync_copy(ones_v, acc.at[didx.at[ci]], add=True)
        return 0
    lax.fori_loop(0, CPT, step, 0)

    plsc.subcore_barrier()
    base = s * ROWS_PT
    pltpu.sync_copy(acc.at[pl.ds(base, ROWS_PT)],
                    out_hbm.at[c, pl.ds(base, ROWS_PT)])


_SC_MESH = plsc.VectorSubcoreMesh(core_axis_name="c", subcore_axis_name="s")

_msg_call = functools.partial(
    pl.kernel,
    mesh=_SC_MESH,
    compiler_params=pltpu.CompilerParams(use_tc_tiling_on_sc=False),
    out_type=jax.ShapeDtypeStruct((NCORES, NP, H), f32),
    scratch_types=[
        pltpu.VMEM((CPT, CHUNK), i32),
        pltpu.VMEM((CPT, CHUNK), i32),
        pltpu.VMEM((NBUF, CHUNK, H), f32),
        pltpu.VMEM((16, H), f32),
        pltpu.VMEM_SHARED((NP, H), f32),
        pltpu.SemaphoreType.DMA((NBUF,)),
    ],
)(_msg_body)

_deg_call = functools.partial(
    pl.kernel,
    mesh=_SC_MESH,
    compiler_params=pltpu.CompilerParams(use_tc_tiling_on_sc=False),
    out_type=jax.ShapeDtypeStruct((NCORES, NP, 16), f32),
    scratch_types=[
        pltpu.VMEM((CPT, CHUNK), i32),
        pltpu.VMEM((CHUNK, 16), f32),
        pltpu.VMEM((16, 16), f32),
        pltpu.VMEM_SHARED((NP, 16), f32),
        pltpu.SemaphoreType.DMA,
    ],
)(_deg_body)



PN = NP // 2
PRB = RB // 2


DRB = PRB // 4


def _head_body(xpk_ref, w_ref, dA_ref, dB_ref, dinvp_ref, g_ref):
    h = jnp.dot(xpk_ref[...], w_ref[...], preferred_element_type=f32)
    d8 = dA_ref[0] + dB_ref[0]
    riota = lax.broadcasted_iota(i32, (PRB, 2 * H), 0)
    ciota = lax.broadcasted_iota(i32, (PRB, 2 * H), 1)
    expand = jnp.where(ciota[:, :DRB] == riota[:, :DRB] // 4, 1.0, 0.0)
    y = jnp.dot(expand, d8, preferred_element_type=f32)
    sel = 2 * (riota % 4) + jnp.where(ciota >= H, 1, 0)
    deg = jnp.zeros((PRB, 2 * H), f32)
    for t in range(8):
        deg = deg + jnp.where(sel == t,
                              jnp.broadcast_to(y[:, 16 * t:16 * t + 1],
                                               (PRB, 2 * H)), 0.0)
    dinvp = lax.rsqrt(deg + 1.0)
    dinvp_ref[...] = dinvp
    g_ref[...] = h * dinvp


_head = pl.pallas_call(
    _head_body,
    grid=(PN // PRB,),
    in_specs=[pl.BlockSpec((PRB, 2 * F), lambda i: (i, 0)),
              pl.BlockSpec((2 * F, 2 * H), lambda i: (0, 0)),
              pl.BlockSpec((1, DRB, 2 * H), lambda i: (0, i, 0)),
              pl.BlockSpec((1, DRB, 2 * H), lambda i: (1, i, 0))],
    out_specs=[pl.BlockSpec((PRB, 2 * H), lambda i: (i, 0)),
               pl.BlockSpec((PRB, 2 * H), lambda i: (i, 0))],
    out_shape=[jax.ShapeDtypeStruct((PN, 2 * H), f32),
               jax.ShapeDtypeStruct((PN, 2 * H), f32)],
)


def _layer_body(accA_ref, accB_ref, g_ref, dinvp_ref, b_ref, w_ref, go_ref):
    dinvp = dinvp_ref[...]
    h = dinvp * (accA_ref[0] + accB_ref[0] + g_ref[...]) + b_ref[...]
    h = jnp.maximum(h, 0.0)
    go_ref[...] = dinvp * jnp.dot(h, w_ref[...], preferred_element_type=f32)


_layer = pl.pallas_call(
    _layer_body,
    grid=(PN // PRB,),
    in_specs=[pl.BlockSpec((1, PRB, 2 * H), lambda i: (0, i, 0)),
              pl.BlockSpec((1, PRB, 2 * H), lambda i: (1, i, 0)),
              pl.BlockSpec((PRB, 2 * H), lambda i: (i, 0)),
              pl.BlockSpec((PRB, 2 * H), lambda i: (i, 0)),
              pl.BlockSpec((1, 2 * H), lambda i: (0, 0)),
              pl.BlockSpec((2 * H, 2 * H), lambda i: (0, 0))],
    out_specs=pl.BlockSpec((PRB, 2 * H), lambda i: (i, 0)),
    out_shape=jax.ShapeDtypeStruct((PN, 2 * H), f32),
)


def _pool_body(accA_ref, accB_ref, g_ref, dinvp_ref, b_ref, be_ref, bo_ref,
               wc1_ref, bc1_ref, wc2_ref, bc2_ref, out_ref, seg_acc, cnt_acc):
    i = pl.program_id(0)
    dinvp = dinvp_ref[...]
    h = dinvp * (accA_ref[0] + accB_ref[0] + g_ref[...]) + b_ref[...]
    h = jnp.maximum(h, 0.0)
    prow = lax.broadcasted_iota(i32, (PRB, 1), 0) + i * PRB
    valid = prow < N // 2
    seg = lax.broadcasted_iota(i32, (1, G), 1)
    ohe = jnp.where((be_ref[...].astype(i32) == seg) & valid, 1.0, 0.0)
    oho = jnp.where((bo_ref[...].astype(i32) == seg) & valid, 1.0, 0.0)
    contrib = (
        lax.dot_general(ohe, h[:, :H], (((0,), (0,)), ((), ())),
                        preferred_element_type=f32)
        + lax.dot_general(oho, h[:, H:], (((0,), (0,)), ((), ())),
                          preferred_element_type=f32))
    csum = lax.dot_general(ohe + oho, jnp.ones((PRB, 1), f32),
                           (((0,), (0,)), ((), ())),
                           preferred_element_type=f32)

    @pl.when(i == 0)
    def _():
        seg_acc[...] = contrib
        cnt_acc[...] = csum
        out_ref[...] = jnp.zeros((G, C), f32)

    @pl.when(i > 0)
    def _():
        seg_acc[...] += contrib
        cnt_acc[...] += csum

    @pl.when(i == PN // PRB - 1)
    def _():
        pooled = seg_acc[...] / jnp.maximum(cnt_acc[...], 1.0)
        z = jnp.maximum(
            jnp.dot(pooled, wc1_ref[...], preferred_element_type=f32)
            + bc1_ref[...], 0.0)
        out_ref[...] = (jnp.dot(z, wc2_ref[...], preferred_element_type=f32)
                        + bc2_ref[...])


_pool = pl.pallas_call(
    _pool_body,
    grid=(PN // PRB,),
    in_specs=[pl.BlockSpec((1, PRB, 2 * H), lambda i: (0, i, 0)),
              pl.BlockSpec((1, PRB, 2 * H), lambda i: (1, i, 0)),
              pl.BlockSpec((PRB, 2 * H), lambda i: (i, 0)),
              pl.BlockSpec((PRB, 2 * H), lambda i: (i, 0)),
              pl.BlockSpec((1, 2 * H), lambda i: (0, 0)),
              pl.BlockSpec((PRB, 1), lambda i: (i, 0)),
              pl.BlockSpec((PRB, 1), lambda i: (i, 0)),
              pl.BlockSpec((H, 32), lambda i: (0, 0)),
              pl.BlockSpec((1, 32), lambda i: (0, 0)),
              pl.BlockSpec((32, C), lambda i: (0, 0)),
              pl.BlockSpec((1, C), lambda i: (0, 0))],
    out_specs=pl.BlockSpec((G, C), lambda i: (0, 0)),
    out_shape=jax.ShapeDtypeStruct((G, C), f32),
    scratch_shapes=[pltpu.VMEM((G, H), f32), pltpu.VMEM((G, 1), f32)],
)



def kernel(x, edge_index, batch, W1, b1, W2, b2, W3, b3, Wc1, bc1, Wc2, bc2):
    pad_k = jnp.arange(EP - E, dtype=i32)
    pads = jnp.stack([pad_k % 256,
                      N + pad_k % (NP - N)]).reshape(2, (EP - E) // CHUNK,
                                                     CHUNK)
    edges_p = jnp.concatenate(
        [edge_index.astype(i32).reshape(2, E // CHUNK, CHUNK), pads], axis=1)
    xpk = jnp.pad(x, ((0, NP - N), (0, 0))).reshape(PN, 2 * F)
    eye2 = jnp.eye(2, dtype=f32)
    W1x = jnp.kron(eye2, W1)
    W2x = jnp.kron(eye2, W2)
    W3x = jnp.kron(eye2, W3)
    b1x = jnp.concatenate([b1, b1]).reshape(1, 2 * H)
    b2x = jnp.concatenate([b2, b2]).reshape(1, 2 * H)
    b3x = jnp.concatenate([b3, b3]).reshape(1, 2 * H)
    batch_p = jnp.pad(batch.astype(f32), (0, NP - N))
    be = batch_p[0::2].reshape(PN, 1)
    bo = batch_p[1::2].reshape(PN, 1)

    degp = _deg_call(edges_p).reshape(2, NP // 8, 2 * H)
    dinvp, g1p = _head(xpk, W1x, degp, degp)
    a1 = _msg_call(g1p.reshape(NP, H), edges_p).reshape(2, PN, 2 * H)
    g2p = _layer(a1, a1, g1p, dinvp, b1x, W2x)
    a2 = _msg_call(g2p.reshape(NP, H), edges_p).reshape(2, PN, 2 * H)
    g3p = _layer(a2, a2, g2p, dinvp, b2x, W3x)
    a3 = _msg_call(g3p.reshape(NP, H), edges_p).reshape(2, PN, 2 * H)
    out = _pool(a3, a3, g3p, dinvp, b3x, be, bo,
                Wc1, bc1.reshape(1, 32), Wc2, bc2.reshape(1, C))
    return out

# --- scband reference (transcript-rebuilt; emitter-appended) ---
"""Pipeline reference for scband-graph-neural-network-62105227100223 (READ-ONLY COPY).

The authoritative reference and input builder live on the scoring server;
editing this copy changes nothing except your own understanding.
"""

import jax, jax.numpy as jnp
import numpy as np

N = 10000
E = 320000
F = 128
H = 64
G = 64
C = 10


def setup_inputs(seed: int = 0) -> dict:
    key = jax.random.key(seed)
    ks = jax.random.split(key, 16)
    x = jax.random.normal(ks[0], (N, F), dtype=jnp.float32)
    edge_index = jax.random.randint(ks[1], (2, E), 0, N, dtype=jnp.int64)
    batch = jnp.sort(jax.random.randint(ks[2], (N,), 0, G, dtype=jnp.int64))
    W1 = jax.random.normal(ks[3], (F, H), dtype=jnp.float32) / np.sqrt(F)
    b1 = jnp.zeros((H,), dtype=jnp.float32)
    W2 = jax.random.normal(ks[4], (H, H), dtype=jnp.float32) / np.sqrt(H)
    b2 = jnp.zeros((H,), dtype=jnp.float32)
    W3 = jax.random.normal(ks[5], (H, H), dtype=jnp.float32) / np.sqrt(H)
    b3 = jnp.zeros((H,), dtype=jnp.float32)
    Wc1 = jax.random.normal(ks[6], (H, 32), dtype=jnp.float32) / np.sqrt(H)
    bc1 = jnp.zeros((32,), dtype=jnp.float32)
    Wc2 = jax.random.normal(ks[7], (32, C), dtype=jnp.float32) / np.sqrt(32)
    bc2 = jnp.zeros((C,), dtype=jnp.float32)
    return {"x": x, "edge_index": edge_index, "batch": batch,
            "W1": W1, "b1": b1, "W2": W2, "b2": b2, "W3": W3, "b3": b3,
            "Wc1": Wc1, "bc1": bc1, "Wc2": Wc2, "bc2": bc2}


def _gcn_conv(x, edge_index, W, b):
    # GCNConv: x' = D^{-1/2} (A + I) D^{-1/2} (x W) + b
    n = x.shape[0]
    loop = jnp.arange(n, dtype=edge_index.dtype)
    src = jnp.concatenate([edge_index[0], loop])
    dst = jnp.concatenate([edge_index[1], loop])
    deg = jnp.zeros((n,), x.dtype).at[dst].add(jnp.ones_like(src, dtype=x.dtype))
    dinv = jnp.where(deg > 0, 1.0 / jnp.sqrt(deg), 0.0)
    norm = dinv[src] * dinv[dst]
    h = x @ W
    msg = h[src] * norm[:, None]
    out = jnp.zeros((n, W.shape[1]), x.dtype).at[dst].add(msg)
    return out + b


def reference(x, edge_index, batch, W1, b1, W2, b2, W3, b3, Wc1, bc1, Wc2, bc2):
    h = jax.nn.relu(_gcn_conv(x, edge_index, W1, b1))
    h = jax.nn.relu(_gcn_conv(h, edge_index, W2, b2))
    h = jax.nn.relu(_gcn_conv(h, edge_index, W3, b3))
    # global_mean_pool
    sums = jax.ops.segment_sum(h, batch, num_segments=G)
    cnt = jax.ops.segment_sum(jnp.ones((h.shape[0],), h.dtype), batch, num_segments=G)
    pooled = sums / jnp.maximum(cnt, 1.0)[:, None]
    # classifier (dropout is identity in eval)
    z = jax.nn.relu(pooled @ Wc1 + bc1)
    out = z @ Wc2 + bc2
    return out

if __name__ == "__main__":
    import jax
    _d = setup_inputs()
    print(jax.jit(kernel)(*tuple(_d.values())))

</pallas_src>

<mosaic_0001>
#map = affine_map<(d0, d1) -> (0, 0)>
#map1 = affine_map<(d0, d1) -> (0, 0, 0)>
module attributes {stable_mosaic.version = 14 : i64} {
  func.func @_msg_body(%arg0: i32, %arg1: i32, %arg2: memref<10240x64xf32, #tpu.memory_space<hbm>>, %arg3: memref<2x2560x128xi32, #tpu.memory_space<hbm>>, %arg4: memref<2x10240x64xf32, #tpu.memory_space<hbm>>, %arg5: memref<80x128xi32, #tpu.memory_space<vmem>>, %arg6: memref<80x128xi32, #tpu.memory_space<vmem>>, %arg7: memref<4x128x64xf32, #tpu.memory_space<vmem>>, %arg8: memref<16x64xf32, #tpu.memory_space<vmem>>, %arg9: memref<10240x64xf32, #tpu.memory_space<vmem_shared>>, %arg10: memref<4x!tpu.dma_semaphore, #tpu.memory_space<semaphore_mem>>) attributes {dimension_semantics = [#tpu.dimension_semantics<core_parallel>, #tpu.dimension_semantics<subcore_parallel>], iteration_bounds = array<i64: 2, 16>, scalar_prefetch = 0 : i64, scratch_operands = 6 : i64, tpu.core_type = #tpu.core_type<sc_vector_subcore>, window_params = [{transform_indices = #map}, {transform_indices = #map1}, {transform_indices = #map1}]} {
    %mul3A = arith.constant 16 : i32
    %mul3A_0 = arith.muli %arg0, %mul3A : i32
    %add3A = arith.addi %mul3A_0, %arg1 : i32
    %mul3A_1 = arith.constant 640 : i32
    %mul3A_2 = arith.muli %arg1, %mul3A_1 : i32
    %scan3A = arith.constant 0 : i32
    %scan3A_3 = arith.constant 0 : i32
    %scan3A_4 = arith.constant 16 : i32
    %scan3A_5 = arith.addi %scan3A_3, %scan3A_4 : i32
    %scan3A_6 = arith.constant 1 : i32
    %scan3A_7 = scf.for %scan3A_157 = %scan3A_3 to %scan3A_5 step %scan3A_6 iter_args(%scan3A_158 = %scan3A) -> (i32)  : i32 {
      %broadcast_in_dim3A = arith.constant 0.000000e+00 : f32
      %broadcast_in_dim3A_159 = vector.broadcast %broadcast_in_dim3A : f32 to vector<16xf32>
      %swap3A = arith.index_cast %scan3A_157 : i32 to index
      %swap3A_160 = arith.constant 0 : index
      %swap3A_161 = tpu.vector_load %arg8[%swap3A, %swap3A_160] {strides = array<i32>} : memref<16x64xf32, #tpu.memory_space<vmem>>, vector<1x16xf32>,
      %swap3A_162 = vector.shape_cast %swap3A_161 : vector<1x16xf32> to vector<16xf32>
      %swap3A_163 = vector.shape_cast %broadcast_in_dim3A_159 : vector<16xf32> to vector<1x16xf32>
      tpu.vector_store %arg8[%swap3A, %swap3A_160], %swap3A_163 {strides = array<i32>} : memref<16x64xf32, #tpu.memory_space<vmem>>, vector<1x16xf32>,
      %broadcast_in_dim3A_164 = arith.constant 0.000000e+00 : f32
      %broadcast_in_dim3A_165 = vector.broadcast %broadcast_in_dim3A_164 : f32 to vector<16xf32>
      %swap3A_166 = arith.index_cast %scan3A_157 : i32 to index
      %swap3A_167 = arith.constant 16 : index
      %swap3A_168 = tpu.vector_load %arg8[%swap3A_166, %swap3A_167] {strides = array<i32>} : memref<16x64xf32, #tpu.memory_space<vmem>>, vector<1x16xf32>,
      %swap3A_169 = vector.shape_cast %swap3A_168 : vector<1x16xf32> to vector<16xf32>
      %swap3A_170 = vector.shape_cast %broadcast_in_dim3A_165 : vector<16xf32> to vector<1x16xf32>
      tpu.vector_store %arg8[%swap3A_166, %swap3A_167], %swap3A_170 {strides = array<i32>} : memref<16x64xf32, #tpu.memory_space<vmem>>, vector<1x16xf32>,
      %broadcast_in_dim3A_171 = arith.constant 0.000000e+00 : f32
      %broadcast_in_dim3A_172 = vector.broadcast %broadcast_in_dim3A_171 : f32 to vector<16xf32>
      %swap3A_173 = arith.index_cast %scan3A_157 : i32 to index
      %swap3A_174 = arith.constant 32 : index
      %swap3A_175 = tpu.vector_load %arg8[%swap3A_173, %swap3A_174] {strides = array<i32>} : memref<16x64xf32, #tpu.memory_space<vmem>>, vector<1x16xf32>,
      %swap3A_176 = vector.shape_cast %swap3A_175 : vector<1x16xf32> to vector<16xf32>
      %swap3A_177 = vector.shape_cast %broadcast_in_dim3A_172 : vector<16xf32> to vector<1x16xf32>
      tpu.vector_store %arg8[%swap3A_173, %swap3A_174], %swap3A_177 {strides = array<i32>} : memref<16x64xf32, #tpu.memory_space<vmem>>, vector<1x16xf32>,
      %broadcast_in_dim3A_178 = arith.constant 0.000000e+00 : f32
      %broadcast_in_dim3A_179 = vector.broadcast %broadcast_in_dim3A_178 : f32 to vector<16xf32>
      %swap3A_180 = arith.index_cast %scan3A_157 : i32 to index
      %swap3A_181 = arith.constant 48 : index
      %swap3A_182 = tpu.vector_load %arg8[%swap3A_180, %swap3A_181] {strides = array<i32>} : memref<16x64xf32, #tpu.memory_space<vmem>>, vector<1x16xf32>,
      %swap3A_183 = vector.shape_cast %swap3A_182 : vector<1x16xf32> to vector<16xf32>
      %swap3A_184 = vector.shape_cast %broadcast_in_dim3A_179 : vector<16xf32> to vector<1x16xf32>
      tpu.vector_store %arg8[%swap3A_180, %swap3A_181], %swap3A_184 {strides = array<i32>} : memref<16x64xf32, #tpu.memory_space<vmem>>, vector<1x16xf32>,
      %scan3A_185 = arith.constant 0 : i32
      scf.yield %scan3A_185 : i32
    }
    %scan3A_8 = arith.constant 16 : i32
    %mul3A_9 = arith.constant 640 : i32
    %mul3A_10 = arith.muli %arg1, %mul3A_9 : i32
    %scan3A_11 = arith.constant 0 : i32
    %scan3A_12 = arith.constant 0 : i32
    %scan3A_13 = arith.constant 40 : i32
    %scan3A_14 = arith.addi %scan3A_12, %scan3A_13 : i32
    %scan3A_15 = arith.constant 1 : i32
    %scan3A_16 = scf.for %scan3A_157 = %scan3A_12 to %scan3A_14 step %scan3A_15 iter_args(%scan3A_158 = %scan3A_11) -> (i32)  : i32 {
      %mul3A_159 = arith.constant 16 : i32
      %mul3A_160 = arith.muli %scan3A_157, %mul3A_159 : i32
      %add3A_161 = arith.addi %mul3A_10, %mul3A_160 : i32
      "tpu.region"() ({
        %run_scoped3A_163 = tpu.sem_alloc : memref<!tpu.dma_semaphore, #tpu.memory_space<semaphore_mem>>
        %dma_start3A_164 = arith.constant 0 : i32
        %dma_start3A_165 = tpu.memref_slice %arg9[%add3A_161, %dma_start3A_164] : memref<10240x64xf32, #tpu.memory_space<vmem_shared>> -> memref<16x64xf32, #tpu.memory_space<vmem_shared>>
        %dma_start3A_166 = arith.constant 0 : i32
        %dma_start3A_167 = tpu.memref_slice %arg9[%add3A_161, %dma_start3A_166] : memref<10240x64xf32, #tpu.memory_space<vmem_shared>> -> memref<16x64xf32, #tpu.memory_space<vmem_shared>>
        tpu.enqueue_dma source(%arg8 : memref<16x64xf32, #tpu.memory_space<vmem>>) target(%dma_start3A_167 : memref<16x64xf32, #tpu.memory_space<vmem_shared>>) target_semaphore(%run_scoped3A_163 : memref<!tpu.dma_semaphore, #tpu.memory_space<semaphore_mem>>)
        %dma_wait3A_168 = arith.constant 0 : i32
        %dma_wait3A_169 = tpu.memref_slice %arg9[%add3A_161, %dma_wait3A_168] : memref<10240x64xf32, #tpu.memory_space<vmem_shared>> -> memref<16x64xf32, #tpu.memory_space<vmem_shared>>
        %dma_wait3A_170 = arith.constant 0 : i32
        %dma_wait3A_171 = tpu.memref_slice %arg9[%add3A_161, %dma_wait3A_170] : memref<10240x64xf32, #tpu.memory_space<vmem_shared>> -> memref<16x64xf32, #tpu.memory_space<vmem_shared>>
        tpu.wait_dma2 semaphore(%run_scoped3A_163 : memref<!tpu.dma_semaphore, #tpu.memory_space<semaphore_mem>>) src(%arg8 : memref<16x64xf32, #tpu.memory_space<vmem>>) dst(%dma_wait3A_171 : memref<16x64xf32, #tpu.memory_space<vmem_shared>>)
        tpu.yield
      }) : () -> ()
      %scan3A_162 = arith.constant 0 : i32
      scf.yield %scan3A_162 : i32
    }
    %scan3A_17 = arith.constant 40 : i32
    %mul3A_18 = arith.constant 80 : i32
    %mul3A_19 = arith.muli %add3A, %mul3A_18 : i32
    %run_scoped3A = arith.constant 0 : i32
    "tpu.region"() ({
      %run_scoped3A_157 = tpu.sem_alloc : memref<!tpu.dma_semaphore, #tpu.memory_space<semaphore_mem>>
      %dma_start3A_158 = arith.constant 0 : i32
      %dma_start3A_159 = tpu.memref_slice %arg3[%run_scoped3A, %mul3A_19, %dma_start3A_158] : memref<2x2560x128xi32, #tpu.memory_space<hbm>> -> memref<1x80x128xi32, #tpu.memory_space<hbm>>
      %dma_start3A_160 = tpu.memref_squeeze %dma_start3A_159 : memref<1x80x128xi32, #tpu.memory_space<hbm>> -> memref<80x128xi32, #tpu.memory_space<hbm>>
      %dma_start3A_161 = arith.constant 0 : i32
      %dma_start3A_162 = tpu.memref_slice %arg3[%run_scoped3A, %mul3A_19, %dma_start3A_161] : memref<2x2560x128xi32, #tpu.memory_space<hbm>> -> memref<1x80x128xi32, #tpu.memory_space<hbm>>
      %dma_start3A_163 = tpu.memref_squeeze %dma_start3A_162 : memref<1x80x128xi32, #tpu.memory_space<hbm>> -> memref<80x128xi32, #tpu.memory_space<hbm>>
      tpu.enqueue_dma source(%dma_start3A_163 : memref<80x128xi32, #tpu.memory_space<hbm>>) target(%arg5 : memref<80x128xi32, #tpu.memory_space<vmem>>) target_semaphore(%run_scoped3A_157 : memref<!tpu.dma_semaphore, #tpu.memory_space<semaphore_mem>>)
      %dma_wait3A_164 = arith.constant 0 : i32
      %dma_wait3A_165 = tpu.memref_slice %arg3[%run_scoped3A, %mul3A_19, %dma_wait3A_164] : memref<2x2560x128xi32, #tpu.memory_space<hbm>> -> memref<1x80x128xi32, #tpu.memory_space<hbm>>
      %dma_wait3A_166 = tpu.memref_squeeze %dma_wait3A_165 : memref<1x80x128xi32, #tpu.memory_space<hbm>> -> memref<80x128xi32, #tpu.memory_space<hbm>>
      %dma_wait3A_167 = arith.constant 0 : i32
      %dma_wait3A_168 = tpu.memref_slice %arg3[%run_scoped3A, %mul3A_19, %dma_wait3A_167] : memref<2x2560x128xi32, #tpu.memory_space<hbm>> -> memref<1x80x128xi32, #tpu.memory_space<hbm>>
      %dma_wait3A_169 = tpu.memref_squeeze %dma_wait3A_168 : memref<1x80x128xi32, #tpu.memory_space<hbm>> -> memref<80x128xi32, #tpu.memory_space<hbm>>
      tpu.wait_dma2 semaphore(%run_scoped3A_157 : memref<!tpu.dma_semaphore, #tpu.memory_space<semaphore_mem>>) src(%dma_wait3A_169 : memref<80x128xi32, #tpu.memory_space<hbm>>) dst(%arg5 : memref<80x128xi32, #tpu.memory_space<vmem>>)
      tpu.yield
    }) : () -> ()
    %mul3A_20 = arith.constant 80 : i32
    %mul3A_21 = arith.muli %add3A, %mul3A_20 : i32
    %run_scoped3A_22 = arith.constant 1 : i32
    "tpu.region"() ({
      %run_scoped3A_157 = tpu.sem_alloc : memref<!tpu.dma_semaphore, #tpu.memory_space<semaphore_mem>>
      %dma_start3A_158 = arith.constant 0 : i32
      %dma_start3A_159 = tpu.memref_slice %arg3[%run_scoped3A_22, %mul3A_21, %dma_start3A_158] : memref<2x2560x128xi32, #tpu.memory_space<hbm>> -> memref<1x80x128xi32, #tpu.memory_space<hbm>>
      %dma_start3A_160 = tpu.memref_squeeze %dma_start3A_159 : memref<1x80x128xi32, #tpu.memory_space<hbm>> -> memref<80x128xi32, #tpu.memory_space<hbm>>
      %dma_start3A_161 = arith.constant 0 : i32
      %dma_start3A_162 = tpu.memref_slice %arg3[%run_scoped3A_22, %mul3A_21, %dma_start3A_161] : memref<2x2560x128xi32, #tpu.memory_space<hbm>> -> memref<1x80x128xi32, #tpu.memory_space<hbm>>
      %dma_start3A_163 = tpu.memref_squeeze %dma_start3A_162 : memref<1x80x128xi32, #tpu.memory_space<hbm>> -> memref<80x128xi32, #tpu.memory_space<hbm>>
      tpu.enqueue_dma source(%dma_start3A_163 : memref<80x128xi32, #tpu.memory_space<hbm>>) target(%arg6 : memref<80x128xi32, #tpu.memory_space<vmem>>) target_semaphore(%run_scoped3A_157 : memref<!tpu.dma_semaphore, #tpu.memory_space<semaphore_mem>>)
      %dma_wait3A_164 = arith.constant 0 : i32
      %dma_wait3A_165 = tpu.memref_slice %arg3[%run_scoped3A_22, %mul3A_21, %dma_wait3A_164] : memref<2x2560x128xi32, #tpu.memory_space<hbm>> -> memref<1x80x128xi32, #tpu.memory_space<hbm>>
      %dma_wait3A_166 = tpu.memref_squeeze %dma_wait3A_165 : memref<1x80x128xi32, #tpu.memory_space<hbm>> -> memref<80x128xi32, #tpu.memory_space<hbm>>
      %dma_wait3A_167 = arith.constant 0 : i32
      %dma_wait3A_168 = tpu.memref_slice %arg3[%run_scoped3A_22, %mul3A_21, %dma_wait3A_167] : memref<2x2560x128xi32, #tpu.memory_space<hbm>> -> memref<1x80x128xi32, #tpu.memory_space<hbm>>
      %dma_wait3A_169 = tpu.memref_squeeze %dma_wait3A_168 : memref<1x80x128xi32, #tpu.memory_space<hbm>> -> memref<80x128xi32, #tpu.memory_space<hbm>>
      tpu.wait_dma2 semaphore(%run_scoped3A_157 : memref<!tpu.dma_semaphore, #tpu.memory_space<semaphore_mem>>) src(%dma_wait3A_169 : memref<80x128xi32, #tpu.memory_space<hbm>>) dst(%arg6 : memref<80x128xi32, #tpu.memory_space<vmem>>)
      tpu.yield
    }) : () -> ()
    %barrier3A = arith.constant 0 : index
    tpu.barrier barrier_id(%barrier3A)
    %dma_start3A = arith.constant 0 : i32
    %dma_start3A_23 = arith.constant 0 : i32
    %dma_start3A_24 = arith.constant 0 : i32
    %dma_start3A_25 = arith.constant 0 : i32
    %dma_start3A_26 = arith.constant 0 : i32
    %dma_start3A_27 = tpu.memref_slice %arg7[%dma_start3A_23, %dma_start3A_25, %dma_start3A_26] : memref<4x128x64xf32, #tpu.memory_space<vmem>> -> memref<1x128x64xf32, #tpu.memory_space<vmem>>
    %dma_start3A_28 = tpu.memref_squeeze %dma_start3A_27 : memref<1x128x64xf32, #tpu.memory_space<vmem>> -> memref<128x64xf32, #tpu.memory_space<vmem>>
    %dma_start3A_29 = arith.constant 0 : i32
    %dma_start3A_30 = tpu.memref_slice %arg5[%dma_start3A, %dma_start3A_29] : memref<80x128xi32, #tpu.memory_space<vmem>> -> memref<1x128xi32, #tpu.memory_space<vmem>>
    %dma_start3A_31 = tpu.memref_squeeze %dma_start3A_30 : memref<1x128xi32, #tpu.memory_space<vmem>> -> memref<128xi32, #tpu.memory_space<vmem>>
    %dma_start3A_32 = arith.constant 0 : i32
    %dma_start3A_33 = arith.constant 0 : i32
    %dma_start3A_34 = tpu.memref_slice %arg2[%dma_start3A_32, %dma_start3A_33] : memref<10240x64xf32, #tpu.memory_space<hbm>> -> memref<10240x64xf32, #tpu.memory_space<hbm>>
    %dma_start3A_35 = tpu.memref_slice %arg10[%dma_start3A_24] : memref<4x!tpu.dma_semaphore, #tpu.memory_space<semaphore_mem>> -> memref<1x!tpu.dma_semaphore, #tpu.memory_space<semaphore_mem>>
    %dma_start3A_36 = tpu.memref_squeeze %dma_start3A_35 : memref<1x!tpu.dma_semaphore, #tpu.memory_space<semaphore_mem>> -> memref<!tpu.dma_semaphore, #tpu.memory_space<semaphore_mem>>
    tpu.enqueue_indirect_dma source(%dma_start3A_34 : memref<10240x64xf32, #tpu.memory_space<hbm>>) target(%dma_start3A_28 : memref<128x64xf32, #tpu.memory_space<vmem>>) offsets(%dma_start3A_31 : memref<128xi32, #tpu.memory_space<vmem>>) semaphore(%dma_start3A_36 : memref<!tpu.dma_semaphore, #tpu.memory_space<semaphore_mem>>)
    %dma_start3A_37 = arith.constant 1 : i32
    %dma_start3A_38 = arith.constant 1 : i32
    %dma_start3A_39 = arith.constant 1 : i32
    %dma_start3A_40 = arith.constant 0 : i32
    %dma_start3A_41 = arith.constant 0 : i32
    %dma_start3A_42 = tpu.memref_slice %arg7[%dma_start3A_38, %dma_start3A_40, %dma_start3A_41] : memref<4x128x64xf32, #tpu.memory_space<vmem>> -> memref<1x128x64xf32, #tpu.memory_space<vmem>>
    %dma_start3A_43 = tpu.memref_squeeze %dma_start3A_42 : memref<1x128x64xf32, #tpu.memory_space<vmem>> -> memref<128x64xf32, #tpu.memory_space<vmem>>
    %dma_start3A_44 = arith.constant 0 : i32
    %dma_start3A_45 = tpu.memref_slice %arg5[%dma_start3A_37, %dma_start3A_44] : memref<80x128xi32, #tpu.memory_space<vmem>> -> memref<1x128xi32, #tpu.memory_space<vmem>>
    %dma_start3A_46 = tpu.memref_squeeze %dma_start3A_45 : memref<1x128xi32, #tpu.memory_space<vmem>> -> memref<128xi32, #tpu.memory_space<vmem>>
    %dma_start3A_47 = arith.constant 0 : i32
    %dma_start3A_48 = arith.constant 0 : i32
    %dma_start3A_49 = tpu.memref_slice %arg2[%dma_start3A_47, %dma_start3A_48] : memref<10240x64xf32, #tpu.memory_space<hbm>> -> memref<10240x64xf32, #tpu.memory_space<hbm>>
    %dma_start3A_50 = tpu.memref_slice %arg10[%dma_start3A_39] : memref<4x!tpu.dma_semaphore, #tpu.memory_space<semaphore_mem>> -> memref<1x!tpu.dma_semaphore, #tpu.memory_space<semaphore_mem>>
    %dma_start3A_51 = tpu.memref_squeeze %dma_start3A_50 : memref<1x!tpu.dma_semaphore, #tpu.memory_space<semaphore_mem>> -> memref<!tpu.dma_semaphore, #tpu.memory_space<semaphore_mem>>
    tpu.enqueue_indirect_dma source(%dma_start3A_49 : memref<10240x64xf32, #tpu.memory_space<hbm>>) target(%dma_start3A_43 : memref<128x64xf32, #tpu.memory_space<vmem>>) offsets(%dma_start3A_46 : memref<128xi32, #tpu.memory_space<vmem>>) semaphore(%dma_start3A_51 : memref<!tpu.dma_semaphore, #tpu.memory_space<semaphore_mem>>)
    %dma_start3A_52 = arith.constant 2 : i32
    %dma_start3A_53 = arith.constant 2 : i32
    %dma_start3A_54 = arith.constant 2 : i32
    %dma_start3A_55 = arith.constant 0 : i32
    %dma_start3A_56 = arith.constant 0 : i32
    %dma_start3A_57 = tpu.memref_slice %arg7[%dma_start3A_53, %dma_start3A_55, %dma_start3A_56] : memref<4x128x64xf32, #tpu.memory_space<vmem>> -> memref<1x128x64xf32, #tpu.memory_space<vmem>>
    %dma_start3A_58 = tpu.memref_squeeze %dma_start3A_57 : memref<1x128x64xf32, #tpu.memory_space<vmem>> -> memref<128x64xf32, #tpu.memory_space<vmem>>
    %dma_start3A_59 = arith.constant 0 : i32
    %dma_start3A_60 = tpu.memref_slice %arg5[%dma_start3A_52, %dma_start3A_59] : memref<80x128xi32, #tpu.memory_space<vmem>> -> memref<1x128xi32, #tpu.memory_space<vmem>>
    %dma_start3A_61 = tpu.memref_squeeze %dma_start3A_60 : memref<1x128xi32, #tpu.memory_space<vmem>> -> memref<128xi32, #tpu.memory_space<vmem>>
    %dma_start3A_62 = arith.constant 0 : i32
    %dma_start3A_63 = arith.constant 0 : i32
    %dma_start3A_64 = tpu.memref_slice %arg2[%dma_start3A_62, %dma_start3A_63] : memref<10240x64xf32, #tpu.memory_space<hbm>> -> memref<10240x64xf32, #tpu.memory_space<hbm>>
    %dma_start3A_65 = tpu.memref_slice %arg10[%dma_start3A_54] : memref<4x!tpu.dma_semaphore, #tpu.memory_space<semaphore_mem>> -> memref<1x!tpu.dma_semaphore, #tpu.memory_space<semaphore_mem>>
    %dma_start3A_66 = tpu.memref_squeeze %dma_start3A_65 : memref<1x!tpu.dma_semaphore, #tpu.memory_space<semaphore_mem>> -> memref<!tpu.dma_semaphore, #tpu.memory_space<semaphore_mem>>
    tpu.enqueue_indirect_dma source(%dma_start3A_64 : memref<10240x64xf32, #tpu.memory_space<hbm>>) target(%dma_start3A_58 : memref<128x64xf32, #tpu.memory_space<vmem>>) offsets(%dma_start3A_61 : memref<128xi32, #tpu.memory_space<vmem>>) semaphore(%dma_start3A_66 : memref<!tpu.dma_semaphore, #tpu.memory_space<semaphore_mem>>)
    %dma_start3A_67 = arith.constant 3 : i32
    %dma_start3A_68 = arith.constant 3 : i32
    %dma_start3A_69 = arith.constant 3 : i32
    %dma_start3A_70 = arith.constant 0 : i32
    %dma_start3A_71 = arith.constant 0 : i32
    %dma_start3A_72 = tpu.memref_slice %arg7[%dma_start3A_68, %dma_start3A_70, %dma_start3A_71] : memref<4x128x64xf32, #tpu.memory_space<vmem>> -> memref<1x128x64xf32, #tpu.memory_space<vmem>>
    %dma_start3A_73 = tpu.memref_squeeze %dma_start3A_72 : memref<1x128x64xf32, #tpu.memory_space<vmem>> -> memref<128x64xf32, #tpu.memory_space<vmem>>
    %dma_start3A_74 = arith.constant 0 : i32
    %dma_start3A_75 = tpu.memref_slice %arg5[%dma_start3A_67, %dma_start3A_74] : memref<80x128xi32, #tpu.memory_space<vmem>> -> memref<1x128xi32, #tpu.memory_space<vmem>>
    %dma_start3A_76 = tpu.memref_squeeze %dma_start3A_75 : memref<1x128xi32, #tpu.memory_space<vmem>> -> memref<128xi32, #tpu.memory_space<vmem>>
    %dma_start3A_77 = arith.constant 0 : i32
    %dma_start3A_78 = arith.constant 0 : i32
    %dma_start3A_79 = tpu.memref_slice %arg2[%dma_start3A_77, %dma_start3A_78] : memref<10240x64xf32, #tpu.memory_space<hbm>> -> memref<10240x64xf32, #tpu.memory_space<hbm>>
    %dma_start3A_80 = tpu.memref_slice %arg10[%dma_start3A_69] : memref<4x!tpu.dma_semaphore, #tpu.memory_space<semaphore_mem>> -> memref<1x!tpu.dma_semaphore, #tpu.memory_space<semaphore_mem>>
    %dma_start3A_81 = tpu.memref_squeeze %dma_start3A_80 : memref<1x!tpu.dma_semaphore, #tpu.memory_space<semaphore_mem>> -> memref<!tpu.dma_semaphore, #tpu.memory_space<semaphore_mem>>
    tpu.enqueue_indirect_dma source(%dma_start3A_79 : memref<10240x64xf32, #tpu.memory_space<hbm>>) target(%dma_start3A_73 : memref<128x64xf32, #tpu.memory_space<vmem>>) offsets(%dma_start3A_76 : memref<128xi32, #tpu.memory_space<vmem>>) semaphore(%dma_start3A_81 : memref<!tpu.dma_semaphore, #tpu.memory_space<semaphore_mem>>)
    %scan3A_82 = arith.constant 0 : i32
    %scan3A_83 = arith.constant 0 : i32
    %scan3A_84 = arith.constant 19 : i32
    %scan3A_85 = arith.addi %scan3A_83, %scan3A_84 : i32
    %scan3A_86 = arith.constant 1 : i32
    %scan3A_87 = scf.for %scan3A_157 = %scan3A_83 to %scan3A_85 step %scan3A_86 iter_args(%scan3A_158 = %scan3A_82) -> (i32)  : i32 {
      %mul3A_159 = arith.constant 4 : i32
      %mul3A_160 = arith.muli %scan3A_157, %mul3A_159 : i32
      %add3A_161 = arith.constant 0 : i32
      %add3A_162 = arith.addi %mul3A_160, %add3A_161 : i32
      %dma_wait3A_163 = arith.constant 0 : i32
      %dma_wait3A_164 = arith.constant 0 : i32
      %dma_wait3A_165 = arith.constant 0 : i32
      %dma_wait3A_166 = arith.constant 0 : i32
      %dma_wait3A_167 = tpu.memref_slice %arg7[%dma_wait3A_163, %dma_wait3A_165, %dma_wait3A_166] : memref<4x128x64xf32, #tpu.memory_space<vmem>> -> memref<1x128x64xf32, #tpu.memory_space<vmem>>
      %dma_wait3A_168 = tpu.memref_squeeze %dma_wait3A_167 : memref<1x128x64xf32, #tpu.memory_space<vmem>> -> memref<128x64xf32, #tpu.memory_space<vmem>>
      %dma_wait3A_169 = arith.constant 0 : i32
      %dma_wait3A_170 = tpu.memref_slice %arg5[%add3A_162, %dma_wait3A_169] : memref<80x128xi32, #tpu.memory_space<vmem>> -> memref<1x128xi32, #tpu.memory_space<vmem>>
      %dma_wait3A_171 = tpu.memref_squeeze %dma_wait3A_170 : memref<1x128xi32, #tpu.memory_space<vmem>> -> memref<128xi32, #tpu.memory_space<vmem>>
      %dma_wait3A_172 = arith.constant 0 : i32
      %dma_wait3A_173 = arith.constant 0 : i32
      %dma_wait3A_174 = tpu.memref_slice %arg2[%dma_wait3A_172, %dma_wait3A_173] : memref<10240x64xf32, #tpu.memory_space<hbm>> -> memref<10240x64xf32, #tpu.memory_space<hbm>>
      %dma_wait3A_175 = tpu.memref_slice %arg10[%dma_wait3A_164] : memref<4x!tpu.dma_semaphore, #tpu.memory_space<semaphore_mem>> -> memref<1x!tpu.dma_semaphore, #tpu.memory_space<semaphore_mem>>
      %dma_wait3A_176 = tpu.memref_squeeze %dma_wait3A_175 : memref<1x!tpu.dma_semaphore, #tpu.memory_space<semaphore_mem>> -> memref<!tpu.dma_semaphore, #tpu.memory_space<semaphore_mem>>
      tpu.wait_indirect_dma semaphore(%dma_wait3A_176 : memref<!tpu.dma_semaphore, #tpu.memory_space<semaphore_mem>>) src(%dma_wait3A_174 : memref<10240x64xf32, #tpu.memory_space<hbm>>) dst(%dma_wait3A_168 : memref<128x64xf32, #tpu.memory_space<vmem>>)
      %run_scoped3A_177 = arith.constant 0 : i32
      "tpu.region"() ({
        %run_scoped3A_300 = tpu.sem_alloc : memref<!tpu.dma_semaphore, #tpu.memory_space<semaphore_mem>>
        %dma_start3A_301 = arith.constant 0 : i32
        %dma_start3A_302 = arith.constant 0 : i32
        %dma_start3A_303 = tpu.memref_slice %arg7[%run_scoped3A_177, %dma_start3A_301, %dma_start3A_302] : memref<4x128x64xf32, #tpu.memory_space<vmem>> -> memref<1x128x64xf32, #tpu.memory_space<vmem>>
        %dma_start3A_304 = tpu.memref_squeeze %dma_start3A_303 : memref<1x128x64xf32, #tpu.memory_space<vmem>> -> memref<128x64xf32, #tpu.memory_space<vmem>>
        %dma_start3A_305 = arith.constant 0 : i32
        %dma_start3A_306 = tpu.memref_slice %arg6[%add3A_162, %dma_start3A_305] : memref<80x128xi32, #tpu.memory_space<vmem>> -> memref<1x128xi32, #tpu.memory_space<vmem>>
        %dma_start3A_307 = tpu.memref_squeeze %dma_start3A_306 : memref<1x128xi32, #tpu.memory_space<vmem>> -> memref<128xi32, #tpu.memory_space<vmem>>
        %dma_start3A_308 = arith.constant 0 : i32
        %dma_start3A_309 = arith.constant 0 : i32
        %dma_start3A_310 = tpu.memref_slice %arg9[%dma_start3A_308, %dma_start3A_309] : memref<10240x64xf32, #tpu.memory_space<vmem_shared>> -> memref<10240x64xf32, #tpu.memory_space<vmem_shared>>
        tpu.enqueue_indirect_dma source(%dma_start3A_304 : memref<128x64xf32, #tpu.memory_space<vmem>>) target(%dma_start3A_310 : memref<10240x64xf32, #tpu.memory_space<vmem_shared>>) offsets(%dma_start3A_307 : memref<128xi32, #tpu.memory_space<vmem>>) semaphore(%run_scoped3A_300 : memref<!tpu.dma_semaphore, #tpu.memory_space<semaphore_mem>>) {add = true}
        %dma_wait3A_311 = arith.constant 0 : i32
        %dma_wait3A_312 = arith.constant 0 : i32
        %dma_wait3A_313 = tpu.memref_slice %arg7[%run_scoped3A_177, %dma_wait3A_311, %dma_wait3A_312] : memref<4x128x64xf32, #tpu.memory_space<vmem>> -> memref<1x128x64xf32, #tpu.memory_space<vmem>>
        %dma_wait3A_314 = tpu.memref_squeeze %dma_wait3A_313 : memref<1x128x64xf32, #tpu.memory_space<vmem>> -> memref<128x64xf32, #tpu.memory_space<vmem>>
        %dma_wait3A_315 = arith.constant 0 : i32
        %dma_wait3A_316 = tpu.memref_slice %arg6[%add3A_162, %dma_wait3A_315] : memref<80x128xi32, #tpu.memory_space<vmem>> -> memref<1x128xi32, #tpu.memory_space<vmem>>
        %dma_wait3A_317 = tpu.memref_squeeze %dma_wait3A_316 : memref<1x128xi32, #tpu.memory_space<vmem>> -> memref<128xi32, #tpu.memory_space<vmem>>
        %dma_wait3A_318 = arith.constant 0 : i32
        %dma_wait3A_319 = arith.constant 0 : i32
        %dma_wait3A_320 = tpu.memref_slice %arg9[%dma_wait3A_318, %dma_wait3A_319] : memref<10240x64xf32, #tpu.memory_space<vmem_shared>> -> memref<10240x64xf32, #tpu.memory_space<vmem_shared>>
        tpu.wait_indirect_dma semaphore(%run_scoped3A_300 : memref<!tpu.dma_semaphore, #tpu.memory_space<semaphore_mem>>) src(%dma_wait3A_314 : memref<128x64xf32, #tpu.memory_space<vmem>>) dst(%dma_wait3A_320 : memref<10240x64xf32, #tpu.memory_space<vmem_shared>>)
        tpu.yield
      }) : () -> ()
      %add3A_178 = arith.constant 4 : i32
      %add3A_179 = arith.addi %add3A_162, %add3A_178 : i32
      %dma_start3A_180 = arith.constant 0 : i32
      %dma_start3A_181 = arith.constant 0 : i32
      %dma_start3A_182 = arith.constant 0 : i32
      %dma_start3A_183 = arith.constant 0 : i32
      %dma_start3A_184 = tpu.memref_slice %arg7[%dma_start3A_180, %dma_start3A_182, %dma_start3A_183] : memref<4x128x64xf32, #tpu.memory_space<vmem>> -> memref<1x128x64xf32, #tpu.memory_space<vmem>>
      %dma_start3A_185 = tpu.memref_squeeze %dma_start3A_184 : memref<1x128x64xf32, #tpu.memory_space<vmem>> -> memref<128x64xf32, #tpu.memory_space<vmem>>
      %dma_start3A_186 = arith.constant 0 : i32
      %dma_start3A_187 = tpu.memref_slice %arg5[%add3A_179, %dma_start3A_186] : memref<80x128xi32, #tpu.memory_space<vmem>> -> memref<1x128xi32, #tpu.memory_space<vmem>>
      %dma_start3A_188 = tpu.memref_squeeze %dma_start3A_187 : memref<1x128xi32, #tpu.memory_space<vmem>> -> memref<128xi32, #tpu.memory_space<vmem>>
      %dma_start3A_189 = arith.constant 0 : i32
      %dma_start3A_190 = arith.constant 0 : i32
      %dma_start3A_191 = tpu.memref_slice %arg2[%dma_start3A_189, %dma_start3A_190] : memref<10240x64xf32, #tpu.memory_space<hbm>> -> memref<10240x64xf32, #tpu.memory_space<hbm>>
      %dma_start3A_192 = tpu.memref_slice %arg10[%dma_start3A_181] : memref<4x!tpu.dma_semaphore, #tpu.memory_space<semaphore_mem>> -> memref<1x!tpu.dma_semaphore, #tpu.memory_space<semaphore_mem>>
      %dma_start3A_193 = tpu.memref_squeeze %dma_start3A_192 : memref<1x!tpu.dma_semaphore, #tpu.memory_space<semaphore_mem>> -> memref<!tpu.dma_semaphore, #tpu.memory_space<semaphore_mem>>
      tpu.enqueue_indirect_dma source(%dma_start3A_191 : memref<10240x64xf32, #tpu.memory_space<hbm>>) target(%dma_start3A_185 : memref<128x64xf32, #tpu.memory_space<vmem>>) offsets(%dma_start3A_188 : memref<128xi32, #tpu.memory_space<vmem>>) semaphore(%dma_start3A_193 : memref<!tpu.dma_semaphore, #tpu.memory_space<semaphore_mem>>)
      %mul3A_194 = arith.constant 4 : i32
      %mul3A_195 = arith.muli %scan3A_157, %mul3A_194 : i32
      %add3A_196 = arith.constant 1 : i32
      %add3A_197 = arith.addi %mul3A_195, %add3A_196 : i32
      %dma_wait3A_198 = arith.constant 1 : i32
      %dma_wait3A_199 = arith.constant 1 : i32
      %dma_wait3A_200 = arith.constant 0 : i32
      %dma_wait3A_201 = arith.constant 0 : i32
      %dma_wait3A_202 = tpu.memref_slice %arg7[%dma_wait3A_198, %dma_wait3A_200, %dma_wait3A_201] : memref<4x128x64xf32, #tpu.memory_space<vmem>> -> memref<1x128x64xf32, #tpu.memory_space<vmem>>
      %dma_wait3A_203 = tpu.memref_squeeze %dma_wait3A_202 : memref<1x128x64xf32, #tpu.memory_space<vmem>> -> memref<128x64xf32, #tpu.memory_space<vmem>>
      %dma_wait3A_204 = arith.constant 0 : i32
      %dma_wait3A_205 = tpu.memref_slice %arg5[%add3A_197, %dma_wait3A_204] : memref<80x128xi32, #tpu.memory_space<vmem>> -> memref<1x128xi32, #tpu.memory_space<vmem>>
      %dma_wait3A_206 = tpu.memref_squeeze %dma_wait3A_205 : memref<1x128xi32, #tpu.memory_space<vmem>> -> memref<128xi32, #tpu.memory_space<vmem>>
      %dma_wait3A_207 = arith.constant 0 : i32
      %dma_wait3A_208 = arith.constant 0 : i32
      %dma_wait3A_209 = tpu.memref_slice %arg2[%dma_wait3A_207, %dma_wait3A_208] : memref<10240x64xf32, #tpu.memory_space<hbm>> -> memref<10240x64xf32, #tpu.memory_space<hbm>>
      %dma_wait3A_210 = tpu.memref_slice %arg10[%dma_wait3A_199] : memref<4x!tpu.dma_semaphore, #tpu.memory_space<semaphore_mem>> -> memref<1x!tpu.dma_semaphore, #tpu.memory_space<semaphore_mem>>
      %dma_wait3A_211 = tpu.memref_squeeze %dma_wait3A_210 : memref<1x!tpu.dma_semaphore, #tpu.memory_space<semaphore_mem>> -> memref<!tpu.dma_semaphore, #tpu.memory_space<semaphore_mem>>
      tpu.wait_indirect_dma semaphore(%dma_wait3A_211 : memref<!tpu.dma_semaphore, #tpu.memory_space<semaphore_mem>>) src(%dma_wait3A_209 : memref<10240x64xf32, #tpu.memory_space<hbm>>) dst(%dma_wait3A_203 : memref<128x64xf32, #tpu.memory_space<vmem>>)
      %run_scoped3A_212 = arith.constant 1 : i32
      "tpu.region"() ({
        %run_scoped3A_300 = tpu.sem_alloc : memref<!tpu.dma_semaphore, #tpu.memory_space<semaphore_mem>>
        %dma_start3A_301 = arith.constant 0 : i32
        %dma_start3A_302 = arith.constant 0 : i32
        %dma_start3A_303 = tpu.memref_slice %arg7[%run_scoped3A_212, %dma_start3A_301, %dma_start3A_302] : memref<4x128x64xf32, #tpu.memory_space<vmem>> -> memref<1x128x64xf32, #tpu.memory_space<vmem>>
        %dma_start3A_304 = tpu.memref_squeeze %dma_start3A_303 : memref<1x128x64xf32, #tpu.memory_space<vmem>> -> memref<128x64xf32, #tpu.memory_space<vmem>>
        %dma_start3A_305 = arith.constant 0 : i32
        %dma_start3A_306 = tpu.memref_slice %arg6[%add3A_197, %dma_start3A_305] : memref<80x128xi32, #tpu.memory_space<vmem>> -> memref<1x128xi32, #tpu.memory_space<vmem>>
        %dma_start3A_307 = tpu.memref_squeeze %dma_start3A_306 : memref<1x128xi32, #tpu.memory_space<vmem>> -> memref<128xi32, #tpu.memory_space<vmem>>
        %dma_start3A_308 = arith.constant 0 : i32
        %dma_start3A_309 = arith.constant 0 : i32
        %dma_start3A_310 = tpu.memref_slice %arg9[%dma_start3A_308, %dma_start3A_309] : memref<10240x64xf32, #tpu.memory_space<vmem_shared>> -> memref<10240x64xf32, #tpu.memory_space<vmem_shared>>
        tpu.enqueue_indirect_dma source(%dma_start3A_304 : memref<128x64xf32, #tpu.memory_space<vmem>>) target(%dma_start3A_310 : memref<10240x64xf32, #tpu.memory_space<vmem_shared>>) offsets(%dma_start3A_307 : memref<128xi32, #tpu.memory_space<vmem>>) semaphore(%run_scoped3A_300 : memref<!tpu.dma_semaphore, #tpu.memory_space<semaphore_mem>>) {add = true}
        %dma_wait3A_311 = arith.constant 0 : i32
        %dma_wait3A_312 = arith.constant 0 : i32
        %dma_wait3A_313 = tpu.memref_slice %arg7[%run_scoped3A_212, %dma_wait3A_311, %dma_wait3A_312] : memref<4x128x64xf32, #tpu.memory_space<vmem>> -> memref<1x128x64xf32, #tpu.memory_space<vmem>>
        %dma_wait3A_314 = tpu.memref_squeeze %dma_wait3A_313 : memref<1x128x64xf32, #tpu.memory_space<vmem>> -> memref<128x64xf32, #tpu.memory_space<vmem>>
        %dma_wait3A_315 = arith.constant 0 : i32
        %dma_wait3A_316 = tpu.memref_slice %arg6[%add3A_197, %dma_wait3A_315] : memref<80x128xi32, #tpu.memory_space<vmem>> -> memref<1x128xi32, #tpu.memory_space<vmem>>
        %dma_wait3A_317 = tpu.memref_squeeze %dma_wait3A_316 : memref<1x128xi32, #tpu.memory_space<vmem>> -> memref<128xi32, #tpu.memory_space<vmem>>
        %dma_wait3A_318 = arith.constant 0 : i32
        %dma_wait3A_319 = arith.constant 0 : i32
        %dma_wait3A_320 = tpu.memref_slice %arg9[%dma_wait3A_318, %dma_wait3A_319] : memref<10240x64xf32, #tpu.memory_space<vmem_shared>> -> memref<10240x64xf32, #tpu.memory_space<vmem_shared>>
        tpu.wait_indirect_dma semaphore(%run_scoped3A_300 : memref<!tpu.dma_semaphore, #tpu.memory_space<semaphore_mem>>) src(%dma_wait3A_314 : memref<128x64xf32, #tpu.memory_space<vmem>>) dst(%dma_wait3A_320 : memref<10240x64xf32, #tpu.memory_space<vmem_shared>>)
        tpu.yield
      }) : () -> ()
      %add3A_213 = arith.constant 4 : i32
      %add3A_214 = arith.addi %add3A_197, %add3A_213 : i32
      %dma_start3A_215 = arith.constant 1 : i32
      %dma_start3A_216 = arith.constant 1 : i32
      %dma_start3A_217 = arith.constant 0 : i32
      %dma_start3A_218 = arith.constant 0 : i32
      %dma_start3A_219 = tpu.memref_slice %arg7[%dma_start3A_215, %dma_start3A_217, %dma_start3A_218] : memref<4x128x64xf32, #tpu.memory_space<vmem>> -> memref<1x128x64xf32, #tpu.memory_space<vmem>>
      %dma_start3A_220 = tpu.memref_squeeze %dma_start3A_219 : memref<1x128x64xf32, #tpu.memory_space<vmem>> -> memref<128x64xf32, #tpu.memory_space<vmem>>
      %dma_start3A_221 = arith.constant 0 : i32
      %dma_start3A_222 = tpu.memref_slice %arg5[%add3A_214, %dma_start3A_221] : memref<80x128xi32, #tpu.memory_space<vmem>> -> memref<1x128xi32, #tpu.memory_space<vmem>>
      %dma_start3A_223 = tpu.memref_squeeze %dma_start3A_222 : memref<1x128xi32, #tpu.memory_space<vmem>> -> memref<128xi32, #tpu.memory_space<vmem>>
      %dma_start3A_224 = arith.constant 0 : i32
      %dma_start3A_225 = arith.constant 0 : i32
      %dma_start3A_226 = tpu.memref_slice %arg2[%dma_start3A_224, %dma_start3A_225] : memref<10240x64xf32, #tpu.memory_space<hbm>> -> memref<10240x64xf32, #tpu.memory_space<hbm>>
      %dma_start3A_227 = tpu.memref_slice %arg10[%dma_start3A_216] : memref<4x!tpu.dma_semaphore, #tpu.memory_space<semaphore_mem>> -> memref<1x!tpu.dma_semaphore, #tpu.memory_space<semaphore_mem>>
      %dma_start3A_228 = tpu.memref_squeeze %dma_start3A_227 : memref<1x!tpu.dma_semaphore, #tpu.memory_space<semaphore_mem>> -> memref<!tpu.dma_semaphore, #tpu.memory_space<semaphore_mem>>
      tpu.enqueue_indirect_dma source(%dma_start3A_226 : memref<10240x64xf32, #tpu.memory_space<hbm>>) target(%dma_start3A_220 : memref<128x64xf32, #tpu.memory_space<vmem>>) offsets(%dma_start3A_223 : memref<128xi32, #tpu.memory_space<vmem>>) semaphore(%dma_start3A_228 : memref<!tpu.dma_semaphore, #tpu.memory_space<semaphore_mem>>)
      %mul3A_229 = arith.constant 4 : i32
      %mul3A_230 = arith.muli %scan3A_157, %mul3A_229 : i32
      %add3A_231 = arith.constant 2 : i32
      %add3A_232 = arith.addi %mul3A_230, %add3A_231 : i32
      %dma_wait3A_233 = arith.constant 2 : i32
      %dma_wait3A_234 = arith.constant 2 : i32
      %dma_wait3A_235 = arith.constant 0 : i32
      %dma_wait3A_236 = arith.constant 0 : i32
      %dma_wait3A_237 = tpu.memref_slice %arg7[%dma_wait3A_233, %dma_wait3A_235, %dma_wait3A_236] : memref<4x128x64xf32, #tpu.memory_space<vmem>> -> memref<1x128x64xf32, #tpu.memory_space<vmem>>
      %dma_wait3A_238 = tpu.memref_squeeze %dma_wait3A_237 : memref<1x128x64xf32, #tpu.memory_space<vmem>> -> memref<128x64xf32, #tpu.memory_space<vmem>>
      %dma_wait3A_239 = arith.constant 0 : i32
      %dma_wait3A_240 = tpu.memref_slice %arg5[%add3A_232, %dma_wait3A_239] : memref<80x128xi32, #tpu.memory_space<vmem>> -> memref<1x128xi32, #tpu.memory_space<vmem>>
      %dma_wait3A_241 = tpu.memref_squeeze %dma_wait3A_240 : memref<1x128xi32, #tpu.memory_space<vmem>> -> memref<128xi32, #tpu.memory_space<vmem>>
      %dma_wait3A_242 = arith.constant 0 : i32
      %dma_wait3A_243 = arith.constant 0 : i32
      %dma_wait3A_244 = tpu.memref_slice %arg2[%dma_wait3A_242, %dma_wait3A_243] : memref<10240x64xf32, #tpu.memory_space<hbm>> -> memref<10240x64xf32, #tpu.memory_space<hbm>>
      %dma_wait3A_245 = tpu.memref_slice %arg10[%dma_wait3A_234] : memref<4x!tpu.dma_semaphore, #tpu.memory_space<semaphore_mem>> -> memref<1x!tpu.dma_semaphore, #tpu.memory_space<semaphore_mem>>
      %dma_wait3A_246 = tpu.memref_squeeze %dma_wait3A_245 : memref<1x!tpu.dma_semaphore, #tpu.memory_space<semaphore_mem>> -> memref<!tpu.dma_semaphore, #tpu.memory_space<semaphore_mem>>
      tpu.wait_indirect_dma semaphore(%dma_wait3A_246 : memref<!tpu.dma_semaphore, #tpu.memory_space<semaphore_mem>>) src(%dma_wait3A_244 : memref<10240x64xf32, #tpu.memory_space<hbm>>) dst(%dma_wait3A_238 : memref<128x64xf32, #tpu.memory_space<vmem>>)
      %run_scoped3A_247 = arith.constant 2 : i32
      "tpu.region"() ({
        %run_scoped3A_300 = tpu.sem_alloc : memref<!tpu.dma_semaphore, #tpu.memory_space<semaphore_mem>>
        %dma_start3A_301 = arith.constant 0 : i32
        %dma_start3A_302 = arith.constant 0 : i32
        %dma_start3A_303 = tpu.memref_slice %arg7[%run_scoped3A_247, %dma_start3A_301, %dma_start3A_302] : memref<4x128x64xf32, #tpu.memory_space<vmem>> -> memref<1x128x64xf32, #tpu.memory_space<vmem>>
        %dma_start3A_304 = tpu.memref_squeeze %dma_start3A_303 : memref<1x128x64xf32, #tpu.memory_space<vmem>> -> memref<128x64xf32, #tpu.memory_space<vmem>>
        %dma_start3A_305 = arith.constant 0 : i32
        %dma_start3A_306 = tpu.memref_slice %arg6[%add3A_232, %dma_start3A_305] : memref<80x128xi32, #tpu.memory_space<vmem>> -> memref<1x128xi32, #tpu.memory_space<vmem>>
        %dma_start3A_307 = tpu.memref_squeeze %dma_start3A_306 : memref<1x128xi32, #tpu.memory_space<vmem>> -> memref<128xi32, #tpu.memory_space<vmem>>
        %dma_start3A_308 = arith.constant 0 : i32
        %dma_start3A_309 = arith.constant 0 : i32
        %dma_start3A_310 = tpu.memref_slice %arg9[%dma_start3A_308, %dma_start3A_309] : memref<10240x64xf32, #tpu.memory_space<vmem_shared>> -> memref<10240x64xf32, #tpu.memory_space<vmem_shared>>
        tpu.enqueue_indirect_dma source(%dma_start3A_304 : memref<128x64xf32, #tpu.memory_space<vmem>>) target(%dma_start3A_310 : memref<10240x64xf32, #tpu.memory_space<vmem_shared>>) offsets(%dma_start3A_307 : memref<128xi32, #tpu.memory_space<vmem>>) semaphore(%run_scoped3A_300 : memref<!tpu.dma_semaphore, #tpu.memory_space<semaphore_mem>>) {add = true}
        %dma_wait3A_311 = arith.constant 0 : i32
        %dma_wait3A_312 = arith.constant 0 : i32
        %dma_wait3A_313 = tpu.memref_slice %arg7[%run_scoped3A_247, %dma_wait3A_311, %dma_wait3A_312] : memref<4x128x64xf32, #tpu.memory_space<vmem>> -> memref<1x128x64xf32, #tpu.memory_space<vmem>>
        %dma_wait3A_314 = tpu.memref_squeeze %dma_wait3A_313 : memref<1x128x64xf32, #tpu.memory_space<vmem>> -> memref<128x64xf32, #tpu.memory_space<vmem>>
        %dma_wait3A_315 = arith.constant 0 : i32
        %dma_wait3A_316 = tpu.memref_slice %arg6[%add3A_232, %dma_wait3A_315] : memref<80x128xi32, #tpu.memory_space<vmem>> -> memref<1x128xi32, #tpu.memory_space<vmem>>
        %dma_wait3A_317 = tpu.memref_squeeze %dma_wait3A_316 : memref<1x128xi32, #tpu.memory_space<vmem>> -> memref<128xi32, #tpu.memory_space<vmem>>
        %dma_wait3A_318 = arith.constant 0 : i32
        %dma_wait3A_319 = arith.constant 0 : i32
        %dma_wait3A_320 = tpu.memref_slice %arg9[%dma_wait3A_318, %dma_wait3A_319] : memref<10240x64xf32, #tpu.memory_space<vmem_shared>> -> memref<10240x64xf32, #tpu.memory_space<vmem_shared>>
        tpu.wait_indirect_dma semaphore(%run_scoped3A_300 : memref<!tpu.dma_semaphore, #tpu.memory_space<semaphore_mem>>) src(%dma_wait3A_314 : memref<128x64xf32, #tpu.memory_space<vmem>>) dst(%dma_wait3A_320 : memref<10240x64xf32, #tpu.memory_space<vmem_shared>>)
        tpu.yield
      }) : () -> ()
      %add3A_248 = arith.constant 4 : i32
      %add3A_249 = arith.addi %add3A_232, %add3A_248 : i32
      %dma_start3A_250 = arith.constant 2 : i32
      %dma_start3A_251 = arith.constant 2 : i32
      %dma_start3A_252 = arith.constant 0 : i32
      %dma_start3A_253 = arith.constant 0 : i32
      %dma_start3A_254 = tpu.memref_slice %arg7[%dma_start3A_250, %dma_start3A_252, %dma_start3A_253] : memref<4x128x64xf32, #tpu.memory_space<vmem>> -> memref<1x128x64xf32, #tpu.memory_space<vmem>>
      %dma_start3A_255 = tpu.memref_squeeze %dma_start3A_254 : memref<1x128x64xf32, #tpu.memory_space<vmem>> -> memref<128x64xf32, #tpu.memory_space<vmem>>
      %dma_start3A_256 = arith.constant 0 : i32
      %dma_start3A_257 = tpu.memref_slice %arg5[%add3A_249, %dma_start3A_256] : memref<80x128xi32, #tpu.memory_space<vmem>> -> memref<1x128xi32, #tpu.memory_space<vmem>>
      %dma_start3A_258 = tpu.memref_squeeze %dma_start3A_257 : memref<1x128xi32, #tpu.memory_space<vmem>> -> memref<128xi32, #tpu.memory_space<vmem>>
      %dma_start3A_259 = arith.constant 0 : i32
      %dma_start3A_260 = arith.constant 0 : i32
      %dma_start3A_261 = tpu.memref_slice %arg2[%dma_start3A_259, %dma_start3A_260] : memref<10240x64xf32, #tpu.memory_space<hbm>> -> memref<10240x64xf32, #tpu.memory_space<hbm>>
      %dma_start3A_262 = tpu.memref_slice %arg10[%dma_start3A_251] : memref<4x!tpu.dma_semaphore, #tpu.memory_space<semaphore_mem>> -> memref<1x!tpu.dma_semaphore, #tpu.memory_space<semaphore_mem>>
      %dma_start3A_263 = tpu.memref_squeeze %dma_start3A_262 : memref<1x!tpu.dma_semaphore, #tpu.memory_space<semaphore_mem>> -> memref<!tpu.dma_semaphore, #tpu.memory_space<semaphore_mem>>
      tpu.enqueue_indirect_dma source(%dma_start3A_261 : memref<10240x64xf32, #tpu.memory_space<hbm>>) target(%dma_start3A_255 : memref<128x64xf32, #tpu.memory_space<vmem>>) offsets(%dma_start3A_258 : memref<128xi32, #tpu.memory_space<vmem>>) semaphore(%dma_start3A_263 : memref<!tpu.dma_semaphore, #tpu.memory_space<semaphore_mem>>)
      %mul3A_264 = arith.constant 4 : i32
      %mul3A_265 = arith.muli %scan3A_157, %mul3A_264 : i32
      %add3A_266 = arith.constant 3 : i32
      %add3A_267 = arith.addi %mul3A_265, %add3A_266 : i32
      %dma_wait3A_268 = arith.constant 3 : i32
      %dma_wait3A_269 = arith.constant 3 : i32
      %dma_wait3A_270 = arith.constant 0 : i32
      %dma_wait3A_271 = arith.constant 0 : i32
      %dma_wait3A_272 = tpu.memref_slice %arg7[%dma_wait3A_268, %dma_wait3A_270, %dma_wait3A_271] : memref<4x128x64xf32, #tpu.memory_space<vmem>> -> memref<1x128x64xf32, #tpu.memory_space<vmem>>
      %dma_wait3A_273 = tpu.memref_squeeze %dma_wait3A_272 : memref<1x128x64xf32, #tpu.memory_space<vmem>> -> memref<128x64xf32, #tpu.memory_space<vmem>>
      %dma_wait3A_274 = arith.constant 0 : i32
      %dma_wait3A_275 = tpu.memref_slice %arg5[%add3A_267, %dma_wait3A_274] : memref<80x128xi32, #tpu.memory_space<vmem>> -> memref<1x128xi32, #tpu.memory_space<vmem>>
      %dma_wait3A_276 = tpu.memref_squeeze %dma_wait3A_275 : memref<1x128xi32, #tpu.memory_space<vmem>> -> memref<128xi32, #tpu.memory_space<vmem>>
      %dma_wait3A_277 = arith.constant 0 : i32
      %dma_wait3A_278 = arith.constant 0 : i32
      %dma_wait3A_279 = tpu.memref_slice %arg2[%dma_wait3A_277, %dma_wait3A_278] : memref<10240x64xf32, #tpu.memory_space<hbm>> -> memref<10240x64xf32, #tpu.memory_space<hbm>>
      %dma_wait3A_280 = tpu.memref_slice %arg10[%dma_wait3A_269] : memref<4x!tpu.dma_semaphore, #tpu.memory_space<semaphore_mem>> -> memref<1x!tpu.dma_semaphore, #tpu.memory_space<semaphore_mem>>
      %dma_wait3A_281 = tpu.memref_squeeze %dma_wait3A_280 : memref<1x!tpu.dma_semaphore, #tpu.memory_space<semaphore_mem>> -> memref<!tpu.dma_semaphore, #tpu.memory_space<semaphore_mem>>
      tpu.wait_indirect_dma semaphore(%dma_wait3A_281 : memref<!tpu.dma_semaphore, #tpu.memory_space<semaphore_mem>>) src(%dma_wait3A_279 : memref<10240x64xf32, #tpu.memory_space<hbm>>) dst(%dma_wait3A_273 : memref<128x64xf32, #tpu.memory_space<vmem>>)
      %run_scoped3A_282 = arith.constant 3 : i32
      "tpu.region"() ({
        %run_scoped3A_300 = tpu.sem_alloc : memref<!tpu.dma_semaphore, #tpu.memory_space<semaphore_mem>>
        %dma_start3A_301 = arith.constant 0 : i32
        %dma_start3A_302 = arith.constant 0 : i32
        %dma_start3A_303 = tpu.memref_slice %arg7[%run_scoped3A_282, %dma_start3A_301, %dma_start3A_302] : memref<4x128x64xf32, #tpu.memory_space<vmem>> -> memref<1x128x64xf32, #tpu.memory_space<vmem>>
        %dma_start3A_304 = tpu.memref_squeeze %dma_start3A_303 : memref<1x128x64xf32, #tpu.memory_space<vmem>> -> memref<128x64xf32, #tpu.memory_space<vmem>>
        %dma_start3A_305 = arith.constant 0 : i32
        %dma_start3A_306 = tpu.memref_slice %arg6[%add3A_267, %dma_start3A_305] : memref<80x128xi32, #tpu.memory_space<vmem>> -> memref<1x128xi32, #tpu.memory_space<vmem>>
        %dma_start3A_307 = tpu.memref_squeeze %dma_start3A_306 : memref<1x128xi32, #tpu.memory_space<vmem>> -> memref<128xi32, #tpu.memory_space<vmem>>
        %dma_start3A_308 = arith.constant 0 : i32
        %dma_start3A_309 = arith.constant 0 : i32
        %dma_start3A_310 = tpu.memref_slice %arg9[%dma_start3A_308, %dma_start3A_309] : memref<10240x64xf32, #tpu.memory_space<vmem_shared>> -> memref<10240x64xf32, #tpu.memory_space<vmem_shared>>
        tpu.enqueue_indirect_dma source(%dma_start3A_304 : memref<128x64xf32, #tpu.memory_space<vmem>>) target(%dma_start3A_310 : memref<10240x64xf32, #tpu.memory_space<vmem_shared>>) offsets(%dma_start3A_307 : memref<128xi32, #tpu.memory_space<vmem>>) semaphore(%run_scoped3A_300 : memref<!tpu.dma_semaphore, #tpu.memory_space<semaphore_mem>>) {add = true}
        %dma_wait3A_311 = arith.constant 0 : i32
        %dma_wait3A_312 = arith.constant 0 : i32
        %dma_wait3A_313 = tpu.memref_slice %arg7[%run_scoped3A_282, %dma_wait3A_311, %dma_wait3A_312] : memref<4x128x64xf32, #tpu.memory_space<vmem>> -> memref<1x128x64xf32, #tpu.memory_space<vmem>>
        %dma_wait3A_314 = tpu.memref_squeeze %dma_wait3A_313 : memref<1x128x64xf32, #tpu.memory_space<vmem>> -> memref<128x64xf32, #tpu.memory_space<vmem>>
        %dma_wait3A_315 = arith.constant 0 : i32
        %dma_wait3A_316 = tpu.memref_slice %arg6[%add3A_267, %dma_wait3A_315] : memref<80x128xi32, #tpu.memory_space<vmem>> -> memref<1x128xi32, #tpu.memory_space<vmem>>
        %dma_wait3A_317 = tpu.memref_squeeze %dma_wait3A_316 : memref<1x128xi32, #tpu.memory_space<vmem>> -> memref<128xi32, #tpu.memory_space<vmem>>
        %dma_wait3A_318 = arith.constant 0 : i32
        %dma_wait3A_319 = arith.constant 0 : i32
        %dma_wait3A_320 = tpu.memref_slice %arg9[%dma_wait3A_318, %dma_wait3A_319] : memref<10240x64xf32, #tpu.memory_space<vmem_shared>> -> memref<10240x64xf32, #tpu.memory_space<vmem_shared>>
        tpu.wait_indirect_dma semaphore(%run_scoped3A_300 : memref<!tpu.dma_semaphore, #tpu.memory_space<semaphore_mem>>) src(%dma_wait3A_314 : memref<128x64xf32, #tpu.memory_space<vmem>>) dst(%dma_wait3A_320 : memref<10240x64xf32, #tpu.memory_space<vmem_shared>>)
        tpu.yield
      }) : () -> ()
      %add3A_283 = arith.constant 4 : i32
      %add3A_284 = arith.addi %add3A_267, %add3A_283 : i32
      %dma_start3A_285 = arith.constant 3 : i32
      %dma_start3A_286 = arith.constant 3 : i32
      %dma_start3A_287 = arith.constant 0 : i32
      %dma_start3A_288 = arith.constant 0 : i32
      %dma_start3A_289 = tpu.memref_slice %arg7[%dma_start3A_285, %dma_start3A_287, %dma_start3A_288] : memref<4x128x64xf32, #tpu.memory_space<vmem>> -> memref<1x128x64xf32, #tpu.memory_space<vmem>>
      %dma_start3A_290 = tpu.memref_squeeze %dma_start3A_289 : memref<1x128x64xf32, #tpu.memory_space<vmem>> -> memref<128x64xf32, #tpu.memory_space<vmem>>
      %dma_start3A_291 = arith.constant 0 : i32
      %dma_start3A_292 = tpu.memref_slice %arg5[%add3A_284, %dma_start3A_291] : memref<80x128xi32, #tpu.memory_space<vmem>> -> memref<1x128xi32, #tpu.memory_space<vmem>>
      %dma_start3A_293 = tpu.memref_squeeze %dma_start3A_292 : memref<1x128xi32, #tpu.memory_space<vmem>> -> memref<128xi32, #tpu.memory_space<vmem>>
      %dma_start3A_294 = arith.constant 0 : i32
      %dma_start3A_295 = arith.constant 0 : i32
      %dma_start3A_296 = tpu.memref_slice %arg2[%dma_start3A_294, %dma_start3A_295] : memref<10240x64xf32, #tpu.memory_space<hbm>> -> memref<10240x64xf32, #tpu.memory_space<hbm>>
      %dma_start3A_297 = tpu.memref_slice %arg10[%dma_start3A_286] : memref<4x!tpu.dma_semaphore, #tpu.memory_space<semaphore_mem>> -> memref<1x!tpu.dma_semaphore, #tpu.memory_space<semaphore_mem>>
      %dma_start3A_298 = tpu.memref_squeeze %dma_start3A_297 : memref<1x!tpu.dma_semaphore, #tpu.memory_space<semaphore_mem>> -> memref<!tpu.dma_semaphore, #tpu.memory_space<semaphore_mem>>
      tpu.enqueue_indirect_dma source(%dma_start3A_296 : memref<10240x64xf32, #tpu.memory_space<hbm>>) target(%dma_start3A_290 : memref<128x64xf32, #tpu.memory_space<vmem>>) offsets(%dma_start3A_293 : memref<128xi32, #tpu.memory_space<vmem>>) semaphore(%dma_start3A_298 : memref<!tpu.dma_semaphore, #tpu.memory_space<semaphore_mem>>)
      %scan3A_299 = arith.constant 0 : i32
      scf.yield %scan3A_299 : i32
    }
    %scan3A_88 = arith.constant 19 : i32
    %dma_wait3A = arith.constant 76 : i32
    %dma_wait3A_89 = arith.constant 0 : i32
    %dma_wait3A_90 = arith.constant 0 : i32
    %dma_wait3A_91 = arith.constant 0 : i32
    %dma_wait3A_92 = arith.constant 0 : i32
    %dma_wait3A_93 = tpu.memref_slice %arg7[%dma_wait3A_89, %dma_wait3A_91, %dma_wait3A_92] : memref<4x128x64xf32, #tpu.memory_space<vmem>> -> memref<1x128x64xf32, #tpu.memory_space<vmem>>
    %dma_wait3A_94 = tpu.memref_squeeze %dma_wait3A_93 : memref<1x128x64xf32, #tpu.memory_space<vmem>> -> memref<128x64xf32, #tpu.memory_space<vmem>>
    %dma_wait3A_95 = arith.constant 0 : i32
    %dma_wait3A_96 = tpu.memref_slice %arg5[%dma_wait3A, %dma_wait3A_95] : memref<80x128xi32, #tpu.memory_space<vmem>> -> memref<1x128xi32, #tpu.memory_space<vmem>>
    %dma_wait3A_97 = tpu.memref_squeeze %dma_wait3A_96 : memref<1x128xi32, #tpu.memory_space<vmem>> -> memref<128xi32, #tpu.memory_space<vmem>>
    %dma_wait3A_98 = arith.constant 0 : i32
    %dma_wait3A_99 = arith.constant 0 : i32
    %dma_wait3A_100 = tpu.memref_slice %arg2[%dma_wait3A_98, %dma_wait3A_99] : memref<10240x64xf32, #tpu.memory_space<hbm>> -> memref<10240x64xf32, #tpu.memory_space<hbm>>
    %dma_wait3A_101 = tpu.memref_slice %arg10[%dma_wait3A_90] : memref<4x!tpu.dma_semaphore, #tpu.memory_space<semaphore_mem>> -> memref<1x!tpu.dma_semaphore, #tpu.memory_space<semaphore_mem>>
    %dma_wait3A_102 = tpu.memref_squeeze %dma_wait3A_101 : memref<1x!tpu.dma_semaphore, #tpu.memory_space<semaphore_mem>> -> memref<!tpu.dma_semaphore, #tpu.memory_space<semaphore_mem>>
    tpu.wait_indirect_dma semaphore(%dma_wait3A_102 : memref<!tpu.dma_semaphore, #tpu.memory_space<semaphore_mem>>) src(%dma_wait3A_100 : memref<10240x64xf32, #tpu.memory_space<hbm>>) dst(%dma_wait3A_94 : memref<128x64xf32, #tpu.memory_space<vmem>>)
    %run_scoped3A_103 = arith.constant 0 : i32
    %run_scoped3A_104 = arith.constant 76 : i32
    "tpu.region"() ({
      %run_scoped3A_157 = tpu.sem_alloc : memref<!tpu.dma_semaphore, #tpu.memory_space<semaphore_mem>>
      %dma_start3A_158 = arith.constant 0 : i32
      %dma_start3A_159 = arith.constant 0 : i32
      %dma_start3A_160 = tpu.memref_slice %arg7[%run_scoped3A_103, %dma_start3A_158, %dma_start3A_159] : memref<4x128x64xf32, #tpu.memory_space<vmem>> -> memref<1x128x64xf32, #tpu.memory_space<vmem>>
      %dma_start3A_161 = tpu.memref_squeeze %dma_start3A_160 : memref<1x128x64xf32, #tpu.memory_space<vmem>> -> memref<128x64xf32, #tpu.memory_space<vmem>>
      %dma_start3A_162 = arith.constant 0 : i32
      %dma_start3A_163 = tpu.memref_slice %arg6[%run_scoped3A_104, %dma_start3A_162] : memref<80x128xi32, #tpu.memory_space<vmem>> -> memref<1x128xi32, #tpu.memory_space<vmem>>
      %dma_start3A_164 = tpu.memref_squeeze %dma_start3A_163 : memref<1x128xi32, #tpu.memory_space<vmem>> -> memref<128xi32, #tpu.memory_space<vmem>>
      %dma_start3A_165 = arith.constant 0 : i32
      %dma_start3A_166 = arith.constant 0 : i32
      %dma_start3A_167 = tpu.memref_slice %arg9[%dma_start3A_165, %dma_start3A_166] : memref<10240x64xf32, #tpu.memory_space<vmem_shared>> -> memref<10240x64xf32, #tpu.memory_space<vmem_shared>>
      tpu.enqueue_indirect_dma source(%dma_start3A_161 : memref<128x64xf32, #tpu.memory_space<vmem>>) target(%dma_start3A_167 : memref<10240x64xf32, #tpu.memory_space<vmem_shared>>) offsets(%dma_start3A_164 : memref<128xi32, #tpu.memory_space<vmem>>) semaphore(%run_scoped3A_157 : memref<!tpu.dma_semaphore, #tpu.memory_space<semaphore_mem>>) {add = true}
      %dma_wait3A_168 = arith.constant 0 : i32
      %dma_wait3A_169 = arith.constant 0 : i32
      %dma_wait3A_170 = tpu.memref_slice %arg7[%run_scoped3A_103, %dma_wait3A_168, %dma_wait3A_169] : memref<4x128x64xf32, #tpu.memory_space<vmem>> -> memref<1x128x64xf32, #tpu.memory_space<vmem>>
      %dma_wait3A_171 = tpu.memref_squeeze %dma_wait3A_170 : memref<1x128x64xf32, #tpu.memory_space<vmem>> -> memref<128x64xf32, #tpu.memory_space<vmem>>
      %dma_wait3A_172 = arith.constant 0 : i32
      %dma_wait3A_173 = tpu.memref_slice %arg6[%run_scoped3A_104, %dma_wait3A_172] : memref<80x128xi32, #tpu.memory_space<vmem>> -> memref<1x128xi32, #tpu.memory_space<vmem>>
      %dma_wait3A_174 = tpu.memref_squeeze %dma_wait3A_173 : memref<1x128xi32, #tpu.memory_space<vmem>> -> memref<128xi32, #tpu.memory_space<vmem>>
      %dma_wait3A_175 = arith.constant 0 : i32
      %dma_wait3A_176 = arith.constant 0 : i32
      %dma_wait3A_177 = tpu.memref_slice %arg9[%dma_wait3A_175, %dma_wait3A_176] : memref<10240x64xf32, #tpu.memory_space<vmem_shared>> -> memref<10240x64xf32, #tpu.memory_space<vmem_shared>>
      tpu.wait_indirect_dma semaphore(%run_scoped3A_157 : memref<!tpu.dma_semaphore, #tpu.memory_space<semaphore_mem>>) src(%dma_wait3A_171 : memref<128x64xf32, #tpu.memory_space<vmem>>) dst(%dma_wait3A_177 : memref<10240x64xf32, #tpu.memory_space<vmem_shared>>)
      tpu.yield
    }) : () -> ()
    %dma_wait3A_105 = arith.constant 77 : i32
    %dma_wait3A_106 = arith.constant 1 : i32
    %dma_wait3A_107 = arith.constant 1 : i32
    %dma_wait3A_108 = arith.constant 0 : i32
    %dma_wait3A_109 = arith.constant 0 : i32
    %dma_wait3A_110 = tpu.memref_slice %arg7[%dma_wait3A_106, %dma_wait3A_108, %dma_wait3A_109] : memref<4x128x64xf32, #tpu.memory_space<vmem>> -> memref<1x128x64xf32, #tpu.memory_space<vmem>>
    %dma_wait3A_111 = tpu.memref_squeeze %dma_wait3A_110 : memref<1x128x64xf32, #tpu.memory_space<vmem>> -> memref<128x64xf32, #tpu.memory_space<vmem>>
    %dma_wait3A_112 = arith.constant 0 : i32
    %dma_wait3A_113 = tpu.memref_slice %arg5[%dma_wait3A_105, %dma_wait3A_112] : memref<80x128xi32, #tpu.memory_space<vmem>> -> memref<1x128xi32, #tpu.memory_space<vmem>>
    %dma_wait3A_114 = tpu.memref_squeeze %dma_wait3A_113 : memref<1x128xi32, #tpu.memory_space<vmem>> -> memref<128xi32, #tpu.memory_space<vmem>>
    %dma_wait3A_115 = arith.constant 0 : i32
    %dma_wait3A_116 = arith.constant 0 : i32
    %dma_wait3A_117 = tpu.memref_slice %arg2[%dma_wait3A_115, %dma_wait3A_116] : memref<10240x64xf32, #tpu.memory_space<hbm>> -> memref<10240x64xf32, #tpu.memory_space<hbm>>
    %dma_wait3A_118 = tpu.memref_slice %arg10[%dma_wait3A_107] : memref<4x!tpu.dma_semaphore, #tpu.memory_space<semaphore_mem>> -> memref<1x!tpu.dma_semaphore, #tpu.memory_space<semaphore_mem>>
    %dma_wait3A_119 = tpu.memref_squeeze %dma_wait3A_118 : memref<1x!tpu.dma_semaphore, #tpu.memory_space<semaphore_mem>> -> memref<!tpu.dma_semaphore, #tpu.memory_space<semaphore_mem>>
    tpu.wait_indirect_dma semaphore(%dma_wait3A_119 : memref<!tpu.dma_semaphore, #tpu.memory_space<semaphore_mem>>) src(%dma_wait3A_117 : memref<10240x64xf32, #tpu.memory_space<hbm>>) dst(%dma_wait3A_111 : memref<128x64xf32, #tpu.memory_space<vmem>>)
    %run_scoped3A_120 = arith.constant 1 : i32
    %run_scoped3A_121 = arith.constant 77 : i32
    "tpu.region"() ({
      %run_scoped3A_157 = tpu.sem_alloc : memref<!tpu.dma_semaphore, #tpu.memory_space<semaphore_mem>>
      %dma_start3A_158 = arith.constant 0 : i32
      %dma_start3A_159 = arith.constant 0 : i32
      %dma_start3A_160 = tpu.memref_slice %arg7[%run_scoped3A_120, %dma_start3A_158, %dma_start3A_159] : memref<4x128x64xf32, #tpu.memory_space<vmem>> -> memref<1x128x64xf32, #tpu.memory_space<vmem>>
      %dma_start3A_161 = tpu.memref_squeeze %dma_start3A_160 : memref<1x128x64xf32, #tpu.memory_space<vmem>> -> memref<128x64xf32, #tpu.memory_space<vmem>>
      %dma_start3A_162 = arith.constant 0 : i32
      %dma_start3A_163 = tpu.memref_slice %arg6[%run_scoped3A_121, %dma_start3A_162] : memref<80x128xi32, #tpu.memory_space<vmem>> -> memref<1x128xi32, #tpu.memory_space<vmem>>
      %dma_start3A_164 = tpu.memref_squeeze %dma_start3A_163 : memref<1x128xi32, #tpu.memory_space<vmem>> -> memref<128xi32, #tpu.memory_space<vmem>>
      %dma_start3A_165 = arith.constant 0 : i32
      %dma_start3A_166 = arith.constant 0 : i32
      %dma_start3A_167 = tpu.memref_slice %arg9[%dma_start3A_165, %dma_start3A_166] : memref<10240x64xf32, #tpu.memory_space<vmem_shared>> -> memref<10240x64xf32, #tpu.memory_space<vmem_shared>>
      tpu.enqueue_indirect_dma source(%dma_start3A_161 : memref<128x64xf32, #tpu.memory_space<vmem>>) target(%dma_start3A_167 : memref<10240x64xf32, #tpu.memory_space<vmem_shared>>) offsets(%dma_start3A_164 : memref<128xi32, #tpu.memory_space<vmem>>) semaphore(%run_scoped3A_157 : memref<!tpu.dma_semaphore, #tpu.memory_space<semaphore_mem>>) {add = true}
      %dma_wait3A_168 = arith.constant 0 : i32
      %dma_wait3A_169 = arith.constant 0 : i32
      %dma_wait3A_170 = tpu.memref_slice %arg7[%run_scoped3A_120, %dma_wait3A_168, %dma_wait3A_169] : memref<4x128x64xf32, #tpu.memory_space<vmem>> -> memref<1x128x64xf32, #tpu.memory_space<vmem>>
      %dma_wait3A_171 = tpu.memref_squeeze %dma_wait3A_170 : memref<1x128x64xf32, #tpu.memory_space<vmem>> -> memref<128x64xf32, #tpu.memory_space<vmem>>
      %dma_wait3A_172 = arith.constant 0 : i32
      %dma_wait3A_173 = tpu.memref_slice %arg6[%run_scoped3A_121, %dma_wait3A_172] : memref<80x128xi32, #tpu.memory_space<vmem>> -> memref<1x128xi32, #tpu.memory_space<vmem>>
      %dma_wait3A_174 = tpu.memref_squeeze %dma_wait3A_173 : memref<1x128xi32, #tpu.memory_space<vmem>> -> memref<128xi32, #tpu.memory_space<vmem>>
      %dma_wait3A_175 = arith.constant 0 : i32
      %dma_wait3A_176 = arith.constant 0 : i32
      %dma_wait3A_177 = tpu.memref_slice %arg9[%dma_wait3A_175, %dma_wait3A_176] : memref<10240x64xf32, #tpu.memory_space<vmem_shared>> -> memref<10240x64xf32, #tpu.memory_space<vmem_shared>>
      tpu.wait_indirect_dma semaphore(%run_scoped3A_157 : memref<!tpu.dma_semaphore, #tpu.memory_space<semaphore_mem>>) src(%dma_wait3A_171 : memref<128x64xf32, #tpu.memory_space<vmem>>) dst(%dma_wait3A_177 : memref<10240x64xf32, #tpu.memory_space<vmem_shared>>)
      tpu.yield
    }) : () -> ()
    %dma_wait3A_122 = arith.constant 78 : i32
    %dma_wait3A_123 = arith.constant 2 : i32
    %dma_wait3A_124 = arith.constant 2 : i32
    %dma_wait3A_125 = arith.constant 0 : i32
    %dma_wait3A_126 = arith.constant 0 : i32
    %dma_wait3A_127 = tpu.memref_slice %arg7[%dma_wait3A_123, %dma_wait3A_125, %dma_wait3A_126] : memref<4x128x64xf32, #tpu.memory_space<vmem>> -> memref<1x128x64xf32, #tpu.memory_space<vmem>>
    %dma_wait3A_128 = tpu.memref_squeeze %dma_wait3A_127 : memref<1x128x64xf32, #tpu.memory_space<vmem>> -> memref<128x64xf32, #tpu.memory_space<vmem>>
    %dma_wait3A_129 = arith.constant 0 : i32
    %dma_wait3A_130 = tpu.memref_slice %arg5[%dma_wait3A_122, %dma_wait3A_129] : memref<80x128xi32, #tpu.memory_space<vmem>> -> memref<1x128xi32, #tpu.memory_space<vmem>>
    %dma_wait3A_131 = tpu.memref_squeeze %dma_wait3A_130 : memref<1x128xi32, #tpu.memory_space<vmem>> -> memref<128xi32, #tpu.memory_space<vmem>>
    %dma_wait3A_132 = arith.constant 0 : i32
    %dma_wait3A_133 = arith.constant 0 : i32
    %dma_wait3A_134 = tpu.memref_slice %arg2[%dma_wait3A_132, %dma_wait3A_133] : memref<10240x64xf32, #tpu.memory_space<hbm>> -> memref<10240x64xf32, #tpu.memory_space<hbm>>
    %dma_wait3A_135 = tpu.memref_slice %arg10[%dma_wait3A_124] : memref<4x!tpu.dma_semaphore, #tpu.memory_space<semaphore_mem>> -> memref<1x!tpu.dma_semaphore, #tpu.memory_space<semaphore_mem>>
    %dma_wait3A_136 = tpu.memref_squeeze %dma_wait3A_135 : memref<1x!tpu.dma_semaphore, #tpu.memory_space<semaphore_mem>> -> memref<!tpu.dma_semaphore, #tpu.memory_space<semaphore_mem>>
    tpu.wait_indirect_dma semaphore(%dma_wait3A_136 : memref<!tpu.dma_semaphore, #tpu.memory_space<semaphore_mem>>) src(%dma_wait3A_134 : memref<10240x64xf32, #tpu.memory_space<hbm>>) dst(%dma_wait3A_128 : memref<128x64xf32, #tpu.memory_space<vmem>>)
    %run_scoped3A_137 = arith.constant 2 : i32
    %run_scoped3A_138 = arith.constant 78 : i32
    "tpu.region"() ({
      %run_scoped3A_157 = tpu.sem_alloc : memref<!tpu.dma_semaphore, #tpu.memory_space<semaphore_mem>>
      %dma_start3A_158 = arith.constant 0 : i32
      %dma_start3A_159 = arith.constant 0 : i32
      %dma_start3A_160 = tpu.memref_slice %arg7[%run_scoped3A_137, %dma_start3A_158, %dma_start3A_159] : memref<4x128x64xf32, #tpu.memory_space<vmem>> -> memref<1x128x64xf32, #tpu.memory_space<vmem>>
      %dma_start3A_161 = tpu.memref_squeeze %dma_start3A_160 : memref<1x128x64xf32, #tpu.memory_space<vmem>> -> memref<128x64xf32, #tpu.memory_space<vmem>>
      %dma_start3A_162 = arith.constant 0 : i32
      %dma_start3A_163 = tpu.memref_slice %arg6[%run_scoped3A_138, %dma_start3A_162] : memref<80x128xi32, #tpu.memory_space<vmem>> -> memref<1x128xi32, #tpu.memory_space<vmem>>
      %dma_start3A_164 = tpu.memref_squeeze %dma_start3A_163 : memref<1x128xi32, #tpu.memory_space<vmem>> -> memref<128xi32, #tpu.memory_space<vmem>>
      %dma_start3A_165 = arith.constant 0 : i32
      %dma_start3A_166 = arith.constant 0 : i32
      %dma_start3A_167 = tpu.memref_slice %arg9[%dma_start3A_165, %dma_start3A_166] : memref<10240x64xf32, #tpu.memory_space<vmem_shared>> -> memref<10240x64xf32, #tpu.memory_space<vmem_shared>>
      tpu.enqueue_indirect_dma source(%dma_start3A_161 : memref<128x64xf32, #tpu.memory_space<vmem>>) target(%dma_start3A_167 : memref<10240x64xf32, #tpu.memory_space<vmem_shared>>) offsets(%dma_start3A_164 : memref<128xi32, #tpu.memory_space<vmem>>) semaphore(%run_scoped3A_157 : memref<!tpu.dma_semaphore, #tpu.memory_space<semaphore_mem>>) {add = true}
      %dma_wait3A_168 = arith.constant 0 : i32
      %dma_wait3A_169 = arith.constant 0 : i32
      %dma_wait3A_170 = tpu.memref_slice %arg7[%run_scoped3A_137, %dma_wait3A_168, %dma_wait3A_169] : memref<4x128x64xf32, #tpu.memory_space<vmem>> -> memref<1x128x64xf32, #tpu.memory_space<vmem>>
      %dma_wait3A_171 = tpu.memref_squeeze %dma_wait3A_170 : memref<1x128x64xf32, #tpu.memory_space<vmem>> -> memref<128x64xf32, #tpu.memory_space<vmem>>
      %dma_wait3A_172 = arith.constant 0 : i32
      %dma_wait3A_173 = tpu.memref_slice %arg6[%run_scoped3A_138, %dma_wait3A_172] : memref<80x128xi32, #tpu.memory_space<vmem>> -> memref<1x128xi32, #tpu.memory_space<vmem>>
      %dma_wait3A_174 = tpu.memref_squeeze %dma_wait3A_173 : memref<1x128xi32, #tpu.memory_space<vmem>> -> memref<128xi32, #tpu.memory_space<vmem>>
      %dma_wait3A_175 = arith.constant 0 : i32
      %dma_wait3A_176 = arith.constant 0 : i32
      %dma_wait3A_177 = tpu.memref_slice %arg9[%dma_wait3A_175, %dma_wait3A_176] : memref<10240x64xf32, #tpu.memory_space<vmem_shared>> -> memref<10240x64xf32, #tpu.memory_space<vmem_shared>>
      tpu.wait_indirect_dma semaphore(%run_scoped3A_157 : memref<!tpu.dma_semaphore, #tpu.memory_space<semaphore_mem>>) src(%dma_wait3A_171 : memref<128x64xf32, #tpu.memory_space<vmem>>) dst(%dma_wait3A_177 : memref<10240x64xf32, #tpu.memory_space<vmem_shared>>)
      tpu.yield
    }) : () -> ()
    %dma_wait3A_139 = arith.constant 79 : i32
    %dma_wait3A_140 = arith.constant 3 : i32
    %dma_wait3A_141 = arith.constant 3 : i32
    %dma_wait3A_142 = arith.constant 0 : i32
    %dma_wait3A_143 = arith.constant 0 : i32
    %dma_wait3A_144 = tpu.memref_slice %arg7[%dma_wait3A_140, %dma_wait3A_142, %dma_wait3A_143] : memref<4x128x64xf32, #tpu.memory_space<vmem>> -> memref<1x128x64xf32, #tpu.memory_space<vmem>>
    %dma_wait3A_145 = tpu.memref_squeeze %dma_wait3A_144 : memref<1x128x64xf32, #tpu.memory_space<vmem>> -> memref<128x64xf32, #tpu.memory_space<vmem>>
    %dma_wait3A_146 = arith.constant 0 : i32
    %dma_wait3A_147 = tpu.memref_slice %arg5[%dma_wait3A_139, %dma_wait3A_146] : memref<80x128xi32, #tpu.memory_space<vmem>> -> memref<1x128xi32, #tpu.memory_space<vmem>>
    %dma_wait3A_148 = tpu.memref_squeeze %dma_wait3A_147 : memref<1x128xi32, #tpu.memory_space<vmem>> -> memref<128xi32, #tpu.memory_space<vmem>>
    %dma_wait3A_149 = arith.constant 0 : i32
    %dma_wait3A_150 = arith.constant 0 : i32
    %dma_wait3A_151 = tpu.memref_slice %arg2[%dma_wait3A_149, %dma_wait3A_150] : memref<10240x64xf32, #tpu.memory_space<hbm>> -> memref<10240x64xf32, #tpu.memory_space<hbm>>
    %dma_wait3A_152 = tpu.memref_slice %arg10[%dma_wait3A_141] : memref<4x!tpu.dma_semaphore, #tpu.memory_space<semaphore_mem>> -> memref<1x!tpu.dma_semaphore, #tpu.memory_space<semaphore_mem>>
    %dma_wait3A_153 = tpu.memref_squeeze %dma_wait3A_152 : memref<1x!tpu.dma_semaphore, #tpu.memory_space<semaphore_mem>> -> memref<!tpu.dma_semaphore, #tpu.memory_space<semaphore_mem>>
    tpu.wait_indirect_dma semaphore(%dma_wait3A_153 : memref<!tpu.dma_semaphore, #tpu.memory_space<semaphore_mem>>) src(%dma_wait3A_151 : memref<10240x64xf32, #tpu.memory_space<hbm>>) dst(%dma_wait3A_145 : memref<128x64xf32, #tpu.memory_space<vmem>>)
    %run_scoped3A_154 = arith.constant 3 : i32
    %run_scoped3A_155 = arith.constant 79 : i32
    "tpu.region"() ({
      %run_scoped3A_157 = tpu.sem_alloc : memref<!tpu.dma_semaphore, #tpu.memory_space<semaphore_mem>>
      %dma_start3A_158 = arith.constant 0 : i32
      %dma_start3A_159 = arith.constant 0 : i32
      %dma_start3A_160 = tpu.memref_slice %arg7[%run_scoped3A_154, %dma_start3A_158, %dma_start3A_159] : memref<4x128x64xf32, #tpu.memory_space<vmem>> -> memref<1x128x64xf32, #tpu.memory_space<vmem>>
      %dma_start3A_161 = tpu.memref_squeeze %dma_start3A_160 : memref<1x128x64xf32, #tpu.memory_space<vmem>> -> memref<128x64xf32, #tpu.memory_space<vmem>>
      %dma_start3A_162 = arith.constant 0 : i32
      %dma_start3A_163 = tpu.memref_slice %arg6[%run_scoped3A_155, %dma_start3A_162] : memref<80x128xi32, #tpu.memory_space<vmem>> -> memref<1x128xi32, #tpu.memory_space<vmem>>
      %dma_start3A_164 = tpu.memref_squeeze %dma_start3A_163 : memref<1x128xi32, #tpu.memory_space<vmem>> -> memref<128xi32, #tpu.memory_space<vmem>>
      %dma_start3A_165 = arith.constant 0 : i32
      %dma_start3A_166 = arith.constant 0 : i32
      %dma_start3A_167 = tpu.memref_slice %arg9[%dma_start3A_165, %dma_start3A_166] : memref<10240x64xf32, #tpu.memory_space<vmem_shared>> -> memref<10240x64xf32, #tpu.memory_space<vmem_shared>>
      tpu.enqueue_indirect_dma source(%dma_start3A_161 : memref<128x64xf32, #tpu.memory_space<vmem>>) target(%dma_start3A_167 : memref<10240x64xf32, #tpu.memory_space<vmem_shared>>) offsets(%dma_start3A_164 : memref<128xi32, #tpu.memory_space<vmem>>) semaphore(%run_scoped3A_157 : memref<!tpu.dma_semaphore, #tpu.memory_space<semaphore_mem>>) {add = true}
      %dma_wait3A_168 = arith.constant 0 : i32
      %dma_wait3A_169 = arith.constant 0 : i32
      %dma_wait3A_170 = tpu.memref_slice %arg7[%run_scoped3A_154, %dma_wait3A_168, %dma_wait3A_169] : memref<4x128x64xf32, #tpu.memory_space<vmem>> -> memref<1x128x64xf32, #tpu.memory_space<vmem>>
      %dma_wait3A_171 = tpu.memref_squeeze %dma_wait3A_170 : memref<1x128x64xf32, #tpu.memory_space<vmem>> -> memref<128x64xf32, #tpu.memory_space<vmem>>
      %dma_wait3A_172 = arith.constant 0 : i32
      %dma_wait3A_173 = tpu.memref_slice %arg6[%run_scoped3A_155, %dma_wait3A_172] : memref<80x128xi32, #tpu.memory_space<vmem>> -> memref<1x128xi32, #tpu.memory_space<vmem>>
      %dma_wait3A_174 = tpu.memref_squeeze %dma_wait3A_173 : memref<1x128xi32, #tpu.memory_space<vmem>> -> memref<128xi32, #tpu.memory_space<vmem>>
      %dma_wait3A_175 = arith.constant 0 : i32
      %dma_wait3A_176 = arith.constant 0 : i32
      %dma_wait3A_177 = tpu.memref_slice %arg9[%dma_wait3A_175, %dma_wait3A_176] : memref<10240x64xf32, #tpu.memory_space<vmem_shared>> -> memref<10240x64xf32, #tpu.memory_space<vmem_shared>>
      tpu.wait_indirect_dma semaphore(%run_scoped3A_157 : memref<!tpu.dma_semaphore, #tpu.memory_space<semaphore_mem>>) src(%dma_wait3A_171 : memref<128x64xf32, #tpu.memory_space<vmem>>) dst(%dma_wait3A_177 : memref<10240x64xf32, #tpu.memory_space<vmem_shared>>)
      tpu.yield
    }) : () -> ()
    %barrier3A_156 = arith.constant 0 : index
    tpu.barrier barrier_id(%barrier3A_156)
    "tpu.region"() ({
      %run_scoped3A_157 = tpu.sem_alloc : memref<!tpu.dma_semaphore, #tpu.memory_space<semaphore_mem>>
      %dma_start3A_158 = arith.constant 0 : i32
      %dma_start3A_159 = tpu.memref_slice %arg4[%arg0, %mul3A_2, %dma_start3A_158] : memref<2x10240x64xf32, #tpu.memory_space<hbm>> -> memref<1x640x64xf32, #tpu.memory_space<hbm>>
      %dma_start3A_160 = tpu.memref_squeeze %dma_start3A_159 : memref<1x640x64xf32, #tpu.memory_space<hbm>> -> memref<640x64xf32, #tpu.memory_space<hbm>>
      %dma_start3A_161 = arith.constant 0 : i32
      %dma_start3A_162 = tpu.memref_slice %arg9[%mul3A_2, %dma_start3A_161] : memref<10240x64xf32, #tpu.memory_space<vmem_shared>> -> memref<640x64xf32, #tpu.memory_space<vmem_shared>>
      tpu.enqueue_dma source(%dma_start3A_162 : memref<640x64xf32, #tpu.memory_space<vmem_shared>>) target(%dma_start3A_160 : memref<640x64xf32, #tpu.memory_space<hbm>>) target_semaphore(%run_scoped3A_157 : memref<!tpu.dma_semaphore, #tpu.memory_space<semaphore_mem>>)
      %dma_wait3A_163 = arith.constant 0 : i32
      %dma_wait3A_164 = tpu.memref_slice %arg4[%arg0, %mul3A_2, %dma_wait3A_163] : memref<2x10240x64xf32, #tpu.memory_space<hbm>> -> memref<1x640x64xf32, #tpu.memory_space<hbm>>
      %dma_wait3A_165 = tpu.memref_squeeze %dma_wait3A_164 : memref<1x640x64xf32, #tpu.memory_space<hbm>> -> memref<640x64xf32, #tpu.memory_space<hbm>>
      %dma_wait3A_166 = arith.constant 0 : i32
      %dma_wait3A_167 = tpu.memref_slice %arg9[%mul3A_2, %dma_wait3A_166] : memref<10240x64xf32, #tpu.memory_space<vmem_shared>> -> memref<640x64xf32, #tpu.memory_space<vmem_shared>>
      tpu.wait_dma2 semaphore(%run_scoped3A_157 : memref<!tpu.dma_semaphore, #tpu.memory_space<semaphore_mem>>) src(%dma_wait3A_167 : memref<640x64xf32, #tpu.memory_space<vmem_shared>>) dst(%dma_wait3A_165 : memref<640x64xf32, #tpu.memory_space<hbm>>)
      tpu.yield
    }) : () -> ()
    return
  }
}

#map = affine_map<(d0, d1) -> (0, 0, 0)>
module attributes {stable_mosaic.version = 14 : i64} {
  func.func @_deg_body(%arg0: i32, %arg1: i32, %arg2: memref<2x2560x128xi32, #tpu.memory_space<hbm>>, %arg3: memref<2x10240x16xf32, #tpu.memory_space<hbm>>, %arg4: memref<80x128xi32, #tpu.memory_space<vmem>>, %arg5: memref<128x16xf32, #tpu.memory_space<vmem>>, %arg6: memref<16x16xf32, #tpu.memory_space<vmem>>, %arg7: memref<10240x16xf32, #tpu.memory_space<vmem_shared>>, %arg8: memref<!tpu.dma_semaphore, #tpu.memory_space<semaphore_mem>>) attributes {dimension_semantics = [#tpu.dimension_semantics<core_parallel>, #tpu.dimension_semantics<subcore_parallel>], iteration_bounds = array<i64: 2, 16>, scalar_prefetch = 0 : i64, scratch_operands = 5 : i64, tpu.core_type = #tpu.core_type<sc_vector_subcore>, window_params = [{transform_indices = #map}, {transform_indices = #map}]} {
    %mul3A = arith.constant 16 : i32
    %mul3A_0 = arith.muli %arg0, %mul3A : i32
    %add3A = arith.addi %mul3A_0, %arg1 : i32
    %scan3A = arith.constant 0 : i32
    %scan3A_1 = arith.constant 0 : i32
    %scan3A_2 = arith.constant 128 : i32
    %scan3A_3 = arith.addi %scan3A_1, %scan3A_2 : i32
    %scan3A_4 = arith.constant 1 : i32
    %scan3A_5 = scf.for %scan3A_35 = %scan3A_1 to %scan3A_3 step %scan3A_4 iter_args(%scan3A_36 = %scan3A) -> (i32)  : i32 {
      %broadcast_in_dim3A = arith.constant 1.000000e+00 : f32
      %broadcast_in_dim3A_37 = vector.broadcast %broadcast_in_dim3A : f32 to vector<16xf32>
      %swap3A = arith.index_cast %scan3A_35 : i32 to index
      %swap3A_38 = arith.constant 0 : index
      %swap3A_39 = tpu.vector_load %arg5[%swap3A, %swap3A_38] {strides = array<i32>} : memref<128x16xf32, #tpu.memory_space<vmem>>, vector<1x16xf32>,
      %swap3A_40 = vector.shape_cast %swap3A_39 : vector<1x16xf32> to vector<16xf32>
      %swap3A_41 = vector.shape_cast %broadcast_in_dim3A_37 : vector<16xf32> to vector<1x16xf32>
      tpu.vector_store %arg5[%swap3A, %swap3A_38], %swap3A_41 {strides = array<i32>} : memref<128x16xf32, #tpu.memory_space<vmem>>, vector<1x16xf32>,
      %scan3A_42 = arith.constant 0 : i32
      scf.yield %scan3A_42 : i32
    }
    %scan3A_6 = arith.constant 128 : i32
    %scan3A_7 = arith.constant 0 : i32
    %scan3A_8 = arith.constant 0 : i32
    %scan3A_9 = arith.constant 16 : i32
    %scan3A_10 = arith.addi %scan3A_8, %scan3A_9 : i32
    %scan3A_11 = arith.constant 1 : i32
    %scan3A_12 = scf.for %scan3A_35 = %scan3A_8 to %scan3A_10 step %scan3A_11 iter_args(%scan3A_36 = %scan3A_7) -> (i32)  : i32 {
      %broadcast_in_dim3A = arith.constant 0.000000e+00 : f32
      %broadcast_in_dim3A_37 = vector.broadcast %broadcast_in_dim3A : f32 to vector<16xf32>
      %swap3A = arith.index_cast %scan3A_35 : i32 to index
      %swap3A_38 = arith.constant 0 : index
      %swap3A_39 = tpu.vector_load %arg6[%swap3A, %swap3A_38] {strides = array<i32>} : memref<16x16xf32, #tpu.memory_space<vmem>>, vector<1x16xf32>,
      %swap3A_40 = vector.shape_cast %swap3A_39 : vector<1x16xf32> to vector<16xf32>
      %swap3A_41 = vector.shape_cast %broadcast_in_dim3A_37 : vector<16xf32> to vector<1x16xf32>
      tpu.vector_store %arg6[%swap3A, %swap3A_38], %swap3A_41 {strides = array<i32>} : memref<16x16xf32, #tpu.memory_space<vmem>>, vector<1x16xf32>,
      %scan3A_42 = arith.constant 0 : i32
      scf.yield %scan3A_42 : i32
    }
    %scan3A_13 = arith.constant 16 : i32
    %mul3A_14 = arith.constant 640 : i32
    %mul3A_15 = arith.muli %arg1, %mul3A_14 : i32
    %scan3A_16 = arith.constant 0 : i32
    %scan3A_17 = arith.constant 0 : i32
    %scan3A_18 = arith.constant 40 : i32
    %scan3A_19 = arith.addi %scan3A_17, %scan3A_18 : i32
    %scan3A_20 = arith.constant 1 : i32
    %scan3A_21 = scf.for %scan3A_35 = %scan3A_17 to %scan3A_19 step %scan3A_20 iter_args(%scan3A_36 = %scan3A_16) -> (i32)  : i32 {
      %mul3A_37 = arith.constant 16 : i32
      %mul3A_38 = arith.muli %scan3A_35, %mul3A_37 : i32
      %add3A_39 = arith.addi %mul3A_15, %mul3A_38 : i32
      "tpu.region"() ({
        %run_scoped3A_41 = tpu.sem_alloc : memref<!tpu.dma_semaphore, #tpu.memory_space<semaphore_mem>>
        %dma_start3A = arith.constant 0 : i32
        %dma_start3A_42 = tpu.memref_slice %arg7[%add3A_39, %dma_start3A] : memref<10240x16xf32, #tpu.memory_space<vmem_shared>> -> memref<16x16xf32, #tpu.memory_space<vmem_shared>>
        %dma_start3A_43 = arith.constant 0 : i32
        %dma_start3A_44 = tpu.memref_slice %arg7[%add3A_39, %dma_start3A_43] : memref<10240x16xf32, #tpu.memory_space<vmem_shared>> -> memref<16x16xf32, #tpu.memory_space<vmem_shared>>
        tpu.enqueue_dma source(%arg6 : memref<16x16xf32, #tpu.memory_space<vmem>>) target(%dma_start3A_44 : memref<16x16xf32, #tpu.memory_space<vmem_shared>>) target_semaphore(%run_scoped3A_41 : memref<!tpu.dma_semaphore, #tpu.memory_space<semaphore_mem>>)
        %dma_wait3A = arith.constant 0 : i32
        %dma_wait3A_45 = tpu.memref_slice %arg7[%add3A_39, %dma_wait3A] : memref<10240x16xf32, #tpu.memory_space<vmem_shared>> -> memref<16x16xf32, #tpu.memory_space<vmem_shared>>
        %dma_wait3A_46 = arith.constant 0 : i32
        %dma_wait3A_47 = tpu.memref_slice %arg7[%add3A_39, %dma_wait3A_46] : memref<10240x16xf32, #tpu.memory_space<vmem_shared>> -> memref<16x16xf32, #tpu.memory_space<vmem_shared>>
        tpu.wait_dma2 semaphore(%run_scoped3A_41 : memref<!tpu.dma_semaphore, #tpu.memory_space<semaphore_mem>>) src(%arg6 : memref<16x16xf32, #tpu.memory_space<vmem>>) dst(%dma_wait3A_47 : memref<16x16xf32, #tpu.memory_space<vmem_shared>>)
        tpu.yield
      }) : () -> ()
      %scan3A_40 = arith.constant 0 : i32
      scf.yield %scan3A_40 : i32
    }
    %scan3A_22 = arith.constant 40 : i32
    %mul3A_23 = arith.constant 80 : i32
    %mul3A_24 = arith.muli %add3A, %mul3A_23 : i32
    %run_scoped3A = arith.constant 1 : i32
    "tpu.region"() ({
      %run_scoped3A_35 = tpu.sem_alloc : memref<!tpu.dma_semaphore, #tpu.memory_space<semaphore_mem>>
      %dma_start3A = arith.constant 0 : i32
      %dma_start3A_36 = tpu.memref_slice %arg2[%run_scoped3A, %mul3A_24, %dma_start3A] : memref<2x2560x128xi32, #tpu.memory_space<hbm>> -> memref<1x80x128xi32, #tpu.memory_space<hbm>>
      %dma_start3A_37 = tpu.memref_squeeze %dma_start3A_36 : memref<1x80x128xi32, #tpu.memory_space<hbm>> -> memref<80x128xi32, #tpu.memory_space<hbm>>
      %dma_start3A_38 = arith.constant 0 : i32
      %dma_start3A_39 = tpu.memref_slice %arg2[%run_scoped3A, %mul3A_24, %dma_start3A_38] : memref<2x2560x128xi32, #tpu.memory_space<hbm>> -> memref<1x80x128xi32, #tpu.memory_space<hbm>>
      %dma_start3A_40 = tpu.memref_squeeze %dma_start3A_39 : memref<1x80x128xi32, #tpu.memory_space<hbm>> -> memref<80x128xi32, #tpu.memory_space<hbm>>
      tpu.enqueue_dma source(%dma_start3A_40 : memref<80x128xi32, #tpu.memory_space<hbm>>) target(%arg4 : memref<80x128xi32, #tpu.memory_space<vmem>>) target_semaphore(%run_scoped3A_35 : memref<!tpu.dma_semaphore, #tpu.memory_space<semaphore_mem>>)
      %dma_wait3A = arith.constant 0 : i32
      %dma_wait3A_41 = tpu.memref_slice %arg2[%run_scoped3A, %mul3A_24, %dma_wait3A] : memref<2x2560x128xi32, #tpu.memory_space<hbm>> -> memref<1x80x128xi32, #tpu.memory_space<hbm>>
      %dma_wait3A_42 = tpu.memref_squeeze %dma_wait3A_41 : memref<1x80x128xi32, #tpu.memory_space<hbm>> -> memref<80x128xi32, #tpu.memory_space<hbm>>
      %dma_wait3A_43 = arith.constant 0 : i32
      %dma_wait3A_44 = tpu.memref_slice %arg2[%run_scoped3A, %mul3A_24, %dma_wait3A_43] : memref<2x2560x128xi32, #tpu.memory_space<hbm>> -> memref<1x80x128xi32, #tpu.memory_space<hbm>>
      %dma_wait3A_45 = tpu.memref_squeeze %dma_wait3A_44 : memref<1x80x128xi32, #tpu.memory_space<hbm>> -> memref<80x128xi32, #tpu.memory_space<hbm>>
      tpu.wait_dma2 semaphore(%run_scoped3A_35 : memref<!tpu.dma_semaphore, #tpu.memory_space<semaphore_mem>>) src(%dma_wait3A_45 : memref<80x128xi32, #tpu.memory_space<hbm>>) dst(%arg4 : memref<80x128xi32, #tpu.memory_space<vmem>>)
      tpu.yield
    }) : () -> ()
    %barrier3A = arith.constant 0 : index
    tpu.barrier barrier_id(%barrier3A)
    %scan3A_25 = arith.constant 0 : i32
    %scan3A_26 = arith.constant 0 : i32
    %scan3A_27 = arith.constant 80 : i32
    %scan3A_28 = arith.addi %scan3A_26, %scan3A_27 : i32
    %scan3A_29 = arith.constant 1 : i32
    %scan3A_30 = scf.for %scan3A_35 = %scan3A_26 to %scan3A_28 step %scan3A_29 iter_args(%scan3A_36 = %scan3A_25) -> (i32)  : i32 {
      "tpu.region"() ({
        %run_scoped3A_38 = tpu.sem_alloc : memref<!tpu.dma_semaphore, #tpu.memory_space<semaphore_mem>>
        %dma_start3A = arith.constant 0 : i32
        %dma_start3A_39 = tpu.memref_slice %arg4[%scan3A_35, %dma_start3A] : memref<80x128xi32, #tpu.memory_space<vmem>> -> memref<1x128xi32, #tpu.memory_space<vmem>>
        %dma_start3A_40 = tpu.memref_squeeze %dma_start3A_39 : memref<1x128xi32, #tpu.memory_space<vmem>> -> memref<128xi32, #tpu.memory_space<vmem>>
        %dma_start3A_41 = arith.constant 0 : i32
        %dma_start3A_42 = arith.constant 0 : i32
        %dma_start3A_43 = tpu.memref_slice %arg7[%dma_start3A_41, %dma_start3A_42] : memref<10240x16xf32, #tpu.memory_space<vmem_shared>> -> memref<10240x16xf32, #tpu.memory_space<vmem_shared>>
        tpu.enqueue_indirect_dma source(%arg5 : memref<128x16xf32, #tpu.memory_space<vmem>>) target(%dma_start3A_43 : memref<10240x16xf32, #tpu.memory_space<vmem_shared>>) offsets(%dma_start3A_40 : memref<128xi32, #tpu.memory_space<vmem>>) semaphore(%run_scoped3A_38 : memref<!tpu.dma_semaphore, #tpu.memory_space<semaphore_mem>>) {add = true}
        %dma_wait3A = arith.constant 0 : i32
        %dma_wait3A_44 = tpu.memref_slice %arg4[%scan3A_35, %dma_wait3A] : memref<80x128xi32, #tpu.memory_space<vmem>> -> memref<1x128xi32, #tpu.memory_space<vmem>>
        %dma_wait3A_45 = tpu.memref_squeeze %dma_wait3A_44 : memref<1x128xi32, #tpu.memory_space<vmem>> -> memref<128xi32, #tpu.memory_space<vmem>>
        %dma_wait3A_46 = arith.constant 0 : i32
        %dma_wait3A_47 = arith.constant 0 : i32
        %dma_wait3A_48 = tpu.memref_slice %arg7[%dma_wait3A_46, %dma_wait3A_47] : memref<10240x16xf32, #tpu.memory_space<vmem_shared>> -> memref<10240x16xf32, #tpu.memory_space<vmem_shared>>
        tpu.wait_indirect_dma semaphore(%run_scoped3A_38 : memref<!tpu.dma_semaphore, #tpu.memory_space<semaphore_mem>>) src(%arg5 : memref<128x16xf32, #tpu.memory_space<vmem>>) dst(%dma_wait3A_48 : memref<10240x16xf32, #tpu.memory_space<vmem_shared>>)
        tpu.yield
      }) : () -> ()
      %scan3A_37 = arith.constant 0 : i32
      scf.yield %scan3A_37 : i32
    }
    %scan3A_31 = arith.constant 80 : i32
    %barrier3A_32 = arith.constant 0 : index
    tpu.barrier barrier_id(%barrier3A_32)
    %mul3A_33 = arith.constant 640 : i32
    %mul3A_34 = arith.muli %arg1, %mul3A_33 : i32
    "tpu.region"() ({
      %run_scoped3A_35 = tpu.sem_alloc : memref<!tpu.dma_semaphore, #tpu.memory_space<semaphore_mem>>
      %dma_start3A = arith.constant 0 : i32
      %dma_start3A_36 = tpu.memref_slice %arg3[%arg0, %mul3A_34, %dma_start3A] : memref<2x10240x16xf32, #tpu.memory_space<hbm>> -> memref<1x640x16xf32, #tpu.memory_space<hbm>>
      %dma_start3A_37 = tpu.memref_squeeze %dma_start3A_36 : memref<1x640x16xf32, #tpu.memory_space<hbm>> -> memref<640x16xf32, #tpu.memory_space<hbm>>
      %dma_start3A_38 = arith.constant 0 : i32
      %dma_start3A_39 = tpu.memref_slice %arg7[%mul3A_34, %dma_start3A_38] : memref<10240x16xf32, #tpu.memory_space<vmem_shared>> -> memref<640x16xf32, #tpu.memory_space<vmem_shared>>
      tpu.enqueue_dma source(%dma_start3A_39 : memref<640x16xf32, #tpu.memory_space<vmem_shared>>) target(%dma_start3A_37 : memref<640x16xf32, #tpu.memory_space<hbm>>) target_semaphore(%run_scoped3A_35 : memref<!tpu.dma_semaphore, #tpu.memory_space<semaphore_mem>>)
      %dma_wait3A = arith.constant 0 : i32
      %dma_wait3A_40 = tpu.memref_slice %arg3[%arg0, %mul3A_34, %dma_wait3A] : memref<2x10240x16xf32, #tpu.memory_space<hbm>> -> memref<1x640x16xf32, #tpu.memory_space<hbm>>
      %dma_wait3A_41 = tpu.memref_squeeze %dma_wait3A_40 : memref<1x640x16xf32, #tpu.memory_space<hbm>> -> memref<640x16xf32, #tpu.memory_space<hbm>>
      %dma_wait3A_42 = arith.constant 0 : i32
      %dma_wait3A_43 = tpu.memref_slice %arg7[%mul3A_34, %dma_wait3A_42] : memref<10240x16xf32, #tpu.memory_space<vmem_shared>> -> memref<640x16xf32, #tpu.memory_space<vmem_shared>>
      tpu.wait_dma2 semaphore(%run_scoped3A_35 : memref<!tpu.dma_semaphore, #tpu.memory_space<semaphore_mem>>) src(%dma_wait3A_43 : memref<640x16xf32, #tpu.memory_space<vmem_shared>>) dst(%dma_wait3A_41 : memref<640x16xf32, #tpu.memory_space<hbm>>)
      tpu.yield
    }) : () -> ()
    return
  }
}

#map = affine_map<(d0, d1) -> (0, 0)>
#map1 = affine_map<(d0, d1) -> (0, 0, 0)>
module attributes {stable_mosaic.version = 14 : i64} {
  func.func @_msg_body(%arg0: i32, %arg1: i32, %arg2: memref<10240x64xf32, #tpu.memory_space<hbm>>, %arg3: memref<2x2560x128xi32, #tpu.memory_space<hbm>>, %arg4: memref<2x10240x64xf32, #tpu.memory_space<hbm>>, %arg5: memref<80x128xi32, #tpu.memory_space<vmem>>, %arg6: memref<80x128xi32, #tpu.memory_space<vmem>>, %arg7: memref<4x128x64xf32, #tpu.memory_space<vmem>>, %arg8: memref<16x64xf32, #tpu.memory_space<vmem>>, %arg9: memref<10240x64xf32, #tpu.memory_space<vmem_shared>>, %arg10: memref<4x!tpu.dma_semaphore, #tpu.memory_space<semaphore_mem>>) attributes {dimension_semantics = [#tpu.dimension_semantics<core_parallel>, #tpu.dimension_semantics<subcore_parallel>], iteration_bounds = array<i64: 2, 16>, scalar_prefetch = 0 : i64, scratch_operands = 6 : i64, tpu.core_type = #tpu.core_type<sc_vector_subcore>, window_params = [{transform_indices = #map}, {transform_indices = #map1}, {transform_indices = #map1}]} {
    %mul3A = arith.constant 16 : i32
    %mul3A_0 = arith.muli %arg0, %mul3A : i32
    %add3A = arith.addi %mul3A_0, %arg1 : i32
    %mul3A_1 = arith.constant 640 : i32
    %mul3A_2 = arith.muli %arg1, %mul3A_1 : i32
    %scan3A = arith.constant 0 : i32
    %scan3A_3 = arith.constant 0 : i32
    %scan3A_4 = arith.constant 16 : i32
    %scan3A_5 = arith.addi %scan3A_3, %scan3A_4 : i32
    %scan3A_6 = arith.constant 1 : i32
    %scan3A_7 = scf.for %scan3A_157 = %scan3A_3 to %scan3A_5 step %scan3A_6 iter_args(%scan3A_158 = %scan3A) -> (i32)  : i32 {
      %broadcast_in_dim3A = arith.constant 0.000000e+00 : f32
      %broadcast_in_dim3A_159 = vector.broadcast %broadcast_in_dim3A : f32 to vector<16xf32>
      %swap3A = arith.index_cast %scan3A_157 : i32 to index
      %swap3A_160 = arith.constant 0 : index
      %swap3A_161 = tpu.vector_load %arg8[%swap3A, %swap3A_160] {strides = array<i32>} : memref<16x64xf32, #tpu.memory_space<vmem>>, vector<1x16xf32>,
      %swap3A_162 = vector.shape_cast %swap3A_161 : vector<1x16xf32> to vector<16xf32>
      %swap3A_163 = vector.shape_cast %broadcast_in_dim3A_159 : vector<16xf32> to vector<1x16xf32>
      tpu.vector_store %arg8[%swap3A, %swap3A_160], %swap3A_163 {strides = array<i32>} : memref<16x64xf32, #tpu.memory_space<vmem>>, vector<1x16xf32>,
      %broadcast_in_dim3A_164 = arith.constant 0.000000e+00 : f32
      %broadcast_in_dim3A_165 = vector.broadcast %broadcast_in_dim3A_164 : f32 to vector<16xf32>
      %swap3A_166 = arith.index_cast %scan3A_157 : i32 to index
      %swap3A_167 = arith.constant 16 : index
      %swap3A_168 = tpu.vector_load %arg8[%swap3A_166, %swap3A_167] {strides = array<i32>} : memref<16x64xf32, #tpu.memory_space<vmem>>, vector<1x16xf32>,
      %swap3A_169 = vector.shape_cast %swap3A_168 : vector<1x16xf32> to vector<16xf32>
      %swap3A_170 = vector.shape_cast %broadcast_in_dim3A_165 : vector<16xf32> to vector<1x16xf32>
      tpu.vector_store %arg8[%swap3A_166, %swap3A_167], %swap3A_170 {strides = array<i32>} : memref<16x64xf32, #tpu.memory_space<vmem>>, vector<1x16xf32>,
      %broadcast_in_dim3A_171 = arith.constant 0.000000e+00 : f32
      %broadcast_in_dim3A_172 = vector.broadcast %broadcast_in_dim3A_171 : f32 to vector<16xf32>
      %swap3A_173 = arith.index_cast %scan3A_157 : i32 to index
      %swap3A_174 = arith.constant 32 : index
      %swap3A_175 = tpu.vector_load %arg8[%swap3A_173, %swap3A_174] {strides = array<i32>} : memref<16x64xf32, #tpu.memory_space<vmem>>, vector<1x16xf32>,
      %swap3A_176 = vector.shape_cast %swap3A_175 : vector<1x16xf32> to vector<16xf32>
      %swap3A_177 = vector.shape_cast %broadcast_in_dim3A_172 : vector<16xf32> to vector<1x16xf32>
      tpu.vector_store %arg8[%swap3A_173, %swap3A_174], %swap3A_177 {strides = array<i32>} : memref<16x64xf32, #tpu.memory_space<vmem>>, vector<1x16xf32>,
      %broadcast_in_dim3A_178 = arith.constant 0.000000e+00 : f32
      %broadcast_in_dim3A_179 = vector.broadcast %broadcast_in_dim3A_178 : f32 to vector<16xf32>
      %swap3A_180 = arith.index_cast %scan3A_157 : i32 to index
      %swap3A_181 = arith.constant 48 : index
      %swap3A_182 = tpu.vector_load %arg8[%swap3A_180, %swap3A_181] {strides = array<i32>} : memref<16x64xf32, #tpu.memory_space<vmem>>, vector<1x16xf32>,
      %swap3A_183 = vector.shape_cast %swap3A_182 : vector<1x16xf32> to vector<16xf32>
      %swap3A_184 = vector.shape_cast %broadcast_in_dim3A_179 : vector<16xf32> to vector<1x16xf32>
      tpu.vector_store %arg8[%swap3A_180, %swap3A_181], %swap3A_184 {strides = array<i32>} : memref<16x64xf32, #tpu.memory_space<vmem>>, vector<1x16xf32>,
      %scan3A_185 = arith.constant 0 : i32
      scf.yield %scan3A_185 : i32
    }
    %scan3A_8 = arith.constant 16 : i32
    %mul3A_9 = arith.constant 640 : i32
    %mul3A_10 = arith.muli %arg1, %mul3A_9 : i32
    %scan3A_11 = arith.constant 0 : i32
    %scan3A_12 = arith.constant 0 : i32
    %scan3A_13 = arith.constant 40 : i32
    %scan3A_14 = arith.addi %scan3A_12, %scan3A_13 : i32
    %scan3A_15 = arith.constant 1 : i32
    %scan3A_16 = scf.for %scan3A_157 = %scan3A_12 to %scan3A_14 step %scan3A_15 iter_args(%scan3A_158 = %scan3A_11) -> (i32)  : i32 {
      %mul3A_159 = arith.constant 16 : i32
      %mul3A_160 = arith.muli %scan3A_157, %mul3A_159 : i32
      %add3A_161 = arith.addi %mul3A_10, %mul3A_160 : i32
      "tpu.region"() ({
        %run_scoped3A_163 = tpu.sem_alloc : memref<!tpu.dma_semaphore, #tpu.memory_space<semaphore_mem>>
        %dma_start3A_164 = arith.constant 0 : i32
        %dma_start3A_165 = tpu.memref_slice %arg9[%add3A_161, %dma_start3A_164] : memref<10240x64xf32, #tpu.memory_space<vmem_shared>> -> memref<16x64xf32, #tpu.memory_space<vmem_shared>>
        %dma_start3A_166 = arith.constant 0 : i32
        %dma_start3A_167 = tpu.memref_slice %arg9[%add3A_161, %dma_start3A_166] : memref<10240x64xf32, #tpu.memory_space<vmem_shared>> -> memref<16x64xf32, #tpu.memory_space<vmem_shared>>
        tpu.enqueue_dma source(%arg8 : memref<16x64xf32, #tpu.memory_space<vmem>>) target(%dma_start3A_167 : memref<16x64xf32, #tpu.memory_space<vmem_shared>>) target_semaphore(%run_scoped3A_163 : memref<!tpu.dma_semaphore, #tpu.memory_space<semaphore_mem>>)
        %dma_wait3A_168 = arith.constant 0 : i32
        %dma_wait3A_169 = tpu.memref_slice %arg9[%add3A_161, %dma_wait3A_168] : memref<10240x64xf32, #tpu.memory_space<vmem_shared>> -> memref<16x64xf32, #tpu.memory_space<vmem_shared>>
        %dma_wait3A_170 = arith.constant 0 : i32
        %dma_wait3A_171 = tpu.memref_slice %arg9[%add3A_161, %dma_wait3A_170] : memref<10240x64xf32, #tpu.memory_space<vmem_shared>> -> memref<16x64xf32, #tpu.memory_space<vmem_shared>>
        tpu.wait_dma2 semaphore(%run_scoped3A_163 : memref<!tpu.dma_semaphore, #tpu.memory_space<semaphore_mem>>) src(%arg8 : memref<16x64xf32, #tpu.memory_space<vmem>>) dst(%dma_wait3A_171 : memref<16x64xf32, #tpu.memory_space<vmem_shared>>)
        tpu.yield
      }) : () -> ()
      %scan3A_162 = arith.constant 0 : i32
      scf.yield %scan3A_162 : i32
    }
    %scan3A_17 = arith.constant 40 : i32
    %mul3A_18 = arith.constant 80 : i32
    %mul3A_19 = arith.muli %add3A, %mul3A_18 : i32
    %run_scoped3A = arith.constant 0 : i32
    "tpu.region"() ({
      %run_scoped3A_157 = tpu.sem_alloc : memref<!tpu.dma_semaphore, #tpu.memory_space<semaphore_mem>>
      %dma_start3A_158 = arith.constant 0 : i32
      %dma_start3A_159 = tpu.memref_slice %arg3[%run_scoped3A, %mul3A_19, %dma_start3A_158] : memref<2x2560x128xi32, #tpu.memory_space<hbm>> -> memref<1x80x128xi32, #tpu.memory_space<hbm>>
      %dma_start3A_160 = tpu.memref_squeeze %dma_start3A_159 : memref<1x80x128xi32, #tpu.memory_space<hbm>> -> memref<80x128xi32, #tpu.memory_space<hbm>>
      %dma_start3A_161 = arith.constant 0 : i32
      %dma_start3A_162 = tpu.memref_slice %arg3[%run_scoped3A, %mul3A_19, %dma_start3A_161] : memref<2x2560x128xi32, #tpu.memory_space<hbm>> -> memref<1x80x128xi32, #tpu.memory_space<hbm>>
      %dma_start3A_163 = tpu.memref_squeeze %dma_start3A_162 : memref<1x80x128xi32, #tpu.memory_space<hbm>> -> memref<80x128xi32, #tpu.memory_space<hbm>>
      tpu.enqueue_dma source(%dma_start3A_163 : memref<80x128xi32, #tpu.memory_space<hbm>>) target(%arg5 : memref<80x128xi32, #tpu.memory_space<vmem>>) target_semaphore(%run_scoped3A_157 : memref<!tpu.dma_semaphore, #tpu.memory_space<semaphore_mem>>)
      %dma_wait3A_164 = arith.constant 0 : i32
      %dma_wait3A_165 = tpu.memref_slice %arg3[%run_scoped3A, %mul3A_19, %dma_wait3A_164] : memref<2x2560x128xi32, #tpu.memory_space<hbm>> -> memref<1x80x128xi32, #tpu.memory_space<hbm>>
      %dma_wait3A_166 = tpu.memref_squeeze %dma_wait3A_165 : memref<1x80x128xi32, #tpu.memory_space<hbm>> -> memref<80x128xi32, #tpu.memory_space<hbm>>
      %dma_wait3A_167 = arith.constant 0 : i32
      %dma_wait3A_168 = tpu.memref_slice %arg3[%run_scoped3A, %mul3A_19, %dma_wait3A_167] : memref<2x2560x128xi32, #tpu.memory_space<hbm>> -> memref<1x80x128xi32, #tpu.memory_space<hbm>>
      %dma_wait3A_169 = tpu.memref_squeeze %dma_wait3A_168 : memref<1x80x128xi32, #tpu.memory_space<hbm>> -> memref<80x128xi32, #tpu.memory_space<hbm>>
      tpu.wait_dma2 semaphore(%run_scoped3A_157 : memref<!tpu.dma_semaphore, #tpu.memory_space<semaphore_mem>>) src(%dma_wait3A_169 : memref<80x128xi32, #tpu.memory_space<hbm>>) dst(%arg5 : memref<80x128xi32, #tpu.memory_space<vmem>>)
      tpu.yield
    }) : () -> ()
    %mul3A_20 = arith.constant 80 : i32
    %mul3A_21 = arith.muli %add3A, %mul3A_20 : i32
    %run_scoped3A_22 = arith.constant 1 : i32
    "tpu.region"() ({
      %run_scoped3A_157 = tpu.sem_alloc : memref<!tpu.dma_semaphore, #tpu.memory_space<semaphore_mem>>
      %dma_start3A_158 = arith.constant 0 : i32
      %dma_start3A_159 = tpu.memref_slice %arg3[%run_scoped3A_22, %mul3A_21, %dma_start3A_158] : memref<2x2560x128xi32, #tpu.memory_space<hbm>> -> memref<1x80x128xi32, #tpu.memory_space<hbm>>
      %dma_start3A_160 = tpu.memref_squeeze %dma_start3A_159 : memref<1x80x128xi32, #tpu.memory_space<hbm>> -> memref<80x128xi32, #tpu.memory_space<hbm>>
      %dma_start3A_161 = arith.constant 0 : i32
      %dma_start3A_162 = tpu.memref_slice %arg3[%run_scoped3A_22, %mul3A_21, %dma_start3A_161] : memref<2x2560x128xi32, #tpu.memory_space<hbm>> -> memref<1x80x128xi32, #tpu.memory_space<hbm>>
      %dma_start3A_163 = tpu.memref_squeeze %dma_start3A_162 : memref<1x80x128xi32, #tpu.memory_space<hbm>> -> memref<80x128xi32, #tpu.memory_space<hbm>>
      tpu.enqueue_dma source(%dma_start3A_163 : memref<80x128xi32, #tpu.memory_space<hbm>>) target(%arg6 : memref<80x128xi32, #tpu.memory_space<vmem>>) target_semaphore(%run_scoped3A_157 : memref<!tpu.dma_semaphore, #tpu.memory_space<semaphore_mem>>)
      %dma_wait3A_164 = arith.constant 0 : i32
      %dma_wait3A_165 = tpu.memref_slice %arg3[%run_scoped3A_22, %mul3A_21, %dma_wait3A_164] : memref<2x2560x128xi32, #tpu.memory_space<hbm>> -> memref<1x80x128xi32, #tpu.memory_space<hbm>>
      %dma_wait3A_166 = tpu.memref_squeeze %dma_wait3A_165 : memref<1x80x128xi32, #tpu.memory_space<hbm>> -> memref<80x128xi32, #tpu.memory_space<hbm>>
      %dma_wait3A_167 = arith.constant 0 : i32
      %dma_wait3A_168 = tpu.memref_slice %arg3[%run_scoped3A_22, %mul3A_21, %dma_wait3A_167] : memref<2x2560x128xi32, #tpu.memory_space<hbm>> -> memref<1x80x128xi32, #tpu.memory_space<hbm>>
      %dma_wait3A_169 = tpu.memref_squeeze %dma_wait3A_168 : memref<1x80x128xi32, #tpu.memory_space<hbm>> -> memref<80x128xi32, #tpu.memory_space<hbm>>
      tpu.wait_dma2 semaphore(%run_scoped3A_157 : memref<!tpu.dma_semaphore, #tpu.memory_space<semaphore_mem>>) src(%dma_wait3A_169 : memref<80x128xi32, #tpu.memory_space<hbm>>) dst(%arg6 : memref<80x128xi32, #tpu.memory_space<vmem>>)
      tpu.yield
    }) : () -> ()
    %barrier3A = arith.constant 0 : index
    tpu.barrier barrier_id(%barrier3A)
    %dma_start3A = arith.constant 0 : i32
    %dma_start3A_23 = arith.constant 0 : i32
    %dma_start3A_24 = arith.constant 0 : i32
    %dma_start3A_25 = arith.constant 0 : i32
    %dma_start3A_26 = arith.constant 0 : i32
    %dma_start3A_27 = tpu.memref_slice %arg7[%dma_start3A_23, %dma_start3A_25, %dma_start3A_26] : memref<4x128x64xf32, #tpu.memory_space<vmem>> -> memref<1x128x64xf32, #tpu.memory_space<vmem>>
    %dma_start3A_28 = tpu.memref_squeeze %dma_start3A_27 : memref<1x128x64xf32, #tpu.memory_space<vmem>> -> memref<128x64xf32, #tpu.memory_space<vmem>>
    %dma_start3A_29 = arith.constant 0 : i32
    %dma_start3A_30 = tpu.memref_slice %arg5[%dma_start3A, %dma_start3A_29] : memref<80x128xi32, #tpu.memory_space<vmem>> -> memref<1x128xi32, #tpu.memory_space<vmem>>
    %dma_start3A_31 = tpu.memref_squeeze %dma_start3A_30 : memref<1x128xi32, #tpu.memory_space<vmem>> -> memref<128xi32, #tpu.memory_space<vmem>>
    %dma_start3A_32 = arith.constant 0 : i32
    %dma_start3A_33 = arith.constant 0 : i32
    %dma_start3A_34 = tpu.memref_slice %arg2[%dma_start3A_32, %dma_start3A_33] : memref<10240x64xf32, #tpu.memory_space<hbm>> -> memref<10240x64xf32, #tpu.memory_space<hbm>>
    %dma_start3A_35 = tpu.memref_slice %arg10[%dma_start3A_24] : memref<4x!tpu.dma_semaphore, #tpu.memory_space<semaphore_mem>> -> memref<1x!tpu.dma_semaphore, #tpu.memory_space<semaphore_mem>>
    %dma_start3A_36 = tpu.memref_squeeze %dma_start3A_35 : memref<1x!tpu.dma_semaphore, #tpu.memory_space<semaphore_mem>> -> memref<!tpu.dma_semaphore, #tpu.memory_space<semaphore_mem>>
    tpu.enqueue_indirect_dma source(%dma_start3A_34 : memref<10240x64xf32, #tpu.memory_space<hbm>>) target(%dma_start3A_28 : memref<128x64xf32, #tpu.memory_space<vmem>>) offsets(%dma_start3A_31 : memref<128xi32, #tpu.memory_space<vmem>>) semaphore(%dma_start3A_36 : memref<!tpu.dma_semaphore, #tpu.memory_space<semaphore_mem>>)
    %dma_start3A_37 = arith.constant 1 : i32
    %dma_start3A_38 = arith.constant 1 : i32
    %dma_start3A_39 = arith.constant 1 : i32
    %dma_start3A_40 = arith.constant 0 : i32
    %dma_start3A_41 = arith.constant 0 : i32
    %dma_start3A_42 = tpu.memref_slice %arg7[%dma_start3A_38, %dma_start3A_40, %dma_start3A_41] : memref<4x128x64xf32, #tpu.memory_space<vmem>> -> memref<1x128x64xf32, #tpu.memory_space<vmem>>
    %dma_start3A_43 = tpu.memref_squeeze %dma_start3A_42 : memref<1x128x64xf32, #tpu.memory_space<vmem>> -> memref<128x64xf32, #tpu.memory_space<vmem>>
    %dma_start3A_44 = arith.constant 0 : i32
    %dma_start3A_45 = tpu.memref_slice %arg5[%dma_start3A_37, %dma_start3A_44] : memref<80x128xi32, #tpu.memory_space<vmem>> -> memref<1x128xi32, #tpu.memory_space<vmem>>
    %dma_start3A_46 = tpu.memref_squeeze %dma_start3A_45 : memref<1x128xi32, #tpu.memory_space<vmem>> -> memref<128xi32, #tpu.memory_space<vmem>>
    %dma_start3A_47 = arith.constant 0 : i32
    %dma_start3A_48 = arith.constant 0 : i32
    %dma_start3A_49 = tpu.memref_slice %arg2[%dma_start3A_47, %dma_start3A_48] : memref<10240x64xf32, #tpu.memory_space<hbm>> -> memref<10240x64xf32, #tpu.memory_space<hbm>>
    %dma_start3A_50 = tpu.memref_slice %arg10[%dma_start3A_39] : memref<4x!tpu.dma_semaphore, #tpu.memory_space<semaphore_mem>> -> memref<1x!tpu.dma_semaphore, #tpu.memory_space<semaphore_mem>>
    %dma_start3A_51 = tpu.memref_squeeze %dma_start3A_50 : memref<1x!tpu.dma_semaphore, #tpu.memory_space<semaphore_mem>> -> memref<!tpu.dma_semaphore, #tpu.memory_space<semaphore_mem>>
    tpu.enqueue_indirect_dma source(%dma_start3A_49 : memref<10240x64xf32, #tpu.memory_space<hbm>>) target(%dma_start3A_43 : memref<128x64xf32, #tpu.memory_space<vmem>>) offsets(%dma_start3A_46 : memref<128xi32, #tpu.memory_space<vmem>>) semaphore(%dma_start3A_51 : memref<!tpu.dma_semaphore, #tpu.memory_space<semaphore_mem>>)
    %dma_start3A_52 = arith.constant 2 : i32
    %dma_start3A_53 = arith.constant 2 : i32
    %dma_start3A_54 = arith.constant 2 : i32
    %dma_start3A_55 = arith.constant 0 : i32
    %dma_start3A_56 = arith.constant 0 : i32
    %dma_start3A_57 = tpu.memref_slice %arg7[%dma_start3A_53, %dma_start3A_55, %dma_start3A_56] : memref<4x128x64xf32, #tpu.memory_space<vmem>> -> memref<1x128x64xf32, #tpu.memory_space<vmem>>
    %dma_start3A_58 = tpu.memref_squeeze %dma_start3A_57 : memref<1x128x64xf32, #tpu.memory_space<vmem>> -> memref<128x64xf32, #tpu.memory_space<vmem>>
    %dma_start3A_59 = arith.constant 0 : i32
    %dma_start3A_60 = tpu.memref_slice %arg5[%dma_start3A_52, %dma_start3A_59] : memref<80x128xi32, #tpu.memory_space<vmem>> -> memref<1x128xi32, #tpu.memory_space<vmem>>
    %dma_start3A_61 = tpu.memref_squeeze %dma_start3A_60 : memref<1x128xi32, #tpu.memory_space<vmem>> -> memref<128xi32, #tpu.memory_space<vmem>>
    %dma_start3A_62 = arith.constant 0 : i32
    %dma_start3A_63 = arith.constant 0 : i32
    %dma_start3A_64 = tpu.memref_slice %arg2[%dma_start3A_62, %dma_start3A_63] : memref<10240x64xf32, #tpu.memory_space<hbm>> -> memref<10240x64xf32, #tpu.memory_space<hbm>>
    %dma_start3A_65 = tpu.memref_slice %arg10[%dma_start3A_54] : memref<4x!tpu.dma_semaphore, #tpu.memory_space<semaphore_mem>> -> memref<1x!tpu.dma_semaphore, #tpu.memory_space<semaphore_mem>>
    %dma_start3A_66 = tpu.memref_squeeze %dma_start3A_65 : memref<1x!tpu.dma_semaphore, #tpu.memory_space<semaphore_mem>> -> memref<!tpu.dma_semaphore, #tpu.memory_space<semaphore_mem>>
    tpu.enqueue_indirect_dma source(%dma_start3A_64 : memref<10240x64xf32, #tpu.memory_space<hbm>>) target(%dma_start3A_58 : memref<128x64xf32, #tpu.memory_space<vmem>>) offsets(%dma_start3A_61 : memref<128xi32, #tpu.memory_space<vmem>>) semaphore(%dma_start3A_66 : memref<!tpu.dma_semaphore, #tpu.memory_space<semaphore_mem>>)
    %dma_start3A_67 = arith.constant 3 : i32
    %dma_start3A_68 = arith.constant 3 : i32
    %dma_start3A_69 = arith.constant 3 : i32
    %dma_start3A_70 = arith.constant 0 : i32
    %dma_start3A_71 = arith.constant 0 : i32
    %dma_start3A_72 = tpu.memref_slice %arg7[%dma_start3A_68, %dma_start3A_70, %dma_start3A_71] : memref<4x128x64xf32, #tpu.memory_space<vmem>> -> memref<1x128x64xf32, #tpu.memory_space<vmem>>
    %dma_start3A_73 = tpu.memref_squeeze %dma_start3A_72 : memref<1x128x64xf32, #tpu.memory_space<vmem>> -> memref<128x64xf32, #tpu.memory_space<vmem>>
    %dma_start3A_74 = arith.constant 0 : i32
    %dma_start3A_75 = tpu.memref_slice %arg5[%dma_start3A_67, %dma_start3A_74] : memref<80x128xi32, #tpu.memory_space<vmem>> -> memref<1x128xi32, #tpu.memory_space<vmem>>
    %dma_start3A_76 = tpu.memref_squeeze %dma_start3A_75 : memref<1x128xi32, #tpu.memory_space<vmem>> -> memref<128xi32, #tpu.memory_space<vmem>>
    %dma_start3A_77 = arith.constant 0 : i32
    %dma_start3A_78 = arith.constant 0 : i32
    %dma_start3A_79 = tpu.memref_slice %arg2[%dma_start3A_77, %dma_start3A_78] : memref<10240x64xf32, #tpu.memory_space<hbm>> -> memref<10240x64xf32, #tpu.memory_space<hbm>>
    %dma_start3A_80 = tpu.memref_slice %arg10[%dma_start3A_69] : memref<4x!tpu.dma_semaphore, #tpu.memory_space<semaphore_mem>> -> memref<1x!tpu.dma_semaphore, #tpu.memory_space<semaphore_mem>>
    %dma_start3A_81 = tpu.memref_squeeze %dma_start3A_80 : memref<1x!tpu.dma_semaphore, #tpu.memory_space<semaphore_mem>> -> memref<!tpu.dma_semaphore, #tpu.memory_space<semaphore_mem>>
    tpu.enqueue_indirect_dma source(%dma_start3A_79 : memref<10240x64xf32, #tpu.memory_space<hbm>>) target(%dma_start3A_73 : memref<128x64xf32, #tpu.memory_space<vmem>>) offsets(%dma_start3A_76 : memref<128xi32, #tpu.memory_space<vmem>>) semaphore(%dma_start3A_81 : memref<!tpu.dma_semaphore, #tpu.memory_space<semaphore_mem>>)
    %scan3A_82 = arith.constant 0 : i32
    %scan3A_83 = arith.constant 0 : i32
    %scan3A_84 = arith.constant 19 : i32
    %scan3A_85 = arith.addi %scan3A_83, %scan3A_84 : i32
    %scan3A_86 = arith.constant 1 : i32
    %scan3A_87 = scf.for %scan3A_157 = %scan3A_83 to %scan3A_85 step %scan3A_86 iter_args(%scan3A_158 = %scan3A_82) -> (i32)  : i32 {
      %mul3A_159 = arith.constant 4 : i32
      %mul3A_160 = arith.muli %scan3A_157, %mul3A_159 : i32
      %add3A_161 = arith.constant 0 : i32
      %add3A_162 = arith.addi %mul3A_160, %add3A_161 : i32
      %dma_wait3A_163 = arith.constant 0 : i32
      %dma_wait3A_164 = arith.constant 0 : i32
      %dma_wait3A_165 = arith.constant 0 : i32
      %dma_wait3A_166 = arith.constant 0 : i32
      %dma_wait3A_167 = tpu.memref_slice %arg7[%dma_wait3A_163, %dma_wait3A_165, %dma_wait3A_166] : memref<4x128x64xf32, #tpu.memory_space<vmem>> -> memref<1x128x64xf32, #tpu.memory_space<vmem>>
      %dma_wait3A_168 = tpu.memref_squeeze %dma_wait3A_167 : memref<1x128x64xf32, #tpu.memory_space<vmem>> -> memref<128x64xf32, #tpu.memory_space<vmem>>
      %dma_wait3A_169 = arith.constant 0 : i32
      %dma_wait3A_170 = tpu.memref_slice %arg5[%add3A_162, %dma_wait3A_169] : memref<80x128xi32, #tpu.memory_space<vmem>> -> memref<1x128xi32, #tpu.memory_space<vmem>>
      %dma_wait3A_171 = tpu.memref_squeeze %dma_wait3A_170 : memref<1x128xi32, #tpu.memory_space<vmem>> -> memref<128xi32, #tpu.memory_space<vmem>>
      %dma_wait3A_172 = arith.constant 0 : i32
      %dma_wait3A_173 = arith.constant 0 : i32
      %dma_wait3A_174 = tpu.memref_slice %arg2[%dma_wait3A_172, %dma_wait3A_173] : memref<10240x64xf32, #tpu.memory_space<hbm>> -> memref<10240x64xf32, #tpu.memory_space<hbm>>
      %dma_wait3A_175 = tpu.memref_slice %arg10[%dma_wait3A_164] : memref<4x!tpu.dma_semaphore, #tpu.memory_space<semaphore_mem>> -> memref<1x!tpu.dma_semaphore, #tpu.memory_space<semaphore_mem>>
      %dma_wait3A_176 = tpu.memref_squeeze %dma_wait3A_175 : memref<1x!tpu.dma_semaphore, #tpu.memory_space<semaphore_mem>> -> memref<!tpu.dma_semaphore, #tpu.memory_space<semaphore_mem>>
      tpu.wait_indirect_dma semaphore(%dma_wait3A_176 : memref<!tpu.dma_semaphore, #tpu.memory_space<semaphore_mem>>) src(%dma_wait3A_174 : memref<10240x64xf32, #tpu.memory_space<hbm>>) dst(%dma_wait3A_168 : memref<128x64xf32, #tpu.memory_space<vmem>>)
      %run_scoped3A_177 = arith.constant 0 : i32
      "tpu.region"() ({
        %run_scoped3A_300 = tpu.sem_alloc : memref<!tpu.dma_semaphore, #tpu.memory_space<semaphore_mem>>
        %dma_start3A_301 = arith.constant 0 : i32
        %dma_start3A_302 = arith.constant 0 : i32
        %dma_start3A_303 = tpu.memref_slice %arg7[%run_scoped3A_177, %dma_start3A_301, %dma_start3A_302] : memref<4x128x64xf32, #tpu.memory_space<vmem>> -> memref<1x128x64xf32, #tpu.memory_space<vmem>>
        %dma_start3A_304 = tpu.memref_squeeze %dma_start3A_303 : memref<1x128x64xf32, #tpu.memory_space<vmem>> -> memref<128x64xf32, #tpu.memory_space<vmem>>
        %dma_start3A_305 = arith.constant 0 : i32
        %dma_start3A_306 = tpu.memref_slice %arg6[%add3A_162, %dma_start3A_305] : memref<80x128xi32, #tpu.memory_space<vmem>> -> memref<1x128xi32, #tpu.memory_space<vmem>>
        %dma_start3A_307 = tpu.memref_squeeze %dma_start3A_306 : memref<1x128xi32, #tpu.memory_space<vmem>> -> memref<128xi32, #tpu.memory_space<vmem>>
        %dma_start3A_308 = arith.constant 0 : i32
        %dma_start3A_309 = arith.constant 0 : i32
        %dma_start3A_310 = tpu.memref_slice %arg9[%dma_start3A_308, %dma_start3A_309] : memref<10240x64xf32, #tpu.memory_space<vmem_shared>> -> memref<10240x64xf32, #tpu.memory_space<vmem_shared>>
        tpu.enqueue_indirect_dma source(%dma_start3A_304 : memref<128x64xf32, #tpu.memory_space<vmem>>) target(%dma_start3A_310 : memref<10240x64xf32, #tpu.memory_space<vmem_shared>>) offsets(%dma_start3A_307 : memref<128xi32, #tpu.memory_space<vmem>>) semaphore(%run_scoped3A_300 : memref<!tpu.dma_semaphore, #tpu.memory_space<semaphore_mem>>) {add = true}
        %dma_wait3A_311 = arith.constant 0 : i32
        %dma_wait3A_312 = arith.constant 0 : i32
        %dma_wait3A_313 = tpu.memref_slice %arg7[%run_scoped3A_177, %dma_wait3A_311, %dma_wait3A_312] : memref<4x128x64xf32, #tpu.memory_space<vmem>> -> memref<1x128x64xf32, #tpu.memory_space<vmem>>
        %dma_wait3A_314 = tpu.memref_squeeze %dma_wait3A_313 : memref<1x128x64xf32, #tpu.memory_space<vmem>> -> memref<128x64xf32, #tpu.memory_space<vmem>>
        %dma_wait3A_315 = arith.constant 0 : i32
        %dma_wait3A_316 = tpu.memref_slice %arg6[%add3A_162, %dma_wait3A_315] : memref<80x128xi32, #tpu.memory_space<vmem>> -> memref<1x128xi32, #tpu.memory_space<vmem>>
        %dma_wait3A_317 = tpu.memref_squeeze %dma_wait3A_316 : memref<1x128xi32, #tpu.memory_space<vmem>> -> memref<128xi32, #tpu.memory_space<vmem>>
        %dma_wait3A_318 = arith.constant 0 : i32
        %dma_wait3A_319 = arith.constant 0 : i32
        %dma_wait3A_320 = tpu.memref_slice %arg9[%dma_wait3A_318, %dma_wait3A_319] : memref<10240x64xf32, #tpu.memory_space<vmem_shared>> -> memref<10240x64xf32, #tpu.memory_space<vmem_shared>>
        tpu.wait_indirect_dma semaphore(%run_scoped3A_300 : memref<!tpu.dma_semaphore, #tpu.memory_space<semaphore_mem>>) src(%dma_wait3A_314 : memref<128x64xf32, #tpu.memory_space<vmem>>) dst(%dma_wait3A_320 : memref<10240x64xf32, #tpu.memory_space<vmem_shared>>)
        tpu.yield
      }) : () -> ()
      %add3A_178 = arith.constant 4 : i32
      %add3A_179 = arith.addi %add3A_162, %add3A_178 : i32
      %dma_start3A_180 = arith.constant 0 : i32
      %dma_start3A_181 = arith.constant 0 : i32
      %dma_start3A_182 = arith.constant 0 : i32
      %dma_start3A_183 = arith.constant 0 : i32
      %dma_start3A_184 = tpu.memref_slice %arg7[%dma_start3A_180, %dma_start3A_182, %dma_start3A_183] : memref<4x128x64xf32, #tpu.memory_space<vmem>> -> memref<1x128x64xf32, #tpu.memory_space<vmem>>
      %dma_start3A_185 = tpu.memref_squeeze %dma_start3A_184 : memref<1x128x64xf32, #tpu.memory_space<vmem>> -> memref<128x64xf32, #tpu.memory_space<vmem>>
      %dma_start3A_186 = arith.constant 0 : i32
      %dma_start3A_187 = tpu.memref_slice %arg5[%add3A_179, %dma_start3A_186] : memref<80x128xi32, #tpu.memory_space<vmem>> -> memref<1x128xi32, #tpu.memory_space<vmem>>
      %dma_start3A_188 = tpu.memref_squeeze %dma_start3A_187 : memref<1x128xi32, #tpu.memory_space<vmem>> -> memref<128xi32, #tpu.memory_space<vmem>>
      %dma_start3A_189 = arith.constant 0 : i32
      %dma_start3A_190 = arith.constant 0 : i32
      %dma_start3A_191 = tpu.memref_slice %arg2[%dma_start3A_189, %dma_start3A_190] : memref<10240x64xf32, #tpu.memory_space<hbm>> -> memref<10240x64xf32, #tpu.memory_space<hbm>>
      %dma_start3A_192 = tpu.memref_slice %arg10[%dma_start3A_181] : memref<4x!tpu.dma_semaphore, #tpu.memory_space<semaphore_mem>> -> memref<1x!tpu.dma_semaphore, #tpu.memory_space<semaphore_mem>>
      %dma_start3A_193 = tpu.memref_squeeze %dma_start3A_192 : memref<1x!tpu.dma_semaphore, #tpu.memory_space<semaphore_mem>> -> memref<!tpu.dma_semaphore, #tpu.memory_space<semaphore_mem>>
      tpu.enqueue_indirect_dma source(%dma_start3A_191 : memref<10240x64xf32, #tpu.memory_space<hbm>>) target(%dma_start3A_185 : memref<128x64xf32, #tpu.memory_space<vmem>>) offsets(%dma_start3A_188 : memref<128xi32, #tpu.memory_space<vmem>>) semaphore(%dma_start3A_193 : memref<!tpu.dma_semaphore, #tpu.memory_space<semaphore_mem>>)
      %mul3A_194 = arith.constant 4 : i32
      %mul3A_195 = arith.muli %scan3A_157, %mul3A_194 : i32
      %add3A_196 = arith.constant 1 : i32
      %add3A_197 = arith.addi %mul3A_195, %add3A_196 : i32
      %dma_wait3A_198 = arith.constant 1 : i32
      %dma_wait3A_199 = arith.constant 1 : i32
      %dma_wait3A_200 = arith.constant 0 : i32
      %dma_wait3A_201 = arith.constant 0 : i32
      %dma_wait3A_202 = tpu.memref_slice %arg7[%dma_wait3A_198, %dma_wait3A_200, %dma_wait3A_201] : memref<4x128x64xf32, #tpu.memory_space<vmem>> -> memref<1x128x64xf32, #tpu.memory_space<vmem>>
      %dma_wait3A_203 = tpu.memref_squeeze %dma_wait3A_202 : memref<1x128x64xf32, #tpu.memory_space<vmem>> -> memref<128x64xf32, #tpu.memory_space<vmem>>
      %dma_wait3A_204 = arith.constant 0 : i32
      %dma_wait3A_205 = tpu.memref_slice %arg5[%add3A_197, %dma_wait3A_204] : memref<80x128xi32, #tpu.memory_space<vmem>> -> memref<1x128xi32, #tpu.memory_space<vmem>>
      %dma_wait3A_206 = tpu.memref_squeeze %dma_wait3A_205 : memref<1x128xi32, #tpu.memory_space<vmem>> -> memref<128xi32, #tpu.memory_space<vmem>>
      %dma_wait3A_207 = arith.constant 0 : i32
      %dma_wait3A_208 = arith.constant 0 : i32
      %dma_wait3A_209 = tpu.memref_slice %arg2[%dma_wait3A_207, %dma_wait3A_208] : memref<10240x64xf32, #tpu.memory_space<hbm>> -> memref<10240x64xf32, #tpu.memory_space<hbm>>
      %dma_wait3A_210 = tpu.memref_slice %arg10[%dma_wait3A_199] : memref<4x!tpu.dma_semaphore, #tpu.memory_space<semaphore_mem>> -> memref<1x!tpu.dma_semaphore, #tpu.memory_space<semaphore_mem>>
      %dma_wait3A_211 = tpu.memref_squeeze %dma_wait3A_210 : memref<1x!tpu.dma_semaphore, #tpu.memory_space<semaphore_mem>> -> memref<!tpu.dma_semaphore, #tpu.memory_space<semaphore_mem>>
      tpu.wait_indirect_dma semaphore(%dma_wait3A_211 : memref<!tpu.dma_semaphore, #tpu.memory_space<semaphore_mem>>) src(%dma_wait3A_209 : memref<10240x64xf32, #tpu.memory_space<hbm>>) dst(%dma_wait3A_203 : memref<128x64xf32, #tpu.memory_space<vmem>>)
      %run_scoped3A_212 = arith.constant 1 : i32
      "tpu.region"() ({
        %run_scoped3A_300 = tpu.sem_alloc : memref<!tpu.dma_semaphore, #tpu.memory_space<semaphore_mem>>
        %dma_start3A_301 = arith.constant 0 : i32
        %dma_start3A_302 = arith.constant 0 : i32
        %dma_start3A_303 = tpu.memref_slice %arg7[%run_scoped3A_212, %dma_start3A_301, %dma_start3A_302] : memref<4x128x64xf32, #tpu.memory_space<vmem>> -> memref<1x128x64xf32, #tpu.memory_space<vmem>>
        %dma_start3A_304 = tpu.memref_squeeze %dma_start3A_303 : memref<1x128x64xf32, #tpu.memory_space<vmem>> -> memref<128x64xf32, #tpu.memory_space<vmem>>
        %dma_start3A_305 = arith.constant 0 : i32
        %dma_start3A_306 = tpu.memref_slice %arg6[%add3A_197, %dma_start3A_305] : memref<80x128xi32, #tpu.memory_space<vmem>> -> memref<1x128xi32, #tpu.memory_space<vmem>>
        %dma_start3A_307 = tpu.memref_squeeze %dma_start3A_306 : memref<1x128xi32, #tpu.memory_space<vmem>> -> memref<128xi32, #tpu.memory_space<vmem>>
        %dma_start3A_308 = arith.constant 0 : i32
        %dma_start3A_309 = arith.constant 0 : i32
        %dma_start3A_310 = tpu.memref_slice %arg9[%dma_start3A_308, %dma_start3A_309] : memref<10240x64xf32, #tpu.memory_space<vmem_shared>> -> memref<10240x64xf32, #tpu.memory_space<vmem_shared>>
        tpu.enqueue_indirect_dma source(%dma_start3A_304 : memref<128x64xf32, #tpu.memory_space<vmem>>) target(%dma_start3A_310 : memref<10240x64xf32, #tpu.memory_space<vmem_shared>>) offsets(%dma_start3A_307 : memref<128xi32, #tpu.memory_space<vmem>>) semaphore(%run_scoped3A_300 : memref<!tpu.dma_semaphore, #tpu.memory_space<semaphore_mem>>) {add = true}
        %dma_wait3A_311 = arith.constant 0 : i32
        %dma_wait3A_312 = arith.constant 0 : i32
        %dma_wait3A_313 = tpu.memref_slice %arg7[%run_scoped3A_212, %dma_wait3A_311, %dma_wait3A_312] : memref<4x128x64xf32, #tpu.memory_space<vmem>> -> memref<1x128x64xf32, #tpu.memory_space<vmem>>
        %dma_wait3A_314 = tpu.memref_squeeze %dma_wait3A_313 : memref<1x128x64xf32, #tpu.memory_space<vmem>> -> memref<128x64xf32, #tpu.memory_space<vmem>>
        %dma_wait3A_315 = arith.constant 0 : i32
        %dma_wait3A_316 = tpu.memref_slice %arg6[%add3A_197, %dma_wait3A_315] : memref<80x128xi32, #tpu.memory_space<vmem>> -> memref<1x128xi32, #tpu.memory_space<vmem>>
        %dma_wait3A_317 = tpu.memref_squeeze %dma_wait3A_316 : memref<1x128xi32, #tpu.memory_space<vmem>> -> memref<128xi32, #tpu.memory_space<vmem>>
        %dma_wait3A_318 = arith.constant 0 : i32
        %dma_wait3A_319 = arith.constant 0 : i32
        %dma_wait3A_320 = tpu.memref_slice %arg9[%dma_wait3A_318, %dma_wait3A_319] : memref<10240x64xf32, #tpu.memory_space<vmem_shared>> -> memref<10240x64xf32, #tpu.memory_space<vmem_shared>>
        tpu.wait_indirect_dma semaphore(%run_scoped3A_300 : memref<!tpu.dma_semaphore, #tpu.memory_space<semaphore_mem>>) src(%dma_wait3A_314 : memref<128x64xf32, #tpu.memory_space<vmem>>) dst(%dma_wait3A_320 : memref<10240x64xf32, #tpu.memory_space<vmem_shared>>)
        tpu.yield
      }) : () -> ()
      %add3A_213 = arith.constant 4 : i32
      %add3A_214 = arith.addi %add3A_197, %add3A_213 : i32
      %dma_start3A_215 = arith.constant 1 : i32
      %dma_start3A_216 = arith.constant 1 : i32
      %dma_start3A_217 = arith.constant 0 : i32
      %dma_start3A_218 = arith.constant 0 : i32
      %dma_start3A_219 = tpu.memref_slice %arg7[%dma_start3A_215, %dma_start3A_217, %dma_start3A_218] : memref<4x128x64xf32, #tpu.memory_space<vmem>> -> memref<1x128x64xf32, #tpu.memory_space<vmem>>
      %dma_start3A_220 = tpu.memref_squeeze %dma_start3A_219 : memref<1x128x64xf32, #tpu.memory_space<vmem>> -> memref<128x64xf32, #tpu.memory_space<vmem>>
      %dma_start3A_221 = arith.constant 0 : i32
      %dma_start3A_222 = tpu.memref_slice %arg5[%add3A_214, %dma_start3A_221] : memref<80x128xi32, #tpu.memory_space<vmem>> -> memref<1x128xi32, #tpu.memory_space<vmem>>
      %dma_start3A_223 = tpu.memref_squeeze %dma_start3A_222 : memref<1x128xi32, #tpu.memory_space<vmem>> -> memref<128xi32, #tpu.memory_space<vmem>>
      %dma_start3A_224 = arith.constant 0 : i32
      %dma_start3A_225 = arith.constant 0 : i32
      %dma_start3A_226 = tpu.memref_slice %arg2[%dma_start3A_224, %dma_start3A_225] : memref<10240x64xf32, #tpu.memory_space<hbm>> -> memref<10240x64xf32, #tpu.memory_space<hbm>>
      %dma_start3A_227 = tpu.memref_slice %arg10[%dma_start3A_216] : memref<4x!tpu.dma_semaphore, #tpu.memory_space<semaphore_mem>> -> memref<1x!tpu.dma_semaphore, #tpu.memory_space<semaphore_mem>>
      %dma_start3A_228 = tpu.memref_squeeze %dma_start3A_227 : memref<1x!tpu.dma_semaphore, #tpu.memory_space<semaphore_mem>> -> memref<!tpu.dma_semaphore, #tpu.memory_space<semaphore_mem>>
      tpu.enqueue_indirect_dma source(%dma_start3A_226 : memref<10240x64xf32, #tpu.memory_space<hbm>>) target(%dma_start3A_220 : memref<128x64xf32, #tpu.memory_space<vmem>>) offsets(%dma_start3A_223 : memref<128xi32, #tpu.memory_space<vmem>>) semaphore(%dma_start3A_228 : memref<!tpu.dma_semaphore, #tpu.memory_space<semaphore_mem>>)
      %mul3A_229 = arith.constant 4 : i32
      %mul3A_230 = arith.muli %scan3A_157, %mul3A_229 : i32
      %add3A_231 = arith.constant 2 : i32
      %add3A_232 = arith.addi %mul3A_230, %add3A_231 : i32
      %dma_wait3A_233 = arith.constant 2 : i32
      %dma_wait3A_234 = arith.constant 2 : i32
      %dma_wait3A_235 = arith.constant 0 : i32
      %dma_wait3A_236 = arith.constant 0 : i32
      %dma_wait3A_237 = tpu.memref_slice %arg7[%dma_wait3A_233, %dma_wait3A_235, %dma_wait3A_236] : memref<4x128x64xf32, #tpu.memory_space<vmem>> -> memref<1x128x64xf32, #tpu.memory_space<vmem>>
      %dma_wait3A_238 = tpu.memref_squeeze %dma_wait3A_237 : memref<1x128x64xf32, #tpu.memory_space<vmem>> -> memref<128x64xf32, #tpu.memory_space<vmem>>
      %dma_wait3A_239 = arith.constant 0 : i32
      %dma_wait3A_240 = tpu.memref_slice %arg5[%add3A_232, %dma_wait3A_239] : memref<80x128xi32, #tpu.memory_space<vmem>> -> memref<1x128xi32, #tpu.memory_space<vmem>>
      %dma_wait3A_241 = tpu.memref_squeeze %dma_wait3A_240 : memref<1x128xi32, #tpu.memory_space<vmem>> -> memref<128xi32, #tpu.memory_space<vmem>>
      %dma_wait3A_242 = arith.constant 0 : i32
      %dma_wait3A_243 = arith.constant 0 : i32
      %dma_wait3A_244 = tpu.memref_slice %arg2[%dma_wait3A_242, %dma_wait3A_243] : memref<10240x64xf32, #tpu.memory_space<hbm>> -> memref<10240x64xf32, #tpu.memory_space<hbm>>
      %dma_wait3A_245 = tpu.memref_slice %arg10[%dma_wait3A_234] : memref<4x!tpu.dma_semaphore, #tpu.memory_space<semaphore_mem>> -> memref<1x!tpu.dma_semaphore, #tpu.memory_space<semaphore_mem>>
      %dma_wait3A_246 = tpu.memref_squeeze %dma_wait3A_245 : memref<1x!tpu.dma_semaphore, #tpu.memory_space<semaphore_mem>> -> memref<!tpu.dma_semaphore, #tpu.memory_space<semaphore_mem>>
      tpu.wait_indirect_dma semaphore(%dma_wait3A_246 : memref<!tpu.dma_semaphore, #tpu.memory_space<semaphore_mem>>) src(%dma_wait3A_244 : memref<10240x64xf32, #tpu.memory_space<hbm>>) dst(%dma_wait3A_238 : memref<128x64xf32, #tpu.memory_space<vmem>>)
      %run_scoped3A_247 = arith.constant 2 : i32
      "tpu.region"() ({
        %run_scoped3A_300 = tpu.sem_alloc : memref<!tpu.dma_semaphore, #tpu.memory_space<semaphore_mem>>
        %dma_start3A_301 = arith.constant 0 : i32
        %dma_start3A_302 = arith.constant 0 : i32
        %dma_start3A_303 = tpu.memref_slice %arg7[%run_scoped3A_247, %dma_start3A_301, %dma_start3A_302] : memref<4x128x64xf32, #tpu.memory_space<vmem>> -> memref<1x128x64xf32, #tpu.memory_space<vmem>>
        %dma_start3A_304 = tpu.memref_squeeze %dma_start3A_303 : memref<1x128x64xf32, #tpu.memory_space<vmem>> -> memref<128x64xf32, #tpu.memory_space<vmem>>
        %dma_start3A_305 = arith.constant 0 : i32
        %dma_start3A_306 = tpu.memref_slice %arg6[%add3A_232, %dma_start3A_305] : memref<80x128xi32, #tpu.memory_space<vmem>> -> memref<1x128xi32, #tpu.memory_space<vmem>>
        %dma_start3A_307 = tpu.memref_squeeze %dma_start3A_306 : memref<1x128xi32, #tpu.memory_space<vmem>> -> memref<128xi32, #tpu.memory_space<vmem>>
        %dma_start3A_308 = arith.constant 0 : i32
        %dma_start3A_309 = arith.constant 0 : i32
        %dma_start3A_310 = tpu.memref_slice %arg9[%dma_start3A_308, %dma_start3A_309] : memref<10240x64xf32, #tpu.memory_space<vmem_shared>> -> memref<10240x64xf32, #tpu.memory_space<vmem_shared>>
        tpu.enqueue_indirect_dma source(%dma_start3A_304 : memref<128x64xf32, #tpu.memory_space<vmem>>) target(%dma_start3A_310 : memref<10240x64xf32, #tpu.memory_space<vmem_shared>>) offsets(%dma_start3A_307 : memref<128xi32, #tpu.memory_space<vmem>>) semaphore(%run_scoped3A_300 : memref<!tpu.dma_semaphore, #tpu.memory_space<semaphore_mem>>) {add = true}
        %dma_wait3A_311 = arith.constant 0 : i32
        %dma_wait3A_312 = arith.constant 0 : i32
        %dma_wait3A_313 = tpu.memref_slice %arg7[%run_scoped3A_247, %dma_wait3A_311, %dma_wait3A_312] : memref<4x128x64xf32, #tpu.memory_space<vmem>> -> memref<1x128x64xf32, #tpu.memory_space<vmem>>
        %dma_wait3A_314 = tpu.memref_squeeze %dma_wait3A_313 : memref<1x128x64xf32, #tpu.memory_space<vmem>> -> memref<128x64xf32, #tpu.memory_space<vmem>>
        %dma_wait3A_315 = arith.constant 0 : i32
        %dma_wait3A_316 = tpu.memref_slice %arg6[%add3A_232, %dma_wait3A_315] : memref<80x128xi32, #tpu.memory_space<vmem>> -> memref<1x128xi32, #tpu.memory_space<vmem>>
        %dma_wait3A_317 = tpu.memref_squeeze %dma_wait3A_316 : memref<1x128xi32, #tpu.memory_space<vmem>> -> memref<128xi32, #tpu.memory_space<vmem>>
        %dma_wait3A_318 = arith.constant 0 : i32
        %dma_wait3A_319 = arith.constant 0 : i32
        %dma_wait3A_320 = tpu.memref_slice %arg9[%dma_wait3A_318, %dma_wait3A_319] : memref<10240x64xf32, #tpu.memory_space<vmem_shared>> -> memref<10240x64xf32, #tpu.memory_space<vmem_shared>>
        tpu.wait_indirect_dma semaphore(%run_scoped3A_300 : memref<!tpu.dma_semaphore, #tpu.memory_space<semaphore_mem>>) src(%dma_wait3A_314 : memref<128x64xf32, #tpu.memory_space<vmem>>) dst(%dma_wait3A_320 : memref<10240x64xf32, #tpu.memory_space<vmem_shared>>)
        tpu.yield
      }) : () -> ()
      %add3A_248 = arith.constant 4 : i32
      %add3A_249 = arith.addi %add3A_232, %add3A_248 : i32
      %dma_start3A_250 = arith.constant 2 : i32
      %dma_start3A_251 = arith.constant 2 : i32
      %dma_start3A_252 = arith.constant 0 : i32
      %dma_start3A_253 = arith.constant 0 : i32
      %dma_start3A_254 = tpu.memref_slice %arg7[%dma_start3A_250, %dma_start3A_252, %dma_start3A_253] : memref<4x128x64xf32, #tpu.memory_space<vmem>> -> memref<1x128x64xf32, #tpu.memory_space<vmem>>
      %dma_start3A_255 = tpu.memref_squeeze %dma_start3A_254 : memref<1x128x64xf32, #tpu.memory_space<vmem>> -> memref<128x64xf32, #tpu.memory_space<vmem>>
      %dma_start3A_256 = arith.constant 0 : i32
      %dma_start3A_257 = tpu.memref_slice %arg5[%add3A_249, %dma_start3A_256] : memref<80x128xi32, #tpu.memory_space<vmem>> -> memref<1x128xi32, #tpu.memory_space<vmem>>
      %dma_start3A_258 = tpu.memref_squeeze %dma_start3A_257 : memref<1x128xi32, #tpu.memory_space<vmem>> -> memref<128xi32, #tpu.memory_space<vmem>>
      %dma_start3A_259 = arith.constant 0 : i32
      %dma_start3A_260 = arith.constant 0 : i32
      %dma_start3A_261 = tpu.memref_slice %arg2[%dma_start3A_259, %dma_start3A_260] : memref<10240x64xf32, #tpu.memory_space<hbm>> -> memref<10240x64xf32, #tpu.memory_space<hbm>>
      %dma_start3A_262 = tpu.memref_slice %arg10[%dma_start3A_251] : memref<4x!tpu.dma_semaphore, #tpu.memory_space<semaphore_mem>> -> memref<1x!tpu.dma_semaphore, #tpu.memory_space<semaphore_mem>>
      %dma_start3A_263 = tpu.memref_squeeze %dma_start3A_262 : memref<1x!tpu.dma_semaphore, #tpu.memory_space<semaphore_mem>> -> memref<!tpu.dma_semaphore, #tpu.memory_space<semaphore_mem>>
      tpu.enqueue_indirect_dma source(%dma_start3A_261 : memref<10240x64xf32, #tpu.memory_space<hbm>>) target(%dma_start3A_255 : memref<128x64xf32, #tpu.memory_space<vmem>>) offsets(%dma_start3A_258 : memref<128xi32, #tpu.memory_space<vmem>>) semaphore(%dma_start3A_263 : memref<!tpu.dma_semaphore, #tpu.memory_space<semaphore_mem>>)
      %mul3A_264 = arith.constant 4 : i32
      %mul3A_265 = arith.muli %scan3A_157, %mul3A_264 : i32
      %add3A_266 = arith.constant 3 : i32
      %add3A_267 = arith.addi %mul3A_265, %add3A_266 : i32
      %dma_wait3A_268 = arith.constant 3 : i32
      %dma_wait3A_269 = arith.constant 3 : i32
      %dma_wait3A_270 = arith.constant 0 : i32
      %dma_wait3A_271 = arith.constant 0 : i32
      %dma_wait3A_272 = tpu.memref_slice %arg7[%dma_wait3A_268, %dma_wait3A_270, %dma_wait3A_271] : memref<4x128x64xf32, #tpu.memory_space<vmem>> -> memref<1x128x64xf32, #tpu.memory_space<vmem>>
      %dma_wait3A_273 = tpu.memref_squeeze %dma_wait3A_272 : memref<1x128x64xf32, #tpu.memory_space<vmem>> -> memref<128x64xf32, #tpu.memory_space<vmem>>
      %dma_wait3A_274 = arith.constant 0 : i32
      %dma_wait3A_275 = tpu.memref_slice %arg5[%add3A_267, %dma_wait3A_274] : memref<80x128xi32, #tpu.memory_space<vmem>> -> memref<1x128xi32, #tpu.memory_space<vmem>>
      %dma_wait3A_276 = tpu.memref_squeeze %dma_wait3A_275 : memref<1x128xi32, #tpu.memory_space<vmem>> -> memref<128xi32, #tpu.memory_space<vmem>>
      %dma_wait3A_277 = arith.constant 0 : i32
      %dma_wait3A_278 = arith.constant 0 : i32
      %dma_wait3A_279 = tpu.memref_slice %arg2[%dma_wait3A_277, %dma_wait3A_278] : memref<10240x64xf32, #tpu.memory_space<hbm>> -> memref<10240x64xf32, #tpu.memory_space<hbm>>
      %dma_wait3A_280 = tpu.memref_slice %arg10[%dma_wait3A_269] : memref<4x!tpu.dma_semaphore, #tpu.memory_space<semaphore_mem>> -> memref<1x!tpu.dma_semaphore, #tpu.memory_space<semaphore_mem>>
      %dma_wait3A_281 = tpu.memref_squeeze %dma_wait3A_280 : memref<1x!tpu.dma_semaphore, #tpu.memory_space<semaphore_mem>> -> memref<!tpu.dma_semaphore, #tpu.memory_space<semaphore_mem>>
      tpu.wait_indirect_dma semaphore(%dma_wait3A_281 : memref<!tpu.dma_semaphore, #tpu.memory_space<semaphore_mem>>) src(%dma_wait3A_279 : memref<10240x64xf32, #tpu.memory_space<hbm>>) dst(%dma_wait3A_273 : memref<128x64xf32, #tpu.memory_space<vmem>>)
      %run_scoped3A_282 = arith.constant 3 : i32
      "tpu.region"() ({
        %run_scoped3A_300 = tpu.sem_alloc : memref<!tpu.dma_semaphore, #tpu.memory_space<semaphore_mem>>
        %dma_start3A_301 = arith.constant 0 : i32
        %dma_start3A_302 = arith.constant 0 : i32
        %dma_start3A_303 = tpu.memref_slice %arg7[%run_scoped3A_282, %dma_start3A_301, %dma_start3A_302] : memref<4x128x64xf32, #tpu.memory_space<vmem>> -> memref<1x128x64xf32, #tpu.memory_space<vmem>>
        %dma_start3A_304 = tpu.memref_squeeze %dma_start3A_303 : memref<1x128x64xf32, #tpu.memory_space<vmem>> -> memref<128x64xf32, #tpu.memory_space<vmem>>
        %dma_start3A_305 = arith.constant 0 : i32
        %dma_start3A_306 = tpu.memref_slice %arg6[%add3A_267, %dma_start3A_305] : memref<80x128xi32, #tpu.memory_space<vmem>> -> memref<1x128xi32, #tpu.memory_space<vmem>>
        %dma_start3A_307 = tpu.memref_squeeze %dma_start3A_306 : memref<1x128xi32, #tpu.memory_space<vmem>> -> memref<128xi32, #tpu.memory_space<vmem>>
        %dma_start3A_308 = arith.constant 0 : i32
        %dma_start3A_309 = arith.constant 0 : i32
        %dma_start3A_310 = tpu.memref_slice %arg9[%dma_start3A_308, %dma_start3A_309] : memref<10240x64xf32, #tpu.memory_space<vmem_shared>> -> memref<10240x64xf32, #tpu.memory_space<vmem_shared>>
        tpu.enqueue_indirect_dma source(%dma_start3A_304 : memref<128x64xf32, #tpu.memory_space<vmem>>) target(%dma_start3A_310 : memref<10240x64xf32, #tpu.memory_space<vmem_shared>>) offsets(%dma_start3A_307 : memref<128xi32, #tpu.memory_space<vmem>>) semaphore(%run_scoped3A_300 : memref<!tpu.dma_semaphore, #tpu.memory_space<semaphore_mem>>) {add = true}
        %dma_wait3A_311 = arith.constant 0 : i32
        %dma_wait3A_312 = arith.constant 0 : i32
        %dma_wait3A_313 = tpu.memref_slice %arg7[%run_scoped3A_282, %dma_wait3A_311, %dma_wait3A_312] : memref<4x128x64xf32, #tpu.memory_space<vmem>> -> memref<1x128x64xf32, #tpu.memory_space<vmem>>
        %dma_wait3A_314 = tpu.memref_squeeze %dma_wait3A_313 : memref<1x128x64xf32, #tpu.memory_space<vmem>> -> memref<128x64xf32, #tpu.memory_space<vmem>>
        %dma_wait3A_315 = arith.constant 0 : i32
        %dma_wait3A_316 = tpu.memref_slice %arg6[%add3A_267, %dma_wait3A_315] : memref<80x128xi32, #tpu.memory_space<vmem>> -> memref<1x128xi32, #tpu.memory_space<vmem>>
        %dma_wait3A_317 = tpu.memref_squeeze %dma_wait3A_316 : memref<1x128xi32, #tpu.memory_space<vmem>> -> memref<128xi32, #tpu.memory_space<vmem>>
        %dma_wait3A_318 = arith.constant 0 : i32
        %dma_wait3A_319 = arith.constant 0 : i32
        %dma_wait3A_320 = tpu.memref_slice %arg9[%dma_wait3A_318, %dma_wait3A_319] : memref<10240x64xf32, #tpu.memory_space<vmem_shared>> -> memref<10240x64xf32, #tpu.memory_space<vmem_shared>>
        tpu.wait_indirect_dma semaphore(%run_scoped3A_300 : memref<!tpu.dma_semaphore, #tpu.memory_space<semaphore_mem>>) src(%dma_wait3A_314 : memref<128x64xf32, #tpu.memory_space<vmem>>) dst(%dma_wait3A_320 : memref<10240x64xf32, #tpu.memory_space<vmem_shared>>)
        tpu.yield
      }) : () -> ()
      %add3A_283 = arith.constant 4 : i32
      %add3A_284 = arith.addi %add3A_267, %add3A_283 : i32
      %dma_start3A_285 = arith.constant 3 : i32
      %dma_start3A_286 = arith.constant 3 : i32
      %dma_start3A_287 = arith.constant 0 : i32
      %dma_start3A_288 = arith.constant 0 : i32
      %dma_start3A_289 = tpu.memref_slice %arg7[%dma_start3A_285, %dma_start3A_287, %dma_start3A_288] : memref<4x128x64xf32, #tpu.memory_space<vmem>> -> memref<1x128x64xf32, #tpu.memory_space<vmem>>
      %dma_start3A_290 = tpu.memref_squeeze %dma_start3A_289 : memref<1x128x64xf32, #tpu.memory_space<vmem>> -> memref<128x64xf32, #tpu.memory_space<vmem>>
      %dma_start3A_291 = arith.constant 0 : i32
      %dma_start3A_292 = tpu.memref_slice %arg5[%add3A_284, %dma_start3A_291] : memref<80x128xi32, #tpu.memory_space<vmem>> -> memref<1x128xi32, #tpu.memory_space<vmem>>
      %dma_start3A_293 = tpu.memref_squeeze %dma_start3A_292 : memref<1x128xi32, #tpu.memory_space<vmem>> -> memref<128xi32, #tpu.memory_space<vmem>>
      %dma_start3A_294 = arith.constant 0 : i32
      %dma_start3A_295 = arith.constant 0 : i32
      %dma_start3A_296 = tpu.memref_slice %arg2[%dma_start3A_294, %dma_start3A_295] : memref<10240x64xf32, #tpu.memory_space<hbm>> -> memref<10240x64xf32, #tpu.memory_space<hbm>>
      %dma_start3A_297 = tpu.memref_slice %arg10[%dma_start3A_286] : memref<4x!tpu.dma_semaphore, #tpu.memory_space<semaphore_mem>> -> memref<1x!tpu.dma_semaphore, #tpu.memory_space<semaphore_mem>>
      %dma_start3A_298 = tpu.memref_squeeze %dma_start3A_297 : memref<1x!tpu.dma_semaphore, #tpu.memory_space<semaphore_mem>> -> memref<!tpu.dma_semaphore, #tpu.memory_space<semaphore_mem>>
      tpu.enqueue_indirect_dma source(%dma_start3A_296 : memref<10240x64xf32, #tpu.memory_space<hbm>>) target(%dma_start3A_290 : memref<128x64xf32, #tpu.memory_space<vmem>>) offsets(%dma_start3A_293 : memref<128xi32, #tpu.memory_space<vmem>>) semaphore(%dma_start3A_298 : memref<!tpu.dma_semaphore, #tpu.memory_space<semaphore_mem>>)
      %scan3A_299 = arith.constant 0 : i32
      scf.yield %scan3A_299 : i32
    }
    %scan3A_88 = arith.constant 19 : i32
    %dma_wait3A = arith.constant 76 : i32
    %dma_wait3A_89 = arith.constant 0 : i32
    %dma_wait3A_90 = arith.constant 0 : i32
    %dma_wait3A_91 = arith.constant 0 : i32
    %dma_wait3A_92 = arith.constant 0 : i32
    %dma_wait3A_93 = tpu.memref_slice %arg7[%dma_wait3A_89, %dma_wait3A_91, %dma_wait3A_92] : memref<4x128x64xf32, #tpu.memory_space<vmem>> -> memref<1x128x64xf32, #tpu.memory_space<vmem>>
    %dma_wait3A_94 = tpu.memref_squeeze %dma_wait3A_93 : memref<1x128x64xf32, #tpu.memory_space<vmem>> -> memref<128x64xf32, #tpu.memory_space<vmem>>
    %dma_wait3A_95 = arith.constant 0 : i32
    %dma_wait3A_96 = tpu.memref_slice %arg5[%dma_wait3A, %dma_wait3A_95] : memref<80x128xi32, #tpu.memory_space<vmem>> -> memref<1x128xi32, #tpu.memory_space<vmem>>
    %dma_wait3A_97 = tpu.memref_squeeze %dma_wait3A_96 : memref<1x128xi32, #tpu.memory_space<vmem>> -> memref<128xi32, #tpu.memory_space<vmem>>
    %dma_wait3A_98 = arith.constant 0 : i32
    %dma_wait3A_99 = arith.constant 0 : i32
    %dma_wait3A_100 = tpu.memref_slice %arg2[%dma_wait3A_98, %dma_wait3A_99] : memref<10240x64xf32, #tpu.memory_space<hbm>> -> memref<10240x64xf32, #tpu.memory_space<hbm>>
    %dma_wait3A_101 = tpu.memref_slice %arg10[%dma_wait3A_90] : memref<4x!tpu.dma_semaphore, #tpu.memory_space<semaphore_mem>> -> memref<1x!tpu.dma_semaphore, #tpu.memory_space<semaphore_mem>>
    %dma_wait3A_102 = tpu.memref_squeeze %dma_wait3A_101 : memref<1x!tpu.dma_semaphore, #tpu.memory_space<semaphore_mem>> -> memref<!tpu.dma_semaphore, #tpu.memory_space<semaphore_mem>>
    tpu.wait_indirect_dma semaphore(%dma_wait3A_102 : memref<!tpu.dma_semaphore, #tpu.memory_space<semaphore_mem>>) src(%dma_wait3A_100 : memref<10240x64xf32, #tpu.memory_space<hbm>>) dst(%dma_wait3A_94 : memref<128x64xf32, #tpu.memory_space<vmem>>)
    %run_scoped3A_103 = arith.constant 0 : i32
    %run_scoped3A_104 = arith.constant 76 : i32
    "tpu.region"() ({
      %run_scoped3A_157 = tpu.sem_alloc : memref<!tpu.dma_semaphore, #tpu.memory_space<semaphore_mem>>
      %dma_start3A_158 = arith.constant 0 : i32
      %dma_start3A_159 = arith.constant 0 : i32
      %dma_start3A_160 = tpu.memref_slice %arg7[%run_scoped3A_103, %dma_start3A_158, %dma_start3A_159] : memref<4x128x64xf32, #tpu.memory_space<vmem>> -> memref<1x128x64xf32, #tpu.memory_space<vmem>>
      %dma_start3A_161 = tpu.memref_squeeze %dma_start3A_160 : memref<1x128x64xf32, #tpu.memory_space<vmem>> -> memref<128x64xf32, #tpu.memory_space<vmem>>
      %dma_start3A_162 = arith.constant 0 : i32
      %dma_start3A_163 = tpu.memref_slice %arg6[%run_scoped3A_104, %dma_start3A_162] : memref<80x128xi32, #tpu.memory_space<vmem>> -> memref<1x128xi32, #tpu.memory_space<vmem>>
      %dma_start3A_164 = tpu.memref_squeeze %dma_start3A_163 : memref<1x128xi32, #tpu.memory_space<vmem>> -> memref<128xi32, #tpu.memory_space<vmem>>
      %dma_start3A_165 = arith.constant 0 : i32
      %dma_start3A_166 = arith.constant 0 : i32
      %dma_start3A_167 = tpu.memref_slice %arg9[%dma_start3A_165, %dma_start3A_166] : memref<10240x64xf32, #tpu.memory_space<vmem_shared>> -> memref<10240x64xf32, #tpu.memory_space<vmem_shared>>
      tpu.enqueue_indirect_dma source(%dma_start3A_161 : memref<128x64xf32, #tpu.memory_space<vmem>>) target(%dma_start3A_167 : memref<10240x64xf32, #tpu.memory_space<vmem_shared>>) offsets(%dma_start3A_164 : memref<128xi32, #tpu.memory_space<vmem>>) semaphore(%run_scoped3A_157 : memref<!tpu.dma_semaphore, #tpu.memory_space<semaphore_mem>>) {add = true}
      %dma_wait3A_168 = arith.constant 0 : i32
      %dma_wait3A_169 = arith.constant 0 : i32
      %dma_wait3A_170 = tpu.memref_slice %arg7[%run_scoped3A_103, %dma_wait3A_168, %dma_wait3A_169] : memref<4x128x64xf32, #tpu.memory_space<vmem>> -> memref<1x128x64xf32, #tpu.memory_space<vmem>>
      %dma_wait3A_171 = tpu.memref_squeeze %dma_wait3A_170 : memref<1x128x64xf32, #tpu.memory_space<vmem>> -> memref<128x64xf32, #tpu.memory_space<vmem>>
      %dma_wait3A_172 = arith.constant 0 : i32
      %dma_wait3A_173 = tpu.memref_slice %arg6[%run_scoped3A_104, %dma_wait3A_172] : memref<80x128xi32, #tpu.memory_space<vmem>> -> memref<1x128xi32, #tpu.memory_space<vmem>>
      %dma_wait3A_174 = tpu.memref_squeeze %dma_wait3A_173 : memref<1x128xi32, #tpu.memory_space<vmem>> -> memref<128xi32, #tpu.memory_space<vmem>>
      %dma_wait3A_175 = arith.constant 0 : i32
      %dma_wait3A_176 = arith.constant 0 : i32
      %dma_wait3A_177 = tpu.memref_slice %arg9[%dma_wait3A_175, %dma_wait3A_176] : memref<10240x64xf32, #tpu.memory_space<vmem_shared>> -> memref<10240x64xf32, #tpu.memory_space<vmem_shared>>
      tpu.wait_indirect_dma semaphore(%run_scoped3A_157 : memref<!tpu.dma_semaphore, #tpu.memory_space<semaphore_mem>>) src(%dma_wait3A_171 : memref<128x64xf32, #tpu.memory_space<vmem>>) dst(%dma_wait3A_177 : memref<10240x64xf32, #tpu.memory_space<vmem_shared>>)
      tpu.yield
    }) : () -> ()
    %dma_wait3A_105 = arith.constant 77 : i32
    %dma_wait3A_106 = arith.constant 1 : i32
    %dma_wait3A_107 = arith.constant 1 : i32
    %dma_wait3A_108 = arith.constant 0 : i32
    %dma_wait3A_109 = arith.constant 0 : i32
    %dma_wait3A_110 = tpu.memref_slice %arg7[%dma_wait3A_106, %dma_wait3A_108, %dma_wait3A_109] : memref<4x128x64xf32, #tpu.memory_space<vmem>> -> memref<1x128x64xf32, #tpu.memory_space<vmem>>
    %dma_wait3A_111 = tpu.memref_squeeze %dma_wait3A_110 : memref<1x128x64xf32, #tpu.memory_space<vmem>> -> memref<128x64xf32, #tpu.memory_space<vmem>>
    %dma_wait3A_112 = arith.constant 0 : i32
    %dma_wait3A_113 = tpu.memref_slice %arg5[%dma_wait3A_105, %dma_wait3A_112] : memref<80x128xi32, #tpu.memory_space<vmem>> -> memref<1x128xi32, #tpu.memory_space<vmem>>
    %dma_wait3A_114 = tpu.memref_squeeze %dma_wait3A_113 : memref<1x128xi32, #tpu.memory_space<vmem>> -> memref<128xi32, #tpu.memory_space<vmem>>
    %dma_wait3A_115 = arith.constant 0 : i32
    %dma_wait3A_116 = arith.constant 0 : i32
    %dma_wait3A_117 = tpu.memref_slice %arg2[%dma_wait3A_115, %dma_wait3A_116] : memref<10240x64xf32, #tpu.memory_space<hbm>> -> memref<10240x64xf32, #tpu.memory_space<hbm>>
    %dma_wait3A_118 = tpu.memref_slice %arg10[%dma_wait3A_107] : memref<4x!tpu.dma_semaphore, #tpu.memory_space<semaphore_mem>> -> memref<1x!tpu.dma_semaphore, #tpu.memory_space<semaphore_mem>>
    %dma_wait3A_119 = tpu.memref_squeeze %dma_wait3A_118 : memref<1x!tpu.dma_semaphore, #tpu.memory_space<semaphore_mem>> -> memref<!tpu.dma_semaphore, #tpu.memory_space<semaphore_mem>>
    tpu.wait_indirect_dma semaphore(%dma_wait3A_119 : memref<!tpu.dma_semaphore, #tpu.memory_space<semaphore_mem>>) src(%dma_wait3A_117 : memref<10240x64xf32, #tpu.memory_space<hbm>>) dst(%dma_wait3A_111 : memref<128x64xf32, #tpu.memory_space<vmem>>)
    %run_scoped3A_120 = arith.constant 1 : i32
    %run_scoped3A_121 = arith.constant 77 : i32
    "tpu.region"() ({
      %run_scoped3A_157 = tpu.sem_alloc : memref<!tpu.dma_semaphore, #tpu.memory_space<semaphore_mem>>
      %dma_start3A_158 = arith.constant 0 : i32
      %dma_start3A_159 = arith.constant 0 : i32
      %dma_start3A_160 = tpu.memref_slice %arg7[%run_scoped3A_120, %dma_start3A_158, %dma_start3A_159] : memref<4x128x64xf32, #tpu.memory_space<vmem>> -> memref<1x128x64xf32, #tpu.memory_space<vmem>>
      %dma_start3A_161 = tpu.memref_squeeze %dma_start3A_160 : memref<1x128x64xf32, #tpu.memory_space<vmem>> -> memref<128x64xf32, #tpu.memory_space<vmem>>
      %dma_start3A_162 = arith.constant 0 : i32
      %dma_start3A_163 = tpu.memref_slice %arg6[%run_scoped3A_121, %dma_start3A_162] : memref<80x128xi32, #tpu.memory_space<vmem>> -> memref<1x128xi32, #tpu.memory_space<vmem>>
      %dma_start3A_164 = tpu.memref_squeeze %dma_start3A_163 : memref<1x128xi32, #tpu.memory_space<vmem>> -> memref<128xi32, #tpu.memory_space<vmem>>
      %dma_start3A_165 = arith.constant 0 : i32
      %dma_start3A_166 = arith.constant 0 : i32
      %dma_start3A_167 = tpu.memref_slice %arg9[%dma_start3A_165, %dma_start3A_166] : memref<10240x64xf32, #tpu.memory_space<vmem_shared>> -> memref<10240x64xf32, #tpu.memory_space<vmem_shared>>
      tpu.enqueue_indirect_dma source(%dma_start3A_161 : memref<128x64xf32, #tpu.memory_space<vmem>>) target(%dma_start3A_167 : memref<10240x64xf32, #tpu.memory_space<vmem_shared>>) offsets(%dma_start3A_164 : memref<128xi32, #tpu.memory_space<vmem>>) semaphore(%run_scoped3A_157 : memref<!tpu.dma_semaphore, #tpu.memory_space<semaphore_mem>>) {add = true}
      %dma_wait3A_168 = arith.constant 0 : i32
      %dma_wait3A_169 = arith.constant 0 : i32
      %dma_wait3A_170 = tpu.memref_slice %arg7[%run_scoped3A_120, %dma_wait3A_168, %dma_wait3A_169] : memref<4x128x64xf32, #tpu.memory_space<vmem>> -> memref<1x128x64xf32, #tpu.memory_space<vmem>>
      %dma_wait3A_171 = tpu.memref_squeeze %dma_wait3A_170 : memref<1x128x64xf32, #tpu.memory_space<vmem>> -> memref<128x64xf32, #tpu.memory_space<vmem>>
      %dma_wait3A_172 = arith.constant 0 : i32
      %dma_wait3A_173 = tpu.memref_slice %arg6[%run_scoped3A_121, %dma_wait3A_172] : memref<80x128xi32, #tpu.memory_space<vmem>> -> memref<1x128xi32, #tpu.memory_space<vmem>>
      %dma_wait3A_174 = tpu.memref_squeeze %dma_wait3A_173 : memref<1x128xi32, #tpu.memory_space<vmem>> -> memref<128xi32, #tpu.memory_space<vmem>>
      %dma_wait3A_175 = arith.constant 0 : i32
      %dma_wait3A_176 = arith.constant 0 : i32
      %dma_wait3A_177 = tpu.memref_slice %arg9[%dma_wait3A_175, %dma_wait3A_176] : memref<10240x64xf32, #tpu.memory_space<vmem_shared>> -> memref<10240x64xf32, #tpu.memory_space<vmem_shared>>
      tpu.wait_indirect_dma semaphore(%run_scoped3A_157 : memref<!tpu.dma_semaphore, #tpu.memory_space<semaphore_mem>>) src(%dma_wait3A_171 : memref<128x64xf32, #tpu.memory_space<vmem>>) dst(%dma_wait3A_177 : memref<10240x64xf32, #tpu.memory_space<vmem_shared>>)
      tpu.yield
    }) : () -> ()
    %dma_wait3A_122 = arith.constant 78 : i32
    %dma_wait3A_123 = arith.constant 2 : i32
    %dma_wait3A_124 = arith.constant 2 : i32
    %dma_wait3A_125 = arith.constant 0 : i32
    %dma_wait3A_126 = arith.constant 0 : i32
    %dma_wait3A_127 = tpu.memref_slice %arg7[%dma_wait3A_123, %dma_wait3A_125, %dma_wait3A_126] : memref<4x128x64xf32, #tpu.memory_space<vmem>> -> memref<1x128x64xf32, #tpu.memory_space<vmem>>
    %dma_wait3A_128 = tpu.memref_squeeze %dma_wait3A_127 : memref<1x128x64xf32, #tpu.memory_space<vmem>> -> memref<128x64xf32, #tpu.memory_space<vmem>>
    %dma_wait3A_129 = arith.constant 0 : i32
    %dma_wait3A_130 = tpu.memref_slice %arg5[%dma_wait3A_122, %dma_wait3A_129] : memref<80x128xi32, #tpu.memory_space<vmem>> -> memref<1x128xi32, #tpu.memory_space<vmem>>
    %dma_wait3A_131 = tpu.memref_squeeze %dma_wait3A_130 : memref<1x128xi32, #tpu.memory_space<vmem>> -> memref<128xi32, #tpu.memory_space<vmem>>
    %dma_wait3A_132 = arith.constant 0 : i32
    %dma_wait3A_133 = arith.constant 0 : i32
    %dma_wait3A_134 = tpu.memref_slice %arg2[%dma_wait3A_132, %dma_wait3A_133] : memref<10240x64xf32, #tpu.memory_space<hbm>> -> memref<10240x64xf32, #tpu.memory_space<hbm>>
    %dma_wait3A_135 = tpu.memref_slice %arg10[%dma_wait3A_124] : memref<4x!tpu.dma_semaphore, #tpu.memory_space<semaphore_mem>> -> memref<1x!tpu.dma_semaphore, #tpu.memory_space<semaphore_mem>>
    %dma_wait3A_136 = tpu.memref_squeeze %dma_wait3A_135 : memref<1x!tpu.dma_semaphore, #tpu.memory_space<semaphore_mem>> -> memref<!tpu.dma_semaphore, #tpu.memory_space<semaphore_mem>>
    tpu.wait_indirect_dma semaphore(%dma_wait3A_136 : memref<!tpu.dma_semaphore, #tpu.memory_space<semaphore_mem>>) src(%dma_wait3A_134 : memref<10240x64xf32, #tpu.memory_space<hbm>>) dst(%dma_wait3A_128 : memref<128x64xf32, #tpu.memory_space<vmem>>)
    %run_scoped3A_137 = arith.constant 2 : i32
    %run_scoped3A_138 = arith.constant 78 : i32
    "tpu.region"() ({
      %run_scoped3A_157 = tpu.sem_alloc : memref<!tpu.dma_semaphore, #tpu.memory_space<semaphore_mem>>
      %dma_start3A_158 = arith.constant 0 : i32
      %dma_start3A_159 = arith.constant 0 : i32
      %dma_start3A_160 = tpu.memref_slice %arg7[%run_scoped3A_137, %dma_start3A_158, %dma_start3A_159] : memref<4x128x64xf32, #tpu.memory_space<vmem>> -> memref<1x128x64xf32, #tpu.memory_space<vmem>>
      %dma_start3A_161 = tpu.memref_squeeze %dma_start3A_160 : memref<1x128x64xf32, #tpu.memory_space<vmem>> -> memref<128x64xf32, #tpu.memory_space<vmem>>
      %dma_start3A_162 = arith.constant 0 : i32
      %dma_start3A_163 = tpu.memref_slice %arg6[%run_scoped3A_138, %dma_start3A_162] : memref<80x128xi32, #tpu.memory_space<vmem>> -> memref<1x128xi32, #tpu.memory_space<vmem>>
      %dma_start3A_164 = tpu.memref_squeeze %dma_start3A_163 : memref<1x128xi32, #tpu.memory_space<vmem>> -> memref<128xi32, #tpu.memory_space<vmem>>
      %dma_start3A_165 = arith.constant 0 : i32
      %dma_start3A_166 = arith.constant 0 : i32
      %dma_start3A_167 = tpu.memref_slice %arg9[%dma_start3A_165, %dma_start3A_166] : memref<10240x64xf32, #tpu.memory_space<vmem_shared>> -> memref<10240x64xf32, #tpu.memory_space<vmem_shared>>
      tpu.enqueue_indirect_dma source(%dma_start3A_161 : memref<128x64xf32, #tpu.memory_space<vmem>>) target(%dma_start3A_167 : memref<10240x64xf32, #tpu.memory_space<vmem_shared>>) offsets(%dma_start3A_164 : memref<128xi32, #tpu.memory_space<vmem>>) semaphore(%run_scoped3A_157 : memref<!tpu.dma_semaphore, #tpu.memory_space<semaphore_mem>>) {add = true}
      %dma_wait3A_168 = arith.constant 0 : i32
      %dma_wait3A_169 = arith.constant 0 : i32
      %dma_wait3A_170 = tpu.memref_slice %arg7[%run_scoped3A_137, %dma_wait3A_168, %dma_wait3A_169] : memref<4x128x64xf32, #tpu.memory_space<vmem>> -> memref<1x128x64xf32, #tpu.memory_space<vmem>>
      %dma_wait3A_171 = tpu.memref_squeeze %dma_wait3A_170 : memref<1x128x64xf32, #tpu.memory_space<vmem>> -> memref<128x64xf32, #tpu.memory_space<vmem>>
      %dma_wait3A_172 = arith.constant 0 : i32
      %dma_wait3A_173 = tpu.memref_slice %arg6[%run_scoped3A_138, %dma_wait3A_172] : memref<80x128xi32, #tpu.memory_space<vmem>> -> memref<1x128xi32, #tpu.memory_space<vmem>>
      %dma_wait3A_174 = tpu.memref_squeeze %dma_wait3A_173 : memref<1x128xi32, #tpu.memory_space<vmem>> -> memref<128xi32, #tpu.memory_space<vmem>>
      %dma_wait3A_175 = arith.constant 0 : i32
      %dma_wait3A_176 = arith.constant 0 : i32
      %dma_wait3A_177 = tpu.memref_slice %arg9[%dma_wait3A_175, %dma_wait3A_176] : memref<10240x64xf32, #tpu.memory_space<vmem_shared>> -> memref<10240x64xf32, #tpu.memory_space<vmem_shared>>
      tpu.wait_indirect_dma semaphore(%run_scoped3A_157 : memref<!tpu.dma_semaphore, #tpu.memory_space<semaphore_mem>>) src(%dma_wait3A_171 : memref<128x64xf32, #tpu.memory_space<vmem>>) dst(%dma_wait3A_177 : memref<10240x64xf32, #tpu.memory_space<vmem_shared>>)
      tpu.yield
    }) : () -> ()
    %dma_wait3A_139 = arith.constant 79 : i32
    %dma_wait3A_140 = arith.constant 3 : i32
    %dma_wait3A_141 = arith.constant 3 : i32
    %dma_wait3A_142 = arith.constant 0 : i32
    %dma_wait3A_143 = arith.constant 0 : i32
    %dma_wait3A_144 = tpu.memref_slice %arg7[%dma_wait3A_140, %dma_wait3A_142, %dma_wait3A_143] : memref<4x128x64xf32, #tpu.memory_space<vmem>> -> memref<1x128x64xf32, #tpu.memory_space<vmem>>
    %dma_wait3A_145 = tpu.memref_squeeze %dma_wait3A_144 : memref<1x128x64xf32, #tpu.memory_space<vmem>> -> memref<128x64xf32, #tpu.memory_space<vmem>>
    %dma_wait3A_146 = arith.constant 0 : i32
    %dma_wait3A_147 = tpu.memref_slice %arg5[%dma_wait3A_139, %dma_wait3A_146] : memref<80x128xi32, #tpu.memory_space<vmem>> -> memref<1x128xi32, #tpu.memory_space<vmem>>
    %dma_wait3A_148 = tpu.memref_squeeze %dma_wait3A_147 : memref<1x128xi32, #tpu.memory_space<vmem>> -> memref<128xi32, #tpu.memory_space<vmem>>
    %dma_wait3A_149 = arith.constant 0 : i32
    %dma_wait3A_150 = arith.constant 0 : i32
    %dma_wait3A_151 = tpu.memref_slice %arg2[%dma_wait3A_149, %dma_wait3A_150] : memref<10240x64xf32, #tpu.memory_space<hbm>> -> memref<10240x64xf32, #tpu.memory_space<hbm>>
    %dma_wait3A_152 = tpu.memref_slice %arg10[%dma_wait3A_141] : memref<4x!tpu.dma_semaphore, #tpu.memory_space<semaphore_mem>> -> memref<1x!tpu.dma_semaphore, #tpu.memory_space<semaphore_mem>>
    %dma_wait3A_153 = tpu.memref_squeeze %dma_wait3A_152 : memref<1x!tpu.dma_semaphore, #tpu.memory_space<semaphore_mem>> -> memref<!tpu.dma_semaphore, #tpu.memory_space<semaphore_mem>>
    tpu.wait_indirect_dma semaphore(%dma_wait3A_153 : memref<!tpu.dma_semaphore, #tpu.memory_space<semaphore_mem>>) src(%dma_wait3A_151 : memref<10240x64xf32, #tpu.memory_space<hbm>>) dst(%dma_wait3A_145 : memref<128x64xf32, #tpu.memory_space<vmem>>)
    %run_scoped3A_154 = arith.constant 3 : i32
    %run_scoped3A_155 = arith.constant 79 : i32
    "tpu.region"() ({
      %run_scoped3A_157 = tpu.sem_alloc : memref<!tpu.dma_semaphore, #tpu.memory_space<semaphore_mem>>
      %dma_start3A_158 = arith.constant 0 : i32
      %dma_start3A_159 = arith.constant 0 : i32
      %dma_start3A_160 = tpu.memref_slice %arg7[%run_scoped3A_154, %dma_start3A_158, %dma_start3A_159] : memref<4x128x64xf32, #tpu.memory_space<vmem>> -> memref<1x128x64xf32, #tpu.memory_space<vmem>>
      %dma_start3A_161 = tpu.memref_squeeze %dma_start3A_160 : memref<1x128x64xf32, #tpu.memory_space<vmem>> -> memref<128x64xf32, #tpu.memory_space<vmem>>
      %dma_start3A_162 = arith.constant 0 : i32
      %dma_start3A_163 = tpu.memref_slice %arg6[%run_scoped3A_155, %dma_start3A_162] : memref<80x128xi32, #tpu.memory_space<vmem>> -> memref<1x128xi32, #tpu.memory_space<vmem>>
      %dma_start3A_164 = tpu.memref_squeeze %dma_start3A_163 : memref<1x128xi32, #tpu.memory_space<vmem>> -> memref<128xi32, #tpu.memory_space<vmem>>
      %dma_start3A_165 = arith.constant 0 : i32
      %dma_start3A_166 = arith.constant 0 : i32
      %dma_start3A_167 = tpu.memref_slice %arg9[%dma_start3A_165, %dma_start3A_166] : memref<10240x64xf32, #tpu.memory_space<vmem_shared>> -> memref<10240x64xf32, #tpu.memory_space<vmem_shared>>
      tpu.enqueue_indirect_dma source(%dma_start3A_161 : memref<128x64xf32, #tpu.memory_space<vmem>>) target(%dma_start3A_167 : memref<10240x64xf32, #tpu.memory_space<vmem_shared>>) offsets(%dma_start3A_164 : memref<128xi32, #tpu.memory_space<vmem>>) semaphore(%run_scoped3A_157 : memref<!tpu.dma_semaphore, #tpu.memory_space<semaphore_mem>>) {add = true}
      %dma_wait3A_168 = arith.constant 0 : i32
      %dma_wait3A_169 = arith.constant 0 : i32
      %dma_wait3A_170 = tpu.memref_slice %arg7[%run_scoped3A_154, %dma_wait3A_168, %dma_wait3A_169] : memref<4x128x64xf32, #tpu.memory_space<vmem>> -> memref<1x128x64xf32, #tpu.memory_space<vmem>>
      %dma_wait3A_171 = tpu.memref_squeeze %dma_wait3A_170 : memref<1x128x64xf32, #tpu.memory_space<vmem>> -> memref<128x64xf32, #tpu.memory_space<vmem>>
      %dma_wait3A_172 = arith.constant 0 : i32
      %dma_wait3A_173 = tpu.memref_slice %arg6[%run_scoped3A_155, %dma_wait3A_172] : memref<80x128xi32, #tpu.memory_space<vmem>> -> memref<1x128xi32, #tpu.memory_space<vmem>>
      %dma_wait3A_174 = tpu.memref_squeeze %dma_wait3A_173 : memref<1x128xi32, #tpu.memory_space<vmem>> -> memref<128xi32, #tpu.memory_space<vmem>>
      %dma_wait3A_175 = arith.constant 0 : i32
      %dma_wait3A_176 = arith.constant 0 : i32
      %dma_wait3A_177 = tpu.memref_slice %arg9[%dma_wait3A_175, %dma_wait3A_176] : memref<10240x64xf32, #tpu.memory_space<vmem_shared>> -> memref<10240x64xf32, #tpu.memory_space<vmem_shared>>
      tpu.wait_indirect_dma semaphore(%run_scoped3A_157 : memref<!tpu.dma_semaphore, #tpu.memory_space<semaphore_mem>>) src(%dma_wait3A_171 : memref<128x64xf32, #tpu.memory_space<vmem>>) dst(%dma_wait3A_177 : memref<10240x64xf32, #tpu.memory_space<vmem_shared>>)
      tpu.yield
    }) : () -> ()
    %barrier3A_156 = arith.constant 0 : index
    tpu.barrier barrier_id(%barrier3A_156)
    "tpu.region"() ({
      %run_scoped3A_157 = tpu.sem_alloc : memref<!tpu.dma_semaphore, #tpu.memory_space<semaphore_mem>>
      %dma_start3A_158 = arith.constant 0 : i32
      %dma_start3A_159 = tpu.memref_slice %arg4[%arg0, %mul3A_2, %dma_start3A_158] : memref<2x10240x64xf32, #tpu.memory_space<hbm>> -> memref<1x640x64xf32, #tpu.memory_space<hbm>>
      %dma_start3A_160 = tpu.memref_squeeze %dma_start3A_159 : memref<1x640x64xf32, #tpu.memory_space<hbm>> -> memref<640x64xf32, #tpu.memory_space<hbm>>
      %dma_start3A_161 = arith.constant 0 : i32
      %dma_start3A_162 = tpu.memref_slice %arg9[%mul3A_2, %dma_start3A_161] : memref<10240x64xf32, #tpu.memory_space<vmem_shared>> -> memref<640x64xf32, #tpu.memory_space<vmem_shared>>
      tpu.enqueue_dma source(%dma_start3A_162 : memref<640x64xf32, #tpu.memory_space<vmem_shared>>) target(%dma_start3A_160 : memref<640x64xf32, #tpu.memory_space<hbm>>) target_semaphore(%run_scoped3A_157 : memref<!tpu.dma_semaphore, #tpu.memory_space<semaphore_mem>>)
      %dma_wait3A_163 = arith.constant 0 : i32
      %dma_wait3A_164 = tpu.memref_slice %arg4[%arg0, %mul3A_2, %dma_wait3A_163] : memref<2x10240x64xf32, #tpu.memory_space<hbm>> -> memref<1x640x64xf32, #tpu.memory_space<hbm>>
      %dma_wait3A_165 = tpu.memref_squeeze %dma_wait3A_164 : memref<1x640x64xf32, #tpu.memory_space<hbm>> -> memref<640x64xf32, #tpu.memory_space<hbm>>
      %dma_wait3A_166 = arith.constant 0 : i32
      %dma_wait3A_167 = tpu.memref_slice %arg9[%mul3A_2, %dma_wait3A_166] : memref<10240x64xf32, #tpu.memory_space<vmem_shared>> -> memref<640x64xf32, #tpu.memory_space<vmem_shared>>
      tpu.wait_dma2 semaphore(%run_scoped3A_157 : memref<!tpu.dma_semaphore, #tpu.memory_space<semaphore_mem>>) src(%dma_wait3A_167 : memref<640x64xf32, #tpu.memory_space<vmem_shared>>) dst(%dma_wait3A_165 : memref<640x64xf32, #tpu.memory_space<hbm>>)
      tpu.yield
    }) : () -> ()
    return
  }
}

#map = affine_map<(d0, d1) -> (0, 0)>
#map1 = affine_map<(d0, d1) -> (0, 0, 0)>
module attributes {stable_mosaic.version = 14 : i64} {
  func.func @_msg_body(%arg0: i32, %arg1: i32, %arg2: memref<10240x64xf32, #tpu.memory_space<hbm>>, %arg3: memref<2x2560x128xi32, #tpu.memory_space<hbm>>, %arg4: memref<2x10240x64xf32, #tpu.memory_space<hbm>>, %arg5: memref<80x128xi32, #tpu.memory_space<vmem>>, %arg6: memref<80x128xi32, #tpu.memory_space<vmem>>, %arg7: memref<4x128x64xf32, #tpu.memory_space<vmem>>, %arg8: memref<16x64xf32, #tpu.memory_space<vmem>>, %arg9: memref<10240x64xf32, #tpu.memory_space<vmem_shared>>, %arg10: memref<4x!tpu.dma_semaphore, #tpu.memory_space<semaphore_mem>>) attributes {dimension_semantics = [#tpu.dimension_semantics<core_parallel>, #tpu.dimension_semantics<subcore_parallel>], iteration_bounds = array<i64: 2, 16>, scalar_prefetch = 0 : i64, scratch_operands = 6 : i64, tpu.core_type = #tpu.core_type<sc_vector_subcore>, window_params = [{transform_indices = #map}, {transform_indices = #map1}, {transform_indices = #map1}]} {
    %mul3A = arith.constant 16 : i32
    %mul3A_0 = arith.muli %arg0, %mul3A : i32
    %add3A = arith.addi %mul3A_0, %arg1 : i32
    %mul3A_1 = arith.constant 640 : i32
    %mul3A_2 = arith.muli %arg1, %mul3A_1 : i32
    %scan3A = arith.constant 0 : i32
    %scan3A_3 = arith.constant 0 : i32
    %scan3A_4 = arith.constant 16 : i32
    %scan3A_5 = arith.addi %scan3A_3, %scan3A_4 : i32
    %scan3A_6 = arith.constant 1 : i32
    %scan3A_7 = scf.for %scan3A_157 = %scan3A_3 to %scan3A_5 step %scan3A_6 iter_args(%scan3A_158 = %scan3A) -> (i32)  : i32 {
      %broadcast_in_dim3A = arith.constant 0.000000e+00 : f32
      %broadcast_in_dim3A_159 = vector.broadcast %broadcast_in_dim3A : f32 to vector<16xf32>
      %swap3A = arith.index_cast %scan3A_157 : i32 to index
      %swap3A_160 = arith.constant 0 : index
      %swap3A_161 = tpu.vector_load %arg8[%swap3A, %swap3A_160] {strides = array<i32>} : memref<16x64xf32, #tpu.memory_space<vmem>>, vector<1x16xf32>,
      %swap3A_162 = vector.shape_cast %swap3A_161 : vector<1x16xf32> to vector<16xf32>
      %swap3A_163 = vector.shape_cast %broadcast_in_dim3A_159 : vector<16xf32> to vector<1x16xf32>
      tpu.vector_store %arg8[%swap3A, %swap3A_160], %swap3A_163 {strides = array<i32>} : memref<16x64xf32, #tpu.memory_space<vmem>>, vector<1x16xf32>,
      %broadcast_in_dim3A_164 = arith.constant 0.000000e+00 : f32
      %broadcast_in_dim3A_165 = vector.broadcast %broadcast_in_dim3A_164 : f32 to vector<16xf32>
      %swap3A_166 = arith.index_cast %scan3A_157 : i32 to index
      %swap3A_167 = arith.constant 16 : index
      %swap3A_168 = tpu.vector_load %arg8[%swap3A_166, %swap3A_167] {strides = array<i32>} : memref<16x64xf32, #tpu.memory_space<vmem>>, vector<1x16xf32>,
      %swap3A_169 = vector.shape_cast %swap3A_168 : vector<1x16xf32> to vector<16xf32>
      %swap3A_170 = vector.shape_cast %broadcast_in_dim3A_165 : vector<16xf32> to vector<1x16xf32>
      tpu.vector_store %arg8[%swap3A_166, %swap3A_167], %swap3A_170 {strides = array<i32>} : memref<16x64xf32, #tpu.memory_space<vmem>>, vector<1x16xf32>,
      %broadcast_in_dim3A_171 = arith.constant 0.000000e+00 : f32
      %broadcast_in_dim3A_172 = vector.broadcast %broadcast_in_dim3A_171 : f32 to vector<16xf32>
      %swap3A_173 = arith.index_cast %scan3A_157 : i32 to index
      %swap3A_174 = arith.constant 32 : index
      %swap3A_175 = tpu.vector_load %arg8[%swap3A_173, %swap3A_174] {strides = array<i32>} : memref<16x64xf32, #tpu.memory_space<vmem>>, vector<1x16xf32>,
      %swap3A_176 = vector.shape_cast %swap3A_175 : vector<1x16xf32> to vector<16xf32>
      %swap3A_177 = vector.shape_cast %broadcast_in_dim3A_172 : vector<16xf32> to vector<1x16xf32>
      tpu.vector_store %arg8[%swap3A_173, %swap3A_174], %swap3A_177 {strides = array<i32>} : memref<16x64xf32, #tpu.memory_space<vmem>>, vector<1x16xf32>,
      %broadcast_in_dim3A_178 = arith.constant 0.000000e+00 : f32
      %broadcast_in_dim3A_179 = vector.broadcast %broadcast_in_dim3A_178 : f32 to vector<16xf32>
      %swap3A_180 = arith.index_cast %scan3A_157 : i32 to index
      %swap3A_181 = arith.constant 48 : index
      %swap3A_182 = tpu.vector_load %arg8[%swap3A_180, %swap3A_181] {strides = array<i32>} : memref<16x64xf32, #tpu.memory_space<vmem>>, vector<1x16xf32>,
      %swap3A_183 = vector.shape_cast %swap3A_182 : vector<1x16xf32> to vector<16xf32>
      %swap3A_184 = vector.shape_cast %broadcast_in_dim3A_179 : vector<16xf32> to vector<1x16xf32>
      tpu.vector_store %arg8[%swap3A_180, %swap3A_181], %swap3A_184 {strides = array<i32>} : memref<16x64xf32, #tpu.memory_space<vmem>>, vector<1x16xf32>,
      %scan3A_185 = arith.constant 0 : i32
      scf.yield %scan3A_185 : i32
    }
    %scan3A_8 = arith.constant 16 : i32
    %mul3A_9 = arith.constant 640 : i32
    %mul3A_10 = arith.muli %arg1, %mul3A_9 : i32
    %scan3A_11 = arith.constant 0 : i32
    %scan3A_12 = arith.constant 0 : i32
    %scan3A_13 = arith.constant 40 : i32
    %scan3A_14 = arith.addi %scan3A_12, %scan3A_13 : i32
    %scan3A_15 = arith.constant 1 : i32
    %scan3A_16 = scf.for %scan3A_157 = %scan3A_12 to %scan3A_14 step %scan3A_15 iter_args(%scan3A_158 = %scan3A_11) -> (i32)  : i32 {
      %mul3A_159 = arith.constant 16 : i32
      %mul3A_160 = arith.muli %scan3A_157, %mul3A_159 : i32
      %add3A_161 = arith.addi %mul3A_10, %mul3A_160 : i32
      "tpu.region"() ({
        %run_scoped3A_163 = tpu.sem_alloc : memref<!tpu.dma_semaphore, #tpu.memory_space<semaphore_mem>>
        %dma_start3A_164 = arith.constant 0 : i32
        %dma_start3A_165 = tpu.memref_slice %arg9[%add3A_161, %dma_start3A_164] : memref<10240x64xf32, #tpu.memory_space<vmem_shared>> -> memref<16x64xf32, #tpu.memory_space<vmem_shared>>
        %dma_start3A_166 = arith.constant 0 : i32
        %dma_start3A_167 = tpu.memref_slice %arg9[%add3A_161, %dma_start3A_166] : memref<10240x64xf32, #tpu.memory_space<vmem_shared>> -> memref<16x64xf32, #tpu.memory_space<vmem_shared>>
        tpu.enqueue_dma source(%arg8 : memref<16x64xf32, #tpu.memory_space<vmem>>) target(%dma_start3A_167 : memref<16x64xf32, #tpu.memory_space<vmem_shared>>) target_semaphore(%run_scoped3A_163 : memref<!tpu.dma_semaphore, #tpu.memory_space<semaphore_mem>>)
        %dma_wait3A_168 = arith.constant 0 : i32
        %dma_wait3A_169 = tpu.memref_slice %arg9[%add3A_161, %dma_wait3A_168] : memref<10240x64xf32, #tpu.memory_space<vmem_shared>> -> memref<16x64xf32, #tpu.memory_space<vmem_shared>>
        %dma_wait3A_170 = arith.constant 0 : i32
        %dma_wait3A_171 = tpu.memref_slice %arg9[%add3A_161, %dma_wait3A_170] : memref<10240x64xf32, #tpu.memory_space<vmem_shared>> -> memref<16x64xf32, #tpu.memory_space<vmem_shared>>
        tpu.wait_dma2 semaphore(%run_scoped3A_163 : memref<!tpu.dma_semaphore, #tpu.memory_space<semaphore_mem>>) src(%arg8 : memref<16x64xf32, #tpu.memory_space<vmem>>) dst(%dma_wait3A_171 : memref<16x64xf32, #tpu.memory_space<vmem_shared>>)
        tpu.yield
      }) : () -> ()
      %scan3A_162 = arith.constant 0 : i32
      scf.yield %scan3A_162 : i32
    }
    %scan3A_17 = arith.constant 40 : i32
    %mul3A_18 = arith.constant 80 : i32
    %mul3A_19 = arith.muli %add3A, %mul3A_18 : i32
    %run_scoped3A = arith.constant 0 : i32
    "tpu.region"() ({
      %run_scoped3A_157 = tpu.sem_alloc : memref<!tpu.dma_semaphore, #tpu.memory_space<semaphore_mem>>
      %dma_start3A_158 = arith.constant 0 : i32
      %dma_start3A_159 = tpu.memref_slice %arg3[%run_scoped3A, %mul3A_19, %dma_start3A_158] : memref<2x2560x128xi32, #tpu.memory_space<hbm>> -> memref<1x80x128xi32, #tpu.memory_space<hbm>>
      %dma_start3A_160 = tpu.memref_squeeze %dma_start3A_159 : memref<1x80x128xi32, #tpu.memory_space<hbm>> -> memref<80x128xi32, #tpu.memory_space<hbm>>
      %dma_start3A_161 = arith.constant 0 : i32
      %dma_start3A_162 = tpu.memref_slice %arg3[%run_scoped3A, %mul3A_19, %dma_start3A_161] : memref<2x2560x128xi32, #tpu.memory_space<hbm>> -> memref<1x80x128xi32, #tpu.memory_space<hbm>>
      %dma_start3A_163 = tpu.memref_squeeze %dma_start3A_162 : memref<1x80x128xi32, #tpu.memory_space<hbm>> -> memref<80x128xi32, #tpu.memory_space<hbm>>
      tpu.enqueue_dma source(%dma_start3A_163 : memref<80x128xi32, #tpu.memory_space<hbm>>) target(%arg5 : memref<80x128xi32, #tpu.memory_space<vmem>>) target_semaphore(%run_scoped3A_157 : memref<!tpu.dma_semaphore, #tpu.memory_space<semaphore_mem>>)
      %dma_wait3A_164 = arith.constant 0 : i32
      %dma_wait3A_165 = tpu.memref_slice %arg3[%run_scoped3A, %mul3A_19, %dma_wait3A_164] : memref<2x2560x128xi32, #tpu.memory_space<hbm>> -> memref<1x80x128xi32, #tpu.memory_space<hbm>>
      %dma_wait3A_166 = tpu.memref_squeeze %dma_wait3A_165 : memref<1x80x128xi32, #tpu.memory_space<hbm>> -> memref<80x128xi32, #tpu.memory_space<hbm>>
      %dma_wait3A_167 = arith.constant 0 : i32
      %dma_wait3A_168 = tpu.memref_slice %arg3[%run_scoped3A, %mul3A_19, %dma_wait3A_167] : memref<2x2560x128xi32, #tpu.memory_space<hbm>> -> memref<1x80x128xi32, #tpu.memory_space<hbm>>
      %dma_wait3A_169 = tpu.memref_squeeze %dma_wait3A_168 : memref<1x80x128xi32, #tpu.memory_space<hbm>> -> memref<80x128xi32, #tpu.memory_space<hbm>>
      tpu.wait_dma2 semaphore(%run_scoped3A_157 : memref<!tpu.dma_semaphore, #tpu.memory_space<semaphore_mem>>) src(%dma_wait3A_169 : memref<80x128xi32, #tpu.memory_space<hbm>>) dst(%arg5 : memref<80x128xi32, #tpu.memory_space<vmem>>)
      tpu.yield
    }) : () -> ()
    %mul3A_20 = arith.constant 80 : i32
    %mul3A_21 = arith.muli %add3A, %mul3A_20 : i32
    %run_scoped3A_22 = arith.constant 1 : i32
    "tpu.region"() ({
      %run_scoped3A_157 = tpu.sem_alloc : memref<!tpu.dma_semaphore, #tpu.memory_space<semaphore_mem>>
      %dma_start3A_158 = arith.constant 0 : i32
      %dma_start3A_159 = tpu.memref_slice %arg3[%run_scoped3A_22, %mul3A_21, %dma_start3A_158] : memref<2x2560x128xi32, #tpu.memory_space<hbm>> -> memref<1x80x128xi32, #tpu.memory_space<hbm>>
      %dma_start3A_160 = tpu.memref_squeeze %dma_start3A_159 : memref<1x80x128xi32, #tpu.memory_space<hbm>> -> memref<80x128xi32, #tpu.memory_space<hbm>>
      %dma_start3A_161 = arith.constant 0 : i32
      %dma_start3A_162 = tpu.memref_slice %arg3[%run_scoped3A_22, %mul3A_21, %dma_start3A_161] : memref<2x2560x128xi32, #tpu.memory_space<hbm>> -> memref<1x80x128xi32, #tpu.memory_space<hbm>>
      %dma_start3A_163 = tpu.memref_squeeze %dma_start3A_162 : memref<1x80x128xi32, #tpu.memory_space<hbm>> -> memref<80x128xi32, #tpu.memory_space<hbm>>
      tpu.enqueue_dma source(%dma_start3A_163 : memref<80x128xi32, #tpu.memory_space<hbm>>) target(%arg6 : memref<80x128xi32, #tpu.memory_space<vmem>>) target_semaphore(%run_scoped3A_157 : memref<!tpu.dma_semaphore, #tpu.memory_space<semaphore_mem>>)
      %dma_wait3A_164 = arith.constant 0 : i32
      %dma_wait3A_165 = tpu.memref_slice %arg3[%run_scoped3A_22, %mul3A_21, %dma_wait3A_164] : memref<2x2560x128xi32, #tpu.memory_space<hbm>> -> memref<1x80x128xi32, #tpu.memory_space<hbm>>
      %dma_wait3A_166 = tpu.memref_squeeze %dma_wait3A_165 : memref<1x80x128xi32, #tpu.memory_space<hbm>> -> memref<80x128xi32, #tpu.memory_space<hbm>>
      %dma_wait3A_167 = arith.constant 0 : i32
      %dma_wait3A_168 = tpu.memref_slice %arg3[%run_scoped3A_22, %mul3A_21, %dma_wait3A_167] : memref<2x2560x128xi32, #tpu.memory_space<hbm>> -> memref<1x80x128xi32, #tpu.memory_space<hbm>>
      %dma_wait3A_169 = tpu.memref_squeeze %dma_wait3A_168 : memref<1x80x128xi32, #tpu.memory_space<hbm>> -> memref<80x128xi32, #tpu.memory_space<hbm>>
      tpu.wait_dma2 semaphore(%run_scoped3A_157 : memref<!tpu.dma_semaphore, #tpu.memory_space<semaphore_mem>>) src(%dma_wait3A_169 : memref<80x128xi32, #tpu.memory_space<hbm>>) dst(%arg6 : memref<80x128xi32, #tpu.memory_space<vmem>>)
      tpu.yield
    }) : () -> ()
    %barrier3A = arith.constant 0 : index
    tpu.barrier barrier_id(%barrier3A)
    %dma_start3A = arith.constant 0 : i32
    %dma_start3A_23 = arith.constant 0 : i32
    %dma_start3A_24 = arith.constant 0 : i32
    %dma_start3A_25 = arith.constant 0 : i32
    %dma_start3A_26 = arith.constant 0 : i32
    %dma_start3A_27 = tpu.memref_slice %arg7[%dma_start3A_23, %dma_start3A_25, %dma_start3A_26] : memref<4x128x64xf32, #tpu.memory_space<vmem>> -> memref<1x128x64xf32, #tpu.memory_space<vmem>>
    %dma_start3A_28 = tpu.memref_squeeze %dma_start3A_27 : memref<1x128x64xf32, #tpu.memory_space<vmem>> -> memref<128x64xf32, #tpu.memory_space<vmem>>
    %dma_start3A_29 = arith.constant 0 : i32
    %dma_start3A_30 = tpu.memref_slice %arg5[%dma_start3A, %dma_start3A_29] : memref<80x128xi32, #tpu.memory_space<vmem>> -> memref<1x128xi32, #tpu.memory_space<vmem>>
    %dma_start3A_31 = tpu.memref_squeeze %dma_start3A_30 : memref<1x128xi32, #tpu.memory_space<vmem>> -> memref<128xi32, #tpu.memory_space<vmem>>
    %dma_start3A_32 = arith.constant 0 : i32
    %dma_start3A_33 = arith.constant 0 : i32
    %dma_start3A_34 = tpu.memref_slice %arg2[%dma_start3A_32, %dma_start3A_33] : memref<10240x64xf32, #tpu.memory_space<hbm>> -> memref<10240x64xf32, #tpu.memory_space<hbm>>
    %dma_start3A_35 = tpu.memref_slice %arg10[%dma_start3A_24] : memref<4x!tpu.dma_semaphore, #tpu.memory_space<semaphore_mem>> -> memref<1x!tpu.dma_semaphore, #tpu.memory_space<semaphore_mem>>
    %dma_start3A_36 = tpu.memref_squeeze %dma_start3A_35 : memref<1x!tpu.dma_semaphore, #tpu.memory_space<semaphore_mem>> -> memref<!tpu.dma_semaphore, #tpu.memory_space<semaphore_mem>>
    tpu.enqueue_indirect_dma source(%dma_start3A_34 : memref<10240x64xf32, #tpu.memory_space<hbm>>) target(%dma_start3A_28 : memref<128x64xf32, #tpu.memory_space<vmem>>) offsets(%dma_start3A_31 : memref<128xi32, #tpu.memory_space<vmem>>) semaphore(%dma_start3A_36 : memref<!tpu.dma_semaphore, #tpu.memory_space<semaphore_mem>>)
    %dma_start3A_37 = arith.constant 1 : i32
    %dma_start3A_38 = arith.constant 1 : i32
    %dma_start3A_39 = arith.constant 1 : i32
    %dma_start3A_40 = arith.constant 0 : i32
    %dma_start3A_41 = arith.constant 0 : i32
    %dma_start3A_42 = tpu.memref_slice %arg7[%dma_start3A_38, %dma_start3A_40, %dma_start3A_41] : memref<4x128x64xf32, #tpu.memory_space<vmem>> -> memref<1x128x64xf32, #tpu.memory_space<vmem>>
    %dma_start3A_43 = tpu.memref_squeeze %dma_start3A_42 : memref<1x128x64xf32, #tpu.memory_space<vmem>> -> memref<128x64xf32, #tpu.memory_space<vmem>>
    %dma_start3A_44 = arith.constant 0 : i32
    %dma_start3A_45 = tpu.memref_slice %arg5[%dma_start3A_37, %dma_start3A_44] : memref<80x128xi32, #tpu.memory_space<vmem>> -> memref<1x128xi32, #tpu.memory_space<vmem>>
    %dma_start3A_46 = tpu.memref_squeeze %dma_start3A_45 : memref<1x128xi32, #tpu.memory_space<vmem>> -> memref<128xi32, #tpu.memory_space<vmem>>
    %dma_start3A_47 = arith.constant 0 : i32
    %dma_start3A_48 = arith.constant 0 : i32
    %dma_start3A_49 = tpu.memref_slice %arg2[%dma_start3A_47, %dma_start3A_48] : memref<10240x64xf32, #tpu.memory_space<hbm>> -> memref<10240x64xf32, #tpu.memory_space<hbm>>
    %dma_start3A_50 = tpu.memref_slice %arg10[%dma_start3A_39] : memref<4x!tpu.dma_semaphore, #tpu.memory_space<semaphore_mem>> -> memref<1x!tpu.dma_semaphore, #tpu.memory_space<semaphore_mem>>
    %dma_start3A_51 = tpu.memref_squeeze %dma_start3A_50 : memref<1x!tpu.dma_semaphore, #tpu.memory_space<semaphore_mem>> -> memref<!tpu.dma_semaphore, #tpu.memory_space<semaphore_mem>>
    tpu.enqueue_indirect_dma source(%dma_start3A_49 : memref<10240x64xf32, #tpu.memory_space<hbm>>) target(%dma_start3A_43 : memref<128x64xf32, #tpu.memory_space<vmem>>) offsets(%dma_start3A_46 : memref<128xi32, #tpu.memory_space<vmem>>) semaphore(%dma_start3A_51 : memref<!tpu.dma_semaphore, #tpu.memory_space<semaphore_mem>>)
    %dma_start3A_52 = arith.constant 2 : i32
    %dma_start3A_53 = arith.constant 2 : i32
    %dma_start3A_54 = arith.constant 2 : i32
    %dma_start3A_55 = arith.constant 0 : i32
    %dma_start3A_56 = arith.constant 0 : i32
    %dma_start3A_57 = tpu.memref_slice %arg7[%dma_start3A_53, %dma_start3A_55, %dma_start3A_56] : memref<4x128x64xf32, #tpu.memory_space<vmem>> -> memref<1x128x64xf32, #tpu.memory_space<vmem>>
    %dma_start3A_58 = tpu.memref_squeeze %dma_start3A_57 : memref<1x128x64xf32, #tpu.memory_space<vmem>> -> memref<128x64xf32, #tpu.memory_space<vmem>>
    %dma_start3A_59 = arith.constant 0 : i32
    %dma_start3A_60 = tpu.memref_slice %arg5[%dma_start3A_52, %dma_start3A_59] : memref<80x128xi32, #tpu.memory_space<vmem>> -> memref<1x128xi32, #tpu.memory_space<vmem>>
    %dma_start3A_61 = tpu.memref_squeeze %dma_start3A_60 : memref<1x128xi32, #tpu.memory_space<vmem>> -> memref<128xi32, #tpu.memory_space<vmem>>
    %dma_start3A_62 = arith.constant 0 : i32
    %dma_start3A_63 = arith.constant 0 : i32
    %dma_start3A_64 = tpu.memref_slice %arg2[%dma_start3A_62, %dma_start3A_63] : memref<10240x64xf32, #tpu.memory_space<hbm>> -> memref<10240x64xf32, #tpu.memory_space<hbm>>
    %dma_start3A_65 = tpu.memref_slice %arg10[%dma_start3A_54] : memref<4x!tpu.dma_semaphore, #tpu.memory_space<semaphore_mem>> -> memref<1x!tpu.dma_semaphore, #tpu.memory_space<semaphore_mem>>
    %dma_start3A_66 = tpu.memref_squeeze %dma_start3A_65 : memref<1x!tpu.dma_semaphore, #tpu.memory_space<semaphore_mem>> -> memref<!tpu.dma_semaphore, #tpu.memory_space<semaphore_mem>>
    tpu.enqueue_indirect_dma source(%dma_start3A_64 : memref<10240x64xf32, #tpu.memory_space<hbm>>) target(%dma_start3A_58 : memref<128x64xf32, #tpu.memory_space<vmem>>) offsets(%dma_start3A_61 : memref<128xi32, #tpu.memory_space<vmem>>) semaphore(%dma_start3A_66 : memref<!tpu.dma_semaphore, #tpu.memory_space<semaphore_mem>>)
    %dma_start3A_67 = arith.constant 3 : i32
    %dma_start3A_68 = arith.constant 3 : i32
    %dma_start3A_69 = arith.constant 3 : i32
    %dma_start3A_70 = arith.constant 0 : i32
    %dma_start3A_71 = arith.constant 0 : i32
    %dma_start3A_72 = tpu.memref_slice %arg7[%dma_start3A_68, %dma_start3A_70, %dma_start3A_71] : memref<4x128x64xf32, #tpu.memory_space<vmem>> -> memref<1x128x64xf32, #tpu.memory_space<vmem>>
    %dma_start3A_73 = tpu.memref_squeeze %dma_start3A_72 : memref<1x128x64xf32, #tpu.memory_space<vmem>> -> memref<128x64xf32, #tpu.memory_space<vmem>>
    %dma_start3A_74 = arith.constant 0 : i32
    %dma_start3A_75 = tpu.memref_slice %arg5[%dma_start3A_67, %dma_start3A_74] : memref<80x128xi32, #tpu.memory_space<vmem>> -> memref<1x128xi32, #tpu.memory_space<vmem>>
    %dma_start3A_76 = tpu.memref_squeeze %dma_start3A_75 : memref<1x128xi32, #tpu.memory_space<vmem>> -> memref<128xi32, #tpu.memory_space<vmem>>
    %dma_start3A_77 = arith.constant 0 : i32
    %dma_start3A_78 = arith.constant 0 : i32
    %dma_start3A_79 = tpu.memref_slice %arg2[%dma_start3A_77, %dma_start3A_78] : memref<10240x64xf32, #tpu.memory_space<hbm>> -> memref<10240x64xf32, #tpu.memory_space<hbm>>
    %dma_start3A_80 = tpu.memref_slice %arg10[%dma_start3A_69] : memref<4x!tpu.dma_semaphore, #tpu.memory_space<semaphore_mem>> -> memref<1x!tpu.dma_semaphore, #tpu.memory_space<semaphore_mem>>
    %dma_start3A_81 = tpu.memref_squeeze %dma_start3A_80 : memref<1x!tpu.dma_semaphore, #tpu.memory_space<semaphore_mem>> -> memref<!tpu.dma_semaphore, #tpu.memory_space<semaphore_mem>>
    tpu.enqueue_indirect_dma source(%dma_start3A_79 : memref<10240x64xf32, #tpu.memory_space<hbm>>) target(%dma_start3A_73 : memref<128x64xf32, #tpu.memory_space<vmem>>) offsets(%dma_start3A_76 : memref<128xi32, #tpu.memory_space<vmem>>) semaphore(%dma_start3A_81 : memref<!tpu.dma_semaphore, #tpu.memory_space<semaphore_mem>>)
    %scan3A_82 = arith.constant 0 : i32
    %scan3A_83 = arith.constant 0 : i32
    %scan3A_84 = arith.constant 19 : i32
    %scan3A_85 = arith.addi %scan3A_83, %scan3A_84 : i32
    %scan3A_86 = arith.constant 1 : i32
    %scan3A_87 = scf.for %scan3A_157 = %scan3A_83 to %scan3A_85 step %scan3A_86 iter_args(%scan3A_158 = %scan3A_82) -> (i32)  : i32 {
      %mul3A_159 = arith.constant 4 : i32
      %mul3A_160 = arith.muli %scan3A_157, %mul3A_159 : i32
      %add3A_161 = arith.constant 0 : i32
      %add3A_162 = arith.addi %mul3A_160, %add3A_161 : i32
      %dma_wait3A_163 = arith.constant 0 : i32
      %dma_wait3A_164 = arith.constant 0 : i32
      %dma_wait3A_165 = arith.constant 0 : i32
      %dma_wait3A_166 = arith.constant 0 : i32
      %dma_wait3A_167 = tpu.memref_slice %arg7[%dma_wait3A_163, %dma_wait3A_165, %dma_wait3A_166] : memref<4x128x64xf32, #tpu.memory_space<vmem>> -> memref<1x128x64xf32, #tpu.memory_space<vmem>>
      %dma_wait3A_168 = tpu.memref_squeeze %dma_wait3A_167 : memref<1x128x64xf32, #tpu.memory_space<vmem>> -> memref<128x64xf32, #tpu.memory_space<vmem>>
      %dma_wait3A_169 = arith.constant 0 : i32
      %dma_wait3A_170 = tpu.memref_slice %arg5[%add3A_162, %dma_wait3A_169] : memref<80x128xi32, #tpu.memory_space<vmem>> -> memref<1x128xi32, #tpu.memory_space<vmem>>
      %dma_wait3A_171 = tpu.memref_squeeze %dma_wait3A_170 : memref<1x128xi32, #tpu.memory_space<vmem>> -> memref<128xi32, #tpu.memory_space<vmem>>
      %dma_wait3A_172 = arith.constant 0 : i32
      %dma_wait3A_173 = arith.constant 0 : i32
      %dma_wait3A_174 = tpu.memref_slice %arg2[%dma_wait3A_172, %dma_wait3A_173] : memref<10240x64xf32, #tpu.memory_space<hbm>> -> memref<10240x64xf32, #tpu.memory_space<hbm>>
      %dma_wait3A_175 = tpu.memref_slice %arg10[%dma_wait3A_164] : memref<4x!tpu.dma_semaphore, #tpu.memory_space<semaphore_mem>> -> memref<1x!tpu.dma_semaphore, #tpu.memory_space<semaphore_mem>>
      %dma_wait3A_176 = tpu.memref_squeeze %dma_wait3A_175 : memref<1x!tpu.dma_semaphore, #tpu.memory_space<semaphore_mem>> -> memref<!tpu.dma_semaphore, #tpu.memory_space<semaphore_mem>>
      tpu.wait_indirect_dma semaphore(%dma_wait3A_176 : memref<!tpu.dma_semaphore, #tpu.memory_space<semaphore_mem>>) src(%dma_wait3A_174 : memref<10240x64xf32, #tpu.memory_space<hbm>>) dst(%dma_wait3A_168 : memref<128x64xf32, #tpu.memory_space<vmem>>)
      %run_scoped3A_177 = arith.constant 0 : i32
      "tpu.region"() ({
        %run_scoped3A_300 = tpu.sem_alloc : memref<!tpu.dma_semaphore, #tpu.memory_space<semaphore_mem>>
        %dma_start3A_301 = arith.constant 0 : i32
        %dma_start3A_302 = arith.constant 0 : i32
        %dma_start3A_303 = tpu.memref_slice %arg7[%run_scoped3A_177, %dma_start3A_301, %dma_start3A_302] : memref<4x128x64xf32, #tpu.memory_space<vmem>> -> memref<1x128x64xf32, #tpu.memory_space<vmem>>
        %dma_start3A_304 = tpu.memref_squeeze %dma_start3A_303 : memref<1x128x64xf32, #tpu.memory_space<vmem>> -> memref<128x64xf32, #tpu.memory_space<vmem>>
        %dma_start3A_305 = arith.constant 0 : i32
        %dma_start3A_306 = tpu.memref_slice %arg6[%add3A_162, %dma_start3A_305] : memref<80x128xi32, #tpu.memory_space<vmem>> -> memref<1x128xi32, #tpu.memory_space<vmem>>
        %dma_start3A_307 = tpu.memref_squeeze %dma_start3A_306 : memref<1x128xi32, #tpu.memory_space<vmem>> -> memref<128xi32, #tpu.memory_space<vmem>>
        %dma_start3A_308 = arith.constant 0 : i32
        %dma_start3A_309 = arith.constant 0 : i32
        %dma_start3A_310 = tpu.memref_slice %arg9[%dma_start3A_308, %dma_start3A_309] : memref<10240x64xf32, #tpu.memory_space<vmem_shared>> -> memref<10240x64xf32, #tpu.memory_space<vmem_shared>>
        tpu.enqueue_indirect_dma source(%dma_start3A_304 : memref<128x64xf32, #tpu.memory_space<vmem>>) target(%dma_start3A_310 : memref<10240x64xf32, #tpu.memory_space<vmem_shared>>) offsets(%dma_start3A_307 : memref<128xi32, #tpu.memory_space<vmem>>) semaphore(%run_scoped3A_300 : memref<!tpu.dma_semaphore, #tpu.memory_space<semaphore_mem>>) {add = true}
        %dma_wait3A_311 = arith.constant 0 : i32
        %dma_wait3A_312 = arith.constant 0 : i32
        %dma_wait3A_313 = tpu.memref_slice %arg7[%run_scoped3A_177, %dma_wait3A_311, %dma_wait3A_312] : memref<4x128x64xf32, #tpu.memory_space<vmem>> -> memref<1x128x64xf32, #tpu.memory_space<vmem>>
        %dma_wait3A_314 = tpu.memref_squeeze %dma_wait3A_313 : memref<1x128x64xf32, #tpu.memory_space<vmem>> -> memref<128x64xf32, #tpu.memory_space<vmem>>
        %dma_wait3A_315 = arith.constant 0 : i32
        %dma_wait3A_316 = tpu.memref_slice %arg6[%add3A_162, %dma_wait3A_315] : memref<80x128xi32, #tpu.memory_space<vmem>> -> memref<1x128xi32, #tpu.memory_space<vmem>>
        %dma_wait3A_317 = tpu.memref_squeeze %dma_wait3A_316 : memref<1x128xi32, #tpu.memory_space<vmem>> -> memref<128xi32, #tpu.memory_space<vmem>>
        %dma_wait3A_318 = arith.constant 0 : i32
        %dma_wait3A_319 = arith.constant 0 : i32
        %dma_wait3A_320 = tpu.memref_slice %arg9[%dma_wait3A_318, %dma_wait3A_319] : memref<10240x64xf32, #tpu.memory_space<vmem_shared>> -> memref<10240x64xf32, #tpu.memory_space<vmem_shared>>
        tpu.wait_indirect_dma semaphore(%run_scoped3A_300 : memref<!tpu.dma_semaphore, #tpu.memory_space<semaphore_mem>>) src(%dma_wait3A_314 : memref<128x64xf32, #tpu.memory_space<vmem>>) dst(%dma_wait3A_320 : memref<10240x64xf32, #tpu.memory_space<vmem_shared>>)
        tpu.yield
      }) : () -> ()
      %add3A_178 = arith.constant 4 : i32
      %add3A_179 = arith.addi %add3A_162, %add3A_178 : i32
      %dma_start3A_180 = arith.constant 0 : i32
      %dma_start3A_181 = arith.constant 0 : i32
      %dma_start3A_182 = arith.constant 0 : i32
      %dma_start3A_183 = arith.constant 0 : i32
      %dma_start3A_184 = tpu.memref_slice %arg7[%dma_start3A_180, %dma_start3A_182, %dma_start3A_183] : memref<4x128x64xf32, #tpu.memory_space<vmem>> -> memref<1x128x64xf32, #tpu.memory_space<vmem>>
      %dma_start3A_185 = tpu.memref_squeeze %dma_start3A_184 : memref<1x128x64xf32, #tpu.memory_space<vmem>> -> memref<128x64xf32, #tpu.memory_space<vmem>>
      %dma_start3A_186 = arith.constant 0 : i32
      %dma_start3A_187 = tpu.memref_slice %arg5[%add3A_179, %dma_start3A_186] : memref<80x128xi32, #tpu.memory_space<vmem>> -> memref<1x128xi32, #tpu.memory_space<vmem>>
      %dma_start3A_188 = tpu.memref_squeeze %dma_start3A_187 : memref<1x128xi32, #tpu.memory_space<vmem>> -> memref<128xi32, #tpu.memory_space<vmem>>
      %dma_start3A_189 = arith.constant 0 : i32
      %dma_start3A_190 = arith.constant 0 : i32
      %dma_start3A_191 = tpu.memref_slice %arg2[%dma_start3A_189, %dma_start3A_190] : memref<10240x64xf32, #tpu.memory_space<hbm>> -> memref<10240x64xf32, #tpu.memory_space<hbm>>
      %dma_start3A_192 = tpu.memref_slice %arg10[%dma_start3A_181] : memref<4x!tpu.dma_semaphore, #tpu.memory_space<semaphore_mem>> -> memref<1x!tpu.dma_semaphore, #tpu.memory_space<semaphore_mem>>
      %dma_start3A_193 = tpu.memref_squeeze %dma_start3A_192 : memref<1x!tpu.dma_semaphore, #tpu.memory_space<semaphore_mem>> -> memref<!tpu.dma_semaphore, #tpu.memory_space<semaphore_mem>>
      tpu.enqueue_indirect_dma source(%dma_start3A_191 : memref<10240x64xf32, #tpu.memory_space<hbm>>) target(%dma_start3A_185 : memref<128x64xf32, #tpu.memory_space<vmem>>) offsets(%dma_start3A_188 : memref<128xi32, #tpu.memory_space<vmem>>) semaphore(%dma_start3A_193 : memref<!tpu.dma_semaphore, #tpu.memory_space<semaphore_mem>>)
      %mul3A_194 = arith.constant 4 : i32
      %mul3A_195 = arith.muli %scan3A_157, %mul3A_194 : i32
      %add3A_196 = arith.constant 1 : i32
      %add3A_197 = arith.addi %mul3A_195, %add3A_196 : i32
      %dma_wait3A_198 = arith.constant 1 : i32
      %dma_wait3A_199 = arith.constant 1 : i32
      %dma_wait3A_200 = arith.constant 0 : i32
      %dma_wait3A_201 = arith.constant 0 : i32
      %dma_wait3A_202 = tpu.memref_slice %arg7[%dma_wait3A_198, %dma_wait3A_200, %dma_wait3A_201] : memref<4x128x64xf32, #tpu.memory_space<vmem>> -> memref<1x128x64xf32, #tpu.memory_space<vmem>>
      %dma_wait3A_203 = tpu.memref_squeeze %dma_wait3A_202 : memref<1x128x64xf32, #tpu.memory_space<vmem>> -> memref<128x64xf32, #tpu.memory_space<vmem>>
      %dma_wait3A_204 = arith.constant 0 : i32
      %dma_wait3A_205 = tpu.memref_slice %arg5[%add3A_197, %dma_wait3A_204] : memref<80x128xi32, #tpu.memory_space<vmem>> -> memref<1x128xi32, #tpu.memory_space<vmem>>
      %dma_wait3A_206 = tpu.memref_squeeze %dma_wait3A_205 : memref<1x128xi32, #tpu.memory_space<vmem>> -> memref<128xi32, #tpu.memory_space<vmem>>
      %dma_wait3A_207 = arith.constant 0 : i32
      %dma_wait3A_208 = arith.constant 0 : i32
      %dma_wait3A_209 = tpu.memref_slice %arg2[%dma_wait3A_207, %dma_wait3A_208] : memref<10240x64xf32, #tpu.memory_space<hbm>> -> memref<10240x64xf32, #tpu.memory_space<hbm>>
      %dma_wait3A_210 = tpu.memref_slice %arg10[%dma_wait3A_199] : memref<4x!tpu.dma_semaphore, #tpu.memory_space<semaphore_mem>> -> memref<1x!tpu.dma_semaphore, #tpu.memory_space<semaphore_mem>>
      %dma_wait3A_211 = tpu.memref_squeeze %dma_wait3A_210 : memref<1x!tpu.dma_semaphore, #tpu.memory_space<semaphore_mem>> -> memref<!tpu.dma_semaphore, #tpu.memory_space<semaphore_mem>>
      tpu.wait_indirect_dma semaphore(%dma_wait3A_211 : memref<!tpu.dma_semaphore, #tpu.memory_space<semaphore_mem>>) src(%dma_wait3A_209 : memref<10240x64xf32, #tpu.memory_space<hbm>>) dst(%dma_wait3A_203 : memref<128x64xf32, #tpu.memory_space<vmem>>)
      %run_scoped3A_212 = arith.constant 1 : i32
      "tpu.region"() ({
        %run_scoped3A_300 = tpu.sem_alloc : memref<!tpu.dma_semaphore, #tpu.memory_space<semaphore_mem>>
        %dma_start3A_301 = arith.constant 0 : i32
        %dma_start3A_302 = arith.constant 0 : i32
        %dma_start3A_303 = tpu.memref_slice %arg7[%run_scoped3A_212, %dma_start3A_301, %dma_start3A_302] : memref<4x128x64xf32, #tpu.memory_space<vmem>> -> memref<1x128x64xf32, #tpu.memory_space<vmem>>
        %dma_start3A_304 = tpu.memref_squeeze %dma_start3A_303 : memref<1x128x64xf32, #tpu.memory_space<vmem>> -> memref<128x64xf32, #tpu.memory_space<vmem>>
        %dma_start3A_305 = arith.constant 0 : i32
        %dma_start3A_306 = tpu.memref_slice %arg6[%add3A_197, %dma_start3A_305] : memref<80x128xi32, #tpu.memory_space<vmem>> -> memref<1x128xi32, #tpu.memory_space<vmem>>
        %dma_start3A_307 = tpu.memref_squeeze %dma_start3A_306 : memref<1x128xi32, #tpu.memory_space<vmem>> -> memref<128xi32, #tpu.memory_space<vmem>>
        %dma_start3A_308 = arith.constant 0 : i32
        %dma_start3A_309 = arith.constant 0 : i32
        %dma_start3A_310 = tpu.memref_slice %arg9[%dma_start3A_308, %dma_start3A_309] : memref<10240x64xf32, #tpu.memory_space<vmem_shared>> -> memref<10240x64xf32, #tpu.memory_space<vmem_shared>>
        tpu.enqueue_indirect_dma source(%dma_start3A_304 : memref<128x64xf32, #tpu.memory_space<vmem>>) target(%dma_start3A_310 : memref<10240x64xf32, #tpu.memory_space<vmem_shared>>) offsets(%dma_start3A_307 : memref<128xi32, #tpu.memory_space<vmem>>) semaphore(%run_scoped3A_300 : memref<!tpu.dma_semaphore, #tpu.memory_space<semaphore_mem>>) {add = true}
        %dma_wait3A_311 = arith.constant 0 : i32
        %dma_wait3A_312 = arith.constant 0 : i32
        %dma_wait3A_313 = tpu.memref_slice %arg7[%run_scoped3A_212, %dma_wait3A_311, %dma_wait3A_312] : memref<4x128x64xf32, #tpu.memory_space<vmem>> -> memref<1x128x64xf32, #tpu.memory_space<vmem>>
        %dma_wait3A_314 = tpu.memref_squeeze %dma_wait3A_313 : memref<1x128x64xf32, #tpu.memory_space<vmem>> -> memref<128x64xf32, #tpu.memory_space<vmem>>
        %dma_wait3A_315 = arith.constant 0 : i32
        %dma_wait3A_316 = tpu.memref_slice %arg6[%add3A_197, %dma_wait3A_315] : memref<80x128xi32, #tpu.memory_space<vmem>> -> memref<1x128xi32, #tpu.memory_space<vmem>>
        %dma_wait3A_317 = tpu.memref_squeeze %dma_wait3A_316 : memref<1x128xi32, #tpu.memory_space<vmem>> -> memref<128xi32, #tpu.memory_space<vmem>>
        %dma_wait3A_318 = arith.constant 0 : i32
        %dma_wait3A_319 = arith.constant 0 : i32
        %dma_wait3A_320 = tpu.memref_slice %arg9[%dma_wait3A_318, %dma_wait3A_319] : memref<10240x64xf32, #tpu.memory_space<vmem_shared>> -> memref<10240x64xf32, #tpu.memory_space<vmem_shared>>
        tpu.wait_indirect_dma semaphore(%run_scoped3A_300 : memref<!tpu.dma_semaphore, #tpu.memory_space<semaphore_mem>>) src(%dma_wait3A_314 : memref<128x64xf32, #tpu.memory_space<vmem>>) dst(%dma_wait3A_320 : memref<10240x64xf32, #tpu.memory_space<vmem_shared>>)
        tpu.yield
      }) : () -> ()
      %add3A_213 = arith.constant 4 : i32
      %add3A_214 = arith.addi %add3A_197, %add3A_213 : i32
      %dma_start3A_215 = arith.constant 1 : i32
      %dma_start3A_216 = arith.constant 1 : i32
      %dma_start3A_217 = arith.constant 0 : i32
      %dma_start3A_218 = arith.constant 0 : i32
      %dma_start3A_219 = tpu.memref_slice %arg7[%dma_start3A_215, %dma_start3A_217, %dma_start3A_218] : memref<4x128x64xf32, #tpu.memory_space<vmem>> -> memref<1x128x64xf32, #tpu.memory_space<vmem>>
      %dma_start3A_220 = tpu.memref_squeeze %dma_start3A_219 : memref<1x128x64xf32, #tpu.memory_space<vmem>> -> memref<128x64xf32, #tpu.memory_space<vmem>>
      %dma_start3A_221 = arith.constant 0 : i32
      %dma_start3A_222 = tpu.memref_slice %arg5[%add3A_214, %dma_start3A_221] : memref<80x128xi32, #tpu.memory_space<vmem>> -> memref<1x128xi32, #tpu.memory_space<vmem>>
      %dma_start3A_223 = tpu.memref_squeeze %dma_start3A_222 : memref<1x128xi32, #tpu.memory_space<vmem>> -> memref<128xi32, #tpu.memory_space<vmem>>
      %dma_start3A_224 = arith.constant 0 : i32
      %dma_start3A_225 = arith.constant 0 : i32
      %dma_start3A_226 = tpu.memref_slice %arg2[%dma_start3A_224, %dma_start3A_225] : memref<10240x64xf32, #tpu.memory_space<hbm>> -> memref<10240x64xf32, #tpu.memory_space<hbm>>
      %dma_start3A_227 = tpu.memref_slice %arg10[%dma_start3A_216] : memref<4x!tpu.dma_semaphore, #tpu.memory_space<semaphore_mem>> -> memref<1x!tpu.dma_semaphore, #tpu.memory_space<semaphore_mem>>
      %dma_start3A_228 = tpu.memref_squeeze %dma_start3A_227 : memref<1x!tpu.dma_semaphore, #tpu.memory_space<semaphore_mem>> -> memref<!tpu.dma_semaphore, #tpu.memory_space<semaphore_mem>>
      tpu.enqueue_indirect_dma source(%dma_start3A_226 : memref<10240x64xf32, #tpu.memory_space<hbm>>) target(%dma_start3A_220 : memref<128x64xf32, #tpu.memory_space<vmem>>) offsets(%dma_start3A_223 : memref<128xi32, #tpu.memory_space<vmem>>) semaphore(%dma_start3A_228 : memref<!tpu.dma_semaphore, #tpu.memory_space<semaphore_mem>>)
      %mul3A_229 = arith.constant 4 : i32
      %mul3A_230 = arith.muli %scan3A_157, %mul3A_229 : i32
      %add3A_231 = arith.constant 2 : i32
      %add3A_232 = arith.addi %mul3A_230, %add3A_231 : i32
      %dma_wait3A_233 = arith.constant 2 : i32
      %dma_wait3A_234 = arith.constant 2 : i32
      %dma_wait3A_235 = arith.constant 0 : i32
      %dma_wait3A_236 = arith.constant 0 : i32
      %dma_wait3A_237 = tpu.memref_slice %arg7[%dma_wait3A_233, %dma_wait3A_235, %dma_wait3A_236] : memref<4x128x64xf32, #tpu.memory_space<vmem>> -> memref<1x128x64xf32, #tpu.memory_space<vmem>>
      %dma_wait3A_238 = tpu.memref_squeeze %dma_wait3A_237 : memref<1x128x64xf32, #tpu.memory_space<vmem>> -> memref<128x64xf32, #tpu.memory_space<vmem>>
      %dma_wait3A_239 = arith.constant 0 : i32
      %dma_wait3A_240 = tpu.memref_slice %arg5[%add3A_232, %dma_wait3A_239] : memref<80x128xi32, #tpu.memory_space<vmem>> -> memref<1x128xi32, #tpu.memory_space<vmem>>
      %dma_wait3A_241 = tpu.memref_squeeze %dma_wait3A_240 : memref<1x128xi32, #tpu.memory_space<vmem>> -> memref<128xi32, #tpu.memory_space<vmem>>
      %dma_wait3A_242 = arith.constant 0 : i32
      %dma_wait3A_243 = arith.constant 0 : i32
      %dma_wait3A_244 = tpu.memref_slice %arg2[%dma_wait3A_242, %dma_wait3A_243] : memref<10240x64xf32, #tpu.memory_space<hbm>> -> memref<10240x64xf32, #tpu.memory_space<hbm>>
      %dma_wait3A_245 = tpu.memref_slice %arg10[%dma_wait3A_234] : memref<4x!tpu.dma_semaphore, #tpu.memory_space<semaphore_mem>> -> memref<1x!tpu.dma_semaphore, #tpu.memory_space<semaphore_mem>>
      %dma_wait3A_246 = tpu.memref_squeeze %dma_wait3A_245 : memref<1x!tpu.dma_semaphore, #tpu.memory_space<semaphore_mem>> -> memref<!tpu.dma_semaphore, #tpu.memory_space<semaphore_mem>>
      tpu.wait_indirect_dma semaphore(%dma_wait3A_246 : memref<!tpu.dma_semaphore, #tpu.memory_space<semaphore_mem>>) src(%dma_wait3A_244 : memref<10240x64xf32, #tpu.memory_space<hbm>>) dst(%dma_wait3A_238 : memref<128x64xf32, #tpu.memory_space<vmem>>)
      %run_scoped3A_247 = arith.constant 2 : i32
      "tpu.region"() ({
        %run_scoped3A_300 = tpu.sem_alloc : memref<!tpu.dma_semaphore, #tpu.memory_space<semaphore_mem>>
        %dma_start3A_301 = arith.constant 0 : i32
        %dma_start3A_302 = arith.constant 0 : i32
        %dma_start3A_303 = tpu.memref_slice %arg7[%run_scoped3A_247, %dma_start3A_301, %dma_start3A_302] : memref<4x128x64xf32, #tpu.memory_space<vmem>> -> memref<1x128x64xf32, #tpu.memory_space<vmem>>
        %dma_start3A_304 = tpu.memref_squeeze %dma_start3A_303 : memref<1x128x64xf32, #tpu.memory_space<vmem>> -> memref<128x64xf32, #tpu.memory_space<vmem>>
        %dma_start3A_305 = arith.constant 0 : i32
        %dma_start3A_306 = tpu.memref_slice %arg6[%add3A_232, %dma_start3A_305] : memref<80x128xi32, #tpu.memory_space<vmem>> -> memref<1x128xi32, #tpu.memory_space<vmem>>
        %dma_start3A_307 = tpu.memref_squeeze %dma_start3A_306 : memref<1x128xi32, #tpu.memory_space<vmem>> -> memref<128xi32, #tpu.memory_space<vmem>>
        %dma_start3A_308 = arith.constant 0 : i32
        %dma_start3A_309 = arith.constant 0 : i32
        %dma_start3A_310 = tpu.memref_slice %arg9[%dma_start3A_308, %dma_start3A_309] : memref<10240x64xf32, #tpu.memory_space<vmem_shared>> -> memref<10240x64xf32, #tpu.memory_space<vmem_shared>>
        tpu.enqueue_indirect_dma source(%dma_start3A_304 : memref<128x64xf32, #tpu.memory_space<vmem>>) target(%dma_start3A_310 : memref<10240x64xf32, #tpu.memory_space<vmem_shared>>) offsets(%dma_start3A_307 : memref<128xi32, #tpu.memory_space<vmem>>) semaphore(%run_scoped3A_300 : memref<!tpu.dma_semaphore, #tpu.memory_space<semaphore_mem>>) {add = true}
        %dma_wait3A_311 = arith.constant 0 : i32
        %dma_wait3A_312 = arith.constant 0 : i32
        %dma_wait3A_313 = tpu.memref_slice %arg7[%run_scoped3A_247, %dma_wait3A_311, %dma_wait3A_312] : memref<4x128x64xf32, #tpu.memory_space<vmem>> -> memref<1x128x64xf32, #tpu.memory_space<vmem>>
        %dma_wait3A_314 = tpu.memref_squeeze %dma_wait3A_313 : memref<1x128x64xf32, #tpu.memory_space<vmem>> -> memref<128x64xf32, #tpu.memory_space<vmem>>
        %dma_wait3A_315 = arith.constant 0 : i32
        %dma_wait3A_316 = tpu.memref_slice %arg6[%add3A_232, %dma_wait3A_315] : memref<80x128xi32, #tpu.memory_space<vmem>> -> memref<1x128xi32, #tpu.memory_space<vmem>>
        %dma_wait3A_317 = tpu.memref_squeeze %dma_wait3A_316 : memref<1x128xi32, #tpu.memory_space<vmem>> -> memref<128xi32, #tpu.memory_space<vmem>>
        %dma_wait3A_318 = arith.constant 0 : i32
        %dma_wait3A_319 = arith.constant 0 : i32
        %dma_wait3A_320 = tpu.memref_slice %arg9[%dma_wait3A_318, %dma_wait3A_319] : memref<10240x64xf32, #tpu.memory_space<vmem_shared>> -> memref<10240x64xf32, #tpu.memory_space<vmem_shared>>
        tpu.wait_indirect_dma semaphore(%run_scoped3A_300 : memref<!tpu.dma_semaphore, #tpu.memory_space<semaphore_mem>>) src(%dma_wait3A_314 : memref<128x64xf32, #tpu.memory_space<vmem>>) dst(%dma_wait3A_320 : memref<10240x64xf32, #tpu.memory_space<vmem_shared>>)
        tpu.yield
      }) : () -> ()
      %add3A_248 = arith.constant 4 : i32
      %add3A_249 = arith.addi %add3A_232, %add3A_248 : i32
      %dma_start3A_250 = arith.constant 2 : i32
      %dma_start3A_251 = arith.constant 2 : i32
      %dma_start3A_252 = arith.constant 0 : i32
      %dma_start3A_253 = arith.constant 0 : i32
      %dma_start3A_254 = tpu.memref_slice %arg7[%dma_start3A_250, %dma_start3A_252, %dma_start3A_253] : memref<4x128x64xf32, #tpu.memory_space<vmem>> -> memref<1x128x64xf32, #tpu.memory_space<vmem>>
      %dma_start3A_255 = tpu.memref_squeeze %dma_start3A_254 : memref<1x128x64xf32, #tpu.memory_space<vmem>> -> memref<128x64xf32, #tpu.memory_space<vmem>>
      %dma_start3A_256 = arith.constant 0 : i32
      %dma_start3A_257 = tpu.memref_slice %arg5[%add3A_249, %dma_start3A_256] : memref<80x128xi32, #tpu.memory_space<vmem>> -> memref<1x128xi32, #tpu.memory_space<vmem>>
      %dma_start3A_258 = tpu.memref_squeeze %dma_start3A_257 : memref<1x128xi32, #tpu.memory_space<vmem>> -> memref<128xi32, #tpu.memory_space<vmem>>
      %dma_start3A_259 = arith.constant 0 : i32
      %dma_start3A_260 = arith.constant 0 : i32
      %dma_start3A_261 = tpu.memref_slice %arg2[%dma_start3A_259, %dma_start3A_260] : memref<10240x64xf32, #tpu.memory_space<hbm>> -> memref<10240x64xf32, #tpu.memory_space<hbm>>
      %dma_start3A_262 = tpu.memref_slice %arg10[%dma_start3A_251] : memref<4x!tpu.dma_semaphore, #tpu.memory_space<semaphore_mem>> -> memref<1x!tpu.dma_semaphore, #tpu.memory_space<semaphore_mem>>
      %dma_start3A_263 = tpu.memref_squeeze %dma_start3A_262 : memref<1x!tpu.dma_semaphore, #tpu.memory_space<semaphore_mem>> -> memref<!tpu.dma_semaphore, #tpu.memory_space<semaphore_mem>>
      tpu.enqueue_indirect_dma source(%dma_start3A_261 : memref<10240x64xf32, #tpu.memory_space<hbm>>) target(%dma_start3A_255 : memref<128x64xf32, #tpu.memory_space<vmem>>) offsets(%dma_start3A_258 : memref<128xi32, #tpu.memory_space<vmem>>) semaphore(%dma_start3A_263 : memref<!tpu.dma_semaphore, #tpu.memory_space<semaphore_mem>>)
      %mul3A_264 = arith.constant 4 : i32
      %mul3A_265 = arith.muli %scan3A_157, %mul3A_264 : i32
      %add3A_266 = arith.constant 3 : i32
      %add3A_267 = arith.addi %mul3A_265, %add3A_266 : i32
      %dma_wait3A_268 = arith.constant 3 : i32
      %dma_wait3A_269 = arith.constant 3 : i32
      %dma_wait3A_270 = arith.constant 0 : i32
      %dma_wait3A_271 = arith.constant 0 : i32
      %dma_wait3A_272 = tpu.memref_slice %arg7[%dma_wait3A_268, %dma_wait3A_270, %dma_wait3A_271] : memref<4x128x64xf32, #tpu.memory_space<vmem>> -> memref<1x128x64xf32, #tpu.memory_space<vmem>>
      %dma_wait3A_273 = tpu.memref_squeeze %dma_wait3A_272 : memref<1x128x64xf32, #tpu.memory_space<vmem>> -> memref<128x64xf32, #tpu.memory_space<vmem>>
      %dma_wait3A_274 = arith.constant 0 : i32
      %dma_wait3A_275 = tpu.memref_slice %arg5[%add3A_267, %dma_wait3A_274] : memref<80x128xi32, #tpu.memory_space<vmem>> -> memref<1x128xi32, #tpu.memory_space<vmem>>
      %dma_wait3A_276 = tpu.memref_squeeze %dma_wait3A_275 : memref<1x128xi32, #tpu.memory_space<vmem>> -> memref<128xi32, #tpu.memory_space<vmem>>
      %dma_wait3A_277 = arith.constant 0 : i32
      %dma_wait3A_278 = arith.constant 0 : i32
      %dma_wait3A_279 = tpu.memref_slice %arg2[%dma_wait3A_277, %dma_wait3A_278] : memref<10240x64xf32, #tpu.memory_space<hbm>> -> memref<10240x64xf32, #tpu.memory_space<hbm>>
      %dma_wait3A_280 = tpu.memref_slice %arg10[%dma_wait3A_269] : memref<4x!tpu.dma_semaphore, #tpu.memory_space<semaphore_mem>> -> memref<1x!tpu.dma_semaphore, #tpu.memory_space<semaphore_mem>>
      %dma_wait3A_281 = tpu.memref_squeeze %dma_wait3A_280 : memref<1x!tpu.dma_semaphore, #tpu.memory_space<semaphore_mem>> -> memref<!tpu.dma_semaphore, #tpu.memory_space<semaphore_mem>>
      tpu.wait_indirect_dma semaphore(%dma_wait3A_281 : memref<!tpu.dma_semaphore, #tpu.memory_space<semaphore_mem>>) src(%dma_wait3A_279 : memref<10240x64xf32, #tpu.memory_space<hbm>>) dst(%dma_wait3A_273 : memref<128x64xf32, #tpu.memory_space<vmem>>)
      %run_scoped3A_282 = arith.constant 3 : i32
      "tpu.region"() ({
        %run_scoped3A_300 = tpu.sem_alloc : memref<!tpu.dma_semaphore, #tpu.memory_space<semaphore_mem>>
        %dma_start3A_301 = arith.constant 0 : i32
        %dma_start3A_302 = arith.constant 0 : i32
        %dma_start3A_303 = tpu.memref_slice %arg7[%run_scoped3A_282, %dma_start3A_301, %dma_start3A_302] : memref<4x128x64xf32, #tpu.memory_space<vmem>> -> memref<1x128x64xf32, #tpu.memory_space<vmem>>
        %dma_start3A_304 = tpu.memref_squeeze %dma_start3A_303 : memref<1x128x64xf32, #tpu.memory_space<vmem>> -> memref<128x64xf32, #tpu.memory_space<vmem>>
        %dma_start3A_305 = arith.constant 0 : i32
        %dma_start3A_306 = tpu.memref_slice %arg6[%add3A_267, %dma_start3A_305] : memref<80x128xi32, #tpu.memory_space<vmem>> -> memref<1x128xi32, #tpu.memory_space<vmem>>
        %dma_start3A_307 = tpu.memref_squeeze %dma_start3A_306 : memref<1x128xi32, #tpu.memory_space<vmem>> -> memref<128xi32, #tpu.memory_space<vmem>>
        %dma_start3A_308 = arith.constant 0 : i32
        %dma_start3A_309 = arith.constant 0 : i32
        %dma_start3A_310 = tpu.memref_slice %arg9[%dma_start3A_308, %dma_start3A_309] : memref<10240x64xf32, #tpu.memory_space<vmem_shared>> -> memref<10240x64xf32, #tpu.memory_space<vmem_shared>>
        tpu.enqueue_indirect_dma source(%dma_start3A_304 : memref<128x64xf32, #tpu.memory_space<vmem>>) target(%dma_start3A_310 : memref<10240x64xf32, #tpu.memory_space<vmem_shared>>) offsets(%dma_start3A_307 : memref<128xi32, #tpu.memory_space<vmem>>) semaphore(%run_scoped3A_300 : memref<!tpu.dma_semaphore, #tpu.memory_space<semaphore_mem>>) {add = true}
        %dma_wait3A_311 = arith.constant 0 : i32
        %dma_wait3A_312 = arith.constant 0 : i32
        %dma_wait3A_313 = tpu.memref_slice %arg7[%run_scoped3A_282, %dma_wait3A_311, %dma_wait3A_312] : memref<4x128x64xf32, #tpu.memory_space<vmem>> -> memref<1x128x64xf32, #tpu.memory_space<vmem>>
        %dma_wait3A_314 = tpu.memref_squeeze %dma_wait3A_313 : memref<1x128x64xf32, #tpu.memory_space<vmem>> -> memref<128x64xf32, #tpu.memory_space<vmem>>
        %dma_wait3A_315 = arith.constant 0 : i32
        %dma_wait3A_316 = tpu.memref_slice %arg6[%add3A_267, %dma_wait3A_315] : memref<80x128xi32, #tpu.memory_space<vmem>> -> memref<1x128xi32, #tpu.memory_space<vmem>>
        %dma_wait3A_317 = tpu.memref_squeeze %dma_wait3A_316 : memref<1x128xi32, #tpu.memory_space<vmem>> -> memref<128xi32, #tpu.memory_space<vmem>>
        %dma_wait3A_318 = arith.constant 0 : i32
        %dma_wait3A_319 = arith.constant 0 : i32
        %dma_wait3A_320 = tpu.memref_slice %arg9[%dma_wait3A_318, %dma_wait3A_319] : memref<10240x64xf32, #tpu.memory_space<vmem_shared>> -> memref<10240x64xf32, #tpu.memory_space<vmem_shared>>
        tpu.wait_indirect_dma semaphore(%run_scoped3A_300 : memref<!tpu.dma_semaphore, #tpu.memory_space<semaphore_mem>>) src(%dma_wait3A_314 : memref<128x64xf32, #tpu.memory_space<vmem>>) dst(%dma_wait3A_320 : memref<10240x64xf32, #tpu.memory_space<vmem_shared>>)
        tpu.yield
      }) : () -> ()
      %add3A_283 = arith.constant 4 : i32
      %add3A_284 = arith.addi %add3A_267, %add3A_283 : i32
      %dma_start3A_285 = arith.constant 3 : i32
      %dma_start3A_286 = arith.constant 3 : i32
      %dma_start3A_287 = arith.constant 0 : i32
      %dma_start3A_288 = arith.constant 0 : i32
      %dma_start3A_289 = tpu.memref_slice %arg7[%dma_start3A_285, %dma_start3A_287, %dma_start3A_288] : memref<4x128x64xf32, #tpu.memory_space<vmem>> -> memref<1x128x64xf32, #tpu.memory_space<vmem>>
      %dma_start3A_290 = tpu.memref_squeeze %dma_start3A_289 : memref<1x128x64xf32, #tpu.memory_space<vmem>> -> memref<128x64xf32, #tpu.memory_space<vmem>>
      %dma_start3A_291 = arith.constant 0 : i32
      %dma_start3A_292 = tpu.memref_slice %arg5[%add3A_284, %dma_start3A_291] : memref<80x128xi32, #tpu.memory_space<vmem>> -> memref<1x128xi32, #tpu.memory_space<vmem>>
      %dma_start3A_293 = tpu.memref_squeeze %dma_start3A_292 : memref<1x128xi32, #tpu.memory_space<vmem>> -> memref<128xi32, #tpu.memory_space<vmem>>
      %dma_start3A_294 = arith.constant 0 : i32
      %dma_start3A_295 = arith.constant 0 : i32
      %dma_start3A_296 = tpu.memref_slice %arg2[%dma_start3A_294, %dma_start3A_295] : memref<10240x64xf32, #tpu.memory_space<hbm>> -> memref<10240x64xf32, #tpu.memory_space<hbm>>
      %dma_start3A_297 = tpu.memref_slice %arg10[%dma_start3A_286] : memref<4x!tpu.dma_semaphore, #tpu.memory_space<semaphore_mem>> -> memref<1x!tpu.dma_semaphore, #tpu.memory_space<semaphore_mem>>
      %dma_start3A_298 = tpu.memref_squeeze %dma_start3A_297 : memref<1x!tpu.dma_semaphore, #tpu.memory_space<semaphore_mem>> -> memref<!tpu.dma_semaphore, #tpu.memory_space<semaphore_mem>>
      tpu.enqueue_indirect_dma source(%dma_start3A_296 : memref<10240x64xf32, #tpu.memory_space<hbm>>) target(%dma_start3A_290 : memref<128x64xf32, #tpu.memory_space<vmem>>) offsets(%dma_start3A_293 : memref<128xi32, #tpu.memory_space<vmem>>) semaphore(%dma_start3A_298 : memref<!tpu.dma_semaphore, #tpu.memory_space<semaphore_mem>>)
      %scan3A_299 = arith.constant 0 : i32
      scf.yield %scan3A_299 : i32
    }
    %scan3A_88 = arith.constant 19 : i32
    %dma_wait3A = arith.constant 76 : i32
    %dma_wait3A_89 = arith.constant 0 : i32
    %dma_wait3A_90 = arith.constant 0 : i32
    %dma_wait3A_91 = arith.constant 0 : i32
    %dma_wait3A_92 = arith.constant 0 : i32
    %dma_wait3A_93 = tpu.memref_slice %arg7[%dma_wait3A_89, %dma_wait3A_91, %dma_wait3A_92] : memref<4x128x64xf32, #tpu.memory_space<vmem>> -> memref<1x128x64xf32, #tpu.memory_space<vmem>>
    %dma_wait3A_94 = tpu.memref_squeeze %dma_wait3A_93 : memref<1x128x64xf32, #tpu.memory_space<vmem>> -> memref<128x64xf32, #tpu.memory_space<vmem>>
    %dma_wait3A_95 = arith.constant 0 : i32
    %dma_wait3A_96 = tpu.memref_slice %arg5[%dma_wait3A, %dma_wait3A_95] : memref<80x128xi32, #tpu.memory_space<vmem>> -> memref<1x128xi32, #tpu.memory_space<vmem>>
    %dma_wait3A_97 = tpu.memref_squeeze %dma_wait3A_96 : memref<1x128xi32, #tpu.memory_space<vmem>> -> memref<128xi32, #tpu.memory_space<vmem>>
    %dma_wait3A_98 = arith.constant 0 : i32
    %dma_wait3A_99 = arith.constant 0 : i32
    %dma_wait3A_100 = tpu.memref_slice %arg2[%dma_wait3A_98, %dma_wait3A_99] : memref<10240x64xf32, #tpu.memory_space<hbm>> -> memref<10240x64xf32, #tpu.memory_space<hbm>>
    %dma_wait3A_101 = tpu.memref_slice %arg10[%dma_wait3A_90] : memref<4x!tpu.dma_semaphore, #tpu.memory_space<semaphore_mem>> -> memref<1x!tpu.dma_semaphore, #tpu.memory_space<semaphore_mem>>
    %dma_wait3A_102 = tpu.memref_squeeze %dma_wait3A_101 : memref<1x!tpu.dma_semaphore, #tpu.memory_space<semaphore_mem>> -> memref<!tpu.dma_semaphore, #tpu.memory_space<semaphore_mem>>
    tpu.wait_indirect_dma semaphore(%dma_wait3A_102 : memref<!tpu.dma_semaphore, #tpu.memory_space<semaphore_mem>>) src(%dma_wait3A_100 : memref<10240x64xf32, #tpu.memory_space<hbm>>) dst(%dma_wait3A_94 : memref<128x64xf32, #tpu.memory_space<vmem>>)
    %run_scoped3A_103 = arith.constant 0 : i32
    %run_scoped3A_104 = arith.constant 76 : i32
    "tpu.region"() ({
      %run_scoped3A_157 = tpu.sem_alloc : memref<!tpu.dma_semaphore, #tpu.memory_space<semaphore_mem>>
      %dma_start3A_158 = arith.constant 0 : i32
      %dma_start3A_159 = arith.constant 0 : i32
      %dma_start3A_160 = tpu.memref_slice %arg7[%run_scoped3A_103, %dma_start3A_158, %dma_start3A_159] : memref<4x128x64xf32, #tpu.memory_space<vmem>> -> memref<1x128x64xf32, #tpu.memory_space<vmem>>
      %dma_start3A_161 = tpu.memref_squeeze %dma_start3A_160 : memref<1x128x64xf32, #tpu.memory_space<vmem>> -> memref<128x64xf32, #tpu.memory_space<vmem>>
      %dma_start3A_162 = arith.constant 0 : i32
      %dma_start3A_163 = tpu.memref_slice %arg6[%run_scoped3A_104, %dma_start3A_162] : memref<80x128xi32, #tpu.memory_space<vmem>> -> memref<1x128xi32, #tpu.memory_space<vmem>>
      %dma_start3A_164 = tpu.memref_squeeze %dma_start3A_163 : memref<1x128xi32, #tpu.memory_space<vmem>> -> memref<128xi32, #tpu.memory_space<vmem>>
      %dma_start3A_165 = arith.constant 0 : i32
      %dma_start3A_166 = arith.constant 0 : i32
      %dma_start3A_167 = tpu.memref_slice %arg9[%dma_start3A_165, %dma_start3A_166] : memref<10240x64xf32, #tpu.memory_space<vmem_shared>> -> memref<10240x64xf32, #tpu.memory_space<vmem_shared>>
      tpu.enqueue_indirect_dma source(%dma_start3A_161 : memref<128x64xf32, #tpu.memory_space<vmem>>) target(%dma_start3A_167 : memref<10240x64xf32, #tpu.memory_space<vmem_shared>>) offsets(%dma_start3A_164 : memref<128xi32, #tpu.memory_space<vmem>>) semaphore(%run_scoped3A_157 : memref<!tpu.dma_semaphore, #tpu.memory_space<semaphore_mem>>) {add = true}
      %dma_wait3A_168 = arith.constant 0 : i32
      %dma_wait3A_169 = arith.constant 0 : i32
      %dma_wait3A_170 = tpu.memref_slice %arg7[%run_scoped3A_103, %dma_wait3A_168, %dma_wait3A_169] : memref<4x128x64xf32, #tpu.memory_space<vmem>> -> memref<1x128x64xf32, #tpu.memory_space<vmem>>
      %dma_wait3A_171 = tpu.memref_squeeze %dma_wait3A_170 : memref<1x128x64xf32, #tpu.memory_space<vmem>> -> memref<128x64xf32, #tpu.memory_space<vmem>>
      %dma_wait3A_172 = arith.constant 0 : i32
      %dma_wait3A_173 = tpu.memref_slice %arg6[%run_scoped3A_104, %dma_wait3A_172] : memref<80x128xi32, #tpu.memory_space<vmem>> -> memref<1x128xi32, #tpu.memory_space<vmem>>
      %dma_wait3A_174 = tpu.memref_squeeze %dma_wait3A_173 : memref<1x128xi32, #tpu.memory_space<vmem>> -> memref<128xi32, #tpu.memory_space<vmem>>
      %dma_wait3A_175 = arith.constant 0 : i32
      %dma_wait3A_176 = arith.constant 0 : i32
      %dma_wait3A_177 = tpu.memref_slice %arg9[%dma_wait3A_175, %dma_wait3A_176] : memref<10240x64xf32, #tpu.memory_space<vmem_shared>> -> memref<10240x64xf32, #tpu.memory_space<vmem_shared>>
      tpu.wait_indirect_dma semaphore(%run_scoped3A_157 : memref<!tpu.dma_semaphore, #tpu.memory_space<semaphore_mem>>) src(%dma_wait3A_171 : memref<128x64xf32, #tpu.memory_space<vmem>>) dst(%dma_wait3A_177 : memref<10240x64xf32, #tpu.memory_space<vmem_shared>>)
      tpu.yield
    }) : () -> ()
    %dma_wait3A_105 = arith.constant 77 : i32
    %dma_wait3A_106 = arith.constant 1 : i32
    %dma_wait3A_107 = arith.constant 1 : i32
    %dma_wait3A_108 = arith.constant 0 : i32
    %dma_wait3A_109 = arith.constant 0 : i32
    %dma_wait3A_110 = tpu.memref_slice %arg7[%dma_wait3A_106, %dma_wait3A_108, %dma_wait3A_109] : memref<4x128x64xf32, #tpu.memory_space<vmem>> -> memref<1x128x64xf32, #tpu.memory_space<vmem>>
    %dma_wait3A_111 = tpu.memref_squeeze %dma_wait3A_110 : memref<1x128x64xf32, #tpu.memory_space<vmem>> -> memref<128x64xf32, #tpu.memory_space<vmem>>
    %dma_wait3A_112 = arith.constant 0 : i32
    %dma_wait3A_113 = tpu.memref_slice %arg5[%dma_wait3A_105, %dma_wait3A_112] : memref<80x128xi32, #tpu.memory_space<vmem>> -> memref<1x128xi32, #tpu.memory_space<vmem>>
    %dma_wait3A_114 = tpu.memref_squeeze %dma_wait3A_113 : memref<1x128xi32, #tpu.memory_space<vmem>> -> memref<128xi32, #tpu.memory_space<vmem>>
    %dma_wait3A_115 = arith.constant 0 : i32
    %dma_wait3A_116 = arith.constant 0 : i32
    %dma_wait3A_117 = tpu.memref_slice %arg2[%dma_wait3A_115, %dma_wait3A_116] : memref<10240x64xf32, #tpu.memory_space<hbm>> -> memref<10240x64xf32, #tpu.memory_space<hbm>>
    %dma_wait3A_118 = tpu.memref_slice %arg10[%dma_wait3A_107] : memref<4x!tpu.dma_semaphore, #tpu.memory_space<semaphore_mem>> -> memref<1x!tpu.dma_semaphore, #tpu.memory_space<semaphore_mem>>
    %dma_wait3A_119 = tpu.memref_squeeze %dma_wait3A_118 : memref<1x!tpu.dma_semaphore, #tpu.memory_space<semaphore_mem>> -> memref<!tpu.dma_semaphore, #tpu.memory_space<semaphore_mem>>
    tpu.wait_indirect_dma semaphore(%dma_wait3A_119 : memref<!tpu.dma_semaphore, #tpu.memory_space<semaphore_mem>>) src(%dma_wait3A_117 : memref<10240x64xf32, #tpu.memory_space<hbm>>) dst(%dma_wait3A_111 : memref<128x64xf32, #tpu.memory_space<vmem>>)
    %run_scoped3A_120 = arith.constant 1 : i32
    %run_scoped3A_121 = arith.constant 77 : i32
    "tpu.region"() ({
      %run_scoped3A_157 = tpu.sem_alloc : memref<!tpu.dma_semaphore, #tpu.memory_space<semaphore_mem>>
      %dma_start3A_158 = arith.constant 0 : i32
      %dma_start3A_159 = arith.constant 0 : i32
      %dma_start3A_160 = tpu.memref_slice %arg7[%run_scoped3A_120, %dma_start3A_158, %dma_start3A_159] : memref<4x128x64xf32, #tpu.memory_space<vmem>> -> memref<1x128x64xf32, #tpu.memory_space<vmem>>
      %dma_start3A_161 = tpu.memref_squeeze %dma_start3A_160 : memref<1x128x64xf32, #tpu.memory_space<vmem>> -> memref<128x64xf32, #tpu.memory_space<vmem>>
      %dma_start3A_162 = arith.constant 0 : i32
      %dma_start3A_163 = tpu.memref_slice %arg6[%run_scoped3A_121, %dma_start3A_162] : memref<80x128xi32, #tpu.memory_space<vmem>> -> memref<1x128xi32, #tpu.memory_space<vmem>>
      %dma_start3A_164 = tpu.memref_squeeze %dma_start3A_163 : memref<1x128xi32, #tpu.memory_space<vmem>> -> memref<128xi32, #tpu.memory_space<vmem>>
      %dma_start3A_165 = arith.constant 0 : i32
      %dma_start3A_166 = arith.constant 0 : i32
      %dma_start3A_167 = tpu.memref_slice %arg9[%dma_start3A_165, %dma_start3A_166] : memref<10240x64xf32, #tpu.memory_space<vmem_shared>> -> memref<10240x64xf32, #tpu.memory_space<vmem_shared>>
      tpu.enqueue_indirect_dma source(%dma_start3A_161 : memref<128x64xf32, #tpu.memory_space<vmem>>) target(%dma_start3A_167 : memref<10240x64xf32, #tpu.memory_space<vmem_shared>>) offsets(%dma_start3A_164 : memref<128xi32, #tpu.memory_space<vmem>>) semaphore(%run_scoped3A_157 : memref<!tpu.dma_semaphore, #tpu.memory_space<semaphore_mem>>) {add = true}
      %dma_wait3A_168 = arith.constant 0 : i32
      %dma_wait3A_169 = arith.constant 0 : i32
      %dma_wait3A_170 = tpu.memref_slice %arg7[%run_scoped3A_120, %dma_wait3A_168, %dma_wait3A_169] : memref<4x128x64xf32, #tpu.memory_space<vmem>> -> memref<1x128x64xf32, #tpu.memory_space<vmem>>
      %dma_wait3A_171 = tpu.memref_squeeze %dma_wait3A_170 : memref<1x128x64xf32, #tpu.memory_space<vmem>> -> memref<128x64xf32, #tpu.memory_space<vmem>>
      %dma_wait3A_172 = arith.constant 0 : i32
      %dma_wait3A_173 = tpu.memref_slice %arg6[%run_scoped3A_121, %dma_wait3A_172] : memref<80x128xi32, #tpu.memory_space<vmem>> -> memref<1x128xi32, #tpu.memory_space<vmem>>
      %dma_wait3A_174 = tpu.memref_squeeze %dma_wait3A_173 : memref<1x128xi32, #tpu.memory_space<vmem>> -> memref<128xi32, #tpu.memory_space<vmem>>
      %dma_wait3A_175 = arith.constant 0 : i32
      %dma_wait3A_176 = arith.constant 0 : i32
      %dma_wait3A_177 = tpu.memref_slice %arg9[%dma_wait3A_175, %dma_wait3A_176] : memref<10240x64xf32, #tpu.memory_space<vmem_shared>> -> memref<10240x64xf32, #tpu.memory_space<vmem_shared>>
      tpu.wait_indirect_dma semaphore(%run_scoped3A_157 : memref<!tpu.dma_semaphore, #tpu.memory_space<semaphore_mem>>) src(%dma_wait3A_171 : memref<128x64xf32, #tpu.memory_space<vmem>>) dst(%dma_wait3A_177 : memref<10240x64xf32, #tpu.memory_space<vmem_shared>>)
      tpu.yield
    }) : () -> ()
    %dma_wait3A_122 = arith.constant 78 : i32
    %dma_wait3A_123 = arith.constant 2 : i32
    %dma_wait3A_124 = arith.constant 2 : i32
    %dma_wait3A_125 = arith.constant 0 : i32
    %dma_wait3A_126 = arith.constant 0 : i32
    %dma_wait3A_127 = tpu.memref_slice %arg7[%dma_wait3A_123, %dma_wait3A_125, %dma_wait3A_126] : memref<4x128x64xf32, #tpu.memory_space<vmem>> -> memref<1x128x64xf32, #tpu.memory_space<vmem>>
    %dma_wait3A_128 = tpu.memref_squeeze %dma_wait3A_127 : memref<1x128x64xf32, #tpu.memory_space<vmem>> -> memref<128x64xf32, #tpu.memory_space<vmem>>
    %dma_wait3A_129 = arith.constant 0 : i32
    %dma_wait3A_130 = tpu.memref_slice %arg5[%dma_wait3A_122, %dma_wait3A_129] : memref<80x128xi32, #tpu.memory_space<vmem>> -> memref<1x128xi32, #tpu.memory_space<vmem>>
    %dma_wait3A_131 = tpu.memref_squeeze %dma_wait3A_130 : memref<1x128xi32, #tpu.memory_space<vmem>> -> memref<128xi32, #tpu.memory_space<vmem>>
    %dma_wait3A_132 = arith.constant 0 : i32
    %dma_wait3A_133 = arith.constant 0 : i32
    %dma_wait3A_134 = tpu.memref_slice %arg2[%dma_wait3A_132, %dma_wait3A_133] : memref<10240x64xf32, #tpu.memory_space<hbm>> -> memref<10240x64xf32, #tpu.memory_space<hbm>>
    %dma_wait3A_135 = tpu.memref_slice %arg10[%dma_wait3A_124] : memref<4x!tpu.dma_semaphore, #tpu.memory_space<semaphore_mem>> -> memref<1x!tpu.dma_semaphore, #tpu.memory_space<semaphore_mem>>
    %dma_wait3A_136 = tpu.memref_squeeze %dma_wait3A_135 : memref<1x!tpu.dma_semaphore, #tpu.memory_space<semaphore_mem>> -> memref<!tpu.dma_semaphore, #tpu.memory_space<semaphore_mem>>
    tpu.wait_indirect_dma semaphore(%dma_wait3A_136 : memref<!tpu.dma_semaphore, #tpu.memory_space<semaphore_mem>>) src(%dma_wait3A_134 : memref<10240x64xf32, #tpu.memory_space<hbm>>) dst(%dma_wait3A_128 : memref<128x64xf32, #tpu.memory_space<vmem>>)
    %run_scoped3A_137 = arith.constant 2 : i32
    %run_scoped3A_138 = arith.constant 78 : i32
    "tpu.region"() ({
      %run_scoped3A_157 = tpu.sem_alloc : memref<!tpu.dma_semaphore, #tpu.memory_space<semaphore_mem>>
      %dma_start3A_158 = arith.constant 0 : i32
      %dma_start3A_159 = arith.constant 0 : i32
      %dma_start3A_160 = tpu.memref_slice %arg7[%run_scoped3A_137, %dma_start3A_158, %dma_start3A_159] : memref<4x128x64xf32, #tpu.memory_space<vmem>> -> memref<1x128x64xf32, #tpu.memory_space<vmem>>
      %dma_start3A_161 = tpu.memref_squeeze %dma_start3A_160 : memref<1x128x64xf32, #tpu.memory_space<vmem>> -> memref<128x64xf32, #tpu.memory_space<vmem>>
      %dma_start3A_162 = arith.constant 0 : i32
      %dma_start3A_163 = tpu.memref_slice %arg6[%run_scoped3A_138, %dma_start3A_162] : memref<80x128xi32, #tpu.memory_space<vmem>> -> memref<1x128xi32, #tpu.memory_space<vmem>>
      %dma_start3A_164 = tpu.memref_squeeze %dma_start3A_163 : memref<1x128xi32, #tpu.memory_space<vmem>> -> memref<128xi32, #tpu.memory_space<vmem>>
      %dma_start3A_165 = arith.constant 0 : i32
      %dma_start3A_166 = arith.constant 0 : i32
      %dma_start3A_167 = tpu.memref_slice %arg9[%dma_start3A_165, %dma_start3A_166] : memref<10240x64xf32, #tpu.memory_space<vmem_shared>> -> memref<10240x64xf32, #tpu.memory_space<vmem_shared>>
      tpu.enqueue_indirect_dma source(%dma_start3A_161 : memref<128x64xf32, #tpu.memory_space<vmem>>) target(%dma_start3A_167 : memref<10240x64xf32, #tpu.memory_space<vmem_shared>>) offsets(%dma_start3A_164 : memref<128xi32, #tpu.memory_space<vmem>>) semaphore(%run_scoped3A_157 : memref<!tpu.dma_semaphore, #tpu.memory_space<semaphore_mem>>) {add = true}
      %dma_wait3A_168 = arith.constant 0 : i32
      %dma_wait3A_169 = arith.constant 0 : i32
      %dma_wait3A_170 = tpu.memref_slice %arg7[%run_scoped3A_137, %dma_wait3A_168, %dma_wait3A_169] : memref<4x128x64xf32, #tpu.memory_space<vmem>> -> memref<1x128x64xf32, #tpu.memory_space<vmem>>
      %dma_wait3A_171 = tpu.memref_squeeze %dma_wait3A_170 : memref<1x128x64xf32, #tpu.memory_space<vmem>> -> memref<128x64xf32, #tpu.memory_space<vmem>>
      %dma_wait3A_172 = arith.constant 0 : i32
      %dma_wait3A_173 = tpu.memref_slice %arg6[%run_scoped3A_138, %dma_wait3A_172] : memref<80x128xi32, #tpu.memory_space<vmem>> -> memref<1x128xi32, #tpu.memory_space<vmem>>
      %dma_wait3A_174 = tpu.memref_squeeze %dma_wait3A_173 : memref<1x128xi32, #tpu.memory_space<vmem>> -> memref<128xi32, #tpu.memory_space<vmem>>
      %dma_wait3A_175 = arith.constant 0 : i32
      %dma_wait3A_176 = arith.constant 0 : i32
      %dma_wait3A_177 = tpu.memref_slice %arg9[%dma_wait3A_175, %dma_wait3A_176] : memref<10240x64xf32, #tpu.memory_space<vmem_shared>> -> memref<10240x64xf32, #tpu.memory_space<vmem_shared>>
      tpu.wait_indirect_dma semaphore(%run_scoped3A_157 : memref<!tpu.dma_semaphore, #tpu.memory_space<semaphore_mem>>) src(%dma_wait3A_171 : memref<128x64xf32, #tpu.memory_space<vmem>>) dst(%dma_wait3A_177 : memref<10240x64xf32, #tpu.memory_space<vmem_shared>>)
      tpu.yield
    }) : () -> ()
    %dma_wait3A_139 = arith.constant 79 : i32
    %dma_wait3A_140 = arith.constant 3 : i32
    %dma_wait3A_141 = arith.constant 3 : i32
    %dma_wait3A_142 = arith.constant 0 : i32
    %dma_wait3A_143 = arith.constant 0 : i32
    %dma_wait3A_144 = tpu.memref_slice %arg7[%dma_wait3A_140, %dma_wait3A_142, %dma_wait3A_143] : memref<4x128x64xf32, #tpu.memory_space<vmem>> -> memref<1x128x64xf32, #tpu.memory_space<vmem>>
    %dma_wait3A_145 = tpu.memref_squeeze %dma_wait3A_144 : memref<1x128x64xf32, #tpu.memory_space<vmem>> -> memref<128x64xf32, #tpu.memory_space<vmem>>
    %dma_wait3A_146 = arith.constant 0 : i32
    %dma_wait3A_147 = tpu.memref_slice %arg5[%dma_wait3A_139, %dma_wait3A_146] : memref<80x128xi32, #tpu.memory_space<vmem>> -> memref<1x128xi32, #tpu.memory_space<vmem>>
    %dma_wait3A_148 = tpu.memref_squeeze %dma_wait3A_147 : memref<1x128xi32, #tpu.memory_space<vmem>> -> memref<128xi32, #tpu.memory_space<vmem>>
    %dma_wait3A_149 = arith.constant 0 : i32
    %dma_wait3A_150 = arith.constant 0 : i32
    %dma_wait3A_151 = tpu.memref_slice %arg2[%dma_wait3A_149, %dma_wait3A_150] : memref<10240x64xf32, #tpu.memory_space<hbm>> -> memref<10240x64xf32, #tpu.memory_space<hbm>>
    %dma_wait3A_152 = tpu.memref_slice %arg10[%dma_wait3A_141] : memref<4x!tpu.dma_semaphore, #tpu.memory_space<semaphore_mem>> -> memref<1x!tpu.dma_semaphore, #tpu.memory_space<semaphore_mem>>
    %dma_wait3A_153 = tpu.memref_squeeze %dma_wait3A_152 : memref<1x!tpu.dma_semaphore, #tpu.memory_space<semaphore_mem>> -> memref<!tpu.dma_semaphore, #tpu.memory_space<semaphore_mem>>
    tpu.wait_indirect_dma semaphore(%dma_wait3A_153 : memref<!tpu.dma_semaphore, #tpu.memory_space<semaphore_mem>>) src(%dma_wait3A_151 : memref<10240x64xf32, #tpu.memory_space<hbm>>) dst(%dma_wait3A_145 : memref<128x64xf32, #tpu.memory_space<vmem>>)
    %run_scoped3A_154 = arith.constant 3 : i32
    %run_scoped3A_155 = arith.constant 79 : i32
    "tpu.region"() ({
      %run_scoped3A_157 = tpu.sem_alloc : memref<!tpu.dma_semaphore, #tpu.memory_space<semaphore_mem>>
      %dma_start3A_158 = arith.constant 0 : i32
      %dma_start3A_159 = arith.constant 0 : i32
      %dma_start3A_160 = tpu.memref_slice %arg7[%run_scoped3A_154, %dma_start3A_158, %dma_start3A_159] : memref<4x128x64xf32, #tpu.memory_space<vmem>> -> memref<1x128x64xf32, #tpu.memory_space<vmem>>
      %dma_start3A_161 = tpu.memref_squeeze %dma_start3A_160 : memref<1x128x64xf32, #tpu.memory_space<vmem>> -> memref<128x64xf32, #tpu.memory_space<vmem>>
      %dma_start3A_162 = arith.constant 0 : i32
      %dma_start3A_163 = tpu.memref_slice %arg6[%run_scoped3A_155, %dma_start3A_162] : memref<80x128xi32, #tpu.memory_space<vmem>> -> memref<1x128xi32, #tpu.memory_space<vmem>>
      %dma_start3A_164 = tpu.memref_squeeze %dma_start3A_163 : memref<1x128xi32, #tpu.memory_space<vmem>> -> memref<128xi32, #tpu.memory_space<vmem>>
      %dma_start3A_165 = arith.constant 0 : i32
      %dma_start3A_166 = arith.constant 0 : i32
      %dma_start3A_167 = tpu.memref_slice %arg9[%dma_start3A_165, %dma_start3A_166] : memref<10240x64xf32, #tpu.memory_space<vmem_shared>> -> memref<10240x64xf32, #tpu.memory_space<vmem_shared>>
      tpu.enqueue_indirect_dma source(%dma_start3A_161 : memref<128x64xf32, #tpu.memory_space<vmem>>) target(%dma_start3A_167 : memref<10240x64xf32, #tpu.memory_space<vmem_shared>>) offsets(%dma_start3A_164 : memref<128xi32, #tpu.memory_space<vmem>>) semaphore(%run_scoped3A_157 : memref<!tpu.dma_semaphore, #tpu.memory_space<semaphore_mem>>) {add = true}
      %dma_wait3A_168 = arith.constant 0 : i32
      %dma_wait3A_169 = arith.constant 0 : i32
      %dma_wait3A_170 = tpu.memref_slice %arg7[%run_scoped3A_154, %dma_wait3A_168, %dma_wait3A_169] : memref<4x128x64xf32, #tpu.memory_space<vmem>> -> memref<1x128x64xf32, #tpu.memory_space<vmem>>
      %dma_wait3A_171 = tpu.memref_squeeze %dma_wait3A_170 : memref<1x128x64xf32, #tpu.memory_space<vmem>> -> memref<128x64xf32, #tpu.memory_space<vmem>>
      %dma_wait3A_172 = arith.constant 0 : i32
      %dma_wait3A_173 = tpu.memref_slice %arg6[%run_scoped3A_155, %dma_wait3A_172] : memref<80x128xi32, #tpu.memory_space<vmem>> -> memref<1x128xi32, #tpu.memory_space<vmem>>
      %dma_wait3A_174 = tpu.memref_squeeze %dma_wait3A_173 : memref<1x128xi32, #tpu.memory_space<vmem>> -> memref<128xi32, #tpu.memory_space<vmem>>
      %dma_wait3A_175 = arith.constant 0 : i32
      %dma_wait3A_176 = arith.constant 0 : i32
      %dma_wait3A_177 = tpu.memref_slice %arg9[%dma_wait3A_175, %dma_wait3A_176] : memref<10240x64xf32, #tpu.memory_space<vmem_shared>> -> memref<10240x64xf32, #tpu.memory_space<vmem_shared>>
      tpu.wait_indirect_dma semaphore(%run_scoped3A_157 : memref<!tpu.dma_semaphore, #tpu.memory_space<semaphore_mem>>) src(%dma_wait3A_171 : memref<128x64xf32, #tpu.memory_space<vmem>>) dst(%dma_wait3A_177 : memref<10240x64xf32, #tpu.memory_space<vmem_shared>>)
      tpu.yield
    }) : () -> ()
    %barrier3A_156 = arith.constant 0 : index
    tpu.barrier barrier_id(%barrier3A_156)
    "tpu.region"() ({
      %run_scoped3A_157 = tpu.sem_alloc : memref<!tpu.dma_semaphore, #tpu.memory_space<semaphore_mem>>
      %dma_start3A_158 = arith.constant 0 : i32
      %dma_start3A_159 = tpu.memref_slice %arg4[%arg0, %mul3A_2, %dma_start3A_158] : memref<2x10240x64xf32, #tpu.memory_space<hbm>> -> memref<1x640x64xf32, #tpu.memory_space<hbm>>
      %dma_start3A_160 = tpu.memref_squeeze %dma_start3A_159 : memref<1x640x64xf32, #tpu.memory_space<hbm>> -> memref<640x64xf32, #tpu.memory_space<hbm>>
      %dma_start3A_161 = arith.constant 0 : i32
      %dma_start3A_162 = tpu.memref_slice %arg9[%mul3A_2, %dma_start3A_161] : memref<10240x64xf32, #tpu.memory_space<vmem_shared>> -> memref<640x64xf32, #tpu.memory_space<vmem_shared>>
      tpu.enqueue_dma source(%dma_start3A_162 : memref<640x64xf32, #tpu.memory_space<vmem_shared>>) target(%dma_start3A_160 : memref<640x64xf32, #tpu.memory_space<hbm>>) target_semaphore(%run_scoped3A_157 : memref<!tpu.dma_semaphore, #tpu.memory_space<semaphore_mem>>)
      %dma_wait3A_163 = arith.constant 0 : i32
      %dma_wait3A_164 = tpu.memref_slice %arg4[%arg0, %mul3A_2, %dma_wait3A_163] : memref<2x10240x64xf32, #tpu.memory_space<hbm>> -> memref<1x640x64xf32, #tpu.memory_space<hbm>>
      %dma_wait3A_165 = tpu.memref_squeeze %dma_wait3A_164 : memref<1x640x64xf32, #tpu.memory_space<hbm>> -> memref<640x64xf32, #tpu.memory_space<hbm>>
      %dma_wait3A_166 = arith.constant 0 : i32
      %dma_wait3A_167 = tpu.memref_slice %arg9[%mul3A_2, %dma_wait3A_166] : memref<10240x64xf32, #tpu.memory_space<vmem_shared>> -> memref<640x64xf32, #tpu.memory_space<vmem_shared>>
      tpu.wait_dma2 semaphore(%run_scoped3A_157 : memref<!tpu.dma_semaphore, #tpu.memory_space<semaphore_mem>>) src(%dma_wait3A_167 : memref<640x64xf32, #tpu.memory_space<vmem_shared>>) dst(%dma_wait3A_165 : memref<640x64xf32, #tpu.memory_space<hbm>>)
      tpu.yield
    }) : () -> ()
    return
  }
}

module attributes {stable_mosaic.version = 14 : i64} {
  func.func @_head_body(%arg0: i32, %arg1: memref<512x256xf32, #tpu.memory_space<vmem>>, %arg2: memref<256x128xf32, #tpu.memory_space<vmem>>, %arg3: memref<1x128x128xf32, #tpu.memory_space<vmem>>, %arg4: memref<1x128x128xf32, #tpu.memory_space<vmem>>, %arg5: memref<512x128xf32, #tpu.memory_space<vmem>>, %arg6: memref<512x128xf32, #tpu.memory_space<vmem>>) attributes {dimension_semantics = [#tpu.dimension_semantics<arbitrary>], iteration_bounds = array<i64: 10>, scalar_prefetch = 0 : i64, scratch_operands = 0 : i64, tpu.core_type = #tpu.core_type<tc>, window_params = [{transform_indices = @transform_0, window_bounds = array<i64: 512, 256>}, {pipeline_mode = #tpu.pipeline_mode<synchronous>, transform_indices = @transform_1, window_bounds = array<i64: 256, 128>}, {transform_indices = @transform_2, window_bounds = array<i64: 1, 128, 128>}, {transform_indices = @transform_3, window_bounds = array<i64: 1, 128, 128>}, {transform_indices = @transform_4, window_bounds = array<i64: 512, 128>}, {transform_indices = @transform_5, window_bounds = array<i64: 512, 128>}]} {
    %get3A = arith.constant 0 : index
    %get3A_0 = arith.constant 0 : index
    %get3A_1 = vector.load %arg1[%get3A, %get3A_0] : memref<512x256xf32, #tpu.memory_space<vmem>>, vector<512x256xf32>
    %get3A_2 = arith.constant 0 : index
    %get3A_3 = arith.constant 0 : index
    %get3A_4 = vector.load %arg2[%get3A_2, %get3A_3] : memref<256x128xf32, #tpu.memory_space<vmem>>, vector<256x128xf32>
    %dot_general3A = arith.constant dense<0.000000e+00> : vector<512x128xf32>
    %dot_general3A_5 = tpu.matmul %get3A_1, %get3A_4, %dot_general3A {dimension_numbers = #tpu.dot_dimension_numbers<[1], [0], [0], [1], [0, 0, 1, 1], [], []>, transpose_lhs_hint = false} : vector<512x256xf32>, vector<256x128xf32>, vector<512x128xf32> -> vector<512x128xf32>
    %get3A_6 = arith.constant 0 : index
    %get3A_7 = arith.constant 0 : index
    %get3A_8 = arith.constant 0 : index
    %get3A_9 = vector.load %arg3[%get3A_6, %get3A_7, %get3A_8] : memref<1x128x128xf32, #tpu.memory_space<vmem>>, vector<1x128x128xf32>
    %get3A_10 = vector.shape_cast %get3A_9 : vector<1x128x128xf32> to vector<128x128xf32>
    %get3A_11 = arith.constant 0 : index
    %get3A_12 = arith.constant 0 : index
    %get3A_13 = arith.constant 0 : index
    %get3A_14 = vector.load %arg4[%get3A_11, %get3A_12, %get3A_13] : memref<1x128x128xf32, #tpu.memory_space<vmem>>, vector<1x128x128xf32>
    %get3A_15 = vector.shape_cast %get3A_14 : vector<1x128x128xf32> to vector<128x128xf32>
    %add3A = arith.addf %get3A_10, %get3A_15 : vector<128x128xf32>
    %iota3A = tpu.iota {dimensions = array<i32: 0>} : vector<512x128xi32>
    %iota3A_16 = tpu.iota {dimensions = array<i32: 1>} : vector<512x128xi32>
    %jit3A = arith.constant 4 : i32
    %div3A = vector.broadcast %jit3A : i32 to vector<512x128xi32>
    %div3A_17 = arith.divsi %iota3A, %div3A : vector<512x128xi32>
    %sign3A = arith.constant 0 : i32
    %sign3A_18 = vector.broadcast %sign3A : i32 to vector<512x128xi32>
    %sign3A_19 = arith.cmpi sgt, %iota3A, %sign3A_18 : vector<512x128xi32>
    %sign3A_20 = arith.extui %sign3A_19 : vector<512x128xi1> to vector<512x128xi32>
    %sign3A_21 = arith.constant 0 : i32
    %sign3A_22 = vector.broadcast %sign3A_21 : i32 to vector<512x128xi32>
    %sign3A_23 = arith.cmpi slt, %iota3A, %sign3A_22 : vector<512x128xi32>
    %sign3A_24 = arith.extui %sign3A_23 : vector<512x128xi1> to vector<512x128xi32>
    %sign3A_25 = arith.subi %sign3A_20, %sign3A_24 : vector<512x128xi32>
    %sign3A_26 = arith.constant 0 : i32
    %sign3A_27 = arith.cmpi sgt, %jit3A, %sign3A_26 : i32
    %sign3A_28 = arith.extui %sign3A_27 : i1 to i32
    %sign3A_29 = arith.constant 0 : i32
    %sign3A_30 = arith.cmpi slt, %jit3A, %sign3A_29 : i32
    %sign3A_31 = arith.extui %sign3A_30 : i1 to i32
    %sign3A_32 = arith.subi %sign3A_28, %sign3A_31 : i32
    %ne3A = vector.broadcast %sign3A_32 : i32 to vector<512x128xi32>
    %ne3A_33 = arith.cmpi ne, %sign3A_25, %ne3A : vector<512x128xi32>
    %rem3A = vector.broadcast %jit3A : i32 to vector<512x128xi32>
    %rem3A_34 = arith.remsi %iota3A, %rem3A : vector<512x128xi32>
    %ne3A_35 = arith.constant 0 : i32
    %ne3A_36 = vector.broadcast %ne3A_35 : i32 to vector<512x128xi32>
    %ne3A_37 = arith.cmpi ne, %rem3A_34, %ne3A_36 : vector<512x128xi32>
    %and3A = arith.andi %ne3A_33, %ne3A_37 : vector<512x128xi1>
    %sub3A = arith.constant 1 : i32
    %sub3A_38 = vector.broadcast %sub3A : i32 to vector<512x128xi32>
    %sub3A_39 = arith.subi %div3A_17, %sub3A_38 : vector<512x128xi32>
    %select_n3A = arith.select %and3A, %sub3A_39, %div3A_17 : vector<512x128xi1>, vector<512x128xi32>
    %eq3A = arith.cmpi eq, %iota3A_16, %select_n3A : vector<512x128xi32>
    %jit3A_40 = arith.constant 1.000000e+00 : f32
    %jit3A_41 = arith.constant 0.000000e+00 : f32
    %broadcast_in_dim3A = vector.broadcast %jit3A_40 : f32 to vector<512x128xf32>
    %broadcast_in_dim3A_42 = vector.broadcast %jit3A_41 : f32 to vector<512x128xf32>
    %select_n3A_43 = arith.select %eq3A, %broadcast_in_dim3A, %broadcast_in_dim3A_42 : vector<512x128xi1>, vector<512x128xf32>
    %dot_general3A_44 = arith.constant dense<0.000000e+00> : vector<512x128xf32>
    %dot_general3A_45 = tpu.matmul %select_n3A_43, %add3A, %dot_general3A_44 {dimension_numbers = #tpu.dot_dimension_numbers<[1], [0], [0], [1], [0, 0, 1, 1], [], []>, transpose_lhs_hint = false} : vector<512x128xf32>, vector<128x128xf32>, vector<512x128xf32> -> vector<512x128xf32>
    %jit3A_46 = arith.constant 4 : i32
    %eq3A_47 = arith.constant 0 : i32
    %eq3A_48 = arith.cmpi eq, %jit3A_46, %eq3A_47 : i32
    %jit3A_49 = arith.constant 1 : i32
    %select_n3A_50 = arith.select %eq3A_48, %jit3A_49, %jit3A_46 : i32
    %rem3A_51 = vector.broadcast %select_n3A_50 : i32 to vector<512x128xi32>
    %rem3A_52 = arith.remsi %iota3A, %rem3A_51 : vector<512x128xi32>
    %ne3A_53 = arith.constant 0 : i32
    %ne3A_54 = vector.broadcast %ne3A_53 : i32 to vector<512x128xi32>
    %ne3A_55 = arith.cmpi ne, %rem3A_52, %ne3A_54 : vector<512x128xi32>
    %lt3A = arith.constant 0 : i32
    %lt3A_56 = vector.broadcast %lt3A : i32 to vector<512x128xi32>
    %lt3A_57 = arith.cmpi slt, %rem3A_52, %lt3A_56 : vector<512x128xi32>
    %lt3A_58 = arith.constant 0 : i32
    %lt3A_59 = arith.cmpi slt, %select_n3A_50, %lt3A_58 : i32
    %ne3A_60 = vector.broadcast %lt3A_59 : i1 to vector<512x128xi1>
    %ne3A_61 = vector.broadcast %ne3A_60 : vector<512x128xi1> to vector<512x128xi1>
    %ne3A_62 = arith.xori %lt3A_57, %ne3A_61 : vector<512x128xi1>
    %and3A_63 = arith.andi %ne3A_62, %ne3A_55 : vector<512x128xi1>
    %add3A_64 = vector.broadcast %select_n3A_50 : i32 to vector<512x128xi32>
    %add3A_65 = arith.addi %rem3A_52, %add3A_64 : vector<512x128xi32>
    %select_n3A_66 = arith.select %and3A_63, %add3A_65, %rem3A_52 : vector<512x128xi1>, vector<512x128xi32>
    %mul3A = arith.constant 2 : i32
    %mul3A_67 = vector.broadcast %mul3A : i32 to vector<512x128xi32>
    %mul3A_68 = arith.muli %mul3A_67, %select_n3A_66 : vector<512x128xi32>
    %ge3A = arith.constant 64 : i32
    %ge3A_69 = vector.broadcast %ge3A : i32 to vector<512x128xi32>
    %ge3A_70 = arith.cmpi sge, %iota3A_16, %ge3A_69 : vector<512x128xi32>
    %jit3A_71 = arith.constant 1 : i32
    %jit3A_72 = arith.constant 0 : i32
    %broadcast_in_dim3A_73 = vector.broadcast %jit3A_71 : i32 to vector<512x128xi32>
    %broadcast_in_dim3A_74 = vector.broadcast %jit3A_72 : i32 to vector<512x128xi32>
    %select_n3A_75 = arith.select %ge3A_70, %broadcast_in_dim3A_73, %broadcast_in_dim3A_74 : vector<512x128xi1>, vector<512x128xi32>
    %add3A_76 = arith.addi %mul3A_68, %select_n3A_75 : vector<512x128xi32>
    %broadcast_in_dim3A_77 = arith.constant 0.000000e+00 : f32
    %broadcast_in_dim3A_78 = vector.broadcast %broadcast_in_dim3A_77 : f32 to vector<512x128xf32>
    %eq3A_79 = arith.constant 0 : i32
    %eq3A_80 = vector.broadcast %eq3A_79 : i32 to vector<512x128xi32>
    %eq3A_81 = arith.cmpi eq, %add3A_76, %eq3A_80 : vector<512x128xi32>
    %slice3A = vector.extract_strided_slice %dot_general3A_45 {offsets = [0, 0], sizes = [512, 1], strides = [1, 1]} : vector<512x128xf32> to vector<512x1xf32>
    %broadcast_in_dim3A_82 = vector.shape_cast %slice3A : vector<512x1xf32> to vector<512x1xf32>
    %broadcast_in_dim3A_83 = vector.broadcast %broadcast_in_dim3A_82 : vector<512x1xf32> to vector<512x128xf32>
    %jit3A_84 = arith.constant 0.000000e+00 : f32
    %broadcast_in_dim3A_85 = vector.broadcast %jit3A_84 : f32 to vector<512x128xf32>
    %select_n3A_86 = arith.select %eq3A_81, %broadcast_in_dim3A_83, %broadcast_in_dim3A_85 : vector<512x128xi1>, vector<512x128xf32>
    %add3A_87 = arith.addf %broadcast_in_dim3A_78, %select_n3A_86 : vector<512x128xf32>
    %eq3A_88 = arith.constant 1 : i32
    %eq3A_89 = vector.broadcast %eq3A_88 : i32 to vector<512x128xi32>
    %eq3A_90 = arith.cmpi eq, %add3A_76, %eq3A_89 : vector<512x128xi32>
    %slice3A_91 = vector.extract_strided_slice %dot_general3A_45 {offsets = [0, 16], sizes = [512, 1], strides = [1, 1]} : vector<512x128xf32> to vector<512x1xf32>
    %broadcast_in_dim3A_92 = vector.shape_cast %slice3A_91 : vector<512x1xf32> to vector<512x1xf32>
    %broadcast_in_dim3A_93 = vector.broadcast %broadcast_in_dim3A_92 : vector<512x1xf32> to vector<512x128xf32>
    %jit3A_94 = arith.constant 0.000000e+00 : f32
    %broadcast_in_dim3A_95 = vector.broadcast %jit3A_94 : f32 to vector<512x128xf32>
    %select_n3A_96 = arith.select %eq3A_90, %broadcast_in_dim3A_93, %broadcast_in_dim3A_95 : vector<512x128xi1>, vector<512x128xf32>
    %add3A_97 = arith.addf %add3A_87, %select_n3A_96 : vector<512x128xf32>
    %eq3A_98 = arith.constant 2 : i32
    %eq3A_99 = vector.broadcast %eq3A_98 : i32 to vector<512x128xi32>
    %eq3A_100 = arith.cmpi eq, %add3A_76, %eq3A_99 : vector<512x128xi32>
    %slice3A_101 = vector.extract_strided_slice %dot_general3A_45 {offsets = [0, 32], sizes = [512, 1], strides = [1, 1]} : vector<512x128xf32> to vector<512x1xf32>
    %broadcast_in_dim3A_102 = vector.shape_cast %slice3A_101 : vector<512x1xf32> to vector<512x1xf32>
    %broadcast_in_dim3A_103 = vector.broadcast %broadcast_in_dim3A_102 : vector<512x1xf32> to vector<512x128xf32>
    %jit3A_104 = arith.constant 0.000000e+00 : f32
    %broadcast_in_dim3A_105 = vector.broadcast %jit3A_104 : f32 to vector<512x128xf32>
    %select_n3A_106 = arith.select %eq3A_100, %broadcast_in_dim3A_103, %broadcast_in_dim3A_105 : vector<512x128xi1>, vector<512x128xf32>
    %add3A_107 = arith.addf %add3A_97, %select_n3A_106 : vector<512x128xf32>
    %eq3A_108 = arith.constant 3 : i32
    %eq3A_109 = vector.broadcast %eq3A_108 : i32 to vector<512x128xi32>
    %eq3A_110 = arith.cmpi eq, %add3A_76, %eq3A_109 : vector<512x128xi32>
    %slice3A_111 = vector.extract_strided_slice %dot_general3A_45 {offsets = [0, 48], sizes = [512, 1], strides = [1, 1]} : vector<512x128xf32> to vector<512x1xf32>
    %broadcast_in_dim3A_112 = vector.shape_cast %slice3A_111 : vector<512x1xf32> to vector<512x1xf32>
    %broadcast_in_dim3A_113 = vector.broadcast %broadcast_in_dim3A_112 : vector<512x1xf32> to vector<512x128xf32>
    %jit3A_114 = arith.constant 0.000000e+00 : f32
    %broadcast_in_dim3A_115 = vector.broadcast %jit3A_114 : f32 to vector<512x128xf32>
    %select_n3A_116 = arith.select %eq3A_110, %broadcast_in_dim3A_113, %broadcast_in_dim3A_115 : vector<512x128xi1>, vector<512x128xf32>
    %add3A_117 = arith.addf %add3A_107, %select_n3A_116 : vector<512x128xf32>
    %eq3A_118 = arith.constant 4 : i32
    %eq3A_119 = vector.broadcast %eq3A_118 : i32 to vector<512x128xi32>
    %eq3A_120 = arith.cmpi eq, %add3A_76, %eq3A_119 : vector<512x128xi32>
    %slice3A_121 = vector.extract_strided_slice %dot_general3A_45 {offsets = [0, 64], sizes = [512, 1], strides = [1, 1]} : vector<512x128xf32> to vector<512x1xf32>
    %broadcast_in_dim3A_122 = vector.shape_cast %slice3A_121 : vector<512x1xf32> to vector<512x1xf32>
    %broadcast_in_dim3A_123 = vector.broadcast %broadcast_in_dim3A_122 : vector<512x1xf32> to vector<512x128xf32>
    %jit3A_124 = arith.constant 0.000000e+00 : f32
    %broadcast_in_dim3A_125 = vector.broadcast %jit3A_124 : f32 to vector<512x128xf32>
    %select_n3A_126 = arith.select %eq3A_120, %broadcast_in_dim3A_123, %broadcast_in_dim3A_125 : vector<512x128xi1>, vector<512x128xf32>
    %add3A_127 = arith.addf %add3A_117, %select_n3A_126 : vector<512x128xf32>
    %eq3A_128 = arith.constant 5 : i32
    %eq3A_129 = vector.broadcast %eq3A_128 : i32 to vector<512x128xi32>
    %eq3A_130 = arith.cmpi eq, %add3A_76, %eq3A_129 : vector<512x128xi32>
    %slice3A_131 = vector.extract_strided_slice %dot_general3A_45 {offsets = [0, 80], sizes = [512, 1], strides = [1, 1]} : vector<512x128xf32> to vector<512x1xf32>
    %broadcast_in_dim3A_132 = vector.shape_cast %slice3A_131 : vector<512x1xf32> to vector<512x1xf32>
    %broadcast_in_dim3A_133 = vector.broadcast %broadcast_in_dim3A_132 : vector<512x1xf32> to vector<512x128xf32>
    %jit3A_134 = arith.constant 0.000000e+00 : f32
    %broadcast_in_dim3A_135 = vector.broadcast %jit3A_134 : f32 to vector<512x128xf32>
    %select_n3A_136 = arith.select %eq3A_130, %broadcast_in_dim3A_133, %broadcast_in_dim3A_135 : vector<512x128xi1>, vector<512x128xf32>
    %add3A_137 = arith.addf %add3A_127, %select_n3A_136 : vector<512x128xf32>
    %eq3A_138 = arith.constant 6 : i32
    %eq3A_139 = vector.broadcast %eq3A_138 : i32 to vector<512x128xi32>
    %eq3A_140 = arith.cmpi eq, %add3A_76, %eq3A_139 : vector<512x128xi32>
    %slice3A_141 = vector.extract_strided_slice %dot_general3A_45 {offsets = [0, 96], sizes = [512, 1], strides = [1, 1]} : vector<512x128xf32> to vector<512x1xf32>
    %broadcast_in_dim3A_142 = vector.shape_cast %slice3A_141 : vector<512x1xf32> to vector<512x1xf32>
    %broadcast_in_dim3A_143 = vector.broadcast %broadcast_in_dim3A_142 : vector<512x1xf32> to vector<512x128xf32>
    %jit3A_144 = arith.constant 0.000000e+00 : f32
    %broadcast_in_dim3A_145 = vector.broadcast %jit3A_144 : f32 to vector<512x128xf32>
    %select_n3A_146 = arith.select %eq3A_140, %broadcast_in_dim3A_143, %broadcast_in_dim3A_145 : vector<512x128xi1>, vector<512x128xf32>
    %add3A_147 = arith.addf %add3A_137, %select_n3A_146 : vector<512x128xf32>
    %eq3A_148 = arith.constant 7 : i32
    %eq3A_149 = vector.broadcast %eq3A_148 : i32 to vector<512x128xi32>
    %eq3A_150 = arith.cmpi eq, %add3A_76, %eq3A_149 : vector<512x128xi32>
    %slice3A_151 = vector.extract_strided_slice %dot_general3A_45 {offsets = [0, 112], sizes = [512, 1], strides = [1, 1]} : vector<512x128xf32> to vector<512x1xf32>
    %broadcast_in_dim3A_152 = vector.shape_cast %slice3A_151 : vector<512x1xf32> to vector<512x1xf32>
    %broadcast_in_dim3A_153 = vector.broadcast %broadcast_in_dim3A_152 : vector<512x1xf32> to vector<512x128xf32>
    %jit3A_154 = arith.constant 0.000000e+00 : f32
    %broadcast_in_dim3A_155 = vector.broadcast %jit3A_154 : f32 to vector<512x128xf32>
    %select_n3A_156 = arith.select %eq3A_150, %broadcast_in_dim3A_153, %broadcast_in_dim3A_155 : vector<512x128xi1>, vector<512x128xf32>
    %add3A_157 = arith.addf %add3A_147, %select_n3A_156 : vector<512x128xf32>
    %add3A_158 = arith.constant 1.000000e+00 : f32
    %add3A_159 = vector.broadcast %add3A_158 : f32 to vector<512x128xf32>
    %add3A_160 = arith.addf %add3A_157, %add3A_159 : vector<512x128xf32>
    %rsqrt3A = math.rsqrt %add3A_160 : vector<512x128xf32>
    %swap3A = arith.constant 0 : index
    %swap3A_161 = arith.constant 0 : index
    %swap3A_162 = vector.load %arg5[%swap3A, %swap3A_161] : memref<512x128xf32, #tpu.memory_space<vmem>>, vector<512x128xf32>
    tpu.vector_store %arg5[%swap3A, %swap3A_161], %rsqrt3A {strides = array<i32>} : memref<512x128xf32, #tpu.memory_space<vmem>>, vector<512x128xf32>,
    %mul3A_163 = arith.mulf %dot_general3A_5, %rsqrt3A : vector<512x128xf32>
    %swap3A_164 = arith.constant 0 : index
    %swap3A_165 = arith.constant 0 : index
    %swap3A_166 = vector.load %arg6[%swap3A_164, %swap3A_165] : memref<512x128xf32, #tpu.memory_space<vmem>>, vector<512x128xf32>
    tpu.vector_store %arg6[%swap3A_164, %swap3A_165], %mul3A_163 {strides = array<i32>} : memref<512x128xf32, #tpu.memory_space<vmem>>, vector<512x128xf32>,
    return
  }
  func.func @transform_0(%arg0: i32) -> (i32, i32) {
    %c0_i32 = arith.constant 0 : i32
    %c0_i32_0 = arith.constant 0 : i32
    return %arg0, %c0_i32 : i32, i32
  }
  func.func @transform_1(%arg0: i32) -> (i32, i32) {
    %c0_i32 = arith.constant 0 : i32
    %c0_i32_0 = arith.constant 0 : i32
    %c0_i32_1 = arith.constant 0 : i32
    return %c0_i32, %c0_i32_0 : i32, i32
  }
  func.func @transform_2(%arg0: i32) -> (i32, i32, i32) {
    %c0_i32 = arith.constant 0 : i32
    %c0_i32_0 = arith.constant 0 : i32
    %c0_i32_1 = arith.constant 0 : i32
    return %c0_i32, %arg0, %c0_i32_0 : i32, i32, i32
  }
  func.func @transform_3(%arg0: i32) -> (i32, i32, i32) {
    %c1_i32 = arith.constant 1 : i32
    %c0_i32 = arith.constant 0 : i32
    %c0_i32_0 = arith.constant 0 : i32
    return %c1_i32, %arg0, %c0_i32 : i32, i32, i32
  }
  func.func @transform_4(%arg0: i32) -> (i32, i32) {
    %c0_i32 = arith.constant 0 : i32
    %c0_i32_0 = arith.constant 0 : i32
    return %arg0, %c0_i32 : i32, i32
  }
  func.func @transform_5(%arg0: i32) -> (i32, i32) {
    %c0_i32 = arith.constant 0 : i32
    %c0_i32_0 = arith.constant 0 : i32
    return %arg0, %c0_i32 : i32, i32
  }
}

module attributes {stable_mosaic.version = 14 : i64} {
  func.func @_layer_body(%arg0: i32, %arg1: memref<1x512x128xf32, #tpu.memory_space<vmem>>, %arg2: memref<1x512x128xf32, #tpu.memory_space<vmem>>, %arg3: memref<512x128xf32, #tpu.memory_space<vmem>>, %arg4: memref<512x128xf32, #tpu.memory_space<vmem>>, %arg5: memref<1x128xf32, #tpu.memory_space<vmem>>, %arg6: memref<128x128xf32, #tpu.memory_space<vmem>>, %arg7: memref<512x128xf32, #tpu.memory_space<vmem>>) attributes {dimension_semantics = [#tpu.dimension_semantics<arbitrary>], iteration_bounds = array<i64: 10>, scalar_prefetch = 0 : i64, scratch_operands = 0 : i64, tpu.core_type = #tpu.core_type<tc>, window_params = [{transform_indices = @transform_0, window_bounds = array<i64: 1, 512, 128>}, {transform_indices = @transform_1, window_bounds = array<i64: 1, 512, 128>}, {transform_indices = @transform_2, window_bounds = array<i64: 512, 128>}, {transform_indices = @transform_3, window_bounds = array<i64: 512, 128>}, {pipeline_mode = #tpu.pipeline_mode<synchronous>, transform_indices = @transform_4, window_bounds = array<i64: 1, 128>}, {pipeline_mode = #tpu.pipeline_mode<synchronous>, transform_indices = @transform_5, window_bounds = array<i64: 128, 128>}, {transform_indices = @transform_6, window_bounds = array<i64: 512, 128>}]} {
    %get3A = arith.constant 0 : index
    %get3A_0 = arith.constant 0 : index
    %get3A_1 = vector.load %arg4[%get3A, %get3A_0] : memref<512x128xf32, #tpu.memory_space<vmem>>, vector<512x128xf32>
    %get3A_2 = arith.constant 0 : index
    %get3A_3 = arith.constant 0 : index
    %get3A_4 = arith.constant 0 : index
    %get3A_5 = vector.load %arg1[%get3A_2, %get3A_3, %get3A_4] : memref<1x512x128xf32, #tpu.memory_space<vmem>>, vector<1x512x128xf32>
    %get3A_6 = vector.shape_cast %get3A_5 : vector<1x512x128xf32> to vector<512x128xf32>
    %get3A_7 = arith.constant 0 : index
    %get3A_8 = arith.constant 0 : index
    %get3A_9 = arith.constant 0 : index
    %get3A_10 = vector.load %arg2[%get3A_7, %get3A_8, %get3A_9] : memref<1x512x128xf32, #tpu.memory_space<vmem>>, vector<1x512x128xf32>
    %get3A_11 = vector.shape_cast %get3A_10 : vector<1x512x128xf32> to vector<512x128xf32>
    %add3A = arith.addf %get3A_6, %get3A_11 : vector<512x128xf32>
    %get3A_12 = arith.constant 0 : index
    %get3A_13 = arith.constant 0 : index
    %get3A_14 = vector.load %arg3[%get3A_12, %get3A_13] : memref<512x128xf32, #tpu.memory_space<vmem>>, vector<512x128xf32>
    %add3A_15 = arith.addf %add3A, %get3A_14 : vector<512x128xf32>
    %mul3A = arith.mulf %get3A_1, %add3A_15 : vector<512x128xf32>
    %get3A_16 = arith.constant 0 : index
    %get3A_17 = arith.constant 0 : index
    %get3A_18 = vector.load %arg5[%get3A_16, %get3A_17] : memref<1x128xf32, #tpu.memory_space<vmem>>, vector<1x128xf32>
    %add3A_19 = vector.broadcast %get3A_18 : vector<1x128xf32> to vector<512x128xf32>
    %add3A_20 = arith.addf %mul3A, %add3A_19 : vector<512x128xf32>
    %max3A = arith.constant 0.000000e+00 : f32
    %max3A_21 = vector.broadcast %max3A : f32 to vector<512x128xf32>
    %max3A_22 = arith.maximumf %add3A_20, %max3A_21 : vector<512x128xf32>
    %get3A_23 = arith.constant 0 : index
    %get3A_24 = arith.constant 0 : index
    %get3A_25 = vector.load %arg6[%get3A_23, %get3A_24] : memref<128x128xf32, #tpu.memory_space<vmem>>, vector<128x128xf32>
    %dot_general3A = arith.constant dense<0.000000e+00> : vector<512x128xf32>
    %dot_general3A_26 = tpu.matmul %max3A_22, %get3A_25, %dot_general3A {dimension_numbers = #tpu.dot_dimension_numbers<[1], [0], [0], [1], [0, 0, 1, 1], [], []>, transpose_lhs_hint = false} : vector<512x128xf32>, vector<128x128xf32>, vector<512x128xf32> -> vector<512x128xf32>
    %mul3A_27 = arith.mulf %get3A_1, %dot_general3A_26 : vector<512x128xf32>
    %swap3A = arith.constant 0 : index
    %swap3A_28 = arith.constant 0 : index
    %swap3A_29 = vector.load %arg7[%swap3A, %swap3A_28] : memref<512x128xf32, #tpu.memory_space<vmem>>, vector<512x128xf32>
    tpu.vector_store %arg7[%swap3A, %swap3A_28], %mul3A_27 {strides = array<i32>} : memref<512x128xf32, #tpu.memory_space<vmem>>, vector<512x128xf32>,
    return
  }
  func.func @transform_0(%arg0: i32) -> (i32, i32, i32) {
    %c0_i32 = arith.constant 0 : i32
    %c0_i32_0 = arith.constant 0 : i32
    %c0_i32_1 = arith.constant 0 : i32
    return %c0_i32, %arg0, %c0_i32_0 : i32, i32, i32
  }
  func.func @transform_1(%arg0: i32) -> (i32, i32, i32) {
    %c1_i32 = arith.constant 1 : i32
    %c0_i32 = arith.constant 0 : i32
    %c0_i32_0 = arith.constant 0 : i32
    return %c1_i32, %arg0, %c0_i32 : i32, i32, i32
  }
  func.func @transform_2(%arg0: i32) -> (i32, i32) {
    %c0_i32 = arith.constant 0 : i32
    %c0_i32_0 = arith.constant 0 : i32
    return %arg0, %c0_i32 : i32, i32
  }
  func.func @transform_3(%arg0: i32) -> (i32, i32) {
    %c0_i32 = arith.constant 0 : i32
    %c0_i32_0 = arith.constant 0 : i32
    return %arg0, %c0_i32 : i32, i32
  }
  func.func @transform_4(%arg0: i32) -> (i32, i32) {
    %c0_i32 = arith.constant 0 : i32
    %c0_i32_0 = arith.constant 0 : i32
    %c0_i32_1 = arith.constant 0 : i32
    return %c0_i32, %c0_i32_0 : i32, i32
  }
  func.func @transform_5(%arg0: i32) -> (i32, i32) {
    %c0_i32 = arith.constant 0 : i32
    %c0_i32_0 = arith.constant 0 : i32
    %c0_i32_1 = arith.constant 0 : i32
    return %c0_i32, %c0_i32_0 : i32, i32
  }
  func.func @transform_6(%arg0: i32) -> (i32, i32) {
    %c0_i32 = arith.constant 0 : i32
    %c0_i32_0 = arith.constant 0 : i32
    return %arg0, %c0_i32 : i32, i32
  }
}

module attributes {stable_mosaic.version = 14 : i64} {
  func.func @_pool_body(%arg0: i32, %arg1: memref<1x512x128xf32, #tpu.memory_space<vmem>>, %arg2: memref<1x512x128xf32, #tpu.memory_space<vmem>>, %arg3: memref<512x128xf32, #tpu.memory_space<vmem>>, %arg4: memref<512x128xf32, #tpu.memory_space<vmem>>, %arg5: memref<1x128xf32, #tpu.memory_space<vmem>>, %arg6: memref<512x1xf32, #tpu.memory_space<vmem>>, %arg7: memref<512x1xf32, #tpu.memory_space<vmem>>, %arg8: memref<64x32xf32, #tpu.memory_space<vmem>>, %arg9: memref<1x32xf32, #tpu.memory_space<vmem>>, %arg10: memref<32x10xf32, #tpu.memory_space<vmem>>, %arg11: memref<1x10xf32, #tpu.memory_space<vmem>>, %arg12: memref<64x10xf32, #tpu.memory_space<vmem>>, %arg13: memref<64x64xf32, #tpu.memory_space<vmem>>, %arg14: memref<64x1xf32, #tpu.memory_space<vmem>>) attributes {dimension_semantics = [#tpu.dimension_semantics<arbitrary>], iteration_bounds = array<i64: 10>, scalar_prefetch = 0 : i64, scratch_operands = 2 : i64, tpu.core_type = #tpu.core_type<tc>, window_params = [{transform_indices = @transform_0, window_bounds = array<i64: 1, 512, 128>}, {transform_indices = @transform_1, window_bounds = array<i64: 1, 512, 128>}, {transform_indices = @transform_2, window_bounds = array<i64: 512, 128>}, {transform_indices = @transform_3, window_bounds = array<i64: 512, 128>}, {pipeline_mode = #tpu.pipeline_mode<synchronous>, transform_indices = @transform_4, window_bounds = array<i64: 1, 128>}, {transform_indices = @transform_5, window_bounds = array<i64: 512, 1>}, {transform_indices = @transform_6, window_bounds = array<i64: 512, 1>}, {pipeline_mode = #tpu.pipeline_mode<synchronous>, transform_indices = @transform_7, window_bounds = array<i64: 64, 32>}, {pipeline_mode = #tpu.pipeline_mode<synchronous>, transform_indices = @transform_8, window_bounds = array<i64: 1, 32>}, {pipeline_mode = #tpu.pipeline_mode<synchronous>, transform_indices = @transform_9, window_bounds = array<i64: 32, 10>}, {pipeline_mode = #tpu.pipeline_mode<synchronous>, transform_indices = @transform_10, window_bounds = array<i64: 1, 10>}, {pipeline_mode = #tpu.pipeline_mode<synchronous>, transform_indices = @transform_11, window_bounds = array<i64: 64, 10>}]} {
    %get3A = arith.constant 0 : index
    %get3A_0 = arith.constant 0 : index
    %get3A_1 = vector.load %arg4[%get3A, %get3A_0] : memref<512x128xf32, #tpu.memory_space<vmem>>, vector<512x128xf32>
    %get3A_2 = arith.constant 0 : index
    %get3A_3 = arith.constant 0 : index
    %get3A_4 = arith.constant 0 : index
    %get3A_5 = vector.load %arg1[%get3A_2, %get3A_3, %get3A_4] : memref<1x512x128xf32, #tpu.memory_space<vmem>>, vector<1x512x128xf32>
    %get3A_6 = vector.shape_cast %get3A_5 : vector<1x512x128xf32> to vector<512x128xf32>
    %get3A_7 = arith.constant 0 : index
    %get3A_8 = arith.constant 0 : index
    %get3A_9 = arith.constant 0 : index
    %get3A_10 = vector.load %arg2[%get3A_7, %get3A_8, %get3A_9] : memref<1x512x128xf32, #tpu.memory_space<vmem>>, vector<1x512x128xf32>
    %get3A_11 = vector.shape_cast %get3A_10 : vector<1x512x128xf32> to vector<512x128xf32>
    %add3A = arith.addf %get3A_6, %get3A_11 : vector<512x128xf32>
    %get3A_12 = arith.constant 0 : index
    %get3A_13 = arith.constant 0 : index
    %get3A_14 = vector.load %arg3[%get3A_12, %get3A_13] : memref<512x128xf32, #tpu.memory_space<vmem>>, vector<512x128xf32>
    %add3A_15 = arith.addf %add3A, %get3A_14 : vector<512x128xf32>
    %mul3A = arith.mulf %get3A_1, %add3A_15 : vector<512x128xf32>
    %get3A_16 = arith.constant 0 : index
    %get3A_17 = arith.constant 0 : index
    %get3A_18 = vector.load %arg5[%get3A_16, %get3A_17] : memref<1x128xf32, #tpu.memory_space<vmem>>, vector<1x128xf32>
    %add3A_19 = vector.broadcast %get3A_18 : vector<1x128xf32> to vector<512x128xf32>
    %add3A_20 = arith.addf %mul3A, %add3A_19 : vector<512x128xf32>
    %max3A = arith.constant 0.000000e+00 : f32
    %max3A_21 = vector.broadcast %max3A : f32 to vector<512x128xf32>
    %max3A_22 = arith.maximumf %add3A_20, %max3A_21 : vector<512x128xf32>
    %iota3A = tpu.iota {dimensions = array<i32: 0>} : vector<512x1xi32>
    %mul3A_23 = arith.constant 512 : i32
    %mul3A_24 = arith.muli %arg0, %mul3A_23 : i32
    %add3A_25 = vector.broadcast %mul3A_24 : i32 to vector<512x1xi32>
    %add3A_26 = arith.addi %iota3A, %add3A_25 : vector<512x1xi32>
    %lt3A = arith.constant 5000 : i32
    %lt3A_27 = vector.broadcast %lt3A : i32 to vector<512x1xi32>
    %lt3A_28 = arith.cmpi slt, %add3A_26, %lt3A_27 : vector<512x1xi32>
    %iota3A_29 = tpu.iota {dimensions = array<i32: 1>} : vector<1x64xi32>
    %get3A_30 = arith.constant 0 : index
    %get3A_31 = arith.constant 0 : index
    %get3A_32 = vector.load %arg6[%get3A_30, %get3A_31] : memref<512x1xf32, #tpu.memory_space<vmem>>, vector<512x1xf32>
    %convert_element_type3A = arith.fptosi %get3A_32 : vector<512x1xf32> to vector<512x1xi32>
    %eq3A = vector.broadcast %convert_element_type3A : vector<512x1xi32> to vector<512x64xi32>
    %eq3A_33 = vector.broadcast %iota3A_29 : vector<1x64xi32> to vector<512x64xi32>
    %eq3A_34 = arith.cmpi eq, %eq3A, %eq3A_33 : vector<512x64xi32>
    %and3A = vector.broadcast %lt3A_28 : vector<512x1xi1> to vector<512x64xi1>
    %and3A_35 = arith.andi %eq3A_34, %and3A : vector<512x64xi1>
    %jit3A = arith.constant 1.000000e+00 : f32
    %jit3A_36 = arith.constant 0.000000e+00 : f32
    %broadcast_in_dim3A = vector.broadcast %jit3A : f32 to vector<512x64xf32>
    %broadcast_in_dim3A_37 = vector.broadcast %jit3A_36 : f32 to vector<512x64xf32>
    %select_n3A = arith.select %and3A_35, %broadcast_in_dim3A, %broadcast_in_dim3A_37 : vector<512x64xi1>, vector<512x64xf32>
    %get3A_38 = arith.constant 0 : index
    %get3A_39 = arith.constant 0 : index
    %get3A_40 = vector.load %arg7[%get3A_38, %get3A_39] : memref<512x1xf32, #tpu.memory_space<vmem>>, vector<512x1xf32>
    %convert_element_type3A_41 = arith.fptosi %get3A_40 : vector<512x1xf32> to vector<512x1xi32>
    %eq3A_42 = vector.broadcast %convert_element_type3A_41 : vector<512x1xi32> to vector<512x64xi32>
    %eq3A_43 = vector.broadcast %iota3A_29 : vector<1x64xi32> to vector<512x64xi32>
    %eq3A_44 = arith.cmpi eq, %eq3A_42, %eq3A_43 : vector<512x64xi32>
    %and3A_45 = vector.broadcast %lt3A_28 : vector<512x1xi1> to vector<512x64xi1>
    %and3A_46 = arith.andi %eq3A_44, %and3A_45 : vector<512x64xi1>
    %jit3A_47 = arith.constant 1.000000e+00 : f32
    %jit3A_48 = arith.constant 0.000000e+00 : f32
    %broadcast_in_dim3A_49 = vector.broadcast %jit3A_47 : f32 to vector<512x64xf32>
    %broadcast_in_dim3A_50 = vector.broadcast %jit3A_48 : f32 to vector<512x64xf32>
    %select_n3A_51 = arith.select %and3A_46, %broadcast_in_dim3A_49, %broadcast_in_dim3A_50 : vector<512x64xi1>, vector<512x64xf32>
    %slice3A = vector.extract_strided_slice %max3A_22 {offsets = [0, 0], sizes = [512, 64], strides = [1, 1]} : vector<512x128xf32> to vector<512x64xf32>
    %dot_general3A = arith.constant dense<0.000000e+00> : vector<64x64xf32>
    %dot_general3A_52 = tpu.matmul %select_n3A, %slice3A, %dot_general3A {dimension_numbers = #tpu.dot_dimension_numbers<[0], [0], [1], [1], [0, 1, 1, 1], [], []>, transpose_lhs_hint = false} : vector<512x64xf32>, vector<512x64xf32>, vector<64x64xf32> -> vector<64x64xf32>
    %slice3A_53 = vector.extract_strided_slice %max3A_22 {offsets = [0, 64], sizes = [512, 64], strides = [1, 1]} : vector<512x128xf32> to vector<512x64xf32>
    %dot_general3A_54 = arith.constant dense<0.000000e+00> : vector<64x64xf32>
    %dot_general3A_55 = tpu.matmul %select_n3A_51, %slice3A_53, %dot_general3A_54 {dimension_numbers = #tpu.dot_dimension_numbers<[0], [0], [1], [1], [0, 1, 1, 1], [], []>, transpose_lhs_hint = false} : vector<512x64xf32>, vector<512x64xf32>, vector<64x64xf32> -> vector<64x64xf32>
    %add3A_56 = arith.addf %dot_general3A_52, %dot_general3A_55 : vector<64x64xf32>
    %add3A_57 = arith.addf %select_n3A, %select_n3A_51 : vector<512x64xf32>
    %broadcast_in_dim3A_58 = arith.constant 1.000000e+00 : f32
    %broadcast_in_dim3A_59 = vector.broadcast %broadcast_in_dim3A_58 : f32 to vector<512x1xf32>
    %dot_general3A_60 = arith.constant dense<0.000000e+00> : vector<64x1xf32>
    %dot_general3A_61 = tpu.matmul %add3A_57, %broadcast_in_dim3A_59, %dot_general3A_60 {dimension_numbers = #tpu.dot_dimension_numbers<[0], [0], [1], [1], [0, 1, 1, 1], [], []>, transpose_lhs_hint = false} : vector<512x64xf32>, vector<512x1xf32>, vector<64x1xf32> -> vector<64x1xf32>
    %eq3A_62 = arith.constant 0 : i32
    %eq3A_63 = arith.cmpi eq, %arg0, %eq3A_62 : i32
    %convert_element_type3A_64 = arith.extui %eq3A_63 : i1 to i32
    %cond3A = arith.constant 0 : i32
    %cond3A_65 = arith.cmpi ne, %convert_element_type3A_64, %cond3A : i32
    scf.if %cond3A_65 {
      %swap3A = arith.constant 0 : index
      %swap3A_75 = arith.constant 0 : index
      %swap3A_76 = vector.load %arg13[%swap3A, %swap3A_75] : memref<64x64xf32, #tpu.memory_space<vmem>>, vector<64x64xf32>
      tpu.vector_store %arg13[%swap3A, %swap3A_75], %add3A_56 {strides = array<i32>} : memref<64x64xf32, #tpu.memory_space<vmem>>, vector<64x64xf32>,
      %swap3A_77 = arith.constant 0 : index
      %swap3A_78 = arith.constant 0 : index
      %swap3A_79 = vector.load %arg14[%swap3A_77, %swap3A_78] : memref<64x1xf32, #tpu.memory_space<vmem>>, vector<64x1xf32>
      tpu.vector_store %arg14[%swap3A_77, %swap3A_78], %dot_general3A_61 {strides = array<i32>} : memref<64x1xf32, #tpu.memory_space<vmem>>, vector<64x1xf32>,
      %broadcast_in_dim3A_80 = arith.constant 0.000000e+00 : f32
      %broadcast_in_dim3A_81 = vector.broadcast %broadcast_in_dim3A_80 : f32 to vector<64x10xf32>
      %swap3A_82 = arith.constant 0 : index
      %swap3A_83 = arith.constant 0 : index
      %swap3A_84 = vector.load %arg12[%swap3A_82, %swap3A_83] : memref<64x10xf32, #tpu.memory_space<vmem>>, vector<64x10xf32>
      tpu.vector_store %arg12[%swap3A_82, %swap3A_83], %broadcast_in_dim3A_81 {strides = array<i32>} : memref<64x10xf32, #tpu.memory_space<vmem>>, vector<64x10xf32>,
    } else {
    }
    %gt3A = arith.constant 0 : i32
    %gt3A_66 = arith.cmpi sgt, %arg0, %gt3A : i32
    %convert_element_type3A_67 = arith.extui %gt3A_66 : i1 to i32
    %cond3A_68 = arith.constant 0 : i32
    %cond3A_69 = arith.cmpi ne, %convert_element_type3A_67, %cond3A_68 : i32
    scf.if %cond3A_69 {
      %get3A_75 = arith.constant 0 : index
      %get3A_76 = arith.constant 0 : index
      %get3A_77 = vector.load %arg13[%get3A_75, %get3A_76] : memref<64x64xf32, #tpu.memory_space<vmem>>, vector<64x64xf32>
      %add3A_78 = arith.addf %get3A_77, %add3A_56 : vector<64x64xf32>
      %swap3A = arith.constant 0 : index
      %swap3A_79 = arith.constant 0 : index
      %swap3A_80 = vector.load %arg13[%swap3A, %swap3A_79] : memref<64x64xf32, #tpu.memory_space<vmem>>, vector<64x64xf32>
      tpu.vector_store %arg13[%swap3A, %swap3A_79], %add3A_78 {strides = array<i32>} : memref<64x64xf32, #tpu.memory_space<vmem>>, vector<64x64xf32>,
      %get3A_81 = arith.constant 0 : index
      %get3A_82 = arith.constant 0 : index
      %get3A_83 = vector.load %arg14[%get3A_81, %get3A_82] : memref<64x1xf32, #tpu.memory_space<vmem>>, vector<64x1xf32>
      %add3A_84 = arith.addf %get3A_83, %dot_general3A_61 : vector<64x1xf32>
      %swap3A_85 = arith.constant 0 : index
      %swap3A_86 = arith.constant 0 : index
      %swap3A_87 = vector.load %arg14[%swap3A_85, %swap3A_86] : memref<64x1xf32, #tpu.memory_space<vmem>>, vector<64x1xf32>
      tpu.vector_store %arg14[%swap3A_85, %swap3A_86], %add3A_84 {strides = array<i32>} : memref<64x1xf32, #tpu.memory_space<vmem>>, vector<64x1xf32>,
    } else {
    }
    %eq3A_70 = arith.constant 9 : i32
    %eq3A_71 = arith.cmpi eq, %arg0, %eq3A_70 : i32
    %convert_element_type3A_72 = arith.extui %eq3A_71 : i1 to i32
    %cond3A_73 = arith.constant 0 : i32
    %cond3A_74 = arith.cmpi ne, %convert_element_type3A_72, %cond3A_73 : i32
    scf.if %cond3A_74 {
      %get3A_75 = arith.constant 0 : index
      %get3A_76 = arith.constant 0 : index
      %get3A_77 = vector.load %arg13[%get3A_75, %get3A_76] : memref<64x64xf32, #tpu.memory_space<vmem>>, vector<64x64xf32>
      %get3A_78 = arith.constant 0 : index
      %get3A_79 = arith.constant 0 : index
      %get3A_80 = vector.load %arg14[%get3A_78, %get3A_79] : memref<64x1xf32, #tpu.memory_space<vmem>>, vector<64x1xf32>
      %max3A_81 = arith.constant 1.000000e+00 : f32
      %max3A_82 = vector.broadcast %max3A_81 : f32 to vector<64x1xf32>
      %max3A_83 = arith.maximumf %get3A_80, %max3A_82 : vector<64x1xf32>
      %div3A = vector.broadcast %max3A_83 : vector<64x1xf32> to vector<64x64xf32>
      %div3A_84 = arith.divf %get3A_77, %div3A : vector<64x64xf32>
      %get3A_85 = arith.constant 0 : index
      %get3A_86 = arith.constant 0 : index
      %get3A_87 = vector.load %arg8[%get3A_85, %get3A_86] : memref<64x32xf32, #tpu.memory_space<vmem>>, vector<64x32xf32>
      %dot_general3A_88 = arith.constant dense<0.000000e+00> : vector<64x32xf32>
      %dot_general3A_89 = tpu.matmul %div3A_84, %get3A_87, %dot_general3A_88 {dimension_numbers = #tpu.dot_dimension_numbers<[1], [0], [0], [1], [0, 0, 1, 1], [], []>, transpose_lhs_hint = false} : vector<64x64xf32>, vector<64x32xf32>, vector<64x32xf32> -> vector<64x32xf32>
      %get3A_90 = arith.constant 0 : index
      %get3A_91 = arith.constant 0 : index
      %get3A_92 = vector.load %arg9[%get3A_90, %get3A_91] : memref<1x32xf32, #tpu.memory_space<vmem>>, vector<1x32xf32>
      %add3A_93 = vector.broadcast %get3A_92 : vector<1x32xf32> to vector<64x32xf32>
      %add3A_94 = arith.addf %dot_general3A_89, %add3A_93 : vector<64x32xf32>
      %max3A_95 = arith.constant 0.000000e+00 : f32
      %max3A_96 = vector.broadcast %max3A_95 : f32 to vector<64x32xf32>
      %max3A_97 = arith.maximumf %add3A_94, %max3A_96 : vector<64x32xf32>
      %get3A_98 = arith.constant 0 : index
      %get3A_99 = arith.constant 0 : index
      %get3A_100 = vector.load %arg10[%get3A_98, %get3A_99] : memref<32x10xf32, #tpu.memory_space<vmem>>, vector<32x10xf32>
      %dot_general3A_101 = arith.constant dense<0.000000e+00> : vector<64x10xf32>
      %dot_general3A_102 = tpu.matmul %max3A_97, %get3A_100, %dot_general3A_101 {dimension_numbers = #tpu.dot_dimension_numbers<[1], [0], [0], [1], [0, 0, 1, 1], [], []>, transpose_lhs_hint = false} : vector<64x32xf32>, vector<32x10xf32>, vector<64x10xf32> -> vector<64x10xf32>
      %get3A_103 = arith.constant 0 : index
      %get3A_104 = arith.constant 0 : index
      %get3A_105 = vector.load %arg11[%get3A_103, %get3A_104] : memref<1x10xf32, #tpu.memory_space<vmem>>, vector<1x10xf32>
      %add3A_106 = vector.broadcast %get3A_105 : vector<1x10xf32> to vector<64x10xf32>
      %add3A_107 = arith.addf %dot_general3A_102, %add3A_106 : vector<64x10xf32>
      %swap3A = arith.constant 0 : index
      %swap3A_108 = arith.constant 0 : index
      %swap3A_109 = vector.load %arg12[%swap3A, %swap3A_108] : memref<64x10xf32, #tpu.memory_space<vmem>>, vector<64x10xf32>
      tpu.vector_store %arg12[%swap3A, %swap3A_108], %add3A_107 {strides = array<i32>} : memref<64x10xf32, #tpu.memory_space<vmem>>, vector<64x10xf32>,
    } else {
    }
    return
  }
  func.func @transform_0(%arg0: i32) -> (i32, i32, i32) {
    %c0_i32 = arith.constant 0 : i32
    %c0_i32_0 = arith.constant 0 : i32
    %c0_i32_1 = arith.constant 0 : i32
    return %c0_i32, %arg0, %c0_i32_0 : i32, i32, i32
  }
  func.func @transform_1(%arg0: i32) -> (i32, i32, i32) {
    %c1_i32 = arith.constant 1 : i32
    %c0_i32 = arith.constant 0 : i32
    %c0_i32_0 = arith.constant 0 : i32
    return %c1_i32, %arg0, %c0_i32 : i32, i32, i32
  }
  func.func @transform_2(%arg0: i32) -> (i32, i32) {
    %c0_i32 = arith.constant 0 : i32
    %c0_i32_0 = arith.constant 0 : i32
    return %arg0, %c0_i32 : i32, i32
  }
  func.func @transform_3(%arg0: i32) -> (i32, i32) {
    %c0_i32 = arith.constant 0 : i32
    %c0_i32_0 = arith.constant 0 : i32
    return %arg0, %c0_i32 : i32, i32
  }
  func.func @transform_4(%arg0: i32) -> (i32, i32) {
    %c0_i32 = arith.constant 0 : i32
    %c0_i32_0 = arith.constant 0 : i32
    %c0_i32_1 = arith.constant 0 : i32
    return %c0_i32, %c0_i32_0 : i32, i32
  }
  func.func @transform_5(%arg0: i32) -> (i32, i32) {
    %c0_i32 = arith.constant 0 : i32
    %c0_i32_0 = arith.constant 0 : i32
    return %arg0, %c0_i32 : i32, i32
  }
  func.func @transform_6(%arg0: i32) -> (i32, i32) {
    %c0_i32 = arith.constant 0 : i32
    %c0_i32_0 = arith.constant 0 : i32
    return %arg0, %c0_i32 : i32, i32
  }
  func.func @transform_7(%arg0: i32) -> (i32, i32) {
    %c0_i32 = arith.constant 0 : i32
    %c0_i32_0 = arith.constant 0 : i32
    %c0_i32_1 = arith.constant 0 : i32
    return %c0_i32, %c0_i32_0 : i32, i32
  }
  func.func @transform_8(%arg0: i32) -> (i32, i32) {
    %c0_i32 = arith.constant 0 : i32
    %c0_i32_0 = arith.constant 0 : i32
    %c0_i32_1 = arith.constant 0 : i32
    return %c0_i32, %c0_i32_0 : i32, i32
  }
  func.func @transform_9(%arg0: i32) -> (i32, i32) {
    %c0_i32 = arith.constant 0 : i32
    %c0_i32_0 = arith.constant 0 : i32
    %c0_i32_1 = arith.constant 0 : i32
    return %c0_i32, %c0_i32_0 : i32, i32
  }
  func.func @transform_10(%arg0: i32) -> (i32, i32) {
    %c0_i32 = arith.constant 0 : i32
    %c0_i32_0 = arith.constant 0 : i32
    %c0_i32_1 = arith.constant 0 : i32
    return %c0_i32, %c0_i32_0 : i32, i32
  }
  func.func @transform_11(%arg0: i32) -> (i32, i32) {
    %c0_i32 = arith.constant 0 : i32
    %c0_i32_0 = arith.constant 0 : i32
    %c0_i32_1 = arith.constant 0 : i32
    return %c0_i32, %c0_i32_0 : i32, i32
  }
}

</mosaic_0001>

<sc_bundles>
// kernel: kernel.10.cloned.1.call-start
scs
__scs_entry_jumppad:
0x0: {  	(pc) =	sbr.rel $0x88, $3  }
0x1: {  	(tag) =	ssettag $0x0;
	lr =	simm.s32 $0x1  }
0x2: {  	[smem:$0x3F94] =	sst lr;
	_ =	strace $0xD0000000  }
0x3: {  	_ = 	snop  }
0x4: {  	_ = 	snop  }
0x5: {  	_ = 	snop  }
0x6: {  	_ = 	snop  }
0x7: {  	_ = 	snop  }
__scs_overlays_trampoline_lowered:
0x8: {  	[smem:$0x3FA3] =	sst s0  }
0x9: {  	[smem:$0x3FA4] =	sst s1  }
0xa: {  	[smem:$0x3FA5] =	sst s2  }
0xb: {  	[smem:$0x3FA6] =	sst s3  }
0xc: {  	[smem:$0x3FA7] =	sst s4  }
0xd: {  	[smem:$0x3FA8] =	sst s5  }
0xe: {  	[smem:$0x3FA9] =	sst s6  }
0xf: {  	[smem:$0x3FAA] =	sst s7  }
0x10: {  	[smem:$0x3FAB] =	sst s8  }
0x11: {  	[smem:$0x3FAC] =	sst s9;
	s0 =	simm.s32 @!p0 $0x0  }
0x12: {  	s1 =	sld [smem:$0x3F92];
	s0 =	simm.s32 @p0 $0x1  }
0x13: {  	[smem:$0x3FAD] =	sst s0;
	s0 =	simm.s32 @!p1 $0x0  }
0x14: {  	s2 =	sld [smem:$0x3F91];
	s0 =	simm.s32 @p1 $0x1  }
0x15: {  	[smem:$0x3FAE] =	sst s0;
	s0 =	simm.s32 @!p2 $0x0  }
0x16: {  	s3 =	sld [smem:$0x3FDB];
	s0 =	simm.s32 @p2 $0x1  }
0x17: {  	s4 =	simm.s32 $0x1BF5;
	[smem:$0x3FB0] =	sst s0  }
0x18: {  	s0 =	sld [smem:$0x3F93];
	_ =	swait.ge [sflag:s4], $0x0  }
0x19: {  	s7 =	sld [smem:$0x3F94]  }
0x1a: {  	s8 =	sadd.s32 $0xFFFFE003, lr  }
0x1b: {  	s9 =	sadd.s32 $0xFFFFFEF7, lr;
	s5 =	simm.s32 $0xFFFFFFFF;
	p2 =	slt.u32 s8, $0xFFFFF086  }
0x1c: {  	p1 =	slt.u32 s9, $0xF7A;
	s5 =	simm.s32 @!p2 $0x0  }
0x1d: {  	s5 =	simm.s32 @p1 $0x1;
	p0 =	seq.s32 s7, s2  }
0x1e: {  	s7 =	smul.u32 @!p0 $0xF7A, s2;
	p2 =	seq.s32 @!p0 s5, $0x0  }
0x1f: {  	s9 =	smul.u32 $0xF7A, s1;
	s8 =	simm.s32 @!p0 $0x1BF5;
	p2 =	por !p2, p0  }
0x20: {  	[sflag:s8] =	ssyncset.s32 @!p0 $0xFFFFF086;
	s6 =	sadd.s32 @!p0 s3, s7;
	s7 =	simm.s32 @!p0 $0x108  }
0x21: {  	s3 =	sadd.s32 s3, s9;
	s6 =	sadd.s32 @!p0 $0x88, s6;
	s7 =	simm.s32 @p2 $0x1082  }
0x22: {  	[simem:s7], [sflag:s8] =	dma.local @!p0 [hbm:s6], $0xF7A  }
0x23: {  	s9 =	sor.u32 $0xD0000000, s2;
	s6 =	simm.s32 $0x108;
	_ =	swait.ge @!p0 [sflag:s8], $0x0  }
0x24: {  	s3 =	sadd.s32 $0x88, s3;
	s6 =	simm.s32 @!p1 $0x1082;
	[sflag:s4] =	ssyncset.s32 $0xFFFFF086  }
0x25: {  	[simem:s6], [sflag:s4] =	dma.local [hbm:s3], $0xF7A  }
0x26: {  	[smem:$0x3F94] =	sst s1;
	(tag) =	ssettag s2;
	_ =	strace s9  }
0x27: {  	s1 =	sld [smem:$0x3FA4]  }
0x28: {  	s2 =	sld [smem:$0x3FA5]  }
0x29: {  	s4 =	sld [smem:$0x3FA7]  }
0x2a: {  	p0 =	seq.s32 s5, $0x0;
	s5 =	sld [smem:$0x3FA8]  }
0x2b: {  	s6 =	sld [smem:$0x3FA9]  }
0x2c: {  	s7 =	sld [smem:$0x3FAA]  }
0x2d: {  	s3 =	simm.s32 $0x108;
	s8 =	sld [smem:$0x3FAB]  }
0x2e: {  	s3 =	simm.s32 @!p0 $0x1082;
	s9 =	sld [smem:$0x3FAC]  }
0x2f: {  	lr =	sadd.s32 s0, s3;
	s0 =	sld [smem:$0x3FA3]  }
0x30: {  	s3 =	sld [smem:$0x3FA6]  }
0x31: {  	[smem:$0x3FAF] =	sst s10  }
0x32: {  	s10 =	sld [smem:$0x3FAD];
	_ =	sdelay $0x3  }
0x33: {  	p0 =	seq.s32 s10, $0x1;
	s10 =	sld [smem:$0x3FAF];
	_ =	sdelay $0x3  }
0x34: {  	[smem:$0x3FAF] =	sst s10  }
0x35: {  	s10 =	sld [smem:$0x3FAE];
	_ =	sdelay $0x3  }
0x36: {  	p1 =	seq.s32 s10, $0x1;
	s10 =	sld [smem:$0x3FAF];
	_ =	sdelay $0x3  }
0x37: {  	[smem:$0x3FAF] =	sst s10  }
0x38: {  	s10 =	sld [smem:$0x3FB0]  }
0x39: {  	_ = 	snop;
	(pc) =	sbr.ind lr, $3  }
0x3a: {  	_ = 	snop  }
0x3b: {  	_ = 	snop  }
0x3c: {  	p2 =	seq.s32 s10, $0x1;
	s10 =	sld [smem:$0x3FAF]  }
0x3d: {  	_ =	shalt  }
0x3e: {  	_ =	shalt  }
0x3f: {  	_ =	shalt  }
0x40: {  	_ =	shalt  }
0x41: {  	_ =	shalt  }
0x42: {  	_ =	shalt  }
0x43: {  	_ =	shalt  }
0x44: {  	_ =	shalt  }
0x45: {  	_ =	shalt  }
0x46: {  	_ =	shalt  }
0x47: {  	_ =	shalt  }
0x48: {  	_ =	shalt  }
0x49: {  	_ =	shalt  }
0x4a: {  	_ =	shalt  }
0x4b: {  	_ =	shalt  }
0x4c: {  	_ =	shalt  }
0x4d: {  	_ =	shalt  }
0x4e: {  	_ =	shalt  }
0x4f: {  	_ =	shalt  }
0x50: {  	_ =	shalt  }
0x51: {  	_ =	shalt  }
0x52: {  	_ =	shalt  }
0x53: {  	_ =	shalt  }
0x54: {  	_ =	shalt  }
0x55: {  	_ =	shalt  }
0x56: {  	_ =	shalt  }
0x57: {  	_ =	shalt  }
0x58: {  	_ =	shalt  }
0x59: {  	_ =	shalt  }
0x5a: {  	_ =	shalt  }
0x5b: {  	_ =	shalt  }
0x5c: {  	_ =	shalt  }
0x5d: {  	_ =	shalt  }
0x5e: {  	_ =	shalt  }
0x5f: {  	_ =	shalt  }
0x60: {  	_ =	shalt  }
0x61: {  	_ =	shalt  }
0x62: {  	_ =	shalt  }
0x63: {  	_ =	shalt  }
0x64: {  	_ =	shalt  }
0x65: {  	_ =	shalt  }
0x66: {  	_ =	shalt  }
0x67: {  	_ =	shalt  }
0x68: {  	_ =	shalt  }
0x69: {  	_ =	shalt  }
0x6a: {  	_ =	shalt  }
0x6b: {  	_ =	shalt  }
0x6c: {  	_ =	shalt  }
0x6d: {  	_ =	shalt  }
0x6e: {  	_ =	shalt  }
0x6f: {  	_ =	shalt  }
0x70: {  	_ =	shalt  }
0x71: {  	_ =	shalt  }
0x72: {  	_ =	shalt  }
0x73: {  	_ =	shalt  }
0x74: {  	_ =	shalt  }
0x75: {  	_ =	shalt  }
0x76: {  	_ =	shalt  }
0x77: {  	_ =	shalt  }
0x78: {  	_ =	shalt  }
0x79: {  	_ =	shalt  }
0x7a: {  	_ =	shalt  }
0x7b: {  	_ =	shalt  }
0x7c: {  	_ =	shalt  }
0x7d: {  	_ =	shalt  }
0x7e: {  	_ =	shalt  }
0x7f: {  	_ =	shalt  }
0x80: {  	_ =	shalt  }
0x81: {  	_ =	shalt  }
0x82: {  	_ =	shalt  }
0x83: {  	_ =	shalt  }
0x84: {  	_ =	shalt  }
0x85: {  	_ =	shalt  }
0x86: {  	_ =	shalt  }
0x87: {  	_ =	shalt  }
.Lfunc_end0:
.L_simem_size_0:
called_computation_lowered:
.L_overlay_start_0:
0x88: {  	s2 =	sld [smem:$0x3FD9]  }
0x89: {  	s3 =	sld [smem:$0x3FFE];
	_ =	sdelay $0x1  }
0x8a: {  	s1 =	srdreg.scid  }
0x8b: {  	s0 =	sand.u32 $0x1, s1  }
0x8c: {  	s16 =	sshll.u32 s0, $0xA;
	s2 =	sadd.s32 s3, s2  }
0x8d: {  	s2 =	sadd.s32 s2, s16  }
0x8e: {  	[smem:$0x3FBB] =	sst s2  }
0x8f: {  	_ = 	snop  }
0x90: {  	(tm) =	ssettm $0x1  }
0x91: {  	s17 =	sld [smem:$0x3FFB];
	_ =	sdelay $0x3  }
0x92: {  	_ =	strace s17  }
0x93: {  	s2 =	sld [smem:$0x3FFC];
	_ =	sdelay $0x3  }
0x94: {  	_ =	strace s2  }
0x95: {  	s2 =	sld [smem:$0x3FFD];
	_ =	sdelay $0x3  }
0x96: {  	_ =	strace s2  }
0x97: {  	_ =	strace $0x8FFFFFFF  }
0x98: {  	s18 =	sld [smem:$0x3FDB];
	_ =	sdelay $0x1  }
0x99: {  	s19 =	simm.s32 $_scs_section_size  }
0x9a: {  	s4 =	simm.s32 $_size__tile_overlayer_lowered;
	s5 =	simm.s32 $_tile_overlayer_lowered  }
0x9b: {  	s22 =	simm.s32 $0x1BFF;
	s21 =	sshll.u32 s5, $0x1;
	s2 =	sadd.s32 s19, s18  }
0x9c: {  	s6 =	simm.s32 $0x0;
	s20 =	sshll.u32 s4, $0x1;
	s4 =	sadd.s32 s21, s2  }
0x9d: {  	[timem:s6], [sflag:s22] =	dma.local [hbm:s4], s20  }
0x9e: {  	_ =	swait.ge [sflag:s22], s20  }
0x9f: {  	s3 =	ssub.s32 $0x0, s20;
	[sflag:s22] =	ssyncset.done $0x0  }
0xa0: {  	[sflag:s22] =	ssyncadd.s32 s3;
	_ =	sdelay $0x1  }
0xa1: {  	s23 =	simm.s32 $0x1B8B  }
0xa2: {  	_ =	swait.ge [sflag:s23], $0x1  }
0xa3: {  	[sflag:s23] =	ssyncset.done $0x0  }
0xa4: {  	s25 =	simm.s32 $0x1B8E;
	s24 =	sld [smem:$0x3FFE];
	[sflag:s23] =	ssyncadd.s32 $0xFFFFFFFF  }
0xa5: {  	s26 =	simm.s32 $execute0_lowered;
	[smem:$0x3FD2] =	sst s25  }
0xa6: {  	s4 =	sshll.u32 s26, $0x1;
	_ =	strace $0x80000046;
	[dreg:$0x1] =	wrdreg $0xFFFFFFFF  }
0xa7: {  	s28 =	simm.s32 $_size_execute0_lowered;
	s2 =	sadd.s32 s2, s4;
	[dreg:$0x0] =	wrdreg $0x0  }
0xa8: {  	s4 =	sshll.u32 s28, $0x1;
	[dreg:$0x2] =	wrdreg s2  }
0xa9: {  	[dreg:$0x3] =	wrdreg s4  }
0xaa: {  	[dreg:$0x4] =	wrdreg $0xC0  }
0xab: {  	_ =	task [dreg:s6], $0x5FFFF  }
0xac: {  	[dreg:$0x1] =	wrdreg $0xFFFFFFFF  }
0xad: {  	[dreg:$0x0] =	wrdreg $0x60  }
0xae: {  	[dreg:$0x2] =	wrdreg s24  }
0xaf: {  	[dreg:$0x3] =	wrdreg $0x31000  }
0xb0: {  	[dreg:$0x4] =	wrdreg $0x9  }
0xb1: {  	_ =	task.clear_ibuf [dreg:s6], $0x5FFFF;
	_ =	strace $0x90000046  }
0xb2: {  	s29 =	simm.s32 $0x9;
	_ =	strace $0x80000048  }
0xb3: {  	_ =	swait.ge [sflag:s29], $0x1  }
0xb4: {  	[sflag:s29] =	ssyncadd.s32 $0xFFFFFFFF  }
0xb5: {  	_ =	strace $0x90000048  }
0xb6: {  	_ =	sfence  }
0xb7: {  	s30 =	sld [smem:$0x0];
	_ =	sdelay $0x2  }
0xb8: {  	s31 =	sshll.u32 s1, $0xD;
	s1 =	sshrl.u32 s1, $0x2  }
0xb9: {  	s3 =	sand.u32 $0x4000, s31;
	s1 =	sadd.s32 s1, s30  }
0xba: {  	s0 =	sor.u32 s3, s0;
	s1 =	sshll.u32 s1, $0x11  }
0xbb: {  	s0 =	sor.u32 s1, s0  }
0xbc: {  	s0 =	sadd.s32 $0x8F2B, s0  }
0xbd: {  	[sflag:s0] =	ssyncadd.remote.s32 $0x1  }
0xbe: {  	_ =	sfence.sel $0xFFFF  }
0xbf: {  	[dreg:$0x0] =	wrdreg $0xFFFFFFFF;
	(pc) =	sbr.abs _section_cstart, $3  }
0xc0: {  	[dreg:$0x1] =	wrdreg $0xFFFFFFFF  }
0xc1: {  	_ =	task.clear_ibuf [dreg:s6], $0x2FFFF;
	_ =	strace $0x9FFFFFFF  }
0xc2: {  	(tm) =	ssettm $0x7FFFFFFF  }
0xc3: {  	_ =	shalt  }
tec
execute0_lowered:
.L_overlay_start_1:
0x0: {  	(tag) =	ssettag $0x1  }
0x1: {  	s4 =	rddreg [dreg:$0x0]  }
0x2: {  	s2 =	rddreg [dreg:$0x1];
	s1 =	srdreg.scid  }
0x3: {  	s0 =	rddreg [dreg:$0x2];
	s3 =	simm.s32 $0x0;
	s5 =	sand.u32 $0x1, s1  }
0x4: {  	s11 =	simm.s32 $0x2800;
	s1 =	stileid.u32;
	s6 =	smul.u32 $0x28000, s5  }
0x5: {  	[smem:$0x7FF] =	sst s3;
	s7 =	smul.u32 $0x2800, s1;
	s8 =	sshll.u32 s5, $0x4  }
0x6: {  	_ =	strace $0x80000047;
	s5 =	ssub.s32 $0x2, s5;
	s9 =	smul.u32 $0xA000, s1  }
0x7: {  	s12 =	sshll.u32 s1, $0x6;
	s8 =	sor.u32 s1, s8;
	s10 =	sshrl.u32 s5, $0x1  }
0x8: {  	s12 =	sor.u32 $0x1C01, s12;
	s6 =	sadd.s32 s7, s6;
	s8 =	smul.u32 $0x2800, s8  }
0x9: {  	s10 =	ssub.s32 s5, s10;
	s31 =	sshrl.u32 s9, $0x2;
	s13 =	sadd.s32 s7, s2  }
0xa: {  	s9 =	simm.s32 $0x1;
	s6 =	sshrl.u32 s6, $0x3;
	s7 =	smax.u32 s10, $0x1  }
0xb: {  	s10 =	simm.s32 $0x80;
	s13 =	sshrl.u32 s13, $0x3;
	s8 =	sshrl.u32 s8, $0x3  }
0xc: {  	s6 =	sadd.s32 s6, s4;
	s8 =	sadd.s32 s4, s8;
	s4 =	sadd.s32 s31, s2  }
0xd: {  	v0 =	vimm.f32 $1.000000000e+00;
	v1 =	vimm.f32 $0.0e+00;
	s6 =	sadd.s32 $0x18800, s6;
	s5 =	sadd.s32 $0xE800, s8;
	s8 =	simm.s32 $0x3000  }
.LBB2_1:
0xe: {  	s14 =	simm.s32 $0x40;
	s15 =	simm.s32 $0x0  }
.LBB2_2:
0xf: {  	p0 =	sne.s32 s14, $0x1FC0;
	[tilespmem:s15+$0x2800] =	vst v0;
	s15 =	smov.u32 s14;
	s14 =	sadd.s32 $0x40, s14  }
.Ltmp0:
0x10: {  	(pc) =	sbr.rel @p0 .LBB2_2-.Ltmp0, $2  }
0x11: {  	_ =	sdelay $0x2  }
0x12: {  	s15 =	sshra.s32 s15, $0x2  }
0x13: {  	[tilespmem:s15+$0x2800] =	vst v0  }
0x14: {  	[tilespmem:$0x3000] =	vst v1  }
0x15: {  	[tilespmem:$0x3010] =	vst v1  }
0x16: {  	[tilespmem:$0x3020] =	vst v1  }
0x17: {  	[tilespmem:$0x3030] =	vst v1  }
0x18: {  	[tilespmem:$0x3040] =	vst v1  }
0x19: {  	[tilespmem:$0x3050] =	vst v1  }
0x1a: {  	[tilespmem:$0x3060] =	vst v1  }
0x1b: {  	[tilespmem:$0x3070] =	vst v1  }
0x1c: {  	[tilespmem:$0x3080] =	vst v1  }
0x1d: {  	[tilespmem:$0x3090] =	vst v1  }
0x1e: {  	[tilespmem:$0x30A0] =	vst v1  }
0x1f: {  	[tilespmem:$0x30B0] =	vst v1  }
0x20: {  	[tilespmem:$0x30C0] =	vst v1  }
0x21: {  	[tilespmem:$0x30D0] =	vst v1  }
0x22: {  	[tilespmem:$0x30E0] =	vst v1  }
0x23: {  	s14 =	sadd.s32 $0x0, s4;
	[tilespmem:$0x30F0] =	vst v1  }
0x24: {  	[spmem:s14] =	stream.linear.scatter [tilespmem:s8], [sflag:$0x1], $0x100, $0x38;
	[tilespmem:$0x5900] =	vst v63  }
0x25: {  	s14 =	simm.s32 $0x400;
	_ =	swait.ge [sflag:s9], $0x100  }
.LBB2_4:
0x26: {  	s15 =	sshra.s32 s14, $0x2;
	[sflag:s9] =	ssyncset.done $0x0;
	p0 =	sne.s32 s14, $0x9C00  }
.Ltmp1:
0x27: {  	s15 =	sadd.s32 s15, s4;
	[sflag:s9] =	ssyncadd.s32 $0xFFFFFF00;
	(pc) =	sbr.rel @p0 .LBB2_4-.Ltmp1, $3  }
0x28: {  	[spmem:s15] =	stream.linear.scatter [tilespmem:s8], [sflag:$0x1], $0x100, $0x38;
	[tilespmem:$0x5900] =	vst v63  }
0x29: {  	s14 =	sadd.s32 $0x400, s14;
	_ =	sdelay $0x1  }
0x2a: {  	_ =	swait.ge [sflag:s9], $0x100  }
0x2b: {  	[sflag:s9] =	ssyncset.done $0x0  }
0x2c: {  	s14 =	simm.s32 $0x0;
	[sflag:s9] =	ssyncadd.s32 $0xFFFFFF00  }
0x2d: {  	[tilespmem:s14], [sflag:$0x1] =	stream.linear.gather [hbm4b:s5+s14], $0x2800, $0x38;
	[tilespmem:$0x5900] =	vst v63  }
0x2e: {  	_ =	swait.ge [sflag:s9], $0x2800  }
0x2f: {  	[sflag:s9] =	ssyncset.done $0x0  }
0x30: {  	[sflag:s9] =	ssyncadd.s32 $0xFFFFD800  }
0x31: {  	s31 =	simm.s32 $0x0;
	[bflag:$0x0] =	sbarrier.arrive $0xFFFF  }
0x32: {  	[spmem:s2] =	stream.indirect.scatter.add.f32 [tilespmem:s11], [sflag:$0x1], $0x10, s31, s10, $0xb8;
	[tilespmem:$0x5900] =	vst v63  }
0x33: {  	_ =	swait.ge [sflag:s9], $0x800  }
0x34: {  	s14 =	simm.s32 $0x200;
	[sflag:s9] =	ssyncset.done $0x0  }
.LBB2_6:
0x35: {  	s15 =	sshra.s32 s14, $0x2;
	[sflag:s9] =	ssyncadd.s32 $0xFFFFF800;
	p0 =	sne.s32 s14, $0x9E00  }
0x36: {  	[spmem:s2] =	stream.indirect.scatter.add.f32 [tilespmem:s11], [sflag:$0x1], $0x10, s15, s10, $0xb8;
	[tilespmem:$0x5900] =	vst v63  }
.Ltmp2:
0x37: {  	_ = 	snop;
	(pc) =	sbr.rel @p0 .LBB2_6-.Ltmp2, $4  }
0x38: {  	_ = 	snop  }
0x39: {  	s14 =	sadd.s32 $0x200, s14  }
0x3a: {  	_ =	swait.ge [sflag:s9], $0x800  }
0x3b: {  	[sflag:s9] =	ssyncset.done $0x0  }
0x3c: {  	s3 =	sadd.s32 $0x1, s3  }
0x3d: {  	[sflag:s9] =	ssyncadd.s32 $0xFFFFF800;
	p0 =	sne.s32 s3, s7  }
.Ltmp3:
0x3e: {  	[bflag:$0x0] =	sbarrier.arrive $0xFFFF;
	(pc) =	sbr.rel @p0 .LBB2_1-.Ltmp3, $4  }
0x3f: {  	[hbm:s6], [sflag:s12] =	dma.local [spmem:s13], $0x500  }
0x40: {  	_ =	swait.ge [sflag:s9], $0x500  }
0x41: {  	[sflag:s9] =	ssyncset.done $0x0  }
0x42: {  	[sflag:s9] =	ssyncadd.s32 $0xFFFFFB00  }
0x43: {  	_ =	sfence.sel $0x180000  }
0x44: {  	[bflag:$0x0] =	sbarrier.arrive $0xFFFF  }
0x45: {  	p0 =	sne.s32 s1, $0x0;
	_ =	strace $0x90000047  }
0x46: {  	s0 =	sadd.s32 @!p0 $0x100000, s0;
	[bflag:$0x2] =	sbarrier.arrive $0xFFFF  }
0x47: {  	[sflag:s0] =	ssyncadd.tile.s32 @!p0 $0x1;
	_ =	shalt  }
.Lfunc_end2:
_tile_overlayer_lowered:
.L_overlay_start_2:
0x48: {  	(tag) =	ssettag $0x2  }
0x49: {  	s0 =	rddreg [dreg:$0x0];
	s2 =	stileid.u32  }
0x4a: {  	s1 =	rddreg [dreg:$0x1];
	p0 =	sne.s32 s2, $0x0  }
0x4b: {  	s3 =	rddreg [dreg:$0x2];
	[bflag:$0x3] =	sbarrier.arrive $0xFFFF;
	s2 =	simm.s32 @!p0 $0x1C01  }
0x4c: {  	[timem:s3], [sflag:s2] =	dma.local @!p0 [hbm:s0], s1  }
0x4d: {  	s0 =	simm.s32 @!p0 $0x1  }
0x4e: {  	_ =	swait.ge @!p0 [sflag:s0], s1  }
0x4f: {  	s1 =	ssub.s32 @!p0 $0x0, s1;
	[sflag:s0] =	ssyncset.done @!p0 $0x0  }
0x50: {  	[sflag:s0] =	ssyncadd.s32 @!p0 s1  }
0x51: {  	[bflag:$0x3] =	sbarrier.arrive $0xFFFF  }
0x52: {  	_ =	shalt  }

// kernel: kernel.13.cloned.1.call-start
scs
__scs_entry_jumppad:
0x0: {  	(pc) =	sbr.rel $0x88, $3  }
0x1: {  	(tag) =	ssettag $0x0;
	lr =	simm.s32 $0x1  }
0x2: {  	[smem:$0x3F94] =	sst lr;
	_ =	strace $0xD0000000  }
0x3: {  	_ = 	snop  }
0x4: {  	_ = 	snop  }
0x5: {  	_ = 	snop  }
0x6: {  	_ = 	snop  }
0x7: {  	_ = 	snop  }
__scs_overlays_trampoline_lowered:
0x8: {  	[smem:$0x3FA3] =	sst s0  }
0x9: {  	[smem:$0x3FA4] =	sst s1  }
0xa: {  	[smem:$0x3FA5] =	sst s2  }
0xb: {  	[smem:$0x3FA6] =	sst s3  }
0xc: {  	[smem:$0x3FA7] =	sst s4  }
0xd: {  	[smem:$0x3FA8] =	sst s5  }
0xe: {  	[smem:$0x3FA9] =	sst s6  }
0xf: {  	[smem:$0x3FAA] =	sst s7  }
0x10: {  	[smem:$0x3FAB] =	sst s8  }
0x11: {  	[smem:$0x3FAC] =	sst s9;
	s0 =	simm.s32 @!p0 $0x0  }
0x12: {  	s1 =	sld [smem:$0x3F92];
	s0 =	simm.s32 @p0 $0x1  }
0x13: {  	[smem:$0x3FAD] =	sst s0;
	s0 =	simm.s32 @!p1 $0x0  }
0x14: {  	s2 =	sld [smem:$0x3F91];
	s0 =	simm.s32 @p1 $0x1  }
0x15: {  	[smem:$0x3FAE] =	sst s0;
	s0 =	simm.s32 @!p2 $0x0  }
0x16: {  	s3 =	sld [smem:$0x3FDB];
	s0 =	simm.s32 @p2 $0x1  }
0x17: {  	s4 =	simm.s32 $0x1BF5;
	[smem:$0x3FB0] =	sst s0  }
0x18: {  	s0 =	sld [smem:$0x3F93];
	_ =	swait.ge [sflag:s4], $0x0  }
0x19: {  	s7 =	sld [smem:$0x3F94]  }
0x1a: {  	s8 =	sadd.s32 $0xFFFFE003, lr  }
0x1b: {  	s9 =	sadd.s32 $0xFFFFFEF7, lr;
	s5 =	simm.s32 $0xFFFFFFFF;
	p2 =	slt.u32 s8, $0xFFFFF086  }
0x1c: {  	p1 =	slt.u32 s9, $0xF7A;
	s5 =	simm.s32 @!p2 $0x0  }
0x1d: {  	s5 =	simm.s32 @p1 $0x1;
	p0 =	seq.s32 s7, s2  }
0x1e: {  	s7 =	smul.u32 @!p0 $0xF7A, s2;
	p2 =	seq.s32 @!p0 s5, $0x0  }
0x1f: {  	s9 =	smul.u32 $0xF7A, s1;
	s8 =	simm.s32 @!p0 $0x1BF5;
	p2 =	por !p2, p0  }
0x20: {  	[sflag:s8] =	ssyncset.s32 @!p0 $0xFFFFF086;
	s6 =	sadd.s32 @!p0 s3, s7;
	s7 =	simm.s32 @!p0 $0x108  }
0x21: {  	s3 =	sadd.s32 s3, s9;
	s6 =	sadd.s32 @!p0 $0x88, s6;
	s7 =	simm.s32 @p2 $0x1082  }
0x22: {  	[simem:s7], [sflag:s8] =	dma.local @!p0 [hbm:s6], $0xF7A  }
0x23: {  	s9 =	sor.u32 $0xD0000000, s2;
	s6 =	simm.s32 $0x108;
	_ =	swait.ge @!p0 [sflag:s8], $0x0  }
0x24: {  	s3 =	sadd.s32 $0x88, s3;
	s6 =	simm.s32 @!p1 $0x1082;
	[sflag:s4] =	ssyncset.s32 $0xFFFFF086  }
0x25: {  	[simem:s6], [sflag:s4] =	dma.local [hbm:s3], $0xF7A  }
0x26: {  	[smem:$0x3F94] =	sst s1;
	(tag) =	ssettag s2;
	_ =	strace s9  }
0x27: {  	s1 =	sld [smem:$0x3FA4]  }
0x28: {  	s2 =	sld [smem:$0x3FA5]  }
0x29: {  	s4 =	sld [smem:$0x3FA7]  }
0x2a: {  	p0 =	seq.s32 s5, $0x0;
	s5 =	sld [smem:$0x3FA8]  }
0x2b: {  	s6 =	sld [smem:$0x3FA9]  }
0x2c: {  	s7 =	sld [smem:$0x3FAA]  }
0x2d: {  	s3 =	simm.s32 $0x108;
	s8 =	sld [smem:$0x3FAB]  }
0x2e: {  	s3 =	simm.s32 @!p0 $0x1082;
	s9 =	sld [smem:$0x3FAC]  }
0x2f: {  	lr =	sadd.s32 s0, s3;
	s0 =	sld [smem:$0x3FA3]  }
0x30: {  	s3 =	sld [smem:$0x3FA6]  }
0x31: {  	[smem:$0x3FAF] =	sst s10  }
0x32: {  	s10 =	sld [smem:$0x3FAD];
	_ =	sdelay $0x3  }
0x33: {  	p0 =	seq.s32 s10, $0x1;
	s10 =	sld [smem:$0x3FAF];
	_ =	sdelay $0x3  }
0x34: {  	[smem:$0x3FAF] =	sst s10  }
0x35: {  	s10 =	sld [smem:$0x3FAE];
	_ =	sdelay $0x3  }
0x36: {  	p1 =	seq.s32 s10, $0x1;
	s10 =	sld [smem:$0x3FAF];
	_ =	sdelay $0x3  }
0x37: {  	[smem:$0x3FAF] =	sst s10  }
0x38: {  	s10 =	sld [smem:$0x3FB0]  }
0x39: {  	_ = 	snop;
	(pc) =	sbr.ind lr, $3  }
0x3a: {  	_ = 	snop  }
0x3b: {  	_ = 	snop  }
0x3c: {  	p2 =	seq.s32 s10, $0x1;
	s10 =	sld [smem:$0x3FAF]  }
0x3d: {  	_ =	shalt  }
0x3e: {  	_ =	shalt  }
0x3f: {  	_ =	shalt  }
0x40: {  	_ =	shalt  }
0x41: {  	_ =	shalt  }
0x42: {  	_ =	shalt  }
0x43: {  	_ =	shalt  }
0x44: {  	_ =	shalt  }
0x45: {  	_ =	shalt  }
0x46: {  	_ =	shalt  }
0x47: {  	_ =	shalt  }
0x48: {  	_ =	shalt  }
0x49: {  	_ =	shalt  }
0x4a: {  	_ =	shalt  }
0x4b: {  	_ =	shalt  }
0x4c: {  	_ =	shalt  }
0x4d: {  	_ =	shalt  }
0x4e: {  	_ =	shalt  }
0x4f: {  	_ =	shalt  }
0x50: {  	_ =	shalt  }
0x51: {  	_ =	shalt  }
0x52: {  	_ =	shalt  }
0x53: {  	_ =	shalt  }
0x54: {  	_ =	shalt  }
0x55: {  	_ =	shalt  }
0x56: {  	_ =	shalt  }
0x57: {  	_ =	shalt  }
0x58: {  	_ =	shalt  }
0x59: {  	_ =	shalt  }
0x5a: {  	_ =	shalt  }
0x5b: {  	_ =	shalt  }
0x5c: {  	_ =	shalt  }
0x5d: {  	_ =	shalt  }
0x5e: {  	_ =	shalt  }
0x5f: {  	_ =	shalt  }
0x60: {  	_ =	shalt  }
0x61: {  	_ =	shalt  }
0x62: {  	_ =	shalt  }
0x63: {  	_ =	shalt  }
0x64: {  	_ =	shalt  }
0x65: {  	_ =	shalt  }
0x66: {  	_ =	shalt  }
0x67: {  	_ =	shalt  }
0x68: {  	_ =	shalt  }
0x69: {  	_ =	shalt  }
0x6a: {  	_ =	shalt  }
0x6b: {  	_ =	shalt  }
0x6c: {  	_ =	shalt  }
0x6d: {  	_ =	shalt  }
0x6e: {  	_ =	shalt  }
0x6f: {  	_ =	shalt  }
0x70: {  	_ =	shalt  }
0x71: {  	_ =	shalt  }
0x72: {  	_ =	shalt  }
0x73: {  	_ =	shalt  }
0x74: {  	_ =	shalt  }
0x75: {  	_ =	shalt  }
0x76: {  	_ =	shalt  }
0x77: {  	_ =	shalt  }
0x78: {  	_ =	shalt  }
0x79: {  	_ =	shalt  }
0x7a: {  	_ =	shalt  }
0x7b: {  	_ =	shalt  }
0x7c: {  	_ =	shalt  }
0x7d: {  	_ =	shalt  }
0x7e: {  	_ =	shalt  }
0x7f: {  	_ =	shalt  }
0x80: {  	_ =	shalt  }
0x81: {  	_ =	shalt  }
0x82: {  	_ =	shalt  }
0x83: {  	_ =	shalt  }
0x84: {  	_ =	shalt  }
0x85: {  	_ =	shalt  }
0x86: {  	_ =	shalt  }
0x87: {  	_ =	shalt  }
.Lfunc_end0:
.L_simem_size_0:
called_computation.1_lowered:
.L_overlay_start_0:
0x88: {  	s2 =	sld [smem:$0x3FD9]  }
0x89: {  	s3 =	sld [smem:$0x3FFE];
	_ =	sdelay $0x1  }
0x8a: {  	s1 =	srdreg.scid  }
0x8b: {  	s0 =	sand.u32 $0x1, s1  }
0x8c: {  	s16 =	sshll.u32 s0, $0xA;
	s2 =	sadd.s32 s3, s2  }
0x8d: {  	s2 =	sadd.s32 s2, s16  }
0x8e: {  	[smem:$0x3FBB] =	sst s2  }
0x8f: {  	_ = 	snop  }
0x90: {  	(tm) =	ssettm $0x1  }
0x91: {  	s17 =	sld [smem:$0x3FFB];
	_ =	sdelay $0x3  }
0x92: {  	_ =	strace s17  }
0x93: {  	s2 =	sld [smem:$0x3FFC];
	_ =	sdelay $0x3  }
0x94: {  	_ =	strace s2  }
0x95: {  	s2 =	sld [smem:$0x3FFD];
	_ =	sdelay $0x3  }
0x96: {  	_ =	strace s2  }
0x97: {  	_ =	strace $0x8FFFFFFF  }
0x98: {  	s18 =	sld [smem:$0x3FDB];
	_ =	sdelay $0x1  }
0x99: {  	s19 =	simm.s32 $_scs_section_size  }
0x9a: {  	s4 =	simm.s32 $_size__tile_overlayer_lowered;
	s5 =	simm.s32 $_tile_overlayer_lowered  }
0x9b: {  	s22 =	simm.s32 $0x1BFF;
	s21 =	sshll.u32 s5, $0x1;
	s2 =	sadd.s32 s19, s18  }
0x9c: {  	s6 =	simm.s32 $0x0;
	s20 =	sshll.u32 s4, $0x1;
	s4 =	sadd.s32 s21, s2  }
0x9d: {  	[timem:s6], [sflag:s22] =	dma.local [hbm:s4], s20  }
0x9e: {  	_ =	swait.ge [sflag:s22], s20  }
0x9f: {  	s3 =	ssub.s32 $0x0, s20;
	[sflag:s22] =	ssyncset.done $0x0  }
0xa0: {  	[sflag:s22] =	ssyncadd.s32 s3;
	_ =	sdelay $0x1  }
0xa1: {  	s23 =	simm.s32 $0x1B8B  }
0xa2: {  	_ =	swait.ge [sflag:s23], $0x1  }
0xa3: {  	[sflag:s23] =	ssyncset.done $0x0  }
0xa4: {  	s25 =	simm.s32 $0x1B8E;
	s24 =	sld [smem:$0x3FFE];
	[sflag:s23] =	ssyncadd.s32 $0xFFFFFFFF  }
0xa5: {  	s26 =	simm.s32 $execute0_lowered;
	[smem:$0x3FD2] =	sst s25  }
0xa6: {  	s4 =	sshll.u32 s26, $0x1;
	_ =	strace $0x80000049;
	[dreg:$0x1] =	wrdreg $0xFFFFFFFF  }
0xa7: {  	s28 =	simm.s32 $_size_execute0_lowered;
	s2 =	sadd.s32 s2, s4;
	[dreg:$0x0] =	wrdreg $0x0  }
0xa8: {  	s4 =	sshll.u32 s28, $0x1;
	[dreg:$0x2] =	wrdreg s2  }
0xa9: {  	[dreg:$0x3] =	wrdreg s4  }
0xaa: {  	[dreg:$0x4] =	wrdreg $0xC0  }
0xab: {  	_ =	task [dreg:s6], $0x5FFFF  }
0xac: {  	[dreg:$0x1] =	wrdreg $0xFFFFFFFF  }
0xad: {  	[dreg:$0x0] =	wrdreg $0x60  }
0xae: {  	[dreg:$0x2] =	wrdreg s24  }
0xaf: {  	[dreg:$0x3] =	wrdreg $0xD4000  }
0xb0: {  	[dreg:$0x4] =	wrdreg $0x9  }
0xb1: {  	_ =	task.clear_ibuf [dreg:s6], $0x5FFFF;
	_ =	strace $0x90000049  }
0xb2: {  	s29 =	simm.s32 $0x9;
	_ =	strace $0x8000004B  }
0xb3: {  	_ =	swait.ge [sflag:s29], $0x1  }
0xb4: {  	[sflag:s29] =	ssyncadd.s32 $0xFFFFFFFF  }
0xb5: {  	_ =	strace $0x9000004B  }
0xb6: {  	_ =	sfence  }
0xb7: {  	s30 =	sld [smem:$0x0];
	_ =	sdelay $0x2  }
0xb8: {  	s31 =	sshll.u32 s1, $0xD;
	s1 =	sshrl.u32 s1, $0x2  }
0xb9: {  	s3 =	sand.u32 $0x4000, s31;
	s1 =	sadd.s32 s1, s30  }
0xba: {  	s0 =	sor.u32 s3, s0;
	s1 =	sshll.u32 s1, $0x11  }
0xbb: {  	s0 =	sor.u32 s1, s0  }
0xbc: {  	s0 =	sadd.s32 $0x8F2B, s0  }
0xbd: {  	[sflag:s0] =	ssyncadd.remote.s32 $0x1  }
0xbe: {  	_ =	sfence.sel $0xFFFF  }
0xbf: {  	[dreg:$0x0] =	wrdreg $0xFFFFFFFF;
	(pc) =	sbr.abs _section_cstart, $3  }
0xc0: {  	[dreg:$0x1] =	wrdreg $0xFFFFFFFF  }
0xc1: {  	_ =	task.clear_ibuf [dreg:s6], $0x2FFFF;
	_ =	strace $0x9FFFFFFF  }
0xc2: {  	(tm) =	ssettm $0x7FFFFFFF  }
0xc3: {  	_ =	shalt  }
tec
execute0_lowered:
.L_overlay_start_1:
0x0: {  	(tag) =	ssettag $0x1  }
0x1: {  	s6 =	rddreg [dreg:$0x0]  }
0x2: {  	s0 =	srdreg.scid;
	s2 =	rddreg [dreg:$0x1];
	s3 =	simm.s32 $0x0  }
0x3: {  	s12 =	simm.s32 $0x2800;
	s13 =	simm.s32 $0x80;
	s14 =	simm.s32 $0x5000  }
0x4: {  	s15 =	simm.s32 $0x7000;
	s16 =	simm.s32 $0x100;
	s17 =	simm.s32 $0x9000  }
0x5: {  	s18 =	simm.s32 $0x180;
	s19 =	simm.s32 $0xB000;
	s20 =	simm.s32 $0x1  }
0x6: {  	s21 =	simm.s32 $0x2;
	s22 =	simm.s32 $0x3;
	s23 =	simm.s32 $0x4  }
0x7: {  	s24 =	simm.s32 $0x4E00;
	s26 =	simm.s32 $0x4E80;
	s28 =	simm.s32 $0x4F00  }
0x8: {  	s29 =	simm.s32 $0x4F80;
	s5 =	sand.u32 $0x1, s0;
	s0 =	stileid.u32  }
0x9: {  	[smem:$0x7FF] =	sst s3;
	s1 =	sshll.u32 s5, $0x4;
	s8 =	smul.u32 $0xA0000, s5  }
0xa: {  	_ =	strace $0x8000004A;
	s9 =	smul.u32 $0xA000, s0;
	s5 =	ssub.s32 $0x2, s5  }
0xb: {  	s10 =	smul.u32 $0x28000, s0;
	s4 =	sor.u32 s0, s1;
	s11 =	sshrl.u32 s5, $0x1  }
0xc: {  	s7 =	smul.u32 $0x2800, s4;
	s4 =	sadd.s32 $0x18800, s6;
	s8 =	sadd.s32 s9, s8  }
0xd: {  	s10 =	sshrl.u32 s10, $0x2;
	s11 =	ssub.s32 s5, s11;
	s25 =	sadd.s32 s9, s2  }
0xe: {  	s8 =	sshrl.u32 s8, $0x3;
	s5 =	sadd.s32 s10, s2;
	s9 =	smax.u32 s11, $0x1  }
0xf: {  	s10 =	simm.s32 $0xD000;
	s11 =	simm.s32 $0x5;
	s7 =	sshrl.u32 s7, $0x3  }
0x10: {  	s25 =	sshrl.u32 s25, $0x3;
	s8 =	sadd.s32 s8, s6;
	s7 =	sadd.s32 s7, s6  }
0x11: {  	v0 =	vimm.f32 $0.0e+00;
	s8 =	sadd.s32 $0x2C800, s8;
	s6 =	sadd.s32 $0x4800, s7;
	s7 =	sadd.s32 $0xE800, s7  }
.LBB2_1:
0x12: {  	[tilespmem:$0xD000] =	vst v0  }
0x13: {  	[tilespmem:$0xD010] =	vst v0  }
0x14: {  	[tilespmem:$0xD020] =	vst v0  }
0x15: {  	[tilespmem:$0xD030] =	vst v0  }
0x16: {  	[tilespmem:$0xD040] =	vst v0  }
0x17: {  	[tilespmem:$0xD050] =	vst v0  }
0x18: {  	[tilespmem:$0xD060] =	vst v0  }
0x19: {  	[tilespmem:$0xD070] =	vst v0  }
0x1a: {  	[tilespmem:$0xD080] =	vst v0  }
0x1b: {  	[tilespmem:$0xD090] =	vst v0  }
0x1c: {  	[tilespmem:$0xD0A0] =	vst v0  }
0x1d: {  	[tilespmem:$0xD0B0] =	vst v0  }
0x1e: {  	[tilespmem:$0xD0C0] =	vst v0  }
0x1f: {  	[tilespmem:$0xD0D0] =	vst v0  }
0x20: {  	[tilespmem:$0xD0E0] =	vst v0  }
0x21: {  	[tilespmem:$0xD0F0] =	vst v0  }
0x22: {  	[tilespmem:$0xD100] =	vst v0  }
0x23: {  	[tilespmem:$0xD110] =	vst v0  }
0x24: {  	[tilespmem:$0xD120] =	vst v0  }
0x25: {  	[tilespmem:$0xD130] =	vst v0  }
0x26: {  	[tilespmem:$0xD140] =	vst v0  }
0x27: {  	[tilespmem:$0xD150] =	vst v0  }
0x28: {  	[tilespmem:$0xD160] =	vst v0  }
0x29: {  	[tilespmem:$0xD170] =	vst v0  }
0x2a: {  	[tilespmem:$0xD180] =	vst v0  }
0x2b: {  	[tilespmem:$0xD190] =	vst v0  }
0x2c: {  	[tilespmem:$0xD1A0] =	vst v0  }
0x2d: {  	[tilespmem:$0xD1B0] =	vst v0  }
0x2e: {  	[tilespmem:$0xD1C0] =	vst v0  }
0x2f: {  	[tilespmem:$0xD1D0] =	vst v0  }
0x30: {  	[tilespmem:$0xD1E0] =	vst v0  }
0x31: {  	[tilespmem:$0xD1F0] =	vst v0  }
0x32: {  	[tilespmem:$0xD200] =	vst v0  }
0x33: {  	[tilespmem:$0xD210] =	vst v0  }
0x34: {  	[tilespmem:$0xD220] =	vst v0  }
0x35: {  	[tilespmem:$0xD230] =	vst v0  }
0x36: {  	[tilespmem:$0xD240] =	vst v0  }
0x37: {  	[tilespmem:$0xD250] =	vst v0  }
0x38: {  	[tilespmem:$0xD260] =	vst v0  }
0x39: {  	[tilespmem:$0xD270] =	vst v0  }
0x3a: {  	[tilespmem:$0xD280] =	vst v0  }
0x3b: {  	[tilespmem:$0xD290] =	vst v0  }
0x3c: {  	[tilespmem:$0xD2A0] =	vst v0  }
0x3d: {  	[tilespmem:$0xD2B0] =	vst v0  }
0x3e: {  	[tilespmem:$0xD2C0] =	vst v0  }
0x3f: {  	[tilespmem:$0xD2D0] =	vst v0  }
0x40: {  	[tilespmem:$0xD2E0] =	vst v0  }
0x41: {  	[tilespmem:$0xD2F0] =	vst v0  }
0x42: {  	[tilespmem:$0xD300] =	vst v0  }
0x43: {  	[tilespmem:$0xD310] =	vst v0  }
0x44: {  	[tilespmem:$0xD320] =	vst v0  }
0x45: {  	[tilespmem:$0xD330] =	vst v0  }
0x46: {  	[tilespmem:$0xD340] =	vst v0  }
0x47: {  	[tilespmem:$0xD350] =	vst v0  }
0x48: {  	[tilespmem:$0xD360] =	vst v0  }
0x49: {  	[tilespmem:$0xD370] =	vst v0  }
0x4a: {  	[tilespmem:$0xD380] =	vst v0  }
0x4b: {  	[tilespmem:$0xD390] =	vst v0  }
0x4c: {  	[tilespmem:$0xD3A0] =	vst v0  }
0x4d: {  	[tilespmem:$0xD3B0] =	vst v0  }
0x4e: {  	[tilespmem:$0xD3C0] =	vst v0  }
0x4f: {  	[tilespmem:$0xD3D0] =	vst v0  }
0x50: {  	[tilespmem:$0xD3E0] =	vst v0  }
0x51: {  	[tilespmem:$0xD3F0] =	vst v0;
	s30 =	sadd.s32 $0x0, s5  }
0x52: {  	[spmem:s30] =	stream.linear.scatter [tilespmem:s10], [sflag:$0x5], $0x400, $0x38;
	[tilespmem:$0x17400] =	vst v63  }
0x53: {  	s30 =	simm.s32 $0x1000;
	_ =	swait.ge [sflag:s11], $0x400  }
.LBB2_2:
0x54: {  	s31 =	sshra.s32 s30, $0x2;
	[sflag:s11] =	ssyncset.done $0x0;
	p0 =	sne.s32 s30, $0x27000  }
.Ltmp0:
0x55: {  	s31 =	sadd.s32 s31, s5;
	[sflag:s11] =	ssyncadd.s32 $0xFFFFFC00;
	(pc) =	sbr.rel @p0 .LBB2_2-.Ltmp0, $3  }
0x56: {  	[spmem:s31] =	stream.linear.scatter [tilespmem:s10], [sflag:$0x5], $0x400, $0x38;
	[tilespmem:$0x17400] =	vst v63  }
0x57: {  	s30 =	sadd.s32 $0x1000, s30;
	_ =	sdelay $0x1  }
0x58: {  	_ =	swait.ge [sflag:s11], $0x400  }
0x59: {  	[sflag:s11] =	ssyncset.done $0x0  }
0x5a: {  	s30 =	simm.s32 $0x0;
	[sflag:s11] =	ssyncadd.s32 $0xFFFFFC00  }
0x5b: {  	[tilespmem:s30], [sflag:$0x5] =	stream.linear.gather [hbm4b:s6+s30], $0x2800, $0x38;
	[tilespmem:$0x17400] =	vst v63  }
0x5c: {  	_ =	swait.ge [sflag:s11], $0x2800  }
0x5d: {  	[sflag:s11] =	ssyncset.done $0x0  }
0x5e: {  	[sflag:s11] =	ssyncadd.s32 $0xFFFFD800  }
0x5f: {  	[tilespmem:s12], [sflag:$0x5] =	stream.linear.gather [hbm4b:s7+s30], $0x2800, $0x38;
	[tilespmem:$0x17400] =	vst v63  }
0x60: {  	_ =	swait.ge [sflag:s11], $0x2800  }
0x61: {  	[sflag:s11] =	ssyncset.done $0x0  }
0x62: {  	[sflag:s11] =	ssyncadd.s32 $0xFFFFD800  }
0x63: {  	[bflag:$0x0] =	sbarrier.arrive $0xFFFF  }
0x64: {  	[tilespmem:s14], [sflag:$0x1] =	stream.indirect.gather [hbm4b:s4+s13], $0x40, s30, s13, $0xb8;
	[tilespmem:$0x17400] =	vst v63  }
0x65: {  	_ = 	snop  }
0x66: {  	[tilespmem:s15], [sflag:$0x2] =	stream.indirect.gather [hbm4b:s4+s13], $0x40, s13, s13, $0xb8;
	[tilespmem:$0x17400] =	vst v63  }
0x67: {  	_ = 	snop  }
0x68: {  	[tilespmem:s17], [sflag:$0x3] =	stream.indirect.gather [hbm4b:s4+s13], $0x40, s16, s13, $0xb8;
	[tilespmem:$0x17400] =	vst v63  }
0x69: {  	_ = 	snop  }
0x6a: {  	[tilespmem:s19], [sflag:$0x4] =	stream.indirect.gather [hbm4b:s4+s13], $0x40, s18, s13, $0xb8;
	[tilespmem:$0x17400] =	vst v63  }
0x6b: {  	_ =	swait.ge [sflag:s20], $0x2000  }
0x6c: {  	[sflag:s20] =	ssyncset.done $0x0  }
0x6d: {  	s30 =	simm.s32 $0x2800;
	[sflag:s20] =	ssyncadd.s32 $0xFFFFE000  }
0x6e: {  	[spmem:s2] =	stream.indirect.scatter.add.f32 [tilespmem:s14], [sflag:$0x5], $0x40, s30, s13, $0xb8;
	[tilespmem:$0x17400] =	vst v63  }
0x6f: {  	_ =	swait.ge [sflag:s11], $0x2000  }
0x70: {  	[sflag:s11] =	ssyncset.done $0x0  }
0x71: {  	s30 =	simm.s32 $0x200;
	[sflag:s11] =	ssyncadd.s32 $0xFFFFE000  }
0x72: {  	[tilespmem:s14], [sflag:$0x1] =	stream.indirect.gather [hbm4b:s4+s13], $0x40, s30, s13, $0xb8;
	[tilespmem:$0x17400] =	vst v63  }
0x73: {  	_ =	swait.ge [sflag:s21], $0x2000  }
0x74: {  	[sflag:s21] =	ssyncset.done $0x0  }
0x75: {  	s30 =	simm.s32 $0x2880;
	[sflag:s21] =	ssyncadd.s32 $0xFFFFE000  }
0x76: {  	[spmem:s2] =	stream.indirect.scatter.add.f32 [tilespmem:s15], [sflag:$0x5], $0x40, s30, s13, $0xb8;
	[tilespmem:$0x17400] =	vst v63  }
0x77: {  	_ =	swait.ge [sflag:s11], $0x2000  }
0x78: {  	[sflag:s11] =	ssyncset.done $0x0  }
0x79: {  	s30 =	simm.s32 $0x280;
	[sflag:s11] =	ssyncadd.s32 $0xFFFFE000  }
0x7a: {  	[tilespmem:s15], [sflag:$0x2] =	stream.indirect.gather [hbm4b:s4+s13], $0x40, s30, s13, $0xb8;
	[tilespmem:$0x17400] =	vst v63  }
0x7b: {  	_ =	swait.ge [sflag:s22], $0x2000  }
0x7c: {  	[sflag:s22] =	ssyncset.done $0x0  }
0x7d: {  	s30 =	simm.s32 $0x2900;
	[sflag:s22] =	ssyncadd.s32 $0xFFFFE000  }
0x7e: {  	[spmem:s2] =	stream.indirect.scatter.add.f32 [tilespmem:s17], [sflag:$0x5], $0x40, s30, s13, $0xb8;
	[tilespmem:$0x17400] =	vst v63  }
0x7f: {  	_ =	swait.ge [sflag:s11], $0x2000  }
0x80: {  	[sflag:s11] =	ssyncset.done $0x0  }
0x81: {  	s30 =	simm.s32 $0x300;
	[sflag:s11] =	ssyncadd.s32 $0xFFFFE000  }
0x82: {  	[tilespmem:s17], [sflag:$0x3] =	stream.indirect.gather [hbm4b:s4+s13], $0x40, s30, s13, $0xb8;
	[tilespmem:$0x17400] =	vst v63  }
0x83: {  	_ =	swait.ge [sflag:s23], $0x2000  }
0x84: {  	[sflag:s23] =	ssyncset.done $0x0  }
0x85: {  	s30 =	simm.s32 $0x2980;
	[sflag:s23] =	ssyncadd.s32 $0xFFFFE000  }
0x86: {  	[spmem:s2] =	stream.indirect.scatter.add.f32 [tilespmem:s19], [sflag:$0x5], $0x40, s30, s13, $0xb8;
	[tilespmem:$0x17400] =	vst v63  }
0x87: {  	_ =	swait.ge [sflag:s11], $0x2000  }
0x88: {  	[sflag:s11] =	ssyncset.done $0x0  }
0x89: {  	s31 =	simm.s32 $0x380;
	s30 =	simm.s32 $0x800;
	[sflag:s11] =	ssyncadd.s32 $0xFFFFE000  }
.LBB2_4:
0x8a: {  	[tilespmem:s19], [sflag:$0x4] =	stream.indirect.gather [hbm4b:s4+s13], $0x40, s31, s13, $0xb8;
	[tilespmem:$0x17400] =	vst v63  }
0x8b: {  	s31 =	smov.u32 s30  }
0x8c: {  	p0 =	sne.s32 s30, $0x9000;
	s30 =	sadd.s32 $0x800, s30;
	_ =	swait.ge [sflag:s20], $0x2000  }
0x8d: {  	s31 =	sshra.s32 s31, $0x2;
	[sflag:s20] =	ssyncset.done $0x0  }
0x8e: {  	s1 =	sadd.s32 $0x2800, s31;
	[sflag:s20] =	ssyncadd.s32 $0xFFFFE000  }
0x8f: {  	[spmem:s2] =	stream.indirect.scatter.add.f32 [tilespmem:s14], [sflag:$0x5], $0x40, s1, s13, $0xb8;
	[tilespmem:$0x17400] =	vst v63  }
0x90: {  	_ =	swait.ge [sflag:s11], $0x2000  }
0x91: {  	[sflag:s11] =	ssyncset.done $0x0  }
0x92: {  	s1 =	sadd.s32 $0x200, s31;
	[sflag:s11] =	ssyncadd.s32 $0xFFFFE000  }
0x93: {  	[tilespmem:s14], [sflag:$0x1] =	stream.indirect.gather [hbm4b:s4+s13], $0x40, s1, s13, $0xb8;
	[tilespmem:$0x17400] =	vst v63  }
0x94: {  	_ =	swait.ge [sflag:s21], $0x2000  }
0x95: {  	[sflag:s21] =	ssyncset.done $0x0  }
0x96: {  	s1 =	sadd.s32 $0x2880, s31;
	[sflag:s21] =	ssyncadd.s32 $0xFFFFE000  }
0x97: {  	[spmem:s2] =	stream.indirect.scatter.add.f32 [tilespmem:s15], [sflag:$0x5], $0x40, s1, s13, $0xb8;
	[tilespmem:$0x17400] =	vst v63  }
0x98: {  	_ =	swait.ge [sflag:s11], $0x2000  }
0x99: {  	[sflag:s11] =	ssyncset.done $0x0  }
0x9a: {  	s1 =	sadd.s32 $0x280, s31;
	[sflag:s11] =	ssyncadd.s32 $0xFFFFE000  }
0x9b: {  	[tilespmem:s15], [sflag:$0x2] =	stream.indirect.gather [hbm4b:s4+s13], $0x40, s1, s13, $0xb8;
	[tilespmem:$0x17400] =	vst v63  }
0x9c: {  	_ =	swait.ge [sflag:s22], $0x2000  }
0x9d: {  	[sflag:s22] =	ssyncset.done $0x0  }
0x9e: {  	s1 =	sadd.s32 $0x2900, s31;
	[sflag:s22] =	ssyncadd.s32 $0xFFFFE000  }
0x9f: {  	[spmem:s2] =	stream.indirect.scatter.add.f32 [tilespmem:s17], [sflag:$0x5], $0x40, s1, s13, $0xb8;
	[tilespmem:$0x17400] =	vst v63  }
0xa0: {  	_ =	swait.ge [sflag:s11], $0x2000  }
0xa1: {  	[sflag:s11] =	ssyncset.done $0x0  }
0xa2: {  	s1 =	sadd.s32 $0x300, s31;
	[sflag:s11] =	ssyncadd.s32 $0xFFFFE000  }
0xa3: {  	[tilespmem:s17], [sflag:$0x3] =	stream.indirect.gather [hbm4b:s4+s13], $0x40, s1, s13, $0xb8;
	[tilespmem:$0x17400] =	vst v63  }
0xa4: {  	_ =	swait.ge [sflag:s23], $0x2000  }
0xa5: {  	[sflag:s23] =	ssyncset.done $0x0  }
.Ltmp1:
0xa6: {  	s1 =	sadd.s32 $0x2980, s31;
	[sflag:s23] =	ssyncadd.s32 $0xFFFFE000;
	(pc) =	sbr.rel @p0 .LBB2_4-.Ltmp1, $4  }
0xa7: {  	[spmem:s2] =	stream.indirect.scatter.add.f32 [tilespmem:s19], [sflag:$0x5], $0x40, s1, s13, $0xb8;
	[tilespmem:$0x17400] =	vst v63  }
0xa8: {  	_ =	swait.ge [sflag:s11], $0x2000  }
0xa9: {  	[sflag:s11] =	ssyncset.done $0x0  }
0xaa: {  	s31 =	sadd.s32 $0x380, s31;
	[sflag:s11] =	ssyncadd.s32 $0xFFFFE000  }
0xab: {  	[tilespmem:s19], [sflag:$0x4] =	stream.indirect.gather [hbm4b:s4+s13], $0x40, s31, s13, $0xb8;
	[tilespmem:$0x17400] =	vst v63  }
0xac: {  	_ =	swait.ge [sflag:s20], $0x2000  }
0xad: {  	[sflag:s20] =	ssyncset.done $0x0  }
0xae: {  	[sflag:s20] =	ssyncadd.s32 $0xFFFFE000  }
0xaf: {  	[spmem:s2] =	stream.indirect.scatter.add.f32 [tilespmem:s14], [sflag:$0x5], $0x40, s24, s13, $0xb8;
	[tilespmem:$0x17400] =	vst v63  }
0xb0: {  	_ =	swait.ge [sflag:s11], $0x2000  }
0xb1: {  	[sflag:s11] =	ssyncset.done $0x0  }
0xb2: {  	[sflag:s11] =	ssyncadd.s32 $0xFFFFE000  }
0xb3: {  	_ =	swait.ge [sflag:s21], $0x2000  }
0xb4: {  	[sflag:s21] =	ssyncset.done $0x0  }
0xb5: {  	[sflag:s21] =	ssyncadd.s32 $0xFFFFE000  }
0xb6: {  	[spmem:s2] =	stream.indirect.scatter.add.f32 [tilespmem:s15], [sflag:$0x5], $0x40, s26, s13, $0xb8;
	[tilespmem:$0x17400] =	vst v63  }
0xb7: {  	_ =	swait.ge [sflag:s11], $0x2000  }
0xb8: {  	[sflag:s11] =	ssyncset.done $0x0  }
0xb9: {  	[sflag:s11] =	ssyncadd.s32 $0xFFFFE000  }
0xba: {  	_ =	swait.ge [sflag:s22], $0x2000  }
0xbb: {  	[sflag:s22] =	ssyncset.done $0x0  }
0xbc: {  	[sflag:s22] =	ssyncadd.s32 $0xFFFFE000  }
0xbd: {  	[spmem:s2] =	stream.indirect.scatter.add.f32 [tilespmem:s17], [sflag:$0x5], $0x40, s28, s13, $0xb8;
	[tilespmem:$0x17400] =	vst v63  }
0xbe: {  	_ =	swait.ge [sflag:s11], $0x2000  }
0xbf: {  	[sflag:s11] =	ssyncset.done $0x0  }
0xc0: {  	[sflag:s11] =	ssyncadd.s32 $0xFFFFE000  }
0xc1: {  	_ =	swait.ge [sflag:s23], $0x2000  }
0xc2: {  	[sflag:s23] =	ssyncset.done $0x0  }
0xc3: {  	[sflag:s23] =	ssyncadd.s32 $0xFFFFE000  }
0xc4: {  	[spmem:s2] =	stream.indirect.scatter.add.f32 [tilespmem:s19], [sflag:$0x5], $0x40, s29, s13, $0xb8;
	[tilespmem:$0x17400] =	vst v63  }
0xc5: {  	_ =	swait.ge [sflag:s11], $0x2000  }
0xc6: {  	s3 =	sadd.s32 $0x1, s3;
	[sflag:s11] =	ssyncset.done $0x0  }
0xc7: {  	s1 =	sshll.u32 s0, $0x6;
	p0 =	sne.s32 s3, s9;
	[sflag:s11] =	ssyncadd.s32 $0xFFFFE000  }
.Ltmp2:
0xc8: {  	s1 =	sor.u32 $0x1C05, s1;
	[bflag:$0x0] =	sbarrier.arrive $0xFFFF;
	(pc) =	sbr.rel @p0 .LBB2_1-.Ltmp2, $4  }
0xc9: {  	[hbm:s8], [sflag:s1] =	dma.local [spmem:s25], $0x1400  }
0xca: {  	_ =	swait.ge [sflag:s11], $0x1400  }
0xcb: {  	[sflag:s11] =	ssyncset.done $0x0  }
0xcc: {  	[sflag:s11] =	ssyncadd.s32 $0xFFFFEC00  }
0xcd: {  	_ =	sfence.sel $0x180000  }
0xce: {  	[bflag:$0x0] =	sbarrier.arrive $0xFFFF  }
0xcf: {  	_ =	strace $0x9000004A  }
0xd0: {  	[bflag:$0x2] =	sbarrier.arrive $0xFFFF  }
0xd1: {  	p0 =	sne.s32 s0, $0x0;
	s0 =	rddreg [dreg:$0x2]  }
0xd2: {  	s0 =	sadd.s32 @!p0 $0x100000, s0  }
0xd3: {  	[sflag:s0] =	ssyncadd.tile.s32 @!p0 $0x1;
	_ =	shalt  }
.Lfunc_end2:
_tile_overlayer_lowered:
.L_overlay_start_2:
0xd4: {  	(tag) =	ssettag $0x2  }
0xd5: {  	s0 =	rddreg [dreg:$0x0];
	s2 =	stileid.u32  }
0xd6: {  	s1 =	rddreg [dreg:$0x1];
	p0 =	sne.s32 s2, $0x0  }
0xd7: {  	s3 =	rddreg [dreg:$0x2];
	[bflag:$0x3] =	sbarrier.arrive $0xFFFF;
	s2 =	simm.s32 @!p0 $0x1C05  }
0xd8: {  	[timem:s3], [sflag:s2] =	dma.local @!p0 [hbm:s0], s1  }
0xd9: {  	s0 =	simm.s32 @!p0 $0x5  }
0xda: {  	_ =	swait.ge @!p0 [sflag:s0], s1  }
0xdb: {  	s1 =	ssub.s32 @!p0 $0x0, s1;
	[sflag:s0] =	ssyncset.done @!p0 $0x0  }
0xdc: {  	[sflag:s0] =	ssyncadd.s32 @!p0 s1  }
0xdd: {  	[bflag:$0x3] =	sbarrier.arrive $0xFFFF  }
0xde: {  	_ =	shalt  }

// kernel: kernel.16.cloned.1.call-start
scs
__scs_entry_jumppad:
0x0: {  	(pc) =	sbr.rel $0x88, $3  }
0x1: {  	(tag) =	ssettag $0x0;
	lr =	simm.s32 $0x1  }
0x2: {  	[smem:$0x3F94] =	sst lr;
	_ =	strace $0xD0000000  }
0x3: {  	_ = 	snop  }
0x4: {  	_ = 	snop  }
0x5: {  	_ = 	snop  }
0x6: {  	_ = 	snop  }
0x7: {  	_ = 	snop  }
__scs_overlays_trampoline_lowered:
0x8: {  	[smem:$0x3FA3] =	sst s0  }
0x9: {  	[smem:$0x3FA4] =	sst s1  }
0xa: {  	[smem:$0x3FA5] =	sst s2  }
0xb: {  	[smem:$0x3FA6] =	sst s3  }
0xc: {  	[smem:$0x3FA7] =	sst s4  }
0xd: {  	[smem:$0x3FA8] =	sst s5  }
0xe: {  	[smem:$0x3FA9] =	sst s6  }
0xf: {  	[smem:$0x3FAA] =	sst s7  }
0x10: {  	[smem:$0x3FAB] =	sst s8  }
0x11: {  	[smem:$0x3FAC] =	sst s9;
	s0 =	simm.s32 @!p0 $0x0  }
0x12: {  	s1 =	sld [smem:$0x3F92];
	s0 =	simm.s32 @p0 $0x1  }
0x13: {  	[smem:$0x3FAD] =	sst s0;
	s0 =	simm.s32 @!p1 $0x0  }
0x14: {  	s2 =	sld [smem:$0x3F91];
	s0 =	simm.s32 @p1 $0x1  }
0x15: {  	[smem:$0x3FAE] =	sst s0;
	s0 =	simm.s32 @!p2 $0x0  }
0x16: {  	s3 =	sld [smem:$0x3FDB];
	s0 =	simm.s32 @p2 $0x1  }
0x17: {  	s4 =	simm.s32 $0x1BF5;
	[smem:$0x3FB0] =	sst s0  }
0x18: {  	s0 =	sld [smem:$0x3F93];
	_ =	swait.ge [sflag:s4], $0x0  }
0x19: {  	s7 =	sld [smem:$0x3F94]  }
0x1a: {  	s8 =	sadd.s32 $0xFFFFE003, lr  }
0x1b: {  	s9 =	sadd.s32 $0xFFFFFEF7, lr;
	s5 =	simm.s32 $0xFFFFFFFF;
	p2 =	slt.u32 s8, $0xFFFFF086  }
0x1c: {  	p1 =	slt.u32 s9, $0xF7A;
	s5 =	simm.s32 @!p2 $0x0  }
0x1d: {  	s5 =	simm.s32 @p1 $0x1;
	p0 =	seq.s32 s7, s2  }
0x1e: {  	s7 =	smul.u32 @!p0 $0xF7A, s2;
	p2 =	seq.s32 @!p0 s5, $0x0  }
0x1f: {  	s9 =	smul.u32 $0xF7A, s1;
	s8 =	simm.s32 @!p0 $0x1BF5;
	p2 =	por !p2, p0  }
0x20: {  	[sflag:s8] =	ssyncset.s32 @!p0 $0xFFFFF086;
	s6 =	sadd.s32 @!p0 s3, s7;
	s7 =	simm.s32 @!p0 $0x108  }
0x21: {  	s3 =	sadd.s32 s3, s9;
	s6 =	sadd.s32 @!p0 $0x88, s6;
	s7 =	simm.s32 @p2 $0x1082  }
0x22: {  	[simem:s7], [sflag:s8] =	dma.local @!p0 [hbm:s6], $0xF7A  }
0x23: {  	s9 =	sor.u32 $0xD0000000, s2;
	s6 =	simm.s32 $0x108;
	_ =	swait.ge @!p0 [sflag:s8], $0x0  }
0x24: {  	s3 =	sadd.s32 $0x88, s3;
	s6 =	simm.s32 @!p1 $0x1082;
	[sflag:s4] =	ssyncset.s32 $0xFFFFF086  }
0x25: {  	[simem:s6], [sflag:s4] =	dma.local [hbm:s3], $0xF7A  }
0x26: {  	[smem:$0x3F94] =	sst s1;
	(tag) =	ssettag s2;
	_ =	strace s9  }
0x27: {  	s1 =	sld [smem:$0x3FA4]  }
0x28: {  	s2 =	sld [smem:$0x3FA5]  }
0x29: {  	s4 =	sld [smem:$0x3FA7]  }
0x2a: {  	p0 =	seq.s32 s5, $0x0;
	s5 =	sld [smem:$0x3FA8]  }
0x2b: {  	s6 =	sld [smem:$0x3FA9]  }
0x2c: {  	s7 =	sld [smem:$0x3FAA]  }
0x2d: {  	s3 =	simm.s32 $0x108;
	s8 =	sld [smem:$0x3FAB]  }
0x2e: {  	s3 =	simm.s32 @!p0 $0x1082;
	s9 =	sld [smem:$0x3FAC]  }
0x2f: {  	lr =	sadd.s32 s0, s3;
	s0 =	sld [smem:$0x3FA3]  }
0x30: {  	s3 =	sld [smem:$0x3FA6]  }
0x31: {  	[smem:$0x3FAF] =	sst s10  }
0x32: {  	s10 =	sld [smem:$0x3FAD];
	_ =	sdelay $0x3  }
0x33: {  	p0 =	seq.s32 s10, $0x1;
	s10 =	sld [smem:$0x3FAF];
	_ =	sdelay $0x3  }
0x34: {  	[smem:$0x3FAF] =	sst s10  }
0x35: {  	s10 =	sld [smem:$0x3FAE];
	_ =	sdelay $0x3  }
0x36: {  	p1 =	seq.s32 s10, $0x1;
	s10 =	sld [smem:$0x3FAF];
	_ =	sdelay $0x3  }
0x37: {  	[smem:$0x3FAF] =	sst s10  }
0x38: {  	s10 =	sld [smem:$0x3FB0]  }
0x39: {  	_ = 	snop;
	(pc) =	sbr.ind lr, $3  }
0x3a: {  	_ = 	snop  }
0x3b: {  	_ = 	snop  }
0x3c: {  	p2 =	seq.s32 s10, $0x1;
	s10 =	sld [smem:$0x3FAF]  }
0x3d: {  	_ =	shalt  }
0x3e: {  	_ =	shalt  }
0x3f: {  	_ =	shalt  }
0x40: {  	_ =	shalt  }
0x41: {  	_ =	shalt  }
0x42: {  	_ =	shalt  }
0x43: {  	_ =	shalt  }
0x44: {  	_ =	shalt  }
0x45: {  	_ =	shalt  }
0x46: {  	_ =	shalt  }
0x47: {  	_ =	shalt  }
0x48: {  	_ =	shalt  }
0x49: {  	_ =	shalt  }
0x4a: {  	_ =	shalt  }
0x4b: {  	_ =	shalt  }
0x4c: {  	_ =	shalt  }
0x4d: {  	_ =	shalt  }
0x4e: {  	_ =	shalt  }
0x4f: {  	_ =	shalt  }
0x50: {  	_ =	shalt  }
0x51: {  	_ =	shalt  }
0x52: {  	_ =	shalt  }
0x53: {  	_ =	shalt  }
0x54: {  	_ =	shalt  }
0x55: {  	_ =	shalt  }
0x56: {  	_ =	shalt  }
0x57: {  	_ =	shalt  }
0x58: {  	_ =	shalt  }
0x59: {  	_ =	shalt  }
0x5a: {  	_ =	shalt  }
0x5b: {  	_ =	shalt  }
0x5c: {  	_ =	shalt  }
0x5d: {  	_ =	shalt  }
0x5e: {  	_ =	shalt  }
0x5f: {  	_ =	shalt  }
0x60: {  	_ =	shalt  }
0x61: {  	_ =	shalt  }
0x62: {  	_ =	shalt  }
0x63: {  	_ =	shalt  }
0x64: {  	_ =	shalt  }
0x65: {  	_ =	shalt  }
0x66: {  	_ =	shalt  }
0x67: {  	_ =	shalt  }
0x68: {  	_ =	shalt  }
0x69: {  	_ =	shalt  }
0x6a: {  	_ =	shalt  }
0x6b: {  	_ =	shalt  }
0x6c: {  	_ =	shalt  }
0x6d: {  	_ =	shalt  }
0x6e: {  	_ =	shalt  }
0x6f: {  	_ =	shalt  }
0x70: {  	_ =	shalt  }
0x71: {  	_ =	shalt  }
0x72: {  	_ =	shalt  }
0x73: {  	_ =	shalt  }
0x74: {  	_ =	shalt  }
0x75: {  	_ =	shalt  }
0x76: {  	_ =	shalt  }
0x77: {  	_ =	shalt  }
0x78: {  	_ =	shalt  }
0x79: {  	_ =	shalt  }
0x7a: {  	_ =	shalt  }
0x7b: {  	_ =	shalt  }
0x7c: {  	_ =	shalt  }
0x7d: {  	_ =	shalt  }
0x7e: {  	_ =	shalt  }
0x7f: {  	_ =	shalt  }
0x80: {  	_ =	shalt  }
0x81: {  	_ =	shalt  }
0x82: {  	_ =	shalt  }
0x83: {  	_ =	shalt  }
0x84: {  	_ =	shalt  }
0x85: {  	_ =	shalt  }
0x86: {  	_ =	shalt  }
0x87: {  	_ =	shalt  }
.Lfunc_end0:
.L_simem_size_0:
called_computation.2_lowered:
.L_overlay_start_0:
0x88: {  	s2 =	sld [smem:$0x3FD9]  }
0x89: {  	s3 =	sld [smem:$0x3FFE];
	_ =	sdelay $0x1  }
0x8a: {  	s1 =	srdreg.scid  }
0x8b: {  	s0 =	sand.u32 $0x1, s1  }
0x8c: {  	s16 =	sshll.u32 s0, $0xA;
	s2 =	sadd.s32 s3, s2  }
0x8d: {  	s2 =	sadd.s32 s2, s16  }
0x8e: {  	[smem:$0x3FBB] =	sst s2  }
0x8f: {  	_ = 	snop  }
0x90: {  	(tm) =	ssettm $0x1  }
0x91: {  	s17 =	sld [smem:$0x3FFB];
	_ =	sdelay $0x3  }
0x92: {  	_ =	strace s17  }
0x93: {  	s2 =	sld [smem:$0x3FFC];
	_ =	sdelay $0x3  }
0x94: {  	_ =	strace s2  }
0x95: {  	s2 =	sld [smem:$0x3FFD];
	_ =	sdelay $0x3  }
0x96: {  	_ =	strace s2  }
0x97: {  	_ =	strace $0x8FFFFFFF  }
0x98: {  	s18 =	sld [smem:$0x3FDB];
	_ =	sdelay $0x1  }
0x99: {  	s19 =	simm.s32 $_scs_section_size  }
0x9a: {  	s4 =	simm.s32 $_size__tile_overlayer_lowered;
	s5 =	simm.s32 $_tile_overlayer_lowered  }
0x9b: {  	s22 =	simm.s32 $0x1BFF;
	s21 =	sshll.u32 s5, $0x1;
	s2 =	sadd.s32 s19, s18  }
0x9c: {  	s6 =	simm.s32 $0x0;
	s20 =	sshll.u32 s4, $0x1;
	s4 =	sadd.s32 s21, s2  }
0x9d: {  	[timem:s6], [sflag:s22] =	dma.local [hbm:s4], s20  }
0x9e: {  	_ =	swait.ge [sflag:s22], s20  }
0x9f: {  	s3 =	ssub.s32 $0x0, s20;
	[sflag:s22] =	ssyncset.done $0x0  }
0xa0: {  	[sflag:s22] =	ssyncadd.s32 s3;
	_ =	sdelay $0x1  }
0xa1: {  	s23 =	simm.s32 $0x1B8B  }
0xa2: {  	_ =	swait.ge [sflag:s23], $0x1  }
0xa3: {  	[sflag:s23] =	ssyncset.done $0x0  }
0xa4: {  	s25 =	simm.s32 $0x1B8E;
	s24 =	sld [smem:$0x3FFE];
	[sflag:s23] =	ssyncadd.s32 $0xFFFFFFFF  }
0xa5: {  	s26 =	simm.s32 $execute0_lowered;
	[smem:$0x3FD2] =	sst s25  }
0xa6: {  	s4 =	sshll.u32 s26, $0x1;
	_ =	strace $0x8000004C;
	[dreg:$0x1] =	wrdreg $0xFFFFFFFF  }
0xa7: {  	s28 =	simm.s32 $_size_execute0_lowered;
	s2 =	sadd.s32 s2, s4;
	[dreg:$0x0] =	wrdreg $0x0  }
0xa8: {  	s4 =	sshll.u32 s28, $0x1;
	[dreg:$0x2] =	wrdreg s2  }
0xa9: {  	[dreg:$0x3] =	wrdreg s4  }
0xaa: {  	[dreg:$0x4] =	wrdreg $0xC0  }
0xab: {  	_ =	task [dreg:s6], $0x5FFFF  }
0xac: {  	[dreg:$0x1] =	wrdreg $0xFFFFFFFF  }
0xad: {  	[dreg:$0x0] =	wrdreg $0x60  }
0xae: {  	[dreg:$0x2] =	wrdreg s24  }
0xaf: {  	[dreg:$0x3] =	wrdreg $0xD4000  }
0xb0: {  	[dreg:$0x4] =	wrdreg $0x9  }
0xb1: {  	_ =	task.clear_ibuf [dreg:s6], $0x5FFFF;
	_ =	strace $0x9000004C  }
0xb2: {  	s29 =	simm.s32 $0x9;
	_ =	strace $0x8000004E  }
0xb3: {  	_ =	swait.ge [sflag:s29], $0x1  }
0xb4: {  	[sflag:s29] =	ssyncadd.s32 $0xFFFFFFFF  }
0xb5: {  	_ =	strace $0x9000004E  }
0xb6: {  	_ =	sfence  }
0xb7: {  	s30 =	sld [smem:$0x0];
	_ =	sdelay $0x2  }
0xb8: {  	s31 =	sshll.u32 s1, $0xD;
	s1 =	sshrl.u32 s1, $0x2  }
0xb9: {  	s3 =	sand.u32 $0x4000, s31;
	s1 =	sadd.s32 s1, s30  }
0xba: {  	s0 =	sor.u32 s3, s0;
	s1 =	sshll.u32 s1, $0x11  }
0xbb: {  	s0 =	sor.u32 s1, s0  }
0xbc: {  	s0 =	sadd.s32 $0x8F2B, s0  }
0xbd: {  	[sflag:s0] =	ssyncadd.remote.s32 $0x1  }
0xbe: {  	_ =	sfence.sel $0xFFFF  }
0xbf: {  	[dreg:$0x0] =	wrdreg $0xFFFFFFFF;
	(pc) =	sbr.abs _section_cstart, $3  }
0xc0: {  	[dreg:$0x1] =	wrdreg $0xFFFFFFFF  }
0xc1: {  	_ =	task.clear_ibuf [dreg:s6], $0x2FFFF;
	_ =	strace $0x9FFFFFFF  }
0xc2: {  	(tm) =	ssettm $0x7FFFFFFF  }
0xc3: {  	_ =	shalt  }
tec
execute0_lowered:
.L_overlay_start_1:
0x0: {  	(tag) =	ssettag $0x1  }
0x1: {  	s6 =	rddreg [dreg:$0x0]  }
0x2: {  	s0 =	srdreg.scid;
	s2 =	rddreg [dreg:$0x1];
	s3 =	simm.s32 $0x0  }
0x3: {  	s12 =	simm.s32 $0x2800;
	s13 =	simm.s32 $0x80;
	s14 =	simm.s32 $0x5000  }
0x4: {  	s15 =	simm.s32 $0x7000;
	s16 =	simm.s32 $0x100;
	s17 =	simm.s32 $0x9000  }
0x5: {  	s18 =	simm.s32 $0x180;
	s19 =	simm.s32 $0xB000;
	s20 =	simm.s32 $0x1  }
0x6: {  	s21 =	simm.s32 $0x2;
	s22 =	simm.s32 $0x3;
	s23 =	simm.s32 $0x4  }
0x7: {  	s24 =	simm.s32 $0x4E00;
	s26 =	simm.s32 $0x4E80;
	s28 =	simm.s32 $0x4F00  }
0x8: {  	s29 =	simm.s32 $0x4F80;
	s5 =	sand.u32 $0x1, s0;
	s0 =	stileid.u32  }
0x9: {  	[smem:$0x7FF] =	sst s3;
	s1 =	sshll.u32 s5, $0x4;
	s8 =	smul.u32 $0xA0000, s5  }
0xa: {  	_ =	strace $0x8000004D;
	s9 =	smul.u32 $0xA000, s0;
	s5 =	ssub.s32 $0x2, s5  }
0xb: {  	s10 =	smul.u32 $0x28000, s0;
	s4 =	sor.u32 s0, s1;
	s11 =	sshrl.u32 s5, $0x1  }
0xc: {  	s7 =	smul.u32 $0x2800, s4;
	s4 =	sadd.s32 $0x18800, s6;
	s8 =	sadd.s32 s9, s8  }
0xd: {  	s10 =	sshrl.u32 s10, $0x2;
	s11 =	ssub.s32 s5, s11;
	s25 =	sadd.s32 s9, s2  }
0xe: {  	s8 =	sshrl.u32 s8, $0x3;
	s5 =	sadd.s32 s10, s2;
	s9 =	smax.u32 s11, $0x1  }
0xf: {  	s10 =	simm.s32 $0xD000;
	s11 =	simm.s32 $0x5;
	s7 =	sshrl.u32 s7, $0x3  }
0x10: {  	s25 =	sshrl.u32 s25, $0x3;
	s8 =	sadd.s32 s8, s6;
	s7 =	sadd.s32 s7, s6  }
0x11: {  	v0 =	vimm.f32 $0.0e+00;
	s8 =	sadd.s32 $0x2C800, s8;
	s6 =	sadd.s32 $0x4800, s7;
	s7 =	sadd.s32 $0xE800, s7  }
.LBB2_1:
0x12: {  	[tilespmem:$0xD000] =	vst v0  }
0x13: {  	[tilespmem:$0xD010] =	vst v0  }
0x14: {  	[tilespmem:$0xD020] =	vst v0  }
0x15: {  	[tilespmem:$0xD030] =	vst v0  }
0x16: {  	[tilespmem:$0xD040] =	vst v0  }
0x17: {  	[tilespmem:$0xD050] =	vst v0  }
0x18: {  	[tilespmem:$0xD060] =	vst v0  }
0x19: {  	[tilespmem:$0xD070] =	vst v0  }
0x1a: {  	[tilespmem:$0xD080] =	vst v0  }
0x1b: {  	[tilespmem:$0xD090] =	vst v0  }
0x1c: {  	[tilespmem:$0xD0A0] =	vst v0  }
0x1d: {  	[tilespmem:$0xD0B0] =	vst v0  }
0x1e: {  	[tilespmem:$0xD0C0] =	vst v0  }
0x1f: {  	[tilespmem:$0xD0D0] =	vst v0  }
0x20: {  	[tilespmem:$0xD0E0] =	vst v0  }
0x21: {  	[tilespmem:$0xD0F0] =	vst v0  }
0x22: {  	[tilespmem:$0xD100] =	vst v0  }
0x23: {  	[tilespmem:$0xD110] =	vst v0  }
0x24: {  	[tilespmem:$0xD120] =	vst v0  }
0x25: {  	[tilespmem:$0xD130] =	vst v0  }
0x26: {  	[tilespmem:$0xD140] =	vst v0  }
0x27: {  	[tilespmem:$0xD150] =	vst v0  }
0x28: {  	[tilespmem:$0xD160] =	vst v0  }
0x29: {  	[tilespmem:$0xD170] =	vst v0  }
0x2a: {  	[tilespmem:$0xD180] =	vst v0  }
0x2b: {  	[tilespmem:$0xD190] =	vst v0  }
0x2c: {  	[tilespmem:$0xD1A0] =	vst v0  }
0x2d: {  	[tilespmem:$0xD1B0] =	vst v0  }
0x2e: {  	[tilespmem:$0xD1C0] =	vst v0  }
0x2f: {  	[tilespmem:$0xD1D0] =	vst v0  }
0x30: {  	[tilespmem:$0xD1E0] =	vst v0  }
0x31: {  	[tilespmem:$0xD1F0] =	vst v0  }
0x32: {  	[tilespmem:$0xD200] =	vst v0  }
0x33: {  	[tilespmem:$0xD210] =	vst v0  }
0x34: {  	[tilespmem:$0xD220] =	vst v0  }
0x35: {  	[tilespmem:$0xD230] =	vst v0  }
0x36: {  	[tilespmem:$0xD240] =	vst v0  }
0x37: {  	[tilespmem:$0xD250] =	vst v0  }
0x38: {  	[tilespmem:$0xD260] =	vst v0  }
0x39: {  	[tilespmem:$0xD270] =	vst v0  }
0x3a: {  	[tilespmem:$0xD280] =	vst v0  }
0x3b: {  	[tilespmem:$0xD290] =	vst v0  }
0x3c: {  	[tilespmem:$0xD2A0] =	vst v0  }
0x3d: {  	[tilespmem:$0xD2B0] =	vst v0  }
0x3e: {  	[tilespmem:$0xD2C0] =	vst v0  }
0x3f: {  	[tilespmem:$0xD2D0] =	vst v0  }
0x40: {  	[tilespmem:$0xD2E0] =	vst v0  }
0x41: {  	[tilespmem:$0xD2F0] =	vst v0  }
0x42: {  	[tilespmem:$0xD300] =	vst v0  }
0x43: {  	[tilespmem:$0xD310] =	vst v0  }
0x44: {  	[tilespmem:$0xD320] =	vst v0  }
0x45: {  	[tilespmem:$0xD330] =	vst v0  }
0x46: {  	[tilespmem:$0xD340] =	vst v0  }
0x47: {  	[tilespmem:$0xD350] =	vst v0  }
0x48: {  	[tilespmem:$0xD360] =	vst v0  }
0x49: {  	[tilespmem:$0xD370] =	vst v0  }
0x4a: {  	[tilespmem:$0xD380] =	vst v0  }
0x4b: {  	[tilespmem:$0xD390] =	vst v0  }
0x4c: {  	[tilespmem:$0xD3A0] =	vst v0  }
0x4d: {  	[tilespmem:$0xD3B0] =	vst v0  }
0x4e: {  	[tilespmem:$0xD3C0] =	vst v0  }
0x4f: {  	[tilespmem:$0xD3D0] =	vst v0  }
0x50: {  	[tilespmem:$0xD3E0] =	vst v0  }
0x51: {  	[tilespmem:$0xD3F0] =	vst v0;
	s30 =	sadd.s32 $0x0, s5  }
0x52: {  	[spmem:s30] =	stream.linear.scatter [tilespmem:s10], [sflag:$0x5], $0x400, $0x38;
	[tilespmem:$0x17400] =	vst v63  }
0x53: {  	s30 =	simm.s32 $0x1000;
	_ =	swait.ge [sflag:s11], $0x400  }
.LBB2_2:
0x54: {  	s31 =	sshra.s32 s30, $0x2;
	[sflag:s11] =	ssyncset.done $0x0;
	p0 =	sne.s32 s30, $0x27000  }
.Ltmp0:
0x55: {  	s31 =	sadd.s32 s31, s5;
	[sflag:s11] =	ssyncadd.s32 $0xFFFFFC00;
	(pc) =	sbr.rel @p0 .LBB2_2-.Ltmp0, $3  }
0x56: {  	[spmem:s31] =	stream.linear.scatter [tilespmem:s10], [sflag:$0x5], $0x400, $0x38;
	[tilespmem:$0x17400] =	vst v63  }
0x57: {  	s30 =	sadd.s32 $0x1000, s30;
	_ =	sdelay $0x1  }
0x58: {  	_ =	swait.ge [sflag:s11], $0x400  }
0x59: {  	[sflag:s11] =	ssyncset.done $0x0  }
0x5a: {  	s30 =	simm.s32 $0x0;
	[sflag:s11] =	ssyncadd.s32 $0xFFFFFC00  }
0x5b: {  	[tilespmem:s30], [sflag:$0x5] =	stream.linear.gather [hbm4b:s6+s30], $0x2800, $0x38;
	[tilespmem:$0x17400] =	vst v63  }
0x5c: {  	_ =	swait.ge [sflag:s11], $0x2800  }
0x5d: {  	[sflag:s11] =	ssyncset.done $0x0  }
0x5e: {  	[sflag:s11] =	ssyncadd.s32 $0xFFFFD800  }
0x5f: {  	[tilespmem:s12], [sflag:$0x5] =	stream.linear.gather [hbm4b:s7+s30], $0x2800, $0x38;
	[tilespmem:$0x17400] =	vst v63  }
0x60: {  	_ =	swait.ge [sflag:s11], $0x2800  }
0x61: {  	[sflag:s11] =	ssyncset.done $0x0  }
0x62: {  	[sflag:s11] =	ssyncadd.s32 $0xFFFFD800  }
0x63: {  	[bflag:$0x0] =	sbarrier.arrive $0xFFFF  }
0x64: {  	[tilespmem:s14], [sflag:$0x1] =	stream.indirect.gather [hbm4b:s4+s13], $0x40, s30, s13, $0xb8;
	[tilespmem:$0x17400] =	vst v63  }
0x65: {  	_ = 	snop  }
0x66: {  	[tilespmem:s15], [sflag:$0x2] =	stream.indirect.gather [hbm4b:s4+s13], $0x40, s13, s13, $0xb8;
	[tilespmem:$0x17400] =	vst v63  }
0x67: {  	_ = 	snop  }
0x68: {  	[tilespmem:s17], [sflag:$0x3] =	stream.indirect.gather [hbm4b:s4+s13], $0x40, s16, s13, $0xb8;
	[tilespmem:$0x17400] =	vst v63  }
0x69: {  	_ = 	snop  }
0x6a: {  	[tilespmem:s19], [sflag:$0x4] =	stream.indirect.gather [hbm4b:s4+s13], $0x40, s18, s13, $0xb8;
	[tilespmem:$0x17400] =	vst v63  }
0x6b: {  	_ =	swait.ge [sflag:s20], $0x2000  }
0x6c: {  	[sflag:s20] =	ssyncset.done $0x0  }
0x6d: {  	s30 =	simm.s32 $0x2800;
	[sflag:s20] =	ssyncadd.s32 $0xFFFFE000  }
0x6e: {  	[spmem:s2] =	stream.indirect.scatter.add.f32 [tilespmem:s14], [sflag:$0x5], $0x40, s30, s13, $0xb8;
	[tilespmem:$0x17400] =	vst v63  }
0x6f: {  	_ =	swait.ge [sflag:s11], $0x2000  }
0x70: {  	[sflag:s11] =	ssyncset.done $0x0  }
0x71: {  	s30 =	simm.s32 $0x200;
	[sflag:s11] =	ssyncadd.s32 $0xFFFFE000  }
0x72: {  	[tilespmem:s14], [sflag:$0x1] =	stream.indirect.gather [hbm4b:s4+s13], $0x40, s30, s13, $0xb8;
	[tilespmem:$0x17400] =	vst v63  }
0x73: {  	_ =	swait.ge [sflag:s21], $0x2000  }
0x74: {  	[sflag:s21] =	ssyncset.done $0x0  }
0x75: {  	s30 =	simm.s32 $0x2880;
	[sflag:s21] =	ssyncadd.s32 $0xFFFFE000  }
0x76: {  	[spmem:s2] =	stream.indirect.scatter.add.f32 [tilespmem:s15], [sflag:$0x5], $0x40, s30, s13, $0xb8;
	[tilespmem:$0x17400] =	vst v63  }
0x77: {  	_ =	swait.ge [sflag:s11], $0x2000  }
0x78: {  	[sflag:s11] =	ssyncset.done $0x0  }
0x79: {  	s30 =	simm.s32 $0x280;
	[sflag:s11] =	ssyncadd.s32 $0xFFFFE000  }
0x7a: {  	[tilespmem:s15], [sflag:$0x2] =	stream.indirect.gather [hbm4b:s4+s13], $0x40, s30, s13, $0xb8;
	[tilespmem:$0x17400] =	vst v63  }
0x7b: {  	_ =	swait.ge [sflag:s22], $0x2000  }
0x7c: {  	[sflag:s22] =	ssyncset.done $0x0  }
0x7d: {  	s30 =	simm.s32 $0x2900;
	[sflag:s22] =	ssyncadd.s32 $0xFFFFE000  }
0x7e: {  	[spmem:s2] =	stream.indirect.scatter.add.f32 [tilespmem:s17], [sflag:$0x5], $0x40, s30, s13, $0xb8;
	[tilespmem:$0x17400] =	vst v63  }
0x7f: {  	_ =	swait.ge [sflag:s11], $0x2000  }
0x80: {  	[sflag:s11] =	ssyncset.done $0x0  }
0x81: {  	s30 =	simm.s32 $0x300;
	[sflag:s11] =	ssyncadd.s32 $0xFFFFE000  }
0x82: {  	[tilespmem:s17], [sflag:$0x3] =	stream.indirect.gather [hbm4b:s4+s13], $0x40, s30, s13, $0xb8;
	[tilespmem:$0x17400] =	vst v63  }
0x83: {  	_ =	swait.ge [sflag:s23], $0x2000  }
0x84: {  	[sflag:s23] =	ssyncset.done $0x0  }
0x85: {  	s30 =	simm.s32 $0x2980;
	[sflag:s23] =	ssyncadd.s32 $0xFFFFE000  }
0x86: {  	[spmem:s2] =	stream.indirect.scatter.add.f32 [tilespmem:s19], [sflag:$0x5], $0x40, s30, s13, $0xb8;
	[tilespmem:$0x17400] =	vst v63  }
0x87: {  	_ =	swait.ge [sflag:s11], $0x2000  }
0x88: {  	[sflag:s11] =	ssyncset.done $0x0  }
0x89: {  	s31 =	simm.s32 $0x380;
	s30 =	simm.s32 $0x800;
	[sflag:s11] =	ssyncadd.s32 $0xFFFFE000  }
.LBB2_4:
0x8a: {  	[tilespmem:s19], [sflag:$0x4] =	stream.indirect.gather [hbm4b:s4+s13], $0x40, s31, s13, $0xb8;
	[tilespmem:$0x17400] =	vst v63  }
0x8b: {  	s31 =	smov.u32 s30  }
0x8c: {  	p0 =	sne.s32 s30, $0x9000;
	s30 =	sadd.s32 $0x800, s30;
	_ =	swait.ge [sflag:s20], $0x2000  }
0x8d: {  	s31 =	sshra.s32 s31, $0x2;
	[sflag:s20] =	ssyncset.done $0x0  }
0x8e: {  	s1 =	sadd.s32 $0x2800, s31;
	[sflag:s20] =	ssyncadd.s32 $0xFFFFE000  }
0x8f: {  	[spmem:s2] =	stream.indirect.scatter.add.f32 [tilespmem:s14], [sflag:$0x5], $0x40, s1, s13, $0xb8;
	[tilespmem:$0x17400] =	vst v63  }
0x90: {  	_ =	swait.ge [sflag:s11], $0x2000  }
0x91: {  	[sflag:s11] =	ssyncset.done $0x0  }
0x92: {  	s1 =	sadd.s32 $0x200, s31;
	[sflag:s11] =	ssyncadd.s32 $0xFFFFE000  }
0x93: {  	[tilespmem:s14], [sflag:$0x1] =	stream.indirect.gather [hbm4b:s4+s13], $0x40, s1, s13, $0xb8;
	[tilespmem:$0x17400] =	vst v63  }
0x94: {  	_ =	swait.ge [sflag:s21], $0x2000  }
0x95: {  	[sflag:s21] =	ssyncset.done $0x0  }
0x96: {  	s1 =	sadd.s32 $0x2880, s31;
	[sflag:s21] =	ssyncadd.s32 $0xFFFFE000  }
0x97: {  	[spmem:s2] =	stream.indirect.scatter.add.f32 [tilespmem:s15], [sflag:$0x5], $0x40, s1, s13, $0xb8;
	[tilespmem:$0x17400] =	vst v63  }
0x98: {  	_ =	swait.ge [sflag:s11], $0x2000  }
0x99: {  	[sflag:s11] =	ssyncset.done $0x0  }
0x9a: {  	s1 =	sadd.s32 $0x280, s31;
	[sflag:s11] =	ssyncadd.s32 $0xFFFFE000  }
0x9b: {  	[tilespmem:s15], [sflag:$0x2] =	stream.indirect.gather [hbm4b:s4+s13], $0x40, s1, s13, $0xb8;
	[tilespmem:$0x17400] =	vst v63  }
0x9c: {  	_ =	swait.ge [sflag:s22], $0x2000  }
0x9d: {  	[sflag:s22] =	ssyncset.done $0x0  }
0x9e: {  	s1 =	sadd.s32 $0x2900, s31;
	[sflag:s22] =	ssyncadd.s32 $0xFFFFE000  }
0x9f: {  	[spmem:s2] =	stream.indirect.scatter.add.f32 [tilespmem:s17], [sflag:$0x5], $0x40, s1, s13, $0xb8;
	[tilespmem:$0x17400] =	vst v63  }
0xa0: {  	_ =	swait.ge [sflag:s11], $0x2000  }
0xa1: {  	[sflag:s11] =	ssyncset.done $0x0  }
0xa2: {  	s1 =	sadd.s32 $0x300, s31;
	[sflag:s11] =	ssyncadd.s32 $0xFFFFE000  }
0xa3: {  	[tilespmem:s17], [sflag:$0x3] =	stream.indirect.gather [hbm4b:s4+s13], $0x40, s1, s13, $0xb8;
	[tilespmem:$0x17400] =	vst v63  }
0xa4: {  	_ =	swait.ge [sflag:s23], $0x2000  }
0xa5: {  	[sflag:s23] =	ssyncset.done $0x0  }
.Ltmp1:
0xa6: {  	s1 =	sadd.s32 $0x2980, s31;
	[sflag:s23] =	ssyncadd.s32 $0xFFFFE000;
	(pc) =	sbr.rel @p0 .LBB2_4-.Ltmp1, $4  }
0xa7: {  	[spmem:s2] =	stream.indirect.scatter.add.f32 [tilespmem:s19], [sflag:$0x5], $0x40, s1, s13, $0xb8;
	[tilespmem:$0x17400] =	vst v63  }
0xa8: {  	_ =	swait.ge [sflag:s11], $0x2000  }
0xa9: {  	[sflag:s11] =	ssyncset.done $0x0  }
0xaa: {  	s31 =	sadd.s32 $0x380, s31;
	[sflag:s11] =	ssyncadd.s32 $0xFFFFE000  }
0xab: {  	[tilespmem:s19], [sflag:$0x4] =	stream.indirect.gather [hbm4b:s4+s13], $0x40, s31, s13, $0xb8;
	[tilespmem:$0x17400] =	vst v63  }
0xac: {  	_ =	swait.ge [sflag:s20], $0x2000  }
0xad: {  	[sflag:s20] =	ssyncset.done $0x0  }
0xae: {  	[sflag:s20] =	ssyncadd.s32 $0xFFFFE000  }
0xaf: {  	[spmem:s2] =	stream.indirect.scatter.add.f32 [tilespmem:s14], [sflag:$0x5], $0x40, s24, s13, $0xb8;
	[tilespmem:$0x17400] =	vst v63  }
0xb0: {  	_ =	swait.ge [sflag:s11], $0x2000  }
0xb1: {  	[sflag:s11] =	ssyncset.done $0x0  }
0xb2: {  	[sflag:s11] =	ssyncadd.s32 $0xFFFFE000  }
0xb3: {  	_ =	swait.ge [sflag:s21], $0x2000  }
0xb4: {  	[sflag:s21] =	ssyncset.done $0x0  }
0xb5: {  	[sflag:s21] =	ssyncadd.s32 $0xFFFFE000  }
0xb6: {  	[spmem:s2] =	stream.indirect.scatter.add.f32 [tilespmem:s15], [sflag:$0x5], $0x40, s26, s13, $0xb8;
	[tilespmem:$0x17400] =	vst v63  }
0xb7: {  	_ =	swait.ge [sflag:s11], $0x2000  }
0xb8: {  	[sflag:s11] =	ssyncset.done $0x0  }
0xb9: {  	[sflag:s11] =	ssyncadd.s32 $0xFFFFE000  }
0xba: {  	_ =	swait.ge [sflag:s22], $0x2000  }
0xbb: {  	[sflag:s22] =	ssyncset.done $0x0  }
0xbc: {  	[sflag:s22] =	ssyncadd.s32 $0xFFFFE000  }
0xbd: {  	[spmem:s2] =	stream.indirect.scatter.add.f32 [tilespmem:s17], [sflag:$0x5], $0x40, s28, s13, $0xb8;
	[tilespmem:$0x17400] =	vst v63  }
0xbe: {  	_ =	swait.ge [sflag:s11], $0x2000  }
0xbf: {  	[sflag:s11] =	ssyncset.done $0x0  }
0xc0: {  	[sflag:s11] =	ssyncadd.s32 $0xFFFFE000  }
0xc1: {  	_ =	swait.ge [sflag:s23], $0x2000  }
0xc2: {  	[sflag:s23] =	ssyncset.done $0x0  }
0xc3: {  	[sflag:s23] =	ssyncadd.s32 $0xFFFFE000  }
0xc4: {  	[spmem:s2] =	stream.indirect.scatter.add.f32 [tilespmem:s19], [sflag:$0x5], $0x40, s29, s13, $0xb8;
	[tilespmem:$0x17400] =	vst v63  }
0xc5: {  	_ =	swait.ge [sflag:s11], $0x2000  }
0xc6: {  	s3 =	sadd.s32 $0x1, s3;
	[sflag:s11] =	ssyncset.done $0x0  }
0xc7: {  	s1 =	sshll.u32 s0, $0x6;
	p0 =	sne.s32 s3, s9;
	[sflag:s11] =	ssyncadd.s32 $0xFFFFE000  }
.Ltmp2:
0xc8: {  	s1 =	sor.u32 $0x1C05, s1;
	[bflag:$0x0] =	sbarrier.arrive $0xFFFF;
	(pc) =	sbr.rel @p0 .LBB2_1-.Ltmp2, $4  }
0xc9: {  	[hbm:s8], [sflag:s1] =	dma.local [spmem:s25], $0x1400  }
0xca: {  	_ =	swait.ge [sflag:s11], $0x1400  }
0xcb: {  	[sflag:s11] =	ssyncset.done $0x0  }
0xcc: {  	[sflag:s11] =	ssyncadd.s32 $0xFFFFEC00  }
0xcd: {  	_ =	sfence.sel $0x180000  }
0xce: {  	[bflag:$0x0] =	sbarrier.arrive $0xFFFF  }
0xcf: {  	_ =	strace $0x9000004D  }
0xd0: {  	[bflag:$0x2] =	sbarrier.arrive $0xFFFF  }
0xd1: {  	p0 =	sne.s32 s0, $0x0;
	s0 =	rddreg [dreg:$0x2]  }
0xd2: {  	s0 =	sadd.s32 @!p0 $0x100000, s0  }
0xd3: {  	[sflag:s0] =	ssyncadd.tile.s32 @!p0 $0x1;
	_ =	shalt  }
.Lfunc_end2:
_tile_overlayer_lowered:
.L_overlay_start_2:
0xd4: {  	(tag) =	ssettag $0x2  }
0xd5: {  	s0 =	rddreg [dreg:$0x0];
	s2 =	stileid.u32  }
0xd6: {  	s1 =	rddreg [dreg:$0x1];
	p0 =	sne.s32 s2, $0x0  }
0xd7: {  	s3 =	rddreg [dreg:$0x2];
	[bflag:$0x3] =	sbarrier.arrive $0xFFFF;
	s2 =	simm.s32 @!p0 $0x1C05  }
0xd8: {  	[timem:s3], [sflag:s2] =	dma.local @!p0 [hbm:s0], s1  }
0xd9: {  	s0 =	simm.s32 @!p0 $0x5  }
0xda: {  	_ =	swait.ge @!p0 [sflag:s0], s1  }
0xdb: {  	s1 =	ssub.s32 @!p0 $0x0, s1;
	[sflag:s0] =	ssyncset.done @!p0 $0x0  }
0xdc: {  	[sflag:s0] =	ssyncadd.s32 @!p0 s1  }
0xdd: {  	[bflag:$0x3] =	sbarrier.arrive $0xFFFF  }
0xde: {  	_ =	shalt  }

// kernel: kernel.19.cloned.1.call-start
scs
__scs_entry_jumppad:
0x0: {  	(pc) =	sbr.rel $0x88, $3  }
0x1: {  	(tag) =	ssettag $0x0;
	lr =	simm.s32 $0x1  }
0x2: {  	[smem:$0x3F94] =	sst lr;
	_ =	strace $0xD0000000  }
0x3: {  	_ = 	snop  }
0x4: {  	_ = 	snop  }
0x5: {  	_ = 	snop  }
0x6: {  	_ = 	snop  }
0x7: {  	_ = 	snop  }
__scs_overlays_trampoline_lowered:
0x8: {  	[smem:$0x3FA3] =	sst s0  }
0x9: {  	[smem:$0x3FA4] =	sst s1  }
0xa: {  	[smem:$0x3FA5] =	sst s2  }
0xb: {  	[smem:$0x3FA6] =	sst s3  }
0xc: {  	[smem:$0x3FA7] =	sst s4  }
0xd: {  	[smem:$0x3FA8] =	sst s5  }
0xe: {  	[smem:$0x3FA9] =	sst s6  }
0xf: {  	[smem:$0x3FAA] =	sst s7  }
0x10: {  	[smem:$0x3FAB] =	sst s8  }
0x11: {  	[smem:$0x3FAC] =	sst s9;
	s0 =	simm.s32 @!p0 $0x0  }
0x12: {  	s1 =	sld [smem:$0x3F92];
	s0 =	simm.s32 @p0 $0x1  }
0x13: {  	[smem:$0x3FAD] =	sst s0;
	s0 =	simm.s32 @!p1 $0x0  }
0x14: {  	s2 =	sld [smem:$0x3F91];
	s0 =	simm.s32 @p1 $0x1  }
0x15: {  	[smem:$0x3FAE] =	sst s0;
	s0 =	simm.s32 @!p2 $0x0  }
0x16: {  	s3 =	sld [smem:$0x3FDB];
	s0 =	simm.s32 @p2 $0x1  }
0x17: {  	s4 =	simm.s32 $0x1BF5;
	[smem:$0x3FB0] =	sst s0  }
0x18: {  	s0 =	sld [smem:$0x3F93];
	_ =	swait.ge [sflag:s4], $0x0  }
0x19: {  	s7 =	sld [smem:$0x3F94]  }
0x1a: {  	s8 =	sadd.s32 $0xFFFFE003, lr  }
0x1b: {  	s9 =	sadd.s32 $0xFFFFFEF7, lr;
	s5 =	simm.s32 $0xFFFFFFFF;
	p2 =	slt.u32 s8, $0xFFFFF086  }
0x1c: {  	p1 =	slt.u32 s9, $0xF7A;
	s5 =	simm.s32 @!p2 $0x0  }
0x1d: {  	s5 =	simm.s32 @p1 $0x1;
	p0 =	seq.s32 s7, s2  }
0x1e: {  	s7 =	smul.u32 @!p0 $0xF7A, s2;
	p2 =	seq.s32 @!p0 s5, $0x0  }
0x1f: {  	s9 =	smul.u32 $0xF7A, s1;
	s8 =	simm.s32 @!p0 $0x1BF5;
	p2 =	por !p2, p0  }
0x20: {  	[sflag:s8] =	ssyncset.s32 @!p0 $0xFFFFF086;
	s6 =	sadd.s32 @!p0 s3, s7;
	s7 =	simm.s32 @!p0 $0x108  }
0x21: {  	s3 =	sadd.s32 s3, s9;
	s6 =	sadd.s32 @!p0 $0x88, s6;
	s7 =	simm.s32 @p2 $0x1082  }
0x22: {  	[simem:s7], [sflag:s8] =	dma.local @!p0 [hbm:s6], $0xF7A  }
0x23: {  	s9 =	sor.u32 $0xD0000000, s2;
	s6 =	simm.s32 $0x108;
	_ =	swait.ge @!p0 [sflag:s8], $0x0  }
0x24: {  	s3 =	sadd.s32 $0x88, s3;
	s6 =	simm.s32 @!p1 $0x1082;
	[sflag:s4] =	ssyncset.s32 $0xFFFFF086  }
0x25: {  	[simem:s6], [sflag:s4] =	dma.local [hbm:s3], $0xF7A  }
0x26: {  	[smem:$0x3F94] =	sst s1;
	(tag) =	ssettag s2;
	_ =	strace s9  }
0x27: {  	s1 =	sld [smem:$0x3FA4]  }
0x28: {  	s2 =	sld [smem:$0x3FA5]  }
0x29: {  	s4 =	sld [smem:$0x3FA7]  }
0x2a: {  	p0 =	seq.s32 s5, $0x0;
	s5 =	sld [smem:$0x3FA8]  }
0x2b: {  	s6 =	sld [smem:$0x3FA9]  }
0x2c: {  	s7 =	sld [smem:$0x3FAA]  }
0x2d: {  	s3 =	simm.s32 $0x108;
	s8 =	sld [smem:$0x3FAB]  }
0x2e: {  	s3 =	simm.s32 @!p0 $0x1082;
	s9 =	sld [smem:$0x3FAC]  }
0x2f: {  	lr =	sadd.s32 s0, s3;
	s0 =	sld [smem:$0x3FA3]  }
0x30: {  	s3 =	sld [smem:$0x3FA6]  }
0x31: {  	[smem:$0x3FAF] =	sst s10  }
0x32: {  	s10 =	sld [smem:$0x3FAD];
	_ =	sdelay $0x3  }
0x33: {  	p0 =	seq.s32 s10, $0x1;
	s10 =	sld [smem:$0x3FAF];
	_ =	sdelay $0x3  }
0x34: {  	[smem:$0x3FAF] =	sst s10  }
0x35: {  	s10 =	sld [smem:$0x3FAE];
	_ =	sdelay $0x3  }
0x36: {  	p1 =	seq.s32 s10, $0x1;
	s10 =	sld [smem:$0x3FAF];
	_ =	sdelay $0x3  }
0x37: {  	[smem:$0x3FAF] =	sst s10  }
0x38: {  	s10 =	sld [smem:$0x3FB0]  }
0x39: {  	_ = 	snop;
	(pc) =	sbr.ind lr, $3  }
0x3a: {  	_ = 	snop  }
0x3b: {  	_ = 	snop  }
0x3c: {  	p2 =	seq.s32 s10, $0x1;
	s10 =	sld [smem:$0x3FAF]  }
0x3d: {  	_ =	shalt  }
0x3e: {  	_ =	shalt  }
0x3f: {  	_ =	shalt  }
0x40: {  	_ =	shalt  }
0x41: {  	_ =	shalt  }
0x42: {  	_ =	shalt  }
0x43: {  	_ =	shalt  }
0x44: {  	_ =	shalt  }
0x45: {  	_ =	shalt  }
0x46: {  	_ =	shalt  }
0x47: {  	_ =	shalt  }
0x48: {  	_ =	shalt  }
0x49: {  	_ =	shalt  }
0x4a: {  	_ =	shalt  }
0x4b: {  	_ =	shalt  }
0x4c: {  	_ =	shalt  }
0x4d: {  	_ =	shalt  }
0x4e: {  	_ =	shalt  }
0x4f: {  	_ =	shalt  }
0x50: {  	_ =	shalt  }
0x51: {  	_ =	shalt  }
0x52: {  	_ =	shalt  }
0x53: {  	_ =	shalt  }
0x54: {  	_ =	shalt  }
0x55: {  	_ =	shalt  }
0x56: {  	_ =	shalt  }
0x57: {  	_ =	shalt  }
0x58: {  	_ =	shalt  }
0x59: {  	_ =	shalt  }
0x5a: {  	_ =	shalt  }
0x5b: {  	_ =	shalt  }
0x5c: {  	_ =	shalt  }
0x5d: {  	_ =	shalt  }
0x5e: {  	_ =	shalt  }
0x5f: {  	_ =	shalt  }
0x60: {  	_ =	shalt  }
0x61: {  	_ =	shalt  }
0x62: {  	_ =	shalt  }
0x63: {  	_ =	shalt  }
0x64: {  	_ =	shalt  }
0x65: {  	_ =	shalt  }
0x66: {  	_ =	shalt  }
0x67: {  	_ =	shalt  }
0x68: {  	_ =	shalt  }
0x69: {  	_ =	shalt  }
0x6a: {  	_ =	shalt  }
0x6b: {  	_ =	shalt  }
0x6c: {  	_ =	shalt  }
0x6d: {  	_ =	shalt  }
0x6e: {  	_ =	shalt  }
0x6f: {  	_ =	shalt  }
0x70: {  	_ =	shalt  }
0x71: {  	_ =	shalt  }
0x72: {  	_ =	shalt  }
0x73: {  	_ =	shalt  }
0x74: {  	_ =	shalt  }
0x75: {  	_ =	shalt  }
0x76: {  	_ =	shalt  }
0x77: {  	_ =	shalt  }
0x78: {  	_ =	shalt  }
0x79: {  	_ =	shalt  }
0x7a: {  	_ =	shalt  }
0x7b: {  	_ =	shalt  }
0x7c: {  	_ =	shalt  }
0x7d: {  	_ =	shalt  }
0x7e: {  	_ =	shalt  }
0x7f: {  	_ =	shalt  }
0x80: {  	_ =	shalt  }
0x81: {  	_ =	shalt  }
0x82: {  	_ =	shalt  }
0x83: {  	_ =	shalt  }
0x84: {  	_ =	shalt  }
0x85: {  	_ =	shalt  }
0x86: {  	_ =	shalt  }
0x87: {  	_ =	shalt  }
.Lfunc_end0:
.L_simem_size_0:
called_computation.3_lowered:
.L_overlay_start_0:
0x88: {  	s2 =	sld [smem:$0x3FD9]  }
0x89: {  	s3 =	sld [smem:$0x3FFE];
	_ =	sdelay $0x1  }
0x8a: {  	s1 =	srdreg.scid  }
0x8b: {  	s0 =	sand.u32 $0x1, s1  }
0x8c: {  	s16 =	sshll.u32 s0, $0xA;
	s2 =	sadd.s32 s3, s2  }
0x8d: {  	s2 =	sadd.s32 s2, s16  }
0x8e: {  	[smem:$0x3FBB] =	sst s2  }
0x8f: {  	_ = 	snop  }
0x90: {  	(tm) =	ssettm $0x1  }
0x91: {  	s17 =	sld [smem:$0x3FFB];
	_ =	sdelay $0x3  }
0x92: {  	_ =	strace s17  }
0x93: {  	s2 =	sld [smem:$0x3FFC];
	_ =	sdelay $0x3  }
0x94: {  	_ =	strace s2  }
0x95: {  	s2 =	sld [smem:$0x3FFD];
	_ =	sdelay $0x3  }
0x96: {  	_ =	strace s2  }
0x97: {  	_ =	strace $0x8FFFFFFF  }
0x98: {  	s18 =	sld [smem:$0x3FDB];
	_ =	sdelay $0x1  }
0x99: {  	s19 =	simm.s32 $_scs_section_size  }
0x9a: {  	s4 =	simm.s32 $_size__tile_overlayer_lowered;
	s5 =	simm.s32 $_tile_overlayer_lowered  }
0x9b: {  	s22 =	simm.s32 $0x1BFF;
	s21 =	sshll.u32 s5, $0x1;
	s2 =	sadd.s32 s19, s18  }
0x9c: {  	s6 =	simm.s32 $0x0;
	s20 =	sshll.u32 s4, $0x1;
	s4 =	sadd.s32 s21, s2  }
0x9d: {  	[timem:s6], [sflag:s22] =	dma.local [hbm:s4], s20  }
0x9e: {  	_ =	swait.ge [sflag:s22], s20  }
0x9f: {  	s3 =	ssub.s32 $0x0, s20;
	[sflag:s22] =	ssyncset.done $0x0  }
0xa0: {  	[sflag:s22] =	ssyncadd.s32 s3;
	_ =	sdelay $0x1  }
0xa1: {  	s23 =	simm.s32 $0x1B8B  }
0xa2: {  	_ =	swait.ge [sflag:s23], $0x1  }
0xa3: {  	[sflag:s23] =	ssyncset.done $0x0  }
0xa4: {  	s25 =	simm.s32 $0x1B8E;
	s24 =	sld [smem:$0x3FFE];
	[sflag:s23] =	ssyncadd.s32 $0xFFFFFFFF  }
0xa5: {  	s26 =	simm.s32 $execute0_lowered;
	[smem:$0x3FD2] =	sst s25  }
0xa6: {  	s4 =	sshll.u32 s26, $0x1;
	_ =	strace $0x8000004F;
	[dreg:$0x1] =	wrdreg $0xFFFFFFFF  }
0xa7: {  	s28 =	simm.s32 $_size_execute0_lowered;
	s2 =	sadd.s32 s2, s4;
	[dreg:$0x0] =	wrdreg $0x0  }
0xa8: {  	s4 =	sshll.u32 s28, $0x1;
	[dreg:$0x2] =	wrdreg s2  }
0xa9: {  	[dreg:$0x3] =	wrdreg s4  }
0xaa: {  	[dreg:$0x4] =	wrdreg $0xC0  }
0xab: {  	_ =	task [dreg:s6], $0x5FFFF  }
0xac: {  	[dreg:$0x1] =	wrdreg $0xFFFFFFFF  }
0xad: {  	[dreg:$0x0] =	wrdreg $0x60  }
0xae: {  	[dreg:$0x2] =	wrdreg s24  }
0xaf: {  	[dreg:$0x3] =	wrdreg $0xD4000  }
0xb0: {  	[dreg:$0x4] =	wrdreg $0x9  }
0xb1: {  	_ =	task.clear_ibuf [dreg:s6], $0x5FFFF;
	_ =	strace $0x9000004F  }
0xb2: {  	s29 =	simm.s32 $0x9;
	_ =	strace $0x80000051  }
0xb3: {  	_ =	swait.ge [sflag:s29], $0x1  }
0xb4: {  	[sflag:s29] =	ssyncadd.s32 $0xFFFFFFFF  }
0xb5: {  	_ =	strace $0x90000051  }
0xb6: {  	_ =	sfence  }
0xb7: {  	s30 =	sld [smem:$0x0];
	_ =	sdelay $0x2  }
0xb8: {  	s31 =	sshll.u32 s1, $0xD;
	s1 =	sshrl.u32 s1, $0x2  }
0xb9: {  	s3 =	sand.u32 $0x4000, s31;
	s1 =	sadd.s32 s1, s30  }
0xba: {  	s0 =	sor.u32 s3, s0;
	s1 =	sshll.u32 s1, $0x11  }
0xbb: {  	s0 =	sor.u32 s1, s0  }
0xbc: {  	s0 =	sadd.s32 $0x8F2B, s0  }
0xbd: {  	[sflag:s0] =	ssyncadd.remote.s32 $0x1  }
0xbe: {  	_ =	sfence.sel $0xFFFF  }
0xbf: {  	[dreg:$0x0] =	wrdreg $0xFFFFFFFF;
	(pc) =	sbr.abs _section_cstart, $3  }
0xc0: {  	[dreg:$0x1] =	wrdreg $0xFFFFFFFF  }
0xc1: {  	_ =	task.clear_ibuf [dreg:s6], $0x2FFFF;
	_ =	strace $0x9FFFFFFF  }
0xc2: {  	(tm) =	ssettm $0x7FFFFFFF  }
0xc3: {  	_ =	shalt  }
tec
execute0_lowered:
.L_overlay_start_1:
0x0: {  	(tag) =	ssettag $0x1  }
0x1: {  	s6 =	rddreg [dreg:$0x0]  }
0x2: {  	s0 =	srdreg.scid;
	s2 =	rddreg [dreg:$0x1];
	s3 =	simm.s32 $0x0  }
0x3: {  	s12 =	simm.s32 $0x2800;
	s13 =	simm.s32 $0x80;
	s14 =	simm.s32 $0x5000  }
0x4: {  	s15 =	simm.s32 $0x7000;
	s16 =	simm.s32 $0x100;
	s17 =	simm.s32 $0x9000  }
0x5: {  	s18 =	simm.s32 $0x180;
	s19 =	simm.s32 $0xB000;
	s20 =	simm.s32 $0x1  }
0x6: {  	s21 =	simm.s32 $0x2;
	s22 =	simm.s32 $0x3;
	s23 =	simm.s32 $0x4  }
0x7: {  	s24 =	simm.s32 $0x4E00;
	s26 =	simm.s32 $0x4E80;
	s28 =	simm.s32 $0x4F00  }
0x8: {  	s29 =	simm.s32 $0x4F80;
	s5 =	sand.u32 $0x1, s0;
	s0 =	stileid.u32  }
0x9: {  	[smem:$0x7FF] =	sst s3;
	s1 =	sshll.u32 s5, $0x4;
	s8 =	smul.u32 $0xA0000, s5  }
0xa: {  	_ =	strace $0x80000050;
	s9 =	smul.u32 $0xA000, s0;
	s5 =	ssub.s32 $0x2, s5  }
0xb: {  	s10 =	smul.u32 $0x28000, s0;
	s4 =	sor.u32 s0, s1;
	s11 =	sshrl.u32 s5, $0x1  }
0xc: {  	s7 =	smul.u32 $0x2800, s4;
	s4 =	sadd.s32 $0x18800, s6;
	s8 =	sadd.s32 s9, s8  }
0xd: {  	s10 =	sshrl.u32 s10, $0x2;
	s11 =	ssub.s32 s5, s11;
	s25 =	sadd.s32 s9, s2  }
0xe: {  	s8 =	sshrl.u32 s8, $0x3;
	s5 =	sadd.s32 s10, s2;
	s9 =	smax.u32 s11, $0x1  }
0xf: {  	s10 =	simm.s32 $0xD000;
	s11 =	simm.s32 $0x5;
	s7 =	sshrl.u32 s7, $0x3  }
0x10: {  	s25 =	sshrl.u32 s25, $0x3;
	s8 =	sadd.s32 s8, s6;
	s7 =	sadd.s32 s7, s6  }
0x11: {  	v0 =	vimm.f32 $0.0e+00;
	s8 =	sadd.s32 $0x2C800, s8;
	s6 =	sadd.s32 $0x4800, s7;
	s7 =	sadd.s32 $0xE800, s7  }
.LBB2_1:
0x12: {  	[tilespmem:$0xD000] =	vst v0  }
0x13: {  	[tilespmem:$0xD010] =	vst v0  }
0x14: {  	[tilespmem:$0xD020] =	vst v0  }
0x15: {  	[tilespmem:$0xD030] =	vst v0  }
0x16: {  	[tilespmem:$0xD040] =	vst v0  }
0x17: {  	[tilespmem:$0xD050] =	vst v0  }
0x18: {  	[tilespmem:$0xD060] =	vst v0  }
0x19: {  	[tilespmem:$0xD070] =	vst v0  }
0x1a: {  	[tilespmem:$0xD080] =	vst v0  }
0x1b: {  	[tilespmem:$0xD090] =	vst v0  }
0x1c: {  	[tilespmem:$0xD0A0] =	vst v0  }
0x1d: {  	[tilespmem:$0xD0B0] =	vst v0  }
0x1e: {  	[tilespmem:$0xD0C0] =	vst v0  }
0x1f: {  	[tilespmem:$0xD0D0] =	vst v0  }
0x20: {  	[tilespmem:$0xD0E0] =	vst v0  }
0x21: {  	[tilespmem:$0xD0F0] =	vst v0  }
0x22: {  	[tilespmem:$0xD100] =	vst v0  }
0x23: {  	[tilespmem:$0xD110] =	vst v0  }
0x24: {  	[tilespmem:$0xD120] =	vst v0  }
0x25: {  	[tilespmem:$0xD130] =	vst v0  }
0x26: {  	[tilespmem:$0xD140] =	vst v0  }
0x27: {  	[tilespmem:$0xD150] =	vst v0  }
0x28: {  	[tilespmem:$0xD160] =	vst v0  }
0x29: {  	[tilespmem:$0xD170] =	vst v0  }
0x2a: {  	[tilespmem:$0xD180] =	vst v0  }
0x2b: {  	[tilespmem:$0xD190] =	vst v0  }
0x2c: {  	[tilespmem:$0xD1A0] =	vst v0  }
0x2d: {  	[tilespmem:$0xD1B0] =	vst v0  }
0x2e: {  	[tilespmem:$0xD1C0] =	vst v0  }
0x2f: {  	[tilespmem:$0xD1D0] =	vst v0  }
0x30: {  	[tilespmem:$0xD1E0] =	vst v0  }
0x31: {  	[tilespmem:$0xD1F0] =	vst v0  }
0x32: {  	[tilespmem:$0xD200] =	vst v0  }
0x33: {  	[tilespmem:$0xD210] =	vst v0  }
0x34: {  	[tilespmem:$0xD220] =	vst v0  }
0x35: {  	[tilespmem:$0xD230] =	vst v0  }
0x36: {  	[tilespmem:$0xD240] =	vst v0  }
0x37: {  	[tilespmem:$0xD250] =	vst v0  }
0x38: {  	[tilespmem:$0xD260] =	vst v0  }
0x39: {  	[tilespmem:$0xD270] =	vst v0  }
0x3a: {  	[tilespmem:$0xD280] =	vst v0  }
0x3b: {  	[tilespmem:$0xD290] =	vst v0  }
0x3c: {  	[tilespmem:$0xD2A0] =	vst v0  }
0x3d: {  	[tilespmem:$0xD2B0] =	vst v0  }
0x3e: {  	[tilespmem:$0xD2C0] =	vst v0  }
0x3f: {  	[tilespmem:$0xD2D0] =	vst v0  }
0x40: {  	[tilespmem:$0xD2E0] =	vst v0  }
0x41: {  	[tilespmem:$0xD2F0] =	vst v0  }
0x42: {  	[tilespmem:$0xD300] =	vst v0  }
0x43: {  	[tilespmem:$0xD310] =	vst v0  }
0x44: {  	[tilespmem:$0xD320] =	vst v0  }
0x45: {  	[tilespmem:$0xD330] =	vst v0  }
0x46: {  	[tilespmem:$0xD340] =	vst v0  }
0x47: {  	[tilespmem:$0xD350] =	vst v0  }
0x48: {  	[tilespmem:$0xD360] =	vst v0  }
0x49: {  	[tilespmem:$0xD370] =	vst v0  }
0x4a: {  	[tilespmem:$0xD380] =	vst v0  }
0x4b: {  	[tilespmem:$0xD390] =	vst v0  }
0x4c: {  	[tilespmem:$0xD3A0] =	vst v0  }
0x4d: {  	[tilespmem:$0xD3B0] =	vst v0  }
0x4e: {  	[tilespmem:$0xD3C0] =	vst v0  }
0x4f: {  	[tilespmem:$0xD3D0] =	vst v0  }
0x50: {  	[tilespmem:$0xD3E0] =	vst v0  }
0x51: {  	[tilespmem:$0xD3F0] =	vst v0;
	s30 =	sadd.s32 $0x0, s5  }
0x52: {  	[spmem:s30] =	stream.linear.scatter [tilespmem:s10], [sflag:$0x5], $0x400, $0x38;
	[tilespmem:$0x17400] =	vst v63  }
0x53: {  	s30 =	simm.s32 $0x1000;
	_ =	swait.ge [sflag:s11], $0x400  }
.LBB2_2:
0x54: {  	s31 =	sshra.s32 s30, $0x2;
	[sflag:s11] =	ssyncset.done $0x0;
	p0 =	sne.s32 s30, $0x27000  }
.Ltmp0:
0x55: {  	s31 =	sadd.s32 s31, s5;
	[sflag:s11] =	ssyncadd.s32 $0xFFFFFC00;
	(pc) =	sbr.rel @p0 .LBB2_2-.Ltmp0, $3  }
0x56: {  	[spmem:s31] =	stream.linear.scatter [tilespmem:s10], [sflag:$0x5], $0x400, $0x38;
	[tilespmem:$0x17400] =	vst v63  }
0x57: {  	s30 =	sadd.s32 $0x1000, s30;
	_ =	sdelay $0x1  }
0x58: {  	_ =	swait.ge [sflag:s11], $0x400  }
0x59: {  	[sflag:s11] =	ssyncset.done $0x0  }
0x5a: {  	s30 =	simm.s32 $0x0;
	[sflag:s11] =	ssyncadd.s32 $0xFFFFFC00  }
0x5b: {  	[tilespmem:s30], [sflag:$0x5] =	stream.linear.gather [hbm4b:s6+s30], $0x2800, $0x38;
	[tilespmem:$0x17400] =	vst v63  }
0x5c: {  	_ =	swait.ge [sflag:s11], $0x2800  }
0x5d: {  	[sflag:s11] =	ssyncset.done $0x0  }
0x5e: {  	[sflag:s11] =	ssyncadd.s32 $0xFFFFD800  }
0x5f: {  	[tilespmem:s12], [sflag:$0x5] =	stream.linear.gather [hbm4b:s7+s30], $0x2800, $0x38;
	[tilespmem:$0x17400] =	vst v63  }
0x60: {  	_ =	swait.ge [sflag:s11], $0x2800  }
0x61: {  	[sflag:s11] =	ssyncset.done $0x0  }
0x62: {  	[sflag:s11] =	ssyncadd.s32 $0xFFFFD800  }
0x63: {  	[bflag:$0x0] =	sbarrier.arrive $0xFFFF  }
0x64: {  	[tilespmem:s14], [sflag:$0x1] =	stream.indirect.gather [hbm4b:s4+s13], $0x40, s30, s13, $0xb8;
	[tilespmem:$0x17400] =	vst v63  }
0x65: {  	_ = 	snop  }
0x66: {  	[tilespmem:s15], [sflag:$0x2] =	stream.indirect.gather [hbm4b:s4+s13], $0x40, s13, s13, $0xb8;
	[tilespmem:$0x17400] =	vst v63  }
0x67: {  	_ = 	snop  }
0x68: {  	[tilespmem:s17], [sflag:$0x3] =	stream.indirect.gather [hbm4b:s4+s13], $0x40, s16, s13, $0xb8;
	[tilespmem:$0x17400] =	vst v63  }
0x69: {  	_ = 	snop  }
0x6a: {  	[tilespmem:s19], [sflag:$0x4] =	stream.indirect.gather [hbm4b:s4+s13], $0x40, s18, s13, $0xb8;
	[tilespmem:$0x17400] =	vst v63  }
0x6b: {  	_ =	swait.ge [sflag:s20], $0x2000  }
0x6c: {  	[sflag:s20] =	ssyncset.done $0x0  }
0x6d: {  	s30 =	simm.s32 $0x2800;
	[sflag:s20] =	ssyncadd.s32 $0xFFFFE000  }
0x6e: {  	[spmem:s2] =	stream.indirect.scatter.add.f32 [tilespmem:s14], [sflag:$0x5], $0x40, s30, s13, $0xb8;
	[tilespmem:$0x17400] =	vst v63  }
0x6f: {  	_ =	swait.ge [sflag:s11], $0x2000  }
0x70: {  	[sflag:s11] =	ssyncset.done $0x0  }
0x71: {  	s30 =	simm.s32 $0x200;
	[sflag:s11] =	ssyncadd.s32 $0xFFFFE000  }
0x72: {  	[tilespmem:s14], [sflag:$0x1] =	stream.indirect.gather [hbm4b:s4+s13], $0x40, s30, s13, $0xb8;
	[tilespmem:$0x17400] =	vst v63  }
0x73: {  	_ =	swait.ge [sflag:s21], $0x2000  }
0x74: {  	[sflag:s21] =	ssyncset.done $0x0  }
0x75: {  	s30 =	simm.s32 $0x2880;
	[sflag:s21] =	ssyncadd.s32 $0xFFFFE000  }
0x76: {  	[spmem:s2] =	stream.indirect.scatter.add.f32 [tilespmem:s15], [sflag:$0x5], $0x40, s30, s13, $0xb8;
	[tilespmem:$0x17400] =	vst v63  }
0x77: {  	_ =	swait.ge [sflag:s11], $0x2000  }
0x78: {  	[sflag:s11] =	ssyncset.done $0x0  }
0x79: {  	s30 =	simm.s32 $0x280;
	[sflag:s11] =	ssyncadd.s32 $0xFFFFE000  }
0x7a: {  	[tilespmem:s15], [sflag:$0x2] =	stream.indirect.gather [hbm4b:s4+s13], $0x40, s30, s13, $0xb8;
	[tilespmem:$0x17400] =	vst v63  }
0x7b: {  	_ =	swait.ge [sflag:s22], $0x2000  }
0x7c: {  	[sflag:s22] =	ssyncset.done $0x0  }
0x7d: {  	s30 =	simm.s32 $0x2900;
	[sflag:s22] =	ssyncadd.s32 $0xFFFFE000  }
0x7e: {  	[spmem:s2] =	stream.indirect.scatter.add.f32 [tilespmem:s17], [sflag:$0x5], $0x40, s30, s13, $0xb8;
	[tilespmem:$0x17400] =	vst v63  }
0x7f: {  	_ =	swait.ge [sflag:s11], $0x2000  }
0x80: {  	[sflag:s11] =	ssyncset.done $0x0  }
0x81: {  	s30 =	simm.s32 $0x300;
	[sflag:s11] =	ssyncadd.s32 $0xFFFFE000  }
0x82: {  	[tilespmem:s17], [sflag:$0x3] =	stream.indirect.gather [hbm4b:s4+s13], $0x40, s30, s13, $0xb8;
	[tilespmem:$0x17400] =	vst v63  }
0x83: {  	_ =	swait.ge [sflag:s23], $0x2000  }
0x84: {  	[sflag:s23] =	ssyncset.done $0x0  }
0x85: {  	s30 =	simm.s32 $0x2980;
	[sflag:s23] =	ssyncadd.s32 $0xFFFFE000  }
0x86: {  	[spmem:s2] =	stream.indirect.scatter.add.f32 [tilespmem:s19], [sflag:$0x5], $0x40, s30, s13, $0xb8;
	[tilespmem:$0x17400] =	vst v63  }
0x87: {  	_ =	swait.ge [sflag:s11], $0x2000  }
0x88: {  	[sflag:s11] =	ssyncset.done $0x0  }
0x89: {  	s31 =	simm.s32 $0x380;
	s30 =	simm.s32 $0x800;
	[sflag:s11] =	ssyncadd.s32 $0xFFFFE000  }
.LBB2_4:
0x8a: {  	[tilespmem:s19], [sflag:$0x4] =	stream.indirect.gather [hbm4b:s4+s13], $0x40, s31, s13, $0xb8;
	[tilespmem:$0x17400] =	vst v63  }
0x8b: {  	s31 =	smov.u32 s30  }
0x8c: {  	p0 =	sne.s32 s30, $0x9000;
	s30 =	sadd.s32 $0x800, s30;
	_ =	swait.ge [sflag:s20], $0x2000  }
0x8d: {  	s31 =	sshra.s32 s31, $0x2;
	[sflag:s20] =	ssyncset.done $0x0  }
0x8e: {  	s1 =	sadd.s32 $0x2800, s31;
	[sflag:s20] =	ssyncadd.s32 $0xFFFFE000  }
0x8f: {  	[spmem:s2] =	stream.indirect.scatter.add.f32 [tilespmem:s14], [sflag:$0x5], $0x40, s1, s13, $0xb8;
	[tilespmem:$0x17400] =	vst v63  }
0x90: {  	_ =	swait.ge [sflag:s11], $0x2000  }
0x91: {  	[sflag:s11] =	ssyncset.done $0x0  }
0x92: {  	s1 =	sadd.s32 $0x200, s31;
	[sflag:s11] =	ssyncadd.s32 $0xFFFFE000  }
0x93: {  	[tilespmem:s14], [sflag:$0x1] =	stream.indirect.gather [hbm4b:s4+s13], $0x40, s1, s13, $0xb8;
	[tilespmem:$0x17400] =	vst v63  }
0x94: {  	_ =	swait.ge [sflag:s21], $0x2000  }
0x95: {  	[sflag:s21] =	ssyncset.done $0x0  }
0x96: {  	s1 =	sadd.s32 $0x2880, s31;
	[sflag:s21] =	ssyncadd.s32 $0xFFFFE000  }
0x97: {  	[spmem:s2] =	stream.indirect.scatter.add.f32 [tilespmem:s15], [sflag:$0x5], $0x40, s1, s13, $0xb8;
	[tilespmem:$0x17400] =	vst v63  }
0x98: {  	_ =	swait.ge [sflag:s11], $0x2000  }
0x99: {  	[sflag:s11] =	ssyncset.done $0x0  }
0x9a: {  	s1 =	sadd.s32 $0x280, s31;
	[sflag:s11] =	ssyncadd.s32 $0xFFFFE000  }
0x9b: {  	[tilespmem:s15], [sflag:$0x2] =	stream.indirect.gather [hbm4b:s4+s13], $0x40, s1, s13, $0xb8;
	[tilespmem:$0x17400] =	vst v63  }
0x9c: {  	_ =	swait.ge [sflag:s22], $0x2000  }
0x9d: {  	[sflag:s22] =	ssyncset.done $0x0  }
0x9e: {  	s1 =	sadd.s32 $0x2900, s31;
	[sflag:s22] =	ssyncadd.s32 $0xFFFFE000  }
0x9f: {  	[spmem:s2] =	stream.indirect.scatter.add.f32 [tilespmem:s17], [sflag:$0x5], $0x40, s1, s13, $0xb8;
	[tilespmem:$0x17400] =	vst v63  }
0xa0: {  	_ =	swait.ge [sflag:s11], $0x2000  }
0xa1: {  	[sflag:s11] =	ssyncset.done $0x0  }
0xa2: {  	s1 =	sadd.s32 $0x300, s31;
	[sflag:s11] =	ssyncadd.s32 $0xFFFFE000  }
0xa3: {  	[tilespmem:s17], [sflag:$0x3] =	stream.indirect.gather [hbm4b:s4+s13], $0x40, s1, s13, $0xb8;
	[tilespmem:$0x17400] =	vst v63  }
0xa4: {  	_ =	swait.ge [sflag:s23], $0x2000  }
0xa5: {  	[sflag:s23] =	ssyncset.done $0x0  }
.Ltmp1:
0xa6: {  	s1 =	sadd.s32 $0x2980, s31;
	[sflag:s23] =	ssyncadd.s32 $0xFFFFE000;
	(pc) =	sbr.rel @p0 .LBB2_4-.Ltmp1, $4  }
0xa7: {  	[spmem:s2] =	stream.indirect.scatter.add.f32 [tilespmem:s19], [sflag:$0x5], $0x40, s1, s13, $0xb8;
	[tilespmem:$0x17400] =	vst v63  }
0xa8: {  	_ =	swait.ge [sflag:s11], $0x2000  }
0xa9: {  	[sflag:s11] =	ssyncset.done $0x0  }
0xaa: {  	s31 =	sadd.s32 $0x380, s31;
	[sflag:s11] =	ssyncadd.s32 $0xFFFFE000  }
0xab: {  	[tilespmem:s19], [sflag:$0x4] =	stream.indirect.gather [hbm4b:s4+s13], $0x40, s31, s13, $0xb8;
	[tilespmem:$0x17400] =	vst v63  }
0xac: {  	_ =	swait.ge [sflag:s20], $0x2000  }
0xad: {  	[sflag:s20] =	ssyncset.done $0x0  }
0xae: {  	[sflag:s20] =	ssyncadd.s32 $0xFFFFE000  }
0xaf: {  	[spmem:s2] =	stream.indirect.scatter.add.f32 [tilespmem:s14], [sflag:$0x5], $0x40, s24, s13, $0xb8;
	[tilespmem:$0x17400] =	vst v63  }
0xb0: {  	_ =	swait.ge [sflag:s11], $0x2000  }
0xb1: {  	[sflag:s11] =	ssyncset.done $0x0  }
0xb2: {  	[sflag:s11] =	ssyncadd.s32 $0xFFFFE000  }
0xb3: {  	_ =	swait.ge [sflag:s21], $0x2000  }
0xb4: {  	[sflag:s21] =	ssyncset.done $0x0  }
0xb5: {  	[sflag:s21] =	ssyncadd.s32 $0xFFFFE000  }
0xb6: {  	[spmem:s2] =	stream.indirect.scatter.add.f32 [tilespmem:s15], [sflag:$0x5], $0x40, s26, s13, $0xb8;
	[tilespmem:$0x17400] =	vst v63  }
0xb7: {  	_ =	swait.ge [sflag:s11], $0x2000  }
0xb8: {  	[sflag:s11] =	ssyncset.done $0x0  }
0xb9: {  	[sflag:s11] =	ssyncadd.s32 $0xFFFFE000  }
0xba: {  	_ =	swait.ge [sflag:s22], $0x2000  }
0xbb: {  	[sflag:s22] =	ssyncset.done $0x0  }
0xbc: {  	[sflag:s22] =	ssyncadd.s32 $0xFFFFE000  }
0xbd: {  	[spmem:s2] =	stream.indirect.scatter.add.f32 [tilespmem:s17], [sflag:$0x5], $0x40, s28, s13, $0xb8;
	[tilespmem:$0x17400] =	vst v63  }
0xbe: {  	_ =	swait.ge [sflag:s11], $0x2000  }
0xbf: {  	[sflag:s11] =	ssyncset.done $0x0  }
0xc0: {  	[sflag:s11] =	ssyncadd.s32 $0xFFFFE000  }
0xc1: {  	_ =	swait.ge [sflag:s23], $0x2000  }
0xc2: {  	[sflag:s23] =	ssyncset.done $0x0  }
0xc3: {  	[sflag:s23] =	ssyncadd.s32 $0xFFFFE000  }
0xc4: {  	[spmem:s2] =	stream.indirect.scatter.add.f32 [tilespmem:s19], [sflag:$0x5], $0x40, s29, s13, $0xb8;
	[tilespmem:$0x17400] =	vst v63  }
0xc5: {  	_ =	swait.ge [sflag:s11], $0x2000  }
0xc6: {  	s3 =	sadd.s32 $0x1, s3;
	[sflag:s11] =	ssyncset.done $0x0  }
0xc7: {  	s1 =	sshll.u32 s0, $0x6;
	p0 =	sne.s32 s3, s9;
	[sflag:s11] =	ssyncadd.s32 $0xFFFFE000  }
.Ltmp2:
0xc8: {  	s1 =	sor.u32 $0x1C05, s1;
	[bflag:$0x0] =	sbarrier.arrive $0xFFFF;
	(pc) =	sbr.rel @p0 .LBB2_1-.Ltmp2, $4  }
0xc9: {  	[hbm:s8], [sflag:s1] =	dma.local [spmem:s25], $0x1400  }
0xca: {  	_ =	swait.ge [sflag:s11], $0x1400  }
0xcb: {  	[sflag:s11] =	ssyncset.done $0x0  }
0xcc: {  	[sflag:s11] =	ssyncadd.s32 $0xFFFFEC00  }
0xcd: {  	_ =	sfence.sel $0x180000  }
0xce: {  	[bflag:$0x0] =	sbarrier.arrive $0xFFFF  }
0xcf: {  	_ =	strace $0x90000050  }
0xd0: {  	[bflag:$0x2] =	sbarrier.arrive $0xFFFF  }
0xd1: {  	p0 =	sne.s32 s0, $0x0;
	s0 =	rddreg [dreg:$0x2]  }
0xd2: {  	s0 =	sadd.s32 @!p0 $0x100000, s0  }
0xd3: {  	[sflag:s0] =	ssyncadd.tile.s32 @!p0 $0x1;
	_ =	shalt  }
.Lfunc_end2:
_tile_overlayer_lowered:
.L_overlay_start_2:
0xd4: {  	(tag) =	ssettag $0x2  }
0xd5: {  	s0 =	rddreg [dreg:$0x0];
	s2 =	stileid.u32  }
0xd6: {  	s1 =	rddreg [dreg:$0x1];
	p0 =	sne.s32 s2, $0x0  }
0xd7: {  	s3 =	rddreg [dreg:$0x2];
	[bflag:$0x3] =	sbarrier.arrive $0xFFFF;
	s2 =	simm.s32 @!p0 $0x1C05  }
0xd8: {  	[timem:s3], [sflag:s2] =	dma.local @!p0 [hbm:s0], s1  }
0xd9: {  	s0 =	simm.s32 @!p0 $0x5  }
0xda: {  	_ =	swait.ge @!p0 [sflag:s0], s1  }
0xdb: {  	s1 =	ssub.s32 @!p0 $0x0, s1;
	[sflag:s0] =	ssyncset.done @!p0 $0x0  }
0xdc: {  	[sflag:s0] =	ssyncadd.s32 @!p0 s1  }
0xdd: {  	[bflag:$0x3] =	sbarrier.arrive $0xFFFF  }
0xde: {  	_ =	shalt  }

</sc_bundles>
